<compile_context>
chip_gen: v7x
topology: tpu7x:2x2x1
jax: 0.10.2.dev20260603
libtpu: 0.0.44.dev20260713+nightly
codegen_flags: <defaults>
</compile_context>

<pallas_src>
import functools

import jax
import jax.numpy as jnp
from jax import lax
from jax.experimental import pallas as pl
from jax.experimental.pallas import tpu as pltpu
from jax.experimental.pallas import tpu_sc as plsc

N = 10000
NPAD = 10240
F = 128
NC, NS, L = 2, 16, 16
NW = NC * NS
E = 320000
CH = 128
KCH = 80
EPT = KCH * CH
EPAD = NW * EPT
GSZ = 8
NG = KCH // GSZ

_mesh = plsc.VectorSubcoreMesh(core_axis_name="c", subcore_axis_name="s")


@functools.partial(
    pl.kernel,
    out_type=jax.ShapeDtypeStruct((NW, NPAD), jnp.float32),
    mesh=_mesh,
    compiler_params=pltpu.CompilerParams(needs_layout_passes=False),
    scratch_types=[
        pltpu.VMEM((KCH, CH), jnp.int32),
        pltpu.VMEM((NPAD,), jnp.float32),
    ],
)
def _deg_kernel(dst_hbm, out_hbm, dst_v, deg_v):
    cid = lax.axis_index("c")
    sid = lax.axis_index("s")
    wid = sid * NC + cid

    zeros16 = jnp.zeros((L,), jnp.float32)

    def zbody(i, _):
        deg_v[pl.ds(i * L, L)] = zeros16
        return 0

    lax.fori_loop(0, NPAD // L, zbody, 0)

    pltpu.sync_copy(dst_hbm.at[wid], dst_v)

    ones16 = jnp.ones((L,), jnp.float32)

    def ebody(j, _):
        for k in range(CH // L):
            idx = dst_v[j, pl.ds(k * L, L)]
            plsc.addupdate_scatter(deg_v, [idx], ones16)
        return 0

    lax.fori_loop(0, KCH, ebody, 0)

    pltpu.sync_copy(deg_v, out_hbm.at[wid])


WROWS = NPAD // NS


@functools.partial(
    pl.kernel,
    out_type=jax.ShapeDtypeStruct((NC, NPAD, F), jnp.float32),
    mesh=_mesh,
    compiler_params=pltpu.CompilerParams(needs_layout_passes=False),
    scratch_types=[
        pltpu.VMEM((2, GSZ, CH), jnp.int32),
        pltpu.VMEM((KCH, CH), jnp.int32),
        pltpu.VMEM((2, CH, F), jnp.float32),
        pltpu.VMEM_SHARED((NPAD, F), jnp.float32),
        pltpu.SemaphoreType.DMA,
        pltpu.SemaphoreType.DMA,
    ],
)
def _msg_kernel(g_hbm, src_hbm, dst_hbm, out_hbm,
                srcc_v, dst_v, rows_v, acc_sh, gsem, isem):
    cid = lax.axis_index("c")
    sid = lax.axis_index("s")
    wid = sid * NC + cid

    zeros16 = jnp.zeros((L,), jnp.float32)

    def zbody(i, _):
        rows_v[0, i // (F // L), pl.ds((i % (F // L)) * L, L)] = zeros16
        return 0

    lax.fori_loop(0, CH * F // L, zbody, 0)
    for q in range(WROWS // CH):
        pltpu.sync_copy(rows_v.at[0],
                        acc_sh.at[pl.ds(sid * WROWS + q * CH, CH)])
    plsc.subcore_barrier()

    pltpu.sync_copy(dst_hbm.at[wid], dst_v)

    pltpu.sync_copy(src_hbm.at[wid, 0], srcc_v.at[0])
    pltpu.async_copy(g_hbm.at[srcc_v.at[0, 0]], rows_v.at[0], gsem)
    pltpu.async_copy(src_hbm.at[wid, 1], srcc_v.at[1], isem)

    def body(jj2, _):
        g0 = jj2 * 2
        for gb in range(2):
            gg = g0 + gb
            nb = 1 - gb
            for k in range(GSZ):
                j = gg * GSZ + k
                rb = k % 2
                pltpu.make_async_copy(g_hbm.at[srcc_v.at[gb, k]],
                                      rows_v.at[rb], gsem).wait()
                if k < GSZ - 1:
                    pltpu.async_copy(g_hbm.at[srcc_v.at[gb, k + 1]],
                                     rows_v.at[1 - rb], gsem)
                else:
                    @pl.when(gg < NG - 1)
                    def _():
                        pltpu.make_async_copy(src_hbm.at[wid, 0],
                                              srcc_v.at[nb], isem).wait()
                        pltpu.async_copy(g_hbm.at[srcc_v.at[nb, 0]],
                                         rows_v.at[1 - rb], gsem)

                    @pl.when(gg < NG - 2)
                    def _():
                        pltpu.async_copy(src_hbm.at[wid, gg + 2],
                                         srcc_v.at[gb], isem)

                pltpu.sync_copy(rows_v.at[rb], acc_sh.at[dst_v.at[j]],
                                add=True)
        return 0

    lax.fori_loop(0, NG // 2, body, 0)
    plsc.subcore_barrier()

    for q in range(WROWS // CH):
        base = sid * WROWS + q * CH
        pltpu.sync_copy(acc_sh.at[pl.ds(base, CH)], rows_v.at[0])
        pltpu.sync_copy(rows_v.at[0], out_hbm.at[cid, pl.ds(base, CH)])


def _dinv_col(degp):
    ones = jnp.ones((NW, 1), jnp.float32)
    deg = lax.dot_general(degp, ones, (((0,), (0,)), ((), ())),
                          preferred_element_type=jnp.float32)
    return lax.rsqrt(deg + 1.0)


def _tc_first(x_ref, w_ref, degp_ref, g_ref):
    dinv = _dinv_col(degp_ref[...])
    h = jnp.dot(x_ref[...], w_ref[...], preferred_element_type=jnp.float32)
    g_ref[...] = dinv * h


def _tc_mid(acc_ref, g1_ref, degp_ref, w2_ref, b1_ref, g2_ref):
    dinv = _dinv_col(degp_ref[...])
    out1 = dinv * (acc_ref[0] + acc_ref[1] + g1_ref[...]) + b1_ref[...]
    h2 = jnp.maximum(out1, 0.0)
    g2_ref[...] = dinv * jnp.dot(h2, w2_ref[...],
                                 preferred_element_type=jnp.float32)


def _tc_last(acc_ref, g2_ref, degp_ref, b2_ref, out_ref):
    dinv = _dinv_col(degp_ref[...])
    out_ref[...] = dinv * (acc_ref[0] + acc_ref[1] + g2_ref[...]) + b2_ref[...]


def kernel(x, edge_index, W1, b1, W2, b2):
    src = edge_index[0].astype(jnp.int32)
    dst = edge_index[1].astype(jnp.int32)
    pad = EPAD - E
    padidx = N + (jnp.arange(pad, dtype=jnp.int32) % (NPAD - N))
    src_p = jnp.concatenate([src, padidx])
    dst_p = jnp.concatenate([dst, padidx])
    src_r = src_p.reshape(NW, NG, GSZ, CH)
    dst_r = dst_p.reshape(NW, KCH, CH)

    x_p = jnp.zeros((NPAD, F), jnp.float32).at[:N].set(x)
    b1r = b1.reshape(1, F)
    b2r = b2.reshape(1, F)

    degp = _deg_kernel(dst_r)

    g1 = pl.pallas_call(
        _tc_first,
        out_shape=jax.ShapeDtypeStruct((NPAD, F), jnp.float32),
    )(x_p, W1, degp)

    acc1 = _msg_kernel(g1, src_r, dst_r)

    g2 = pl.pallas_call(
        _tc_mid,
        out_shape=jax.ShapeDtypeStruct((NPAD, F), jnp.float32),
    )(acc1, g1, degp, W2, b1r)

    acc2 = _msg_kernel(g2, src_r, dst_r)

    out = pl.pallas_call(
        _tc_last,
        out_shape=jax.ShapeDtypeStruct((NPAD, F), jnp.float32),
    )(acc2, g2, degp, b2r)

    return out[:N]

# --- scband reference (transcript-rebuilt; emitter-appended) ---
"""Pipeline reference for scband-gcn-39393440039563 (READ-ONLY COPY).

The authoritative reference and input builder live on the scoring server;
editing this copy changes nothing except your own understanding.
"""

import jax, jax.numpy as jnp
import numpy as np

N_NODES = 10000
IN_FEATS = 128
HIDDEN = 128
OUT_FEATS = 128


def _glorot(key, shape):
    fan_in, fan_out = shape
    limit = np.sqrt(6.0 / (fan_in + fan_out))
    return jax.random.uniform(key, shape, jnp.float32, -limit, limit)


def setup_inputs(seed: int = 0) -> dict:
    key = jax.random.key(seed)
    k_x, k_e, k_w1, k_w2 = jax.random.split(key, 4)
    x = jax.random.normal(k_x, (N_NODES, IN_FEATS), dtype=jnp.float32)
    edge_index = jax.random.randint(k_e, (2, 320000), 0, N_NODES, dtype=jnp.int64)
    W1 = _glorot(k_w1, (IN_FEATS, HIDDEN))
    b1 = jnp.zeros((HIDDEN,), dtype=jnp.float32)
    W2 = _glorot(k_w2, (HIDDEN, OUT_FEATS))
    b2 = jnp.zeros((OUT_FEATS,), dtype=jnp.float32)
    return {"x": x, "edge_index": edge_index, "W1": W1, "b1": b1, "W2": W2, "b2": b2}


def _gcn_conv(x, src, dst, W, b, num_nodes):
    # GCNConv (Kipf & Welling) with self-loops and symmetric normalization
    deg = jnp.zeros((num_nodes,), dtype=jnp.float32).at[dst].add(1.0)
    dinv_sqrt = jax.lax.rsqrt(jnp.maximum(deg, 1.0))
    norm = dinv_sqrt[src] * dinv_sqrt[dst]
    h = x @ W
    msg = jnp.take(h, src, axis=0) * norm[:, None]
    out = jnp.zeros((num_nodes, W.shape[1]), dtype=jnp.float32).at[dst].add(msg)
    return out + b


def reference(x, edge_index, W1, b1, W2, b2):
    num_nodes = x.shape[0]
    loop = jnp.arange(num_nodes, dtype=edge_index.dtype)
    src = jnp.concatenate([edge_index[0], loop])
    dst = jnp.concatenate([edge_index[1], loop])
    h = _gcn_conv(x, src, dst, W1, b1, num_nodes)
    h = jax.nn.relu(h)
    # dropout p=0.0 (eval mode) -> identity
    out = _gcn_conv(h, src, dst, W2, b2, num_nodes)
    return out

if __name__ == "__main__":
    import jax
    _d = setup_inputs()
    print(jax.jit(kernel)(*tuple(_d.values())))

</pallas_src>

<mosaic_0001>
#map = affine_map<(d0, d1) -> (0, 0)>
#map1 = affine_map<(d0, d1) -> (0, 0, 0, 0)>
#map2 = affine_map<(d0, d1) -> (0, 0, 0)>
module attributes {stable_mosaic.version = 14 : i64} {
  func.func @_msg_kernel(%arg0: i32, %arg1: i32, %arg2: memref<10240x128xf32, #tpu.memory_space<hbm>>, %arg3: memref<32x10x8x128xi32, #tpu.memory_space<hbm>>, %arg4: memref<32x80x128xi32, #tpu.memory_space<hbm>>, %arg5: memref<2x10240x128xf32, #tpu.memory_space<hbm>>, %arg6: memref<2x8x128xi32, #tpu.memory_space<vmem>>, %arg7: memref<80x128xi32, #tpu.memory_space<vmem>>, %arg8: memref<2x128x128xf32, #tpu.memory_space<vmem>>, %arg9: memref<10240x128xf32, #tpu.memory_space<vmem_shared>>, %arg10: memref<!tpu.dma_semaphore, #tpu.memory_space<semaphore_mem>>, %arg11: memref<!tpu.dma_semaphore, #tpu.memory_space<semaphore_mem>>) attributes {dimension_semantics = [#tpu.dimension_semantics<core_parallel>, #tpu.dimension_semantics<subcore_parallel>], iteration_bounds = array<i64: 2, 16>, scalar_prefetch = 0 : i64, scratch_operands = 6 : i64, tpu.core_type = #tpu.core_type<sc_vector_subcore>, window_params = [{transform_indices = #map}, {transform_indices = #map1}, {transform_indices = #map2}, {transform_indices = #map2}]} {
    %mul3A = arith.constant 2 : i32
    %mul3A_0 = arith.muli %arg1, %mul3A : i32
    %add3A = arith.addi %mul3A_0, %arg0 : i32
    %broadcast_in_dim3A = arith.constant 0.000000e+00 : f32
    %broadcast_in_dim3A_1 = vector.broadcast %broadcast_in_dim3A : f32 to vector<16xf32>
    %scan3A = arith.constant 0 : i32
    %scan3A_2 = arith.constant 0 : i32
    %scan3A_3 = arith.constant 1024 : i32
    %scan3A_4 = arith.addi %scan3A_2, %scan3A_3 : i32
    %scan3A_5 = arith.constant 1 : i32
    %scan3A_6 = scf.for %scan3A_102 = %scan3A_2 to %scan3A_4 step %scan3A_5 iter_args(%scan3A_103 = %scan3A) -> (i32)  : i32 {
      %jit3A = arith.constant 8 : i32
      %div3A = arith.divsi %scan3A_102, %jit3A : i32
      %sign3A = arith.constant 0 : i32
      %sign3A_104 = arith.cmpi sgt, %scan3A_102, %sign3A : i32
      %sign3A_105 = arith.extui %sign3A_104 : i1 to i32
      %sign3A_106 = arith.constant 0 : i32
      %sign3A_107 = arith.cmpi slt, %scan3A_102, %sign3A_106 : i32
      %sign3A_108 = arith.extui %sign3A_107 : i1 to i32
      %sign3A_109 = arith.subi %sign3A_105, %sign3A_108 : i32
      %sign3A_110 = arith.constant 0 : i32
      %sign3A_111 = arith.cmpi sgt, %jit3A, %sign3A_110 : i32
      %sign3A_112 = arith.extui %sign3A_111 : i1 to i32
      %sign3A_113 = arith.constant 0 : i32
      %sign3A_114 = arith.cmpi slt, %jit3A, %sign3A_113 : i32
      %sign3A_115 = arith.extui %sign3A_114 : i1 to i32
      %sign3A_116 = arith.subi %sign3A_112, %sign3A_115 : i32
      %ne3A = arith.cmpi ne, %sign3A_109, %sign3A_116 : i32
      %rem3A = arith.remsi %scan3A_102, %jit3A : i32
      %ne3A_117 = arith.constant 0 : i32
      %ne3A_118 = arith.cmpi ne, %rem3A, %ne3A_117 : i32
      %and3A = arith.andi %ne3A, %ne3A_118 : i1
      %sub3A = arith.constant 1 : i32
      %sub3A_119 = arith.subi %div3A, %sub3A : i32
      %select_n3A = arith.select %and3A, %sub3A_119, %div3A : i32
      %jit3A_120 = arith.constant 8 : i32
      %eq3A = arith.constant 0 : i32
      %eq3A_121 = arith.cmpi eq, %jit3A_120, %eq3A : i32
      %jit3A_122 = arith.constant 1 : i32
      %select_n3A_123 = arith.select %eq3A_121, %jit3A_122, %jit3A_120 : i32
      %rem3A_124 = arith.remsi %scan3A_102, %select_n3A_123 : i32
      %ne3A_125 = arith.constant 0 : i32
      %ne3A_126 = arith.cmpi ne, %rem3A_124, %ne3A_125 : i32
      %lt3A = arith.constant 0 : i32
      %lt3A_127 = arith.cmpi slt, %rem3A_124, %lt3A : i32
      %lt3A_128 = arith.constant 0 : i32
      %lt3A_129 = arith.cmpi slt, %select_n3A_123, %lt3A_128 : i32
      %ne3A_130 = arith.xori %lt3A_127, %lt3A_129 : i1
      %and3A_131 = arith.andi %ne3A_130, %ne3A_126 : i1
      %add3A_132 = arith.addi %rem3A_124, %select_n3A_123 : i32
      %select_n3A_133 = arith.select %and3A_131, %add3A_132, %rem3A_124 : i32
      %mul3A_134 = arith.constant 16 : i32
      %mul3A_135 = arith.muli %select_n3A_133, %mul3A_134 : i32
      %swap3A = arith.constant 0 : i32
      %swap3A_136 = arith.index_cast %swap3A : i32 to index
      %swap3A_137 = arith.index_cast %select_n3A : i32 to index
      %swap3A_138 = arith.index_cast %mul3A_135 : i32 to index
      %swap3A_139 = tpu.vector_load %arg8[%swap3A_136, %swap3A_137, %swap3A_138] {strides = array<i32>} : memref<2x128x128xf32, #tpu.memory_space<vmem>>, vector<16xf32>,
      tpu.vector_store %arg8[%swap3A_136, %swap3A_137, %swap3A_138], %broadcast_in_dim3A_1 {strides = array<i32>} : memref<2x128x128xf32, #tpu.memory_space<vmem>>, vector<16xf32>,
      %scan3A_140 = arith.constant 0 : i32
      scf.yield %scan3A_140 : i32
    }
    %scan3A_7 = arith.constant 1024 : i32
    %mul3A_8 = arith.constant 640 : i32
    %mul3A_9 = arith.muli %arg1, %mul3A_8 : i32
    %add3A_10 = arith.constant 0 : i32
    %add3A_11 = arith.addi %mul3A_9, %add3A_10 : i32
    %run_scoped3A = arith.constant 0 : i32
    "tpu.region"() ({
      %run_scoped3A_102 = tpu.sem_alloc : memref<!tpu.dma_semaphore, #tpu.memory_space<semaphore_mem>>
      %dma_start3A_103 = arith.constant 0 : i32
      %dma_start3A_104 = arith.constant 0 : i32
      %dma_start3A_105 = tpu.memref_slice %arg8[%run_scoped3A, %dma_start3A_103, %dma_start3A_104] : memref<2x128x128xf32, #tpu.memory_space<vmem>> -> memref<1x128x128xf32, #tpu.memory_space<vmem>>
      %dma_start3A_106 = tpu.memref_squeeze %dma_start3A_105 : memref<1x128x128xf32, #tpu.memory_space<vmem>> -> memref<128x128xf32, #tpu.memory_space<vmem>>
      %dma_start3A_107 = arith.constant 0 : i32
      %dma_start3A_108 = tpu.memref_slice %arg9[%add3A_11, %dma_start3A_107] : memref<10240x128xf32, #tpu.memory_space<vmem_shared>> -> memref<128x128xf32, #tpu.memory_space<vmem_shared>>
      %dma_start3A_109 = arith.constant 0 : i32
      %dma_start3A_110 = tpu.memref_slice %arg9[%add3A_11, %dma_start3A_109] : memref<10240x128xf32, #tpu.memory_space<vmem_shared>> -> memref<128x128xf32, #tpu.memory_space<vmem_shared>>
      %dma_start3A_111 = arith.constant 0 : i32
      %dma_start3A_112 = arith.constant 0 : i32
      %dma_start3A_113 = tpu.memref_slice %arg8[%run_scoped3A, %dma_start3A_111, %dma_start3A_112] : memref<2x128x128xf32, #tpu.memory_space<vmem>> -> memref<1x128x128xf32, #tpu.memory_space<vmem>>
      %dma_start3A_114 = tpu.memref_squeeze %dma_start3A_113 : memref<1x128x128xf32, #tpu.memory_space<vmem>> -> memref<128x128xf32, #tpu.memory_space<vmem>>
      tpu.enqueue_dma source(%dma_start3A_114 : memref<128x128xf32, #tpu.memory_space<vmem>>) target(%dma_start3A_110 : memref<128x128xf32, #tpu.memory_space<vmem_shared>>) target_semaphore(%run_scoped3A_102 : memref<!tpu.dma_semaphore, #tpu.memory_space<semaphore_mem>>)
      %dma_wait3A = arith.constant 0 : i32
      %dma_wait3A_115 = arith.constant 0 : i32
      %dma_wait3A_116 = tpu.memref_slice %arg8[%run_scoped3A, %dma_wait3A, %dma_wait3A_115] : memref<2x128x128xf32, #tpu.memory_space<vmem>> -> memref<1x128x128xf32, #tpu.memory_space<vmem>>
      %dma_wait3A_117 = tpu.memref_squeeze %dma_wait3A_116 : memref<1x128x128xf32, #tpu.memory_space<vmem>> -> memref<128x128xf32, #tpu.memory_space<vmem>>
      %dma_wait3A_118 = arith.constant 0 : i32
      %dma_wait3A_119 = tpu.memref_slice %arg9[%add3A_11, %dma_wait3A_118] : memref<10240x128xf32, #tpu.memory_space<vmem_shared>> -> memref<128x128xf32, #tpu.memory_space<vmem_shared>>
      %dma_wait3A_120 = arith.constant 0 : i32
      %dma_wait3A_121 = tpu.memref_slice %arg9[%add3A_11, %dma_wait3A_120] : memref<10240x128xf32, #tpu.memory_space<vmem_shared>> -> memref<128x128xf32, #tpu.memory_space<vmem_shared>>
      %dma_wait3A_122 = arith.constant 0 : i32
      %dma_wait3A_123 = arith.constant 0 : i32
      %dma_wait3A_124 = tpu.memref_slice %arg8[%run_scoped3A, %dma_wait3A_122, %dma_wait3A_123] : memref<2x128x128xf32, #tpu.memory_space<vmem>> -> memref<1x128x128xf32, #tpu.memory_space<vmem>>
      %dma_wait3A_125 = tpu.memref_squeeze %dma_wait3A_124 : memref<1x128x128xf32, #tpu.memory_space<vmem>> -> memref<128x128xf32, #tpu.memory_space<vmem>>
      tpu.wait_dma2 semaphore(%run_scoped3A_102 : memref<!tpu.dma_semaphore, #tpu.memory_space<semaphore_mem>>) src(%dma_wait3A_125 : memref<128x128xf32, #tpu.memory_space<vmem>>) dst(%dma_wait3A_121 : memref<128x128xf32, #tpu.memory_space<vmem_shared>>)
      tpu.yield
    }) : () -> ()
    %mul3A_12 = arith.constant 640 : i32
    %mul3A_13 = arith.muli %arg1, %mul3A_12 : i32
    %add3A_14 = arith.constant 128 : i32
    %add3A_15 = arith.addi %mul3A_13, %add3A_14 : i32
    %run_scoped3A_16 = arith.constant 0 : i32
    "tpu.region"() ({
      %run_scoped3A_102 = tpu.sem_alloc : memref<!tpu.dma_semaphore, #tpu.memory_space<semaphore_mem>>
      %dma_start3A_103 = arith.constant 0 : i32
      %dma_start3A_104 = arith.constant 0 : i32
      %dma_start3A_105 = tpu.memref_slice %arg8[%run_scoped3A_16, %dma_start3A_103, %dma_start3A_104] : memref<2x128x128xf32, #tpu.memory_space<vmem>> -> memref<1x128x128xf32, #tpu.memory_space<vmem>>
      %dma_start3A_106 = tpu.memref_squeeze %dma_start3A_105 : memref<1x128x128xf32, #tpu.memory_space<vmem>> -> memref<128x128xf32, #tpu.memory_space<vmem>>
      %dma_start3A_107 = arith.constant 0 : i32
      %dma_start3A_108 = tpu.memref_slice %arg9[%add3A_15, %dma_start3A_107] : memref<10240x128xf32, #tpu.memory_space<vmem_shared>> -> memref<128x128xf32, #tpu.memory_space<vmem_shared>>
      %dma_start3A_109 = arith.constant 0 : i32
      %dma_start3A_110 = tpu.memref_slice %arg9[%add3A_15, %dma_start3A_109] : memref<10240x128xf32, #tpu.memory_space<vmem_shared>> -> memref<128x128xf32, #tpu.memory_space<vmem_shared>>
      %dma_start3A_111 = arith.constant 0 : i32
      %dma_start3A_112 = arith.constant 0 : i32
      %dma_start3A_113 = tpu.memref_slice %arg8[%run_scoped3A_16, %dma_start3A_111, %dma_start3A_112] : memref<2x128x128xf32, #tpu.memory_space<vmem>> -> memref<1x128x128xf32, #tpu.memory_space<vmem>>
      %dma_start3A_114 = tpu.memref_squeeze %dma_start3A_113 : memref<1x128x128xf32, #tpu.memory_space<vmem>> -> memref<128x128xf32, #tpu.memory_space<vmem>>
      tpu.enqueue_dma source(%dma_start3A_114 : memref<128x128xf32, #tpu.memory_space<vmem>>) target(%dma_start3A_110 : memref<128x128xf32, #tpu.memory_space<vmem_shared>>) target_semaphore(%run_scoped3A_102 : memref<!tpu.dma_semaphore, #tpu.memory_space<semaphore_mem>>)
      %dma_wait3A = arith.constant 0 : i32
      %dma_wait3A_115 = arith.constant 0 : i32
      %dma_wait3A_116 = tpu.memref_slice %arg8[%run_scoped3A_16, %dma_wait3A, %dma_wait3A_115] : memref<2x128x128xf32, #tpu.memory_space<vmem>> -> memref<1x128x128xf32, #tpu.memory_space<vmem>>
      %dma_wait3A_117 = tpu.memref_squeeze %dma_wait3A_116 : memref<1x128x128xf32, #tpu.memory_space<vmem>> -> memref<128x128xf32, #tpu.memory_space<vmem>>
      %dma_wait3A_118 = arith.constant 0 : i32
      %dma_wait3A_119 = tpu.memref_slice %arg9[%add3A_15, %dma_wait3A_118] : memref<10240x128xf32, #tpu.memory_space<vmem_shared>> -> memref<128x128xf32, #tpu.memory_space<vmem_shared>>
      %dma_wait3A_120 = arith.constant 0 : i32
      %dma_wait3A_121 = tpu.memref_slice %arg9[%add3A_15, %dma_wait3A_120] : memref<10240x128xf32, #tpu.memory_space<vmem_shared>> -> memref<128x128xf32, #tpu.memory_space<vmem_shared>>
      %dma_wait3A_122 = arith.constant 0 : i32
      %dma_wait3A_123 = arith.constant 0 : i32
      %dma_wait3A_124 = tpu.memref_slice %arg8[%run_scoped3A_16, %dma_wait3A_122, %dma_wait3A_123] : memref<2x128x128xf32, #tpu.memory_space<vmem>> -> memref<1x128x128xf32, #tpu.memory_space<vmem>>
      %dma_wait3A_125 = tpu.memref_squeeze %dma_wait3A_124 : memref<1x128x128xf32, #tpu.memory_space<vmem>> -> memref<128x128xf32, #tpu.memory_space<vmem>>
      tpu.wait_dma2 semaphore(%run_scoped3A_102 : memref<!tpu.dma_semaphore, #tpu.memory_space<semaphore_mem>>) src(%dma_wait3A_125 : memref<128x128xf32, #tpu.memory_space<vmem>>) dst(%dma_wait3A_121 : memref<128x128xf32, #tpu.memory_space<vmem_shared>>)
      tpu.yield
    }) : () -> ()
    %mul3A_17 = arith.constant 640 : i32
    %mul3A_18 = arith.muli %arg1, %mul3A_17 : i32
    %add3A_19 = arith.constant 256 : i32
    %add3A_20 = arith.addi %mul3A_18, %add3A_19 : i32
    %run_scoped3A_21 = arith.constant 0 : i32
    "tpu.region"() ({
      %run_scoped3A_102 = tpu.sem_alloc : memref<!tpu.dma_semaphore, #tpu.memory_space<semaphore_mem>>
      %dma_start3A_103 = arith.constant 0 : i32
      %dma_start3A_104 = arith.constant 0 : i32
      %dma_start3A_105 = tpu.memref_slice %arg8[%run_scoped3A_21, %dma_start3A_103, %dma_start3A_104] : memref<2x128x128xf32, #tpu.memory_space<vmem>> -> memref<1x128x128xf32, #tpu.memory_space<vmem>>
      %dma_start3A_106 = tpu.memref_squeeze %dma_start3A_105 : memref<1x128x128xf32, #tpu.memory_space<vmem>> -> memref<128x128xf32, #tpu.memory_space<vmem>>
      %dma_start3A_107 = arith.constant 0 : i32
      %dma_start3A_108 = tpu.memref_slice %arg9[%add3A_20, %dma_start3A_107] : memref<10240x128xf32, #tpu.memory_space<vmem_shared>> -> memref<128x128xf32, #tpu.memory_space<vmem_shared>>
      %dma_start3A_109 = arith.constant 0 : i32
      %dma_start3A_110 = tpu.memref_slice %arg9[%add3A_20, %dma_start3A_109] : memref<10240x128xf32, #tpu.memory_space<vmem_shared>> -> memref<128x128xf32, #tpu.memory_space<vmem_shared>>
      %dma_start3A_111 = arith.constant 0 : i32
      %dma_start3A_112 = arith.constant 0 : i32
      %dma_start3A_113 = tpu.memref_slice %arg8[%run_scoped3A_21, %dma_start3A_111, %dma_start3A_112] : memref<2x128x128xf32, #tpu.memory_space<vmem>> -> memref<1x128x128xf32, #tpu.memory_space<vmem>>
      %dma_start3A_114 = tpu.memref_squeeze %dma_start3A_113 : memref<1x128x128xf32, #tpu.memory_space<vmem>> -> memref<128x128xf32, #tpu.memory_space<vmem>>
      tpu.enqueue_dma source(%dma_start3A_114 : memref<128x128xf32, #tpu.memory_space<vmem>>) target(%dma_start3A_110 : memref<128x128xf32, #tpu.memory_space<vmem_shared>>) target_semaphore(%run_scoped3A_102 : memref<!tpu.dma_semaphore, #tpu.memory_space<semaphore_mem>>)
      %dma_wait3A = arith.constant 0 : i32
      %dma_wait3A_115 = arith.constant 0 : i32
      %dma_wait3A_116 = tpu.memref_slice %arg8[%run_scoped3A_21, %dma_wait3A, %dma_wait3A_115] : memref<2x128x128xf32, #tpu.memory_space<vmem>> -> memref<1x128x128xf32, #tpu.memory_space<vmem>>
      %dma_wait3A_117 = tpu.memref_squeeze %dma_wait3A_116 : memref<1x128x128xf32, #tpu.memory_space<vmem>> -> memref<128x128xf32, #tpu.memory_space<vmem>>
      %dma_wait3A_118 = arith.constant 0 : i32
      %dma_wait3A_119 = tpu.memref_slice %arg9[%add3A_20, %dma_wait3A_118] : memref<10240x128xf32, #tpu.memory_space<vmem_shared>> -> memref<128x128xf32, #tpu.memory_space<vmem_shared>>
      %dma_wait3A_120 = arith.constant 0 : i32
      %dma_wait3A_121 = tpu.memref_slice %arg9[%add3A_20, %dma_wait3A_120] : memref<10240x128xf32, #tpu.memory_space<vmem_shared>> -> memref<128x128xf32, #tpu.memory_space<vmem_shared>>
      %dma_wait3A_122 = arith.constant 0 : i32
      %dma_wait3A_123 = arith.constant 0 : i32
      %dma_wait3A_124 = tpu.memref_slice %arg8[%run_scoped3A_21, %dma_wait3A_122, %dma_wait3A_123] : memref<2x128x128xf32, #tpu.memory_space<vmem>> -> memref<1x128x128xf32, #tpu.memory_space<vmem>>
      %dma_wait3A_125 = tpu.memref_squeeze %dma_wait3A_124 : memref<1x128x128xf32, #tpu.memory_space<vmem>> -> memref<128x128xf32, #tpu.memory_space<vmem>>
      tpu.wait_dma2 semaphore(%run_scoped3A_102 : memref<!tpu.dma_semaphore, #tpu.memory_space<semaphore_mem>>) src(%dma_wait3A_125 : memref<128x128xf32, #tpu.memory_space<vmem>>) dst(%dma_wait3A_121 : memref<128x128xf32, #tpu.memory_space<vmem_shared>>)
      tpu.yield
    }) : () -> ()
    %mul3A_22 = arith.constant 640 : i32
    %mul3A_23 = arith.muli %arg1, %mul3A_22 : i32
    %add3A_24 = arith.constant 384 : i32
    %add3A_25 = arith.addi %mul3A_23, %add3A_24 : i32
    %run_scoped3A_26 = arith.constant 0 : i32
    "tpu.region"() ({
      %run_scoped3A_102 = tpu.sem_alloc : memref<!tpu.dma_semaphore, #tpu.memory_space<semaphore_mem>>
      %dma_start3A_103 = arith.constant 0 : i32
      %dma_start3A_104 = arith.constant 0 : i32
      %dma_start3A_105 = tpu.memref_slice %arg8[%run_scoped3A_26, %dma_start3A_103, %dma_start3A_104] : memref<2x128x128xf32, #tpu.memory_space<vmem>> -> memref<1x128x128xf32, #tpu.memory_space<vmem>>
      %dma_start3A_106 = tpu.memref_squeeze %dma_start3A_105 : memref<1x128x128xf32, #tpu.memory_space<vmem>> -> memref<128x128xf32, #tpu.memory_space<vmem>>
      %dma_start3A_107 = arith.constant 0 : i32
      %dma_start3A_108 = tpu.memref_slice %arg9[%add3A_25, %dma_start3A_107] : memref<10240x128xf32, #tpu.memory_space<vmem_shared>> -> memref<128x128xf32, #tpu.memory_space<vmem_shared>>
      %dma_start3A_109 = arith.constant 0 : i32
      %dma_start3A_110 = tpu.memref_slice %arg9[%add3A_25, %dma_start3A_109] : memref<10240x128xf32, #tpu.memory_space<vmem_shared>> -> memref<128x128xf32, #tpu.memory_space<vmem_shared>>
      %dma_start3A_111 = arith.constant 0 : i32
      %dma_start3A_112 = arith.constant 0 : i32
      %dma_start3A_113 = tpu.memref_slice %arg8[%run_scoped3A_26, %dma_start3A_111, %dma_start3A_112] : memref<2x128x128xf32, #tpu.memory_space<vmem>> -> memref<1x128x128xf32, #tpu.memory_space<vmem>>
      %dma_start3A_114 = tpu.memref_squeeze %dma_start3A_113 : memref<1x128x128xf32, #tpu.memory_space<vmem>> -> memref<128x128xf32, #tpu.memory_space<vmem>>
      tpu.enqueue_dma source(%dma_start3A_114 : memref<128x128xf32, #tpu.memory_space<vmem>>) target(%dma_start3A_110 : memref<128x128xf32, #tpu.memory_space<vmem_shared>>) target_semaphore(%run_scoped3A_102 : memref<!tpu.dma_semaphore, #tpu.memory_space<semaphore_mem>>)
      %dma_wait3A = arith.constant 0 : i32
      %dma_wait3A_115 = arith.constant 0 : i32
      %dma_wait3A_116 = tpu.memref_slice %arg8[%run_scoped3A_26, %dma_wait3A, %dma_wait3A_115] : memref<2x128x128xf32, #tpu.memory_space<vmem>> -> memref<1x128x128xf32, #tpu.memory_space<vmem>>
      %dma_wait3A_117 = tpu.memref_squeeze %dma_wait3A_116 : memref<1x128x128xf32, #tpu.memory_space<vmem>> -> memref<128x128xf32, #tpu.memory_space<vmem>>
      %dma_wait3A_118 = arith.constant 0 : i32
      %dma_wait3A_119 = tpu.memref_slice %arg9[%add3A_25, %dma_wait3A_118] : memref<10240x128xf32, #tpu.memory_space<vmem_shared>> -> memref<128x128xf32, #tpu.memory_space<vmem_shared>>
      %dma_wait3A_120 = arith.constant 0 : i32
      %dma_wait3A_121 = tpu.memref_slice %arg9[%add3A_25, %dma_wait3A_120] : memref<10240x128xf32, #tpu.memory_space<vmem_shared>> -> memref<128x128xf32, #tpu.memory_space<vmem_shared>>
      %dma_wait3A_122 = arith.constant 0 : i32
      %dma_wait3A_123 = arith.constant 0 : i32
      %dma_wait3A_124 = tpu.memref_slice %arg8[%run_scoped3A_26, %dma_wait3A_122, %dma_wait3A_123] : memref<2x128x128xf32, #tpu.memory_space<vmem>> -> memref<1x128x128xf32, #tpu.memory_space<vmem>>
      %dma_wait3A_125 = tpu.memref_squeeze %dma_wait3A_124 : memref<1x128x128xf32, #tpu.memory_space<vmem>> -> memref<128x128xf32, #tpu.memory_space<vmem>>
      tpu.wait_dma2 semaphore(%run_scoped3A_102 : memref<!tpu.dma_semaphore, #tpu.memory_space<semaphore_mem>>) src(%dma_wait3A_125 : memref<128x128xf32, #tpu.memory_space<vmem>>) dst(%dma_wait3A_121 : memref<128x128xf32, #tpu.memory_space<vmem_shared>>)
      tpu.yield
    }) : () -> ()
    %mul3A_27 = arith.constant 640 : i32
    %mul3A_28 = arith.muli %arg1, %mul3A_27 : i32
    %add3A_29 = arith.constant 512 : i32
    %add3A_30 = arith.addi %mul3A_28, %add3A_29 : i32
    %run_scoped3A_31 = arith.constant 0 : i32
    "tpu.region"() ({
      %run_scoped3A_102 = tpu.sem_alloc : memref<!tpu.dma_semaphore, #tpu.memory_space<semaphore_mem>>
      %dma_start3A_103 = arith.constant 0 : i32
      %dma_start3A_104 = arith.constant 0 : i32
      %dma_start3A_105 = tpu.memref_slice %arg8[%run_scoped3A_31, %dma_start3A_103, %dma_start3A_104] : memref<2x128x128xf32, #tpu.memory_space<vmem>> -> memref<1x128x128xf32, #tpu.memory_space<vmem>>
      %dma_start3A_106 = tpu.memref_squeeze %dma_start3A_105 : memref<1x128x128xf32, #tpu.memory_space<vmem>> -> memref<128x128xf32, #tpu.memory_space<vmem>>
      %dma_start3A_107 = arith.constant 0 : i32
      %dma_start3A_108 = tpu.memref_slice %arg9[%add3A_30, %dma_start3A_107] : memref<10240x128xf32, #tpu.memory_space<vmem_shared>> -> memref<128x128xf32, #tpu.memory_space<vmem_shared>>
      %dma_start3A_109 = arith.constant 0 : i32
      %dma_start3A_110 = tpu.memref_slice %arg9[%add3A_30, %dma_start3A_109] : memref<10240x128xf32, #tpu.memory_space<vmem_shared>> -> memref<128x128xf32, #tpu.memory_space<vmem_shared>>
      %dma_start3A_111 = arith.constant 0 : i32
      %dma_start3A_112 = arith.constant 0 : i32
      %dma_start3A_113 = tpu.memref_slice %arg8[%run_scoped3A_31, %dma_start3A_111, %dma_start3A_112] : memref<2x128x128xf32, #tpu.memory_space<vmem>> -> memref<1x128x128xf32, #tpu.memory_space<vmem>>
      %dma_start3A_114 = tpu.memref_squeeze %dma_start3A_113 : memref<1x128x128xf32, #tpu.memory_space<vmem>> -> memref<128x128xf32, #tpu.memory_space<vmem>>
      tpu.enqueue_dma source(%dma_start3A_114 : memref<128x128xf32, #tpu.memory_space<vmem>>) target(%dma_start3A_110 : memref<128x128xf32, #tpu.memory_space<vmem_shared>>) target_semaphore(%run_scoped3A_102 : memref<!tpu.dma_semaphore, #tpu.memory_space<semaphore_mem>>)
      %dma_wait3A = arith.constant 0 : i32
      %dma_wait3A_115 = arith.constant 0 : i32
      %dma_wait3A_116 = tpu.memref_slice %arg8[%run_scoped3A_31, %dma_wait3A, %dma_wait3A_115] : memref<2x128x128xf32, #tpu.memory_space<vmem>> -> memref<1x128x128xf32, #tpu.memory_space<vmem>>
      %dma_wait3A_117 = tpu.memref_squeeze %dma_wait3A_116 : memref<1x128x128xf32, #tpu.memory_space<vmem>> -> memref<128x128xf32, #tpu.memory_space<vmem>>
      %dma_wait3A_118 = arith.constant 0 : i32
      %dma_wait3A_119 = tpu.memref_slice %arg9[%add3A_30, %dma_wait3A_118] : memref<10240x128xf32, #tpu.memory_space<vmem_shared>> -> memref<128x128xf32, #tpu.memory_space<vmem_shared>>
      %dma_wait3A_120 = arith.constant 0 : i32
      %dma_wait3A_121 = tpu.memref_slice %arg9[%add3A_30, %dma_wait3A_120] : memref<10240x128xf32, #tpu.memory_space<vmem_shared>> -> memref<128x128xf32, #tpu.memory_space<vmem_shared>>
      %dma_wait3A_122 = arith.constant 0 : i32
      %dma_wait3A_123 = arith.constant 0 : i32
      %dma_wait3A_124 = tpu.memref_slice %arg8[%run_scoped3A_31, %dma_wait3A_122, %dma_wait3A_123] : memref<2x128x128xf32, #tpu.memory_space<vmem>> -> memref<1x128x128xf32, #tpu.memory_space<vmem>>
      %dma_wait3A_125 = tpu.memref_squeeze %dma_wait3A_124 : memref<1x128x128xf32, #tpu.memory_space<vmem>> -> memref<128x128xf32, #tpu.memory_space<vmem>>
      tpu.wait_dma2 semaphore(%run_scoped3A_102 : memref<!tpu.dma_semaphore, #tpu.memory_space<semaphore_mem>>) src(%dma_wait3A_125 : memref<128x128xf32, #tpu.memory_space<vmem>>) dst(%dma_wait3A_121 : memref<128x128xf32, #tpu.memory_space<vmem_shared>>)
      tpu.yield
    }) : () -> ()
    %barrier3A = arith.constant 0 : index
    tpu.barrier barrier_id(%barrier3A)
    "tpu.region"() ({
      %run_scoped3A_102 = tpu.sem_alloc : memref<!tpu.dma_semaphore, #tpu.memory_space<semaphore_mem>>
      %dma_start3A_103 = arith.constant 0 : i32
      %dma_start3A_104 = arith.constant 0 : i32
      %dma_start3A_105 = tpu.memref_slice %arg4[%add3A, %dma_start3A_103, %dma_start3A_104] : memref<32x80x128xi32, #tpu.memory_space<hbm>> -> memref<1x80x128xi32, #tpu.memory_space<hbm>>
      %dma_start3A_106 = tpu.memref_squeeze %dma_start3A_105 : memref<1x80x128xi32, #tpu.memory_space<hbm>> -> memref<80x128xi32, #tpu.memory_space<hbm>>
      %dma_start3A_107 = arith.constant 0 : i32
      %dma_start3A_108 = arith.constant 0 : i32
      %dma_start3A_109 = tpu.memref_slice %arg4[%add3A, %dma_start3A_107, %dma_start3A_108] : memref<32x80x128xi32, #tpu.memory_space<hbm>> -> memref<1x80x128xi32, #tpu.memory_space<hbm>>
      %dma_start3A_110 = tpu.memref_squeeze %dma_start3A_109 : memref<1x80x128xi32, #tpu.memory_space<hbm>> -> memref<80x128xi32, #tpu.memory_space<hbm>>
      tpu.enqueue_dma source(%dma_start3A_110 : memref<80x128xi32, #tpu.memory_space<hbm>>) target(%arg7 : memref<80x128xi32, #tpu.memory_space<vmem>>) target_semaphore(%run_scoped3A_102 : memref<!tpu.dma_semaphore, #tpu.memory_space<semaphore_mem>>)
      %dma_wait3A = arith.constant 0 : i32
      %dma_wait3A_111 = arith.constant 0 : i32
      %dma_wait3A_112 = tpu.memref_slice %arg4[%add3A, %dma_wait3A, %dma_wait3A_111] : memref<32x80x128xi32, #tpu.memory_space<hbm>> -> memref<1x80x128xi32, #tpu.memory_space<hbm>>
      %dma_wait3A_113 = tpu.memref_squeeze %dma_wait3A_112 : memref<1x80x128xi32, #tpu.memory_space<hbm>> -> memref<80x128xi32, #tpu.memory_space<hbm>>
      %dma_wait3A_114 = arith.constant 0 : i32
      %dma_wait3A_115 = arith.constant 0 : i32
      %dma_wait3A_116 = tpu.memref_slice %arg4[%add3A, %dma_wait3A_114, %dma_wait3A_115] : memref<32x80x128xi32, #tpu.memory_space<hbm>> -> memref<1x80x128xi32, #tpu.memory_space<hbm>>
      %dma_wait3A_117 = tpu.memref_squeeze %dma_wait3A_116 : memref<1x80x128xi32, #tpu.memory_space<hbm>> -> memref<80x128xi32, #tpu.memory_space<hbm>>
      tpu.wait_dma2 semaphore(%run_scoped3A_102 : memref<!tpu.dma_semaphore, #tpu.memory_space<semaphore_mem>>) src(%dma_wait3A_117 : memref<80x128xi32, #tpu.memory_space<hbm>>) dst(%arg7 : memref<80x128xi32, #tpu.memory_space<vmem>>)
      tpu.yield
    }) : () -> ()
    %run_scoped3A_32 = arith.constant 0 : i32
    %run_scoped3A_33 = arith.constant 0 : i32
    "tpu.region"() ({
      %run_scoped3A_102 = tpu.sem_alloc : memref<!tpu.dma_semaphore, #tpu.memory_space<semaphore_mem>>
      %dma_start3A_103 = arith.constant 0 : i32
      %dma_start3A_104 = arith.constant 0 : i32
      %dma_start3A_105 = tpu.memref_slice %arg6[%run_scoped3A_33, %dma_start3A_103, %dma_start3A_104] : memref<2x8x128xi32, #tpu.memory_space<vmem>> -> memref<1x8x128xi32, #tpu.memory_space<vmem>>
      %dma_start3A_106 = tpu.memref_squeeze %dma_start3A_105 : memref<1x8x128xi32, #tpu.memory_space<vmem>> -> memref<8x128xi32, #tpu.memory_space<vmem>>
      %dma_start3A_107 = arith.constant 0 : i32
      %dma_start3A_108 = arith.constant 0 : i32
      %dma_start3A_109 = tpu.memref_slice %arg3[%add3A, %run_scoped3A_32, %dma_start3A_107, %dma_start3A_108] : memref<32x10x8x128xi32, #tpu.memory_space<hbm>> -> memref<1x1x8x128xi32, #tpu.memory_space<hbm>>
      %dma_start3A_110 = tpu.memref_squeeze %dma_start3A_109 : memref<1x1x8x128xi32, #tpu.memory_space<hbm>> -> memref<8x128xi32, #tpu.memory_space<hbm>>
      %dma_start3A_111 = arith.constant 0 : i32
      %dma_start3A_112 = arith.constant 0 : i32
      %dma_start3A_113 = tpu.memref_slice %arg6[%run_scoped3A_33, %dma_start3A_111, %dma_start3A_112] : memref<2x8x128xi32, #tpu.memory_space<vmem>> -> memref<1x8x128xi32, #tpu.memory_space<vmem>>
      %dma_start3A_114 = tpu.memref_squeeze %dma_start3A_113 : memref<1x8x128xi32, #tpu.memory_space<vmem>> -> memref<8x128xi32, #tpu.memory_space<vmem>>
      %dma_start3A_115 = arith.constant 0 : i32
      %dma_start3A_116 = arith.constant 0 : i32
      %dma_start3A_117 = tpu.memref_slice %arg3[%add3A, %run_scoped3A_32, %dma_start3A_115, %dma_start3A_116] : memref<32x10x8x128xi32, #tpu.memory_space<hbm>> -> memref<1x1x8x128xi32, #tpu.memory_space<hbm>>
      %dma_start3A_118 = tpu.memref_squeeze %dma_start3A_117 : memref<1x1x8x128xi32, #tpu.memory_space<hbm>> -> memref<8x128xi32, #tpu.memory_space<hbm>>
      tpu.enqueue_dma source(%dma_start3A_118 : memref<8x128xi32, #tpu.memory_space<hbm>>) target(%dma_start3A_114 : memref<8x128xi32, #tpu.memory_space<vmem>>) target_semaphore(%run_scoped3A_102 : memref<!tpu.dma_semaphore, #tpu.memory_space<semaphore_mem>>)
      %dma_wait3A = arith.constant 0 : i32
      %dma_wait3A_119 = arith.constant 0 : i32
      %dma_wait3A_120 = tpu.memref_slice %arg6[%run_scoped3A_33, %dma_wait3A, %dma_wait3A_119] : memref<2x8x128xi32, #tpu.memory_space<vmem>> -> memref<1x8x128xi32, #tpu.memory_space<vmem>>
      %dma_wait3A_121 = tpu.memref_squeeze %dma_wait3A_120 : memref<1x8x128xi32, #tpu.memory_space<vmem>> -> memref<8x128xi32, #tpu.memory_space<vmem>>
      %dma_wait3A_122 = arith.constant 0 : i32
      %dma_wait3A_123 = arith.constant 0 : i32
      %dma_wait3A_124 = tpu.memref_slice %arg3[%add3A, %run_scoped3A_32, %dma_wait3A_122, %dma_wait3A_123] : memref<32x10x8x128xi32, #tpu.memory_space<hbm>> -> memref<1x1x8x128xi32, #tpu.memory_space<hbm>>
      %dma_wait3A_125 = tpu.memref_squeeze %dma_wait3A_124 : memref<1x1x8x128xi32, #tpu.memory_space<hbm>> -> memref<8x128xi32, #tpu.memory_space<hbm>>
      %dma_wait3A_126 = arith.constant 0 : i32
      %dma_wait3A_127 = arith.constant 0 : i32
      %dma_wait3A_128 = tpu.memref_slice %arg6[%run_scoped3A_33, %dma_wait3A_126, %dma_wait3A_127] : memref<2x8x128xi32, #tpu.memory_space<vmem>> -> memref<1x8x128xi32, #tpu.memory_space<vmem>>
      %dma_wait3A_129 = tpu.memref_squeeze %dma_wait3A_128 : memref<1x8x128xi32, #tpu.memory_space<vmem>> -> memref<8x128xi32, #tpu.memory_space<vmem>>
      %dma_wait3A_130 = arith.constant 0 : i32
      %dma_wait3A_131 = arith.constant 0 : i32
      %dma_wait3A_132 = tpu.memref_slice %arg3[%add3A, %run_scoped3A_32, %dma_wait3A_130, %dma_wait3A_131] : memref<32x10x8x128xi32, #tpu.memory_space<hbm>> -> memref<1x1x8x128xi32, #tpu.memory_space<hbm>>
      %dma_wait3A_133 = tpu.memref_squeeze %dma_wait3A_132 : memref<1x1x8x128xi32, #tpu.memory_space<hbm>> -> memref<8x128xi32, #tpu.memory_space<hbm>>
      tpu.wait_dma2 semaphore(%run_scoped3A_102 : memref<!tpu.dma_semaphore, #tpu.memory_space<semaphore_mem>>) src(%dma_wait3A_133 : memref<8x128xi32, #tpu.memory_space<hbm>>) dst(%dma_wait3A_129 : memref<8x128xi32, #tpu.memory_space<vmem>>)
      tpu.yield
    }) : () -> ()
    %dma_start3A = arith.constant 0 : i32
    %dma_start3A_34 = arith.constant 0 : i32
    %dma_start3A_35 = arith.constant 0 : i32
    %dma_start3A_36 = arith.constant 0 : i32
    %dma_start3A_37 = arith.constant 0 : i32
    %dma_start3A_38 = tpu.memref_slice %arg8[%dma_start3A_35, %dma_start3A_36, %dma_start3A_37] : memref<2x128x128xf32, #tpu.memory_space<vmem>> -> memref<1x128x128xf32, #tpu.memory_space<vmem>>
    %dma_start3A_39 = tpu.memref_squeeze %dma_start3A_38 : memref<1x128x128xf32, #tpu.memory_space<vmem>> -> memref<128x128xf32, #tpu.memory_space<vmem>>
    %dma_start3A_40 = arith.constant 0 : i32
    %dma_start3A_41 = tpu.memref_slice %arg6[%dma_start3A, %dma_start3A_34, %dma_start3A_40] : memref<2x8x128xi32, #tpu.memory_space<vmem>> -> memref<1x1x128xi32, #tpu.memory_space<vmem>>
    %dma_start3A_42 = tpu.memref_squeeze %dma_start3A_41 : memref<1x1x128xi32, #tpu.memory_space<vmem>> -> memref<128xi32, #tpu.memory_space<vmem>>
    %dma_start3A_43 = arith.constant 0 : i32
    %dma_start3A_44 = arith.constant 0 : i32
    %dma_start3A_45 = tpu.memref_slice %arg2[%dma_start3A_43, %dma_start3A_44] : memref<10240x128xf32, #tpu.memory_space<hbm>> -> memref<10240x128xf32, #tpu.memory_space<hbm>>
    tpu.enqueue_indirect_dma source(%dma_start3A_45 : memref<10240x128xf32, #tpu.memory_space<hbm>>) target(%dma_start3A_39 : memref<128x128xf32, #tpu.memory_space<vmem>>) offsets(%dma_start3A_42 : memref<128xi32, #tpu.memory_space<vmem>>) semaphore(%arg10 : memref<!tpu.dma_semaphore, #tpu.memory_space<semaphore_mem>>)
    %dma_start3A_46 = arith.constant 1 : i32
    %dma_start3A_47 = arith.constant 1 : i32
    %dma_start3A_48 = arith.constant 0 : i32
    %dma_start3A_49 = arith.constant 0 : i32
    %dma_start3A_50 = tpu.memref_slice %arg6[%dma_start3A_47, %dma_start3A_48, %dma_start3A_49] : memref<2x8x128xi32, #tpu.memory_space<vmem>> -> memref<1x8x128xi32, #tpu.memory_space<vmem>>
    %dma_start3A_51 = tpu.memref_squeeze %dma_start3A_50 : memref<1x8x128xi32, #tpu.memory_space<vmem>> -> memref<8x128xi32, #tpu.memory_space<vmem>>
    %dma_start3A_52 = arith.constant 0 : i32
    %dma_start3A_53 = arith.constant 0 : i32
    %dma_start3A_54 = tpu.memref_slice %arg3[%add3A, %dma_start3A_46, %dma_start3A_52, %dma_start3A_53] : memref<32x10x8x128xi32, #tpu.memory_space<hbm>> -> memref<1x1x8x128xi32, #tpu.memory_space<hbm>>
    %dma_start3A_55 = tpu.memref_squeeze %dma_start3A_54 : memref<1x1x8x128xi32, #tpu.memory_space<hbm>> -> memref<8x128xi32, #tpu.memory_space<hbm>>
    %dma_start3A_56 = arith.constant 0 : i32
    %dma_start3A_57 = arith.constant 0 : i32
    %dma_start3A_58 = tpu.memref_slice %arg6[%dma_start3A_47, %dma_start3A_56, %dma_start3A_57] : memref<2x8x128xi32, #tpu.memory_space<vmem>> -> memref<1x8x128xi32, #tpu.memory_space<vmem>>
    %dma_start3A_59 = tpu.memref_squeeze %dma_start3A_58 : memref<1x8x128xi32, #tpu.memory_space<vmem>> -> memref<8x128xi32, #tpu.memory_space<vmem>>
    %dma_start3A_60 = arith.constant 0 : i32
    %dma_start3A_61 = arith.constant 0 : i32
    %dma_start3A_62 = tpu.memref_slice %arg3[%add3A, %dma_start3A_46, %dma_start3A_60, %dma_start3A_61] : memref<32x10x8x128xi32, #tpu.memory_space<hbm>> -> memref<1x1x8x128xi32, #tpu.memory_space<hbm>>
    %dma_start3A_63 = tpu.memref_squeeze %dma_start3A_62 : memref<1x1x8x128xi32, #tpu.memory_space<hbm>> -> memref<8x128xi32, #tpu.memory_space<hbm>>
    tpu.enqueue_dma source(%dma_start3A_63 : memref<8x128xi32, #tpu.memory_space<hbm>>) target(%dma_start3A_59 : memref<8x128xi32, #tpu.memory_space<vmem>>) target_semaphore(%arg11 : memref<!tpu.dma_semaphore, #tpu.memory_space<semaphore_mem>>)
    %scan3A_64 = arith.constant 0 : i32
    %scan3A_65 = arith.constant 0 : i32
    %scan3A_66 = arith.constant 5 : i32
    %scan3A_67 = arith.addi %scan3A_65, %scan3A_66 : i32
    %scan3A_68 = arith.constant 1 : i32
    %scan3A_69 = scf.for %scan3A_102 = %scan3A_65 to %scan3A_67 step %scan3A_68 iter_args(%scan3A_103 = %scan3A_64) -> (i32)  : i32 {
      %mul3A_104 = arith.constant 2 : i32
      %mul3A_105 = arith.muli %scan3A_102, %mul3A_104 : i32
      %add3A_106 = arith.constant 0 : i32
      %add3A_107 = arith.addi %mul3A_105, %add3A_106 : i32
      %mul3A_108 = arith.constant 8 : i32
      %mul3A_109 = arith.muli %add3A_107, %mul3A_108 : i32
      %add3A_110 = arith.constant 0 : i32
      %add3A_111 = arith.addi %mul3A_109, %add3A_110 : i32
      %dma_wait3A = arith.constant 0 : i32
      %dma_wait3A_112 = arith.constant 0 : i32
      %dma_wait3A_113 = arith.constant 0 : i32
      %dma_wait3A_114 = arith.constant 0 : i32
      %dma_wait3A_115 = arith.constant 0 : i32
      %dma_wait3A_116 = tpu.memref_slice %arg8[%dma_wait3A_113, %dma_wait3A_114, %dma_wait3A_115] : memref<2x128x128xf32, #tpu.memory_space<vmem>> -> memref<1x128x128xf32, #tpu.memory_space<vmem>>
      %dma_wait3A_117 = tpu.memref_squeeze %dma_wait3A_116 : memref<1x128x128xf32, #tpu.memory_space<vmem>> -> memref<128x128xf32, #tpu.memory_space<vmem>>
      %dma_wait3A_118 = arith.constant 0 : i32
      %dma_wait3A_119 = tpu.memref_slice %arg6[%dma_wait3A, %dma_wait3A_112, %dma_wait3A_118] : memref<2x8x128xi32, #tpu.memory_space<vmem>> -> memref<1x1x128xi32, #tpu.memory_space<vmem>>
      %dma_wait3A_120 = tpu.memref_squeeze %dma_wait3A_119 : memref<1x1x128xi32, #tpu.memory_space<vmem>> -> memref<128xi32, #tpu.memory_space<vmem>>
      %dma_wait3A_121 = arith.constant 0 : i32
      %dma_wait3A_122 = arith.constant 0 : i32
      %dma_wait3A_123 = tpu.memref_slice %arg2[%dma_wait3A_121, %dma_wait3A_122] : memref<10240x128xf32, #tpu.memory_space<hbm>> -> memref<10240x128xf32, #tpu.memory_space<hbm>>
      tpu.wait_indirect_dma semaphore(%arg10 : memref<!tpu.dma_semaphore, #tpu.memory_space<semaphore_mem>>) src(%dma_wait3A_123 : memref<10240x128xf32, #tpu.memory_space<hbm>>) dst(%dma_wait3A_117 : memref<128x128xf32, #tpu.memory_space<vmem>>)
      %dma_start3A_124 = arith.constant 0 : i32
      %dma_start3A_125 = arith.constant 1 : i32
      %dma_start3A_126 = arith.constant 1 : i32
      %dma_start3A_127 = arith.constant 0 : i32
      %dma_start3A_128 = arith.constant 0 : i32
      %dma_start3A_129 = tpu.memref_slice %arg8[%dma_start3A_126, %dma_start3A_127, %dma_start3A_128] : memref<2x128x128xf32, #tpu.memory_space<vmem>> -> memref<1x128x128xf32, #tpu.memory_space<vmem>>
      %dma_start3A_130 = tpu.memref_squeeze %dma_start3A_129 : memref<1x128x128xf32, #tpu.memory_space<vmem>> -> memref<128x128xf32, #tpu.memory_space<vmem>>
      %dma_start3A_131 = arith.constant 0 : i32
      %dma_start3A_132 = tpu.memref_slice %arg6[%dma_start3A_124, %dma_start3A_125, %dma_start3A_131] : memref<2x8x128xi32, #tpu.memory_space<vmem>> -> memref<1x1x128xi32, #tpu.memory_space<vmem>>
      %dma_start3A_133 = tpu.memref_squeeze %dma_start3A_132 : memref<1x1x128xi32, #tpu.memory_space<vmem>> -> memref<128xi32, #tpu.memory_space<vmem>>
      %dma_start3A_134 = arith.constant 0 : i32
      %dma_start3A_135 = arith.constant 0 : i32
      %dma_start3A_136 = tpu.memref_slice %arg2[%dma_start3A_134, %dma_start3A_135] : memref<10240x128xf32, #tpu.memory_space<hbm>> -> memref<10240x128xf32, #tpu.memory_space<hbm>>
      tpu.enqueue_indirect_dma source(%dma_start3A_136 : memref<10240x128xf32, #tpu.memory_space<hbm>>) target(%dma_start3A_130 : memref<128x128xf32, #tpu.memory_space<vmem>>) offsets(%dma_start3A_133 : memref<128xi32, #tpu.memory_space<vmem>>) semaphore(%arg10 : memref<!tpu.dma_semaphore, #tpu.memory_space<semaphore_mem>>)
      %run_scoped3A_137 = arith.constant 0 : i32
      "tpu.region"() ({
        %run_scoped3A_597 = tpu.sem_alloc : memref<!tpu.dma_semaphore, #tpu.memory_space<semaphore_mem>>
        %dma_start3A_598 = arith.constant 0 : i32
        %dma_start3A_599 = arith.constant 0 : i32
        %dma_start3A_600 = tpu.memref_slice %arg8[%run_scoped3A_137, %dma_start3A_598, %dma_start3A_599] : memref<2x128x128xf32, #tpu.memory_space<vmem>> -> memref<1x128x128xf32, #tpu.memory_space<vmem>>
        %dma_start3A_601 = tpu.memref_squeeze %dma_start3A_600 : memref<1x128x128xf32, #tpu.memory_space<vmem>> -> memref<128x128xf32, #tpu.memory_space<vmem>>
        %dma_start3A_602 = arith.constant 0 : i32
        %dma_start3A_603 = tpu.memref_slice %arg7[%add3A_111, %dma_start3A_602] : memref<80x128xi32, #tpu.memory_space<vmem>> -> memref<1x128xi32, #tpu.memory_space<vmem>>
        %dma_start3A_604 = tpu.memref_squeeze %dma_start3A_603 : memref<1x128xi32, #tpu.memory_space<vmem>> -> memref<128xi32, #tpu.memory_space<vmem>>
        %dma_start3A_605 = arith.constant 0 : i32
        %dma_start3A_606 = arith.constant 0 : i32
        %dma_start3A_607 = tpu.memref_slice %arg9[%dma_start3A_605, %dma_start3A_606] : memref<10240x128xf32, #tpu.memory_space<vmem_shared>> -> memref<10240x128xf32, #tpu.memory_space<vmem_shared>>
        tpu.enqueue_indirect_dma source(%dma_start3A_601 : memref<128x128xf32, #tpu.memory_space<vmem>>) target(%dma_start3A_607 : memref<10240x128xf32, #tpu.memory_space<vmem_shared>>) offsets(%dma_start3A_604 : memref<128xi32, #tpu.memory_space<vmem>>) semaphore(%run_scoped3A_597 : memref<!tpu.dma_semaphore, #tpu.memory_space<semaphore_mem>>) {add = true}
        %dma_wait3A_608 = arith.constant 0 : i32
        %dma_wait3A_609 = arith.constant 0 : i32
        %dma_wait3A_610 = tpu.memref_slice %arg8[%run_scoped3A_137, %dma_wait3A_608, %dma_wait3A_609] : memref<2x128x128xf32, #tpu.memory_space<vmem>> -> memref<1x128x128xf32, #tpu.memory_space<vmem>>
        %dma_wait3A_611 = tpu.memref_squeeze %dma_wait3A_610 : memref<1x128x128xf32, #tpu.memory_space<vmem>> -> memref<128x128xf32, #tpu.memory_space<vmem>>
        %dma_wait3A_612 = arith.constant 0 : i32
        %dma_wait3A_613 = tpu.memref_slice %arg7[%add3A_111, %dma_wait3A_612] : memref<80x128xi32, #tpu.memory_space<vmem>> -> memref<1x128xi32, #tpu.memory_space<vmem>>
        %dma_wait3A_614 = tpu.memref_squeeze %dma_wait3A_613 : memref<1x128xi32, #tpu.memory_space<vmem>> -> memref<128xi32, #tpu.memory_space<vmem>>
        %dma_wait3A_615 = arith.constant 0 : i32
        %dma_wait3A_616 = arith.constant 0 : i32
        %dma_wait3A_617 = tpu.memref_slice %arg9[%dma_wait3A_615, %dma_wait3A_616] : memref<10240x128xf32, #tpu.memory_space<vmem_shared>> -> memref<10240x128xf32, #tpu.memory_space<vmem_shared>>
        tpu.wait_indirect_dma semaphore(%run_scoped3A_597 : memref<!tpu.dma_semaphore, #tpu.memory_space<semaphore_mem>>) src(%dma_wait3A_611 : memref<128x128xf32, #tpu.memory_space<vmem>>) dst(%dma_wait3A_617 : memref<10240x128xf32, #tpu.memory_space<vmem_shared>>)
        tpu.yield
      }) : () -> ()
      %mul3A_138 = arith.constant 8 : i32
      %mul3A_139 = arith.muli %add3A_107, %mul3A_138 : i32
      %add3A_140 = arith.constant 1 : i32
      %add3A_141 = arith.addi %mul3A_139, %add3A_140 : i32
      %dma_wait3A_142 = arith.constant 0 : i32
      %dma_wait3A_143 = arith.constant 1 : i32
      %dma_wait3A_144 = arith.constant 1 : i32
      %dma_wait3A_145 = arith.constant 0 : i32
      %dma_wait3A_146 = arith.constant 0 : i32
      %dma_wait3A_147 = tpu.memref_slice %arg8[%dma_wait3A_144, %dma_wait3A_145, %dma_wait3A_146] : memref<2x128x128xf32, #tpu.memory_space<vmem>> -> memref<1x128x128xf32, #tpu.memory_space<vmem>>
      %dma_wait3A_148 = tpu.memref_squeeze %dma_wait3A_147 : memref<1x128x128xf32, #tpu.memory_space<vmem>> -> memref<128x128xf32, #tpu.memory_space<vmem>>
      %dma_wait3A_149 = arith.constant 0 : i32
      %dma_wait3A_150 = tpu.memref_slice %arg6[%dma_wait3A_142, %dma_wait3A_143, %dma_wait3A_149] : memref<2x8x128xi32, #tpu.memory_space<vmem>> -> memref<1x1x128xi32, #tpu.memory_space<vmem>>
      %dma_wait3A_151 = tpu.memref_squeeze %dma_wait3A_150 : memref<1x1x128xi32, #tpu.memory_space<vmem>> -> memref<128xi32, #tpu.memory_space<vmem>>
      %dma_wait3A_152 = arith.constant 0 : i32
      %dma_wait3A_153 = arith.constant 0 : i32
      %dma_wait3A_154 = tpu.memref_slice %arg2[%dma_wait3A_152, %dma_wait3A_153] : memref<10240x128xf32, #tpu.memory_space<hbm>> -> memref<10240x128xf32, #tpu.memory_space<hbm>>
      tpu.wait_indirect_dma semaphore(%arg10 : memref<!tpu.dma_semaphore, #tpu.memory_space<semaphore_mem>>) src(%dma_wait3A_154 : memref<10240x128xf32, #tpu.memory_space<hbm>>) dst(%dma_wait3A_148 : memref<128x128xf32, #tpu.memory_space<vmem>>)
      %dma_start3A_155 = arith.constant 0 : i32
      %dma_start3A_156 = arith.constant 2 : i32
      %dma_start3A_157 = arith.constant 0 : i32
      %dma_start3A_158 = arith.constant 0 : i32
      %dma_start3A_159 = arith.constant 0 : i32
      %dma_start3A_160 = tpu.memref_slice %arg8[%dma_start3A_157, %dma_start3A_158, %dma_start3A_159] : memref<2x128x128xf32, #tpu.memory_space<vmem>> -> memref<1x128x128xf32, #tpu.memory_space<vmem>>
      %dma_start3A_161 = tpu.memref_squeeze %dma_start3A_160 : memref<1x128x128xf32, #tpu.memory_space<vmem>> -> memref<128x128xf32, #tpu.memory_space<vmem>>
      %dma_start3A_162 = arith.constant 0 : i32
      %dma_start3A_163 = tpu.memref_slice %arg6[%dma_start3A_155, %dma_start3A_156, %dma_start3A_162] : memref<2x8x128xi32, #tpu.memory_space<vmem>> -> memref<1x1x128xi32, #tpu.memory_space<vmem>>
      %dma_start3A_164 = tpu.memref_squeeze %dma_start3A_163 : memref<1x1x128xi32, #tpu.memory_space<vmem>> -> memref<128xi32, #tpu.memory_space<vmem>>
      %dma_start3A_165 = arith.constant 0 : i32
      %dma_start3A_166 = arith.constant 0 : i32
      %dma_start3A_167 = tpu.memref_slice %arg2[%dma_start3A_165, %dma_start3A_166] : memref<10240x128xf32, #tpu.memory_space<hbm>> -> memref<10240x128xf32, #tpu.memory_space<hbm>>
      tpu.enqueue_indirect_dma source(%dma_start3A_167 : memref<10240x128xf32, #tpu.memory_space<hbm>>) target(%dma_start3A_161 : memref<128x128xf32, #tpu.memory_space<vmem>>) offsets(%dma_start3A_164 : memref<128xi32, #tpu.memory_space<vmem>>) semaphore(%arg10 : memref<!tpu.dma_semaphore, #tpu.memory_space<semaphore_mem>>)
      %run_scoped3A_168 = arith.constant 1 : i32
      "tpu.region"() ({
        %run_scoped3A_597 = tpu.sem_alloc : memref<!tpu.dma_semaphore, #tpu.memory_space<semaphore_mem>>
        %dma_start3A_598 = arith.constant 0 : i32
        %dma_start3A_599 = arith.constant 0 : i32
        %dma_start3A_600 = tpu.memref_slice %arg8[%run_scoped3A_168, %dma_start3A_598, %dma_start3A_599] : memref<2x128x128xf32, #tpu.memory_space<vmem>> -> memref<1x128x128xf32, #tpu.memory_space<vmem>>
        %dma_start3A_601 = tpu.memref_squeeze %dma_start3A_600 : memref<1x128x128xf32, #tpu.memory_space<vmem>> -> memref<128x128xf32, #tpu.memory_space<vmem>>
        %dma_start3A_602 = arith.constant 0 : i32
        %dma_start3A_603 = tpu.memref_slice %arg7[%add3A_141, %dma_start3A_602] : memref<80x128xi32, #tpu.memory_space<vmem>> -> memref<1x128xi32, #tpu.memory_space<vmem>>
        %dma_start3A_604 = tpu.memref_squeeze %dma_start3A_603 : memref<1x128xi32, #tpu.memory_space<vmem>> -> memref<128xi32, #tpu.memory_space<vmem>>
        %dma_start3A_605 = arith.constant 0 : i32
        %dma_start3A_606 = arith.constant 0 : i32
        %dma_start3A_607 = tpu.memref_slice %arg9[%dma_start3A_605, %dma_start3A_606] : memref<10240x128xf32, #tpu.memory_space<vmem_shared>> -> memref<10240x128xf32, #tpu.memory_space<vmem_shared>>
        tpu.enqueue_indirect_dma source(%dma_start3A_601 : memref<128x128xf32, #tpu.memory_space<vmem>>) target(%dma_start3A_607 : memref<10240x128xf32, #tpu.memory_space<vmem_shared>>) offsets(%dma_start3A_604 : memref<128xi32, #tpu.memory_space<vmem>>) semaphore(%run_scoped3A_597 : memref<!tpu.dma_semaphore, #tpu.memory_space<semaphore_mem>>) {add = true}
        %dma_wait3A_608 = arith.constant 0 : i32
        %dma_wait3A_609 = arith.constant 0 : i32
        %dma_wait3A_610 = tpu.memref_slice %arg8[%run_scoped3A_168, %dma_wait3A_608, %dma_wait3A_609] : memref<2x128x128xf32, #tpu.memory_space<vmem>> -> memref<1x128x128xf32, #tpu.memory_space<vmem>>
        %dma_wait3A_611 = tpu.memref_squeeze %dma_wait3A_610 : memref<1x128x128xf32, #tpu.memory_space<vmem>> -> memref<128x128xf32, #tpu.memory_space<vmem>>
        %dma_wait3A_612 = arith.constant 0 : i32
        %dma_wait3A_613 = tpu.memref_slice %arg7[%add3A_141, %dma_wait3A_612] : memref<80x128xi32, #tpu.memory_space<vmem>> -> memref<1x128xi32, #tpu.memory_space<vmem>>
        %dma_wait3A_614 = tpu.memref_squeeze %dma_wait3A_613 : memref<1x128xi32, #tpu.memory_space<vmem>> -> memref<128xi32, #tpu.memory_space<vmem>>
        %dma_wait3A_615 = arith.constant 0 : i32
        %dma_wait3A_616 = arith.constant 0 : i32
        %dma_wait3A_617 = tpu.memref_slice %arg9[%dma_wait3A_615, %dma_wait3A_616] : memref<10240x128xf32, #tpu.memory_space<vmem_shared>> -> memref<10240x128xf32, #tpu.memory_space<vmem_shared>>
        tpu.wait_indirect_dma semaphore(%run_scoped3A_597 : memref<!tpu.dma_semaphore, #tpu.memory_space<semaphore_mem>>) src(%dma_wait3A_611 : memref<128x128xf32, #tpu.memory_space<vmem>>) dst(%dma_wait3A_617 : memref<10240x128xf32, #tpu.memory_space<vmem_shared>>)
        tpu.yield
      }) : () -> ()
      %mul3A_169 = arith.constant 8 : i32
      %mul3A_170 = arith.muli %add3A_107, %mul3A_169 : i32
      %add3A_171 = arith.constant 2 : i32
      %add3A_172 = arith.addi %mul3A_170, %add3A_171 : i32
      %dma_wait3A_173 = arith.constant 0 : i32
      %dma_wait3A_174 = arith.constant 2 : i32
      %dma_wait3A_175 = arith.constant 0 : i32
      %dma_wait3A_176 = arith.constant 0 : i32
      %dma_wait3A_177 = arith.constant 0 : i32
      %dma_wait3A_178 = tpu.memref_slice %arg8[%dma_wait3A_175, %dma_wait3A_176, %dma_wait3A_177] : memref<2x128x128xf32, #tpu.memory_space<vmem>> -> memref<1x128x128xf32, #tpu.memory_space<vmem>>
      %dma_wait3A_179 = tpu.memref_squeeze %dma_wait3A_178 : memref<1x128x128xf32, #tpu.memory_space<vmem>> -> memref<128x128xf32, #tpu.memory_space<vmem>>
      %dma_wait3A_180 = arith.constant 0 : i32
      %dma_wait3A_181 = tpu.memref_slice %arg6[%dma_wait3A_173, %dma_wait3A_174, %dma_wait3A_180] : memref<2x8x128xi32, #tpu.memory_space<vmem>> -> memref<1x1x128xi32, #tpu.memory_space<vmem>>
      %dma_wait3A_182 = tpu.memref_squeeze %dma_wait3A_181 : memref<1x1x128xi32, #tpu.memory_space<vmem>> -> memref<128xi32, #tpu.memory_space<vmem>>
      %dma_wait3A_183 = arith.constant 0 : i32
      %dma_wait3A_184 = arith.constant 0 : i32
      %dma_wait3A_185 = tpu.memref_slice %arg2[%dma_wait3A_183, %dma_wait3A_184] : memref<10240x128xf32, #tpu.memory_space<hbm>> -> memref<10240x128xf32, #tpu.memory_space<hbm>>
      tpu.wait_indirect_dma semaphore(%arg10 : memref<!tpu.dma_semaphore, #tpu.memory_space<semaphore_mem>>) src(%dma_wait3A_185 : memref<10240x128xf32, #tpu.memory_space<hbm>>) dst(%dma_wait3A_179 : memref<128x128xf32, #tpu.memory_space<vmem>>)
      %dma_start3A_186 = arith.constant 0 : i32
      %dma_start3A_187 = arith.constant 3 : i32
      %dma_start3A_188 = arith.constant 1 : i32
      %dma_start3A_189 = arith.constant 0 : i32
      %dma_start3A_190 = arith.constant 0 : i32
      %dma_start3A_191 = tpu.memref_slice %arg8[%dma_start3A_188, %dma_start3A_189, %dma_start3A_190] : memref<2x128x128xf32, #tpu.memory_space<vmem>> -> memref<1x128x128xf32, #tpu.memory_space<vmem>>
      %dma_start3A_192 = tpu.memref_squeeze %dma_start3A_191 : memref<1x128x128xf32, #tpu.memory_space<vmem>> -> memref<128x128xf32, #tpu.memory_space<vmem>>
      %dma_start3A_193 = arith.constant 0 : i32
      %dma_start3A_194 = tpu.memref_slice %arg6[%dma_start3A_186, %dma_start3A_187, %dma_start3A_193] : memref<2x8x128xi32, #tpu.memory_space<vmem>> -> memref<1x1x128xi32, #tpu.memory_space<vmem>>
      %dma_start3A_195 = tpu.memref_squeeze %dma_start3A_194 : memref<1x1x128xi32, #tpu.memory_space<vmem>> -> memref<128xi32, #tpu.memory_space<vmem>>
      %dma_start3A_196 = arith.constant 0 : i32
      %dma_start3A_197 = arith.constant 0 : i32
      %dma_start3A_198 = tpu.memref_slice %arg2[%dma_start3A_196, %dma_start3A_197] : memref<10240x128xf32, #tpu.memory_space<hbm>> -> memref<10240x128xf32, #tpu.memory_space<hbm>>
      tpu.enqueue_indirect_dma source(%dma_start3A_198 : memref<10240x128xf32, #tpu.memory_space<hbm>>) target(%dma_start3A_192 : memref<128x128xf32, #tpu.memory_space<vmem>>) offsets(%dma_start3A_195 : memref<128xi32, #tpu.memory_space<vmem>>) semaphore(%arg10 : memref<!tpu.dma_semaphore, #tpu.memory_space<semaphore_mem>>)
      %run_scoped3A_199 = arith.constant 0 : i32
      "tpu.region"() ({
        %run_scoped3A_597 = tpu.sem_alloc : memref<!tpu.dma_semaphore, #tpu.memory_space<semaphore_mem>>
        %dma_start3A_598 = arith.constant 0 : i32
        %dma_start3A_599 = arith.constant 0 : i32
        %dma_start3A_600 = tpu.memref_slice %arg8[%run_scoped3A_199, %dma_start3A_598, %dma_start3A_599] : memref<2x128x128xf32, #tpu.memory_space<vmem>> -> memref<1x128x128xf32, #tpu.memory_space<vmem>>
        %dma_start3A_601 = tpu.memref_squeeze %dma_start3A_600 : memref<1x128x128xf32, #tpu.memory_space<vmem>> -> memref<128x128xf32, #tpu.memory_space<vmem>>
        %dma_start3A_602 = arith.constant 0 : i32
        %dma_start3A_603 = tpu.memref_slice %arg7[%add3A_172, %dma_start3A_602] : memref<80x128xi32, #tpu.memory_space<vmem>> -> memref<1x128xi32, #tpu.memory_space<vmem>>
        %dma_start3A_604 = tpu.memref_squeeze %dma_start3A_603 : memref<1x128xi32, #tpu.memory_space<vmem>> -> memref<128xi32, #tpu.memory_space<vmem>>
        %dma_start3A_605 = arith.constant 0 : i32
        %dma_start3A_606 = arith.constant 0 : i32
        %dma_start3A_607 = tpu.memref_slice %arg9[%dma_start3A_605, %dma_start3A_606] : memref<10240x128xf32, #tpu.memory_space<vmem_shared>> -> memref<10240x128xf32, #tpu.memory_space<vmem_shared>>
        tpu.enqueue_indirect_dma source(%dma_start3A_601 : memref<128x128xf32, #tpu.memory_space<vmem>>) target(%dma_start3A_607 : memref<10240x128xf32, #tpu.memory_space<vmem_shared>>) offsets(%dma_start3A_604 : memref<128xi32, #tpu.memory_space<vmem>>) semaphore(%run_scoped3A_597 : memref<!tpu.dma_semaphore, #tpu.memory_space<semaphore_mem>>) {add = true}
        %dma_wait3A_608 = arith.constant 0 : i32
        %dma_wait3A_609 = arith.constant 0 : i32
        %dma_wait3A_610 = tpu.memref_slice %arg8[%run_scoped3A_199, %dma_wait3A_608, %dma_wait3A_609] : memref<2x128x128xf32, #tpu.memory_space<vmem>> -> memref<1x128x128xf32, #tpu.memory_space<vmem>>
        %dma_wait3A_611 = tpu.memref_squeeze %dma_wait3A_610 : memref<1x128x128xf32, #tpu.memory_space<vmem>> -> memref<128x128xf32, #tpu.memory_space<vmem>>
        %dma_wait3A_612 = arith.constant 0 : i32
        %dma_wait3A_613 = tpu.memref_slice %arg7[%add3A_172, %dma_wait3A_612] : memref<80x128xi32, #tpu.memory_space<vmem>> -> memref<1x128xi32, #tpu.memory_space<vmem>>
        %dma_wait3A_614 = tpu.memref_squeeze %dma_wait3A_613 : memref<1x128xi32, #tpu.memory_space<vmem>> -> memref<128xi32, #tpu.memory_space<vmem>>
        %dma_wait3A_615 = arith.constant 0 : i32
        %dma_wait3A_616 = arith.constant 0 : i32
        %dma_wait3A_617 = tpu.memref_slice %arg9[%dma_wait3A_615, %dma_wait3A_616] : memref<10240x128xf32, #tpu.memory_space<vmem_shared>> -> memref<10240x128xf32, #tpu.memory_space<vmem_shared>>
        tpu.wait_indirect_dma semaphore(%run_scoped3A_597 : memref<!tpu.dma_semaphore, #tpu.memory_space<semaphore_mem>>) src(%dma_wait3A_611 : memref<128x128xf32, #tpu.memory_space<vmem>>) dst(%dma_wait3A_617 : memref<10240x128xf32, #tpu.memory_space<vmem_shared>>)
        tpu.yield
      }) : () -> ()
      %mul3A_200 = arith.constant 8 : i32
      %mul3A_201 = arith.muli %add3A_107, %mul3A_200 : i32
      %add3A_202 = arith.constant 3 : i32
      %add3A_203 = arith.addi %mul3A_201, %add3A_202 : i32
      %dma_wait3A_204 = arith.constant 0 : i32
      %dma_wait3A_205 = arith.constant 3 : i32
      %dma_wait3A_206 = arith.constant 1 : i32
      %dma_wait3A_207 = arith.constant 0 : i32
      %dma_wait3A_208 = arith.constant 0 : i32
      %dma_wait3A_209 = tpu.memref_slice %arg8[%dma_wait3A_206, %dma_wait3A_207, %dma_wait3A_208] : memref<2x128x128xf32, #tpu.memory_space<vmem>> -> memref<1x128x128xf32, #tpu.memory_space<vmem>>
      %dma_wait3A_210 = tpu.memref_squeeze %dma_wait3A_209 : memref<1x128x128xf32, #tpu.memory_space<vmem>> -> memref<128x128xf32, #tpu.memory_space<vmem>>
      %dma_wait3A_211 = arith.constant 0 : i32
      %dma_wait3A_212 = tpu.memref_slice %arg6[%dma_wait3A_204, %dma_wait3A_205, %dma_wait3A_211] : memref<2x8x128xi32, #tpu.memory_space<vmem>> -> memref<1x1x128xi32, #tpu.memory_space<vmem>>
      %dma_wait3A_213 = tpu.memref_squeeze %dma_wait3A_212 : memref<1x1x128xi32, #tpu.memory_space<vmem>> -> memref<128xi32, #tpu.memory_space<vmem>>
      %dma_wait3A_214 = arith.constant 0 : i32
      %dma_wait3A_215 = arith.constant 0 : i32
      %dma_wait3A_216 = tpu.memref_slice %arg2[%dma_wait3A_214, %dma_wait3A_215] : memref<10240x128xf32, #tpu.memory_space<hbm>> -> memref<10240x128xf32, #tpu.memory_space<hbm>>
      tpu.wait_indirect_dma semaphore(%arg10 : memref<!tpu.dma_semaphore, #tpu.memory_space<semaphore_mem>>) src(%dma_wait3A_216 : memref<10240x128xf32, #tpu.memory_space<hbm>>) dst(%dma_wait3A_210 : memref<128x128xf32, #tpu.memory_space<vmem>>)
      %dma_start3A_217 = arith.constant 0 : i32
      %dma_start3A_218 = arith.constant 4 : i32
      %dma_start3A_219 = arith.constant 0 : i32
      %dma_start3A_220 = arith.constant 0 : i32
      %dma_start3A_221 = arith.constant 0 : i32
      %dma_start3A_222 = tpu.memref_slice %arg8[%dma_start3A_219, %dma_start3A_220, %dma_start3A_221] : memref<2x128x128xf32, #tpu.memory_space<vmem>> -> memref<1x128x128xf32, #tpu.memory_space<vmem>>
      %dma_start3A_223 = tpu.memref_squeeze %dma_start3A_222 : memref<1x128x128xf32, #tpu.memory_space<vmem>> -> memref<128x128xf32, #tpu.memory_space<vmem>>
      %dma_start3A_224 = arith.constant 0 : i32
      %dma_start3A_225 = tpu.memref_slice %arg6[%dma_start3A_217, %dma_start3A_218, %dma_start3A_224] : memref<2x8x128xi32, #tpu.memory_space<vmem>> -> memref<1x1x128xi32, #tpu.memory_space<vmem>>
      %dma_start3A_226 = tpu.memref_squeeze %dma_start3A_225 : memref<1x1x128xi32, #tpu.memory_space<vmem>> -> memref<128xi32, #tpu.memory_space<vmem>>
      %dma_start3A_227 = arith.constant 0 : i32
      %dma_start3A_228 = arith.constant 0 : i32
      %dma_start3A_229 = tpu.memref_slice %arg2[%dma_start3A_227, %dma_start3A_228] : memref<10240x128xf32, #tpu.memory_space<hbm>> -> memref<10240x128xf32, #tpu.memory_space<hbm>>
      tpu.enqueue_indirect_dma source(%dma_start3A_229 : memref<10240x128xf32, #tpu.memory_space<hbm>>) target(%dma_start3A_223 : memref<128x128xf32, #tpu.memory_space<vmem>>) offsets(%dma_start3A_226 : memref<128xi32, #tpu.memory_space<vmem>>) semaphore(%arg10 : memref<!tpu.dma_semaphore, #tpu.memory_space<semaphore_mem>>)
      %run_scoped3A_230 = arith.constant 1 : i32
      "tpu.region"() ({
        %run_scoped3A_597 = tpu.sem_alloc : memref<!tpu.dma_semaphore, #tpu.memory_space<semaphore_mem>>
        %dma_start3A_598 = arith.constant 0 : i32
        %dma_start3A_599 = arith.constant 0 : i32
        %dma_start3A_600 = tpu.memref_slice %arg8[%run_scoped3A_230, %dma_start3A_598, %dma_start3A_599] : memref<2x128x128xf32, #tpu.memory_space<vmem>> -> memref<1x128x128xf32, #tpu.memory_space<vmem>>
        %dma_start3A_601 = tpu.memref_squeeze %dma_start3A_600 : memref<1x128x128xf32, #tpu.memory_space<vmem>> -> memref<128x128xf32, #tpu.memory_space<vmem>>
        %dma_start3A_602 = arith.constant 0 : i32
        %dma_start3A_603 = tpu.memref_slice %arg7[%add3A_203, %dma_start3A_602] : memref<80x128xi32, #tpu.memory_space<vmem>> -> memref<1x128xi32, #tpu.memory_space<vmem>>
        %dma_start3A_604 = tpu.memref_squeeze %dma_start3A_603 : memref<1x128xi32, #tpu.memory_space<vmem>> -> memref<128xi32, #tpu.memory_space<vmem>>
        %dma_start3A_605 = arith.constant 0 : i32
        %dma_start3A_606 = arith.constant 0 : i32
        %dma_start3A_607 = tpu.memref_slice %arg9[%dma_start3A_605, %dma_start3A_606] : memref<10240x128xf32, #tpu.memory_space<vmem_shared>> -> memref<10240x128xf32, #tpu.memory_space<vmem_shared>>
        tpu.enqueue_indirect_dma source(%dma_start3A_601 : memref<128x128xf32, #tpu.memory_space<vmem>>) target(%dma_start3A_607 : memref<10240x128xf32, #tpu.memory_space<vmem_shared>>) offsets(%dma_start3A_604 : memref<128xi32, #tpu.memory_space<vmem>>) semaphore(%run_scoped3A_597 : memref<!tpu.dma_semaphore, #tpu.memory_space<semaphore_mem>>) {add = true}
        %dma_wait3A_608 = arith.constant 0 : i32
        %dma_wait3A_609 = arith.constant 0 : i32
        %dma_wait3A_610 = tpu.memref_slice %arg8[%run_scoped3A_230, %dma_wait3A_608, %dma_wait3A_609] : memref<2x128x128xf32, #tpu.memory_space<vmem>> -> memref<1x128x128xf32, #tpu.memory_space<vmem>>
        %dma_wait3A_611 = tpu.memref_squeeze %dma_wait3A_610 : memref<1x128x128xf32, #tpu.memory_space<vmem>> -> memref<128x128xf32, #tpu.memory_space<vmem>>
        %dma_wait3A_612 = arith.constant 0 : i32
        %dma_wait3A_613 = tpu.memref_slice %arg7[%add3A_203, %dma_wait3A_612] : memref<80x128xi32, #tpu.memory_space<vmem>> -> memref<1x128xi32, #tpu.memory_space<vmem>>
        %dma_wait3A_614 = tpu.memref_squeeze %dma_wait3A_613 : memref<1x128xi32, #tpu.memory_space<vmem>> -> memref<128xi32, #tpu.memory_space<vmem>>
        %dma_wait3A_615 = arith.constant 0 : i32
        %dma_wait3A_616 = arith.constant 0 : i32
        %dma_wait3A_617 = tpu.memref_slice %arg9[%dma_wait3A_615, %dma_wait3A_616] : memref<10240x128xf32, #tpu.memory_space<vmem_shared>> -> memref<10240x128xf32, #tpu.memory_space<vmem_shared>>
        tpu.wait_indirect_dma semaphore(%run_scoped3A_597 : memref<!tpu.dma_semaphore, #tpu.memory_space<semaphore_mem>>) src(%dma_wait3A_611 : memref<128x128xf32, #tpu.memory_space<vmem>>) dst(%dma_wait3A_617 : memref<10240x128xf32, #tpu.memory_space<vmem_shared>>)
        tpu.yield
      }) : () -> ()
      %mul3A_231 = arith.constant 8 : i32
      %mul3A_232 = arith.muli %add3A_107, %mul3A_231 : i32
      %add3A_233 = arith.constant 4 : i32
      %add3A_234 = arith.addi %mul3A_232, %add3A_233 : i32
      %dma_wait3A_235 = arith.constant 0 : i32
      %dma_wait3A_236 = arith.constant 4 : i32
      %dma_wait3A_237 = arith.constant 0 : i32
      %dma_wait3A_238 = arith.constant 0 : i32
      %dma_wait3A_239 = arith.constant 0 : i32
      %dma_wait3A_240 = tpu.memref_slice %arg8[%dma_wait3A_237, %dma_wait3A_238, %dma_wait3A_239] : memref<2x128x128xf32, #tpu.memory_space<vmem>> -> memref<1x128x128xf32, #tpu.memory_space<vmem>>
      %dma_wait3A_241 = tpu.memref_squeeze %dma_wait3A_240 : memref<1x128x128xf32, #tpu.memory_space<vmem>> -> memref<128x128xf32, #tpu.memory_space<vmem>>
      %dma_wait3A_242 = arith.constant 0 : i32
      %dma_wait3A_243 = tpu.memref_slice %arg6[%dma_wait3A_235, %dma_wait3A_236, %dma_wait3A_242] : memref<2x8x128xi32, #tpu.memory_space<vmem>> -> memref<1x1x128xi32, #tpu.memory_space<vmem>>
      %dma_wait3A_244 = tpu.memref_squeeze %dma_wait3A_243 : memref<1x1x128xi32, #tpu.memory_space<vmem>> -> memref<128xi32, #tpu.memory_space<vmem>>
      %dma_wait3A_245 = arith.constant 0 : i32
      %dma_wait3A_246 = arith.constant 0 : i32
      %dma_wait3A_247 = tpu.memref_slice %arg2[%dma_wait3A_245, %dma_wait3A_246] : memref<10240x128xf32, #tpu.memory_space<hbm>> -> memref<10240x128xf32, #tpu.memory_space<hbm>>
      tpu.wait_indirect_dma semaphore(%arg10 : memref<!tpu.dma_semaphore, #tpu.memory_space<semaphore_mem>>) src(%dma_wait3A_247 : memref<10240x128xf32, #tpu.memory_space<hbm>>) dst(%dma_wait3A_241 : memref<128x128xf32, #tpu.memory_space<vmem>>)
      %dma_start3A_248 = arith.constant 0 : i32
      %dma_start3A_249 = arith.constant 5 : i32
      %dma_start3A_250 = arith.constant 1 : i32
      %dma_start3A_251 = arith.constant 0 : i32
      %dma_start3A_252 = arith.constant 0 : i32
      %dma_start3A_253 = tpu.memref_slice %arg8[%dma_start3A_250, %dma_start3A_251, %dma_start3A_252] : memref<2x128x128xf32, #tpu.memory_space<vmem>> -> memref<1x128x128xf32, #tpu.memory_space<vmem>>
      %dma_start3A_254 = tpu.memref_squeeze %dma_start3A_253 : memref<1x128x128xf32, #tpu.memory_space<vmem>> -> memref<128x128xf32, #tpu.memory_space<vmem>>
      %dma_start3A_255 = arith.constant 0 : i32
      %dma_start3A_256 = tpu.memref_slice %arg6[%dma_start3A_248, %dma_start3A_249, %dma_start3A_255] : memref<2x8x128xi32, #tpu.memory_space<vmem>> -> memref<1x1x128xi32, #tpu.memory_space<vmem>>
      %dma_start3A_257 = tpu.memref_squeeze %dma_start3A_256 : memref<1x1x128xi32, #tpu.memory_space<vmem>> -> memref<128xi32, #tpu.memory_space<vmem>>
      %dma_start3A_258 = arith.constant 0 : i32
      %dma_start3A_259 = arith.constant 0 : i32
      %dma_start3A_260 = tpu.memref_slice %arg2[%dma_start3A_258, %dma_start3A_259] : memref<10240x128xf32, #tpu.memory_space<hbm>> -> memref<10240x128xf32, #tpu.memory_space<hbm>>
      tpu.enqueue_indirect_dma source(%dma_start3A_260 : memref<10240x128xf32, #tpu.memory_space<hbm>>) target(%dma_start3A_254 : memref<128x128xf32, #tpu.memory_space<vmem>>) offsets(%dma_start3A_257 : memref<128xi32, #tpu.memory_space<vmem>>) semaphore(%arg10 : memref<!tpu.dma_semaphore, #tpu.memory_space<semaphore_mem>>)
      %run_scoped3A_261 = arith.constant 0 : i32
      "tpu.region"() ({
        %run_scoped3A_597 = tpu.sem_alloc : memref<!tpu.dma_semaphore, #tpu.memory_space<semaphore_mem>>
        %dma_start3A_598 = arith.constant 0 : i32
        %dma_start3A_599 = arith.constant 0 : i32
        %dma_start3A_600 = tpu.memref_slice %arg8[%run_scoped3A_261, %dma_start3A_598, %dma_start3A_599] : memref<2x128x128xf32, #tpu.memory_space<vmem>> -> memref<1x128x128xf32, #tpu.memory_space<vmem>>
        %dma_start3A_601 = tpu.memref_squeeze %dma_start3A_600 : memref<1x128x128xf32, #tpu.memory_space<vmem>> -> memref<128x128xf32, #tpu.memory_space<vmem>>
        %dma_start3A_602 = arith.constant 0 : i32
        %dma_start3A_603 = tpu.memref_slice %arg7[%add3A_234, %dma_start3A_602] : memref<80x128xi32, #tpu.memory_space<vmem>> -> memref<1x128xi32, #tpu.memory_space<vmem>>
        %dma_start3A_604 = tpu.memref_squeeze %dma_start3A_603 : memref<1x128xi32, #tpu.memory_space<vmem>> -> memref<128xi32, #tpu.memory_space<vmem>>
        %dma_start3A_605 = arith.constant 0 : i32
        %dma_start3A_606 = arith.constant 0 : i32
        %dma_start3A_607 = tpu.memref_slice %arg9[%dma_start3A_605, %dma_start3A_606] : memref<10240x128xf32, #tpu.memory_space<vmem_shared>> -> memref<10240x128xf32, #tpu.memory_space<vmem_shared>>
        tpu.enqueue_indirect_dma source(%dma_start3A_601 : memref<128x128xf32, #tpu.memory_space<vmem>>) target(%dma_start3A_607 : memref<10240x128xf32, #tpu.memory_space<vmem_shared>>) offsets(%dma_start3A_604 : memref<128xi32, #tpu.memory_space<vmem>>) semaphore(%run_scoped3A_597 : memref<!tpu.dma_semaphore, #tpu.memory_space<semaphore_mem>>) {add = true}
        %dma_wait3A_608 = arith.constant 0 : i32
        %dma_wait3A_609 = arith.constant 0 : i32
        %dma_wait3A_610 = tpu.memref_slice %arg8[%run_scoped3A_261, %dma_wait3A_608, %dma_wait3A_609] : memref<2x128x128xf32, #tpu.memory_space<vmem>> -> memref<1x128x128xf32, #tpu.memory_space<vmem>>
        %dma_wait3A_611 = tpu.memref_squeeze %dma_wait3A_610 : memref<1x128x128xf32, #tpu.memory_space<vmem>> -> memref<128x128xf32, #tpu.memory_space<vmem>>
        %dma_wait3A_612 = arith.constant 0 : i32
        %dma_wait3A_613 = tpu.memref_slice %arg7[%add3A_234, %dma_wait3A_612] : memref<80x128xi32, #tpu.memory_space<vmem>> -> memref<1x128xi32, #tpu.memory_space<vmem>>
        %dma_wait3A_614 = tpu.memref_squeeze %dma_wait3A_613 : memref<1x128xi32, #tpu.memory_space<vmem>> -> memref<128xi32, #tpu.memory_space<vmem>>
        %dma_wait3A_615 = arith.constant 0 : i32
        %dma_wait3A_616 = arith.constant 0 : i32
        %dma_wait3A_617 = tpu.memref_slice %arg9[%dma_wait3A_615, %dma_wait3A_616] : memref<10240x128xf32, #tpu.memory_space<vmem_shared>> -> memref<10240x128xf32, #tpu.memory_space<vmem_shared>>
        tpu.wait_indirect_dma semaphore(%run_scoped3A_597 : memref<!tpu.dma_semaphore, #tpu.memory_space<semaphore_mem>>) src(%dma_wait3A_611 : memref<128x128xf32, #tpu.memory_space<vmem>>) dst(%dma_wait3A_617 : memref<10240x128xf32, #tpu.memory_space<vmem_shared>>)
        tpu.yield
      }) : () -> ()
      %mul3A_262 = arith.constant 8 : i32
      %mul3A_263 = arith.muli %add3A_107, %mul3A_262 : i32
      %add3A_264 = arith.constant 5 : i32
      %add3A_265 = arith.addi %mul3A_263, %add3A_264 : i32
      %dma_wait3A_266 = arith.constant 0 : i32
      %dma_wait3A_267 = arith.constant 5 : i32
      %dma_wait3A_268 = arith.constant 1 : i32
      %dma_wait3A_269 = arith.constant 0 : i32
      %dma_wait3A_270 = arith.constant 0 : i32
      %dma_wait3A_271 = tpu.memref_slice %arg8[%dma_wait3A_268, %dma_wait3A_269, %dma_wait3A_270] : memref<2x128x128xf32, #tpu.memory_space<vmem>> -> memref<1x128x128xf32, #tpu.memory_space<vmem>>
      %dma_wait3A_272 = tpu.memref_squeeze %dma_wait3A_271 : memref<1x128x128xf32, #tpu.memory_space<vmem>> -> memref<128x128xf32, #tpu.memory_space<vmem>>
      %dma_wait3A_273 = arith.constant 0 : i32
      %dma_wait3A_274 = tpu.memref_slice %arg6[%dma_wait3A_266, %dma_wait3A_267, %dma_wait3A_273] : memref<2x8x128xi32, #tpu.memory_space<vmem>> -> memref<1x1x128xi32, #tpu.memory_space<vmem>>
      %dma_wait3A_275 = tpu.memref_squeeze %dma_wait3A_274 : memref<1x1x128xi32, #tpu.memory_space<vmem>> -> memref<128xi32, #tpu.memory_space<vmem>>
      %dma_wait3A_276 = arith.constant 0 : i32
      %dma_wait3A_277 = arith.constant 0 : i32
      %dma_wait3A_278 = tpu.memref_slice %arg2[%dma_wait3A_276, %dma_wait3A_277] : memref<10240x128xf32, #tpu.memory_space<hbm>> -> memref<10240x128xf32, #tpu.memory_space<hbm>>
      tpu.wait_indirect_dma semaphore(%arg10 : memref<!tpu.dma_semaphore, #tpu.memory_space<semaphore_mem>>) src(%dma_wait3A_278 : memref<10240x128xf32, #tpu.memory_space<hbm>>) dst(%dma_wait3A_272 : memref<128x128xf32, #tpu.memory_space<vmem>>)
      %dma_start3A_279 = arith.constant 0 : i32
      %dma_start3A_280 = arith.constant 6 : i32
      %dma_start3A_281 = arith.constant 0 : i32
      %dma_start3A_282 = arith.constant 0 : i32
      %dma_start3A_283 = arith.constant 0 : i32
      %dma_start3A_284 = tpu.memref_slice %arg8[%dma_start3A_281, %dma_start3A_282, %dma_start3A_283] : memref<2x128x128xf32, #tpu.memory_space<vmem>> -> memref<1x128x128xf32, #tpu.memory_space<vmem>>
      %dma_start3A_285 = tpu.memref_squeeze %dma_start3A_284 : memref<1x128x128xf32, #tpu.memory_space<vmem>> -> memref<128x128xf32, #tpu.memory_space<vmem>>
      %dma_start3A_286 = arith.constant 0 : i32
      %dma_start3A_287 = tpu.memref_slice %arg6[%dma_start3A_279, %dma_start3A_280, %dma_start3A_286] : memref<2x8x128xi32, #tpu.memory_space<vmem>> -> memref<1x1x128xi32, #tpu.memory_space<vmem>>
      %dma_start3A_288 = tpu.memref_squeeze %dma_start3A_287 : memref<1x1x128xi32, #tpu.memory_space<vmem>> -> memref<128xi32, #tpu.memory_space<vmem>>
      %dma_start3A_289 = arith.constant 0 : i32
      %dma_start3A_290 = arith.constant 0 : i32
      %dma_start3A_291 = tpu.memref_slice %arg2[%dma_start3A_289, %dma_start3A_290] : memref<10240x128xf32, #tpu.memory_space<hbm>> -> memref<10240x128xf32, #tpu.memory_space<hbm>>
      tpu.enqueue_indirect_dma source(%dma_start3A_291 : memref<10240x128xf32, #tpu.memory_space<hbm>>) target(%dma_start3A_285 : memref<128x128xf32, #tpu.memory_space<vmem>>) offsets(%dma_start3A_288 : memref<128xi32, #tpu.memory_space<vmem>>) semaphore(%arg10 : memref<!tpu.dma_semaphore, #tpu.memory_space<semaphore_mem>>)
      %run_scoped3A_292 = arith.constant 1 : i32
      "tpu.region"() ({
        %run_scoped3A_597 = tpu.sem_alloc : memref<!tpu.dma_semaphore, #tpu.memory_space<semaphore_mem>>
        %dma_start3A_598 = arith.constant 0 : i32
        %dma_start3A_599 = arith.constant 0 : i32
        %dma_start3A_600 = tpu.memref_slice %arg8[%run_scoped3A_292, %dma_start3A_598, %dma_start3A_599] : memref<2x128x128xf32, #tpu.memory_space<vmem>> -> memref<1x128x128xf32, #tpu.memory_space<vmem>>
        %dma_start3A_601 = tpu.memref_squeeze %dma_start3A_600 : memref<1x128x128xf32, #tpu.memory_space<vmem>> -> memref<128x128xf32, #tpu.memory_space<vmem>>
        %dma_start3A_602 = arith.constant 0 : i32
        %dma_start3A_603 = tpu.memref_slice %arg7[%add3A_265, %dma_start3A_602] : memref<80x128xi32, #tpu.memory_space<vmem>> -> memref<1x128xi32, #tpu.memory_space<vmem>>
        %dma_start3A_604 = tpu.memref_squeeze %dma_start3A_603 : memref<1x128xi32, #tpu.memory_space<vmem>> -> memref<128xi32, #tpu.memory_space<vmem>>
        %dma_start3A_605 = arith.constant 0 : i32
        %dma_start3A_606 = arith.constant 0 : i32
        %dma_start3A_607 = tpu.memref_slice %arg9[%dma_start3A_605, %dma_start3A_606] : memref<10240x128xf32, #tpu.memory_space<vmem_shared>> -> memref<10240x128xf32, #tpu.memory_space<vmem_shared>>
        tpu.enqueue_indirect_dma source(%dma_start3A_601 : memref<128x128xf32, #tpu.memory_space<vmem>>) target(%dma_start3A_607 : memref<10240x128xf32, #tpu.memory_space<vmem_shared>>) offsets(%dma_start3A_604 : memref<128xi32, #tpu.memory_space<vmem>>) semaphore(%run_scoped3A_597 : memref<!tpu.dma_semaphore, #tpu.memory_space<semaphore_mem>>) {add = true}
        %dma_wait3A_608 = arith.constant 0 : i32
        %dma_wait3A_609 = arith.constant 0 : i32
        %dma_wait3A_610 = tpu.memref_slice %arg8[%run_scoped3A_292, %dma_wait3A_608, %dma_wait3A_609] : memref<2x128x128xf32, #tpu.memory_space<vmem>> -> memref<1x128x128xf32, #tpu.memory_space<vmem>>
        %dma_wait3A_611 = tpu.memref_squeeze %dma_wait3A_610 : memref<1x128x128xf32, #tpu.memory_space<vmem>> -> memref<128x128xf32, #tpu.memory_space<vmem>>
        %dma_wait3A_612 = arith.constant 0 : i32
        %dma_wait3A_613 = tpu.memref_slice %arg7[%add3A_265, %dma_wait3A_612] : memref<80x128xi32, #tpu.memory_space<vmem>> -> memref<1x128xi32, #tpu.memory_space<vmem>>
        %dma_wait3A_614 = tpu.memref_squeeze %dma_wait3A_613 : memref<1x128xi32, #tpu.memory_space<vmem>> -> memref<128xi32, #tpu.memory_space<vmem>>
        %dma_wait3A_615 = arith.constant 0 : i32
        %dma_wait3A_616 = arith.constant 0 : i32
        %dma_wait3A_617 = tpu.memref_slice %arg9[%dma_wait3A_615, %dma_wait3A_616] : memref<10240x128xf32, #tpu.memory_space<vmem_shared>> -> memref<10240x128xf32, #tpu.memory_space<vmem_shared>>
        tpu.wait_indirect_dma semaphore(%run_scoped3A_597 : memref<!tpu.dma_semaphore, #tpu.memory_space<semaphore_mem>>) src(%dma_wait3A_611 : memref<128x128xf32, #tpu.memory_space<vmem>>) dst(%dma_wait3A_617 : memref<10240x128xf32, #tpu.memory_space<vmem_shared>>)
        tpu.yield
      }) : () -> ()
      %mul3A_293 = arith.constant 8 : i32
      %mul3A_294 = arith.muli %add3A_107, %mul3A_293 : i32
      %add3A_295 = arith.constant 6 : i32
      %add3A_296 = arith.addi %mul3A_294, %add3A_295 : i32
      %dma_wait3A_297 = arith.constant 0 : i32
      %dma_wait3A_298 = arith.constant 6 : i32
      %dma_wait3A_299 = arith.constant 0 : i32
      %dma_wait3A_300 = arith.constant 0 : i32
      %dma_wait3A_301 = arith.constant 0 : i32
      %dma_wait3A_302 = tpu.memref_slice %arg8[%dma_wait3A_299, %dma_wait3A_300, %dma_wait3A_301] : memref<2x128x128xf32, #tpu.memory_space<vmem>> -> memref<1x128x128xf32, #tpu.memory_space<vmem>>
      %dma_wait3A_303 = tpu.memref_squeeze %dma_wait3A_302 : memref<1x128x128xf32, #tpu.memory_space<vmem>> -> memref<128x128xf32, #tpu.memory_space<vmem>>
      %dma_wait3A_304 = arith.constant 0 : i32
      %dma_wait3A_305 = tpu.memref_slice %arg6[%dma_wait3A_297, %dma_wait3A_298, %dma_wait3A_304] : memref<2x8x128xi32, #tpu.memory_space<vmem>> -> memref<1x1x128xi32, #tpu.memory_space<vmem>>
      %dma_wait3A_306 = tpu.memref_squeeze %dma_wait3A_305 : memref<1x1x128xi32, #tpu.memory_space<vmem>> -> memref<128xi32, #tpu.memory_space<vmem>>
      %dma_wait3A_307 = arith.constant 0 : i32
      %dma_wait3A_308 = arith.constant 0 : i32
      %dma_wait3A_309 = tpu.memref_slice %arg2[%dma_wait3A_307, %dma_wait3A_308] : memref<10240x128xf32, #tpu.memory_space<hbm>> -> memref<10240x128xf32, #tpu.memory_space<hbm>>
      tpu.wait_indirect_dma semaphore(%arg10 : memref<!tpu.dma_semaphore, #tpu.memory_space<semaphore_mem>>) src(%dma_wait3A_309 : memref<10240x128xf32, #tpu.memory_space<hbm>>) dst(%dma_wait3A_303 : memref<128x128xf32, #tpu.memory_space<vmem>>)
      %dma_start3A_310 = arith.constant 0 : i32
      %dma_start3A_311 = arith.constant 7 : i32
      %dma_start3A_312 = arith.constant 1 : i32
      %dma_start3A_313 = arith.constant 0 : i32
      %dma_start3A_314 = arith.constant 0 : i32
      %dma_start3A_315 = tpu.memref_slice %arg8[%dma_start3A_312, %dma_start3A_313, %dma_start3A_314] : memref<2x128x128xf32, #tpu.memory_space<vmem>> -> memref<1x128x128xf32, #tpu.memory_space<vmem>>
      %dma_start3A_316 = tpu.memref_squeeze %dma_start3A_315 : memref<1x128x128xf32, #tpu.memory_space<vmem>> -> memref<128x128xf32, #tpu.memory_space<vmem>>
      %dma_start3A_317 = arith.constant 0 : i32
      %dma_start3A_318 = tpu.memref_slice %arg6[%dma_start3A_310, %dma_start3A_311, %dma_start3A_317] : memref<2x8x128xi32, #tpu.memory_space<vmem>> -> memref<1x1x128xi32, #tpu.memory_space<vmem>>
      %dma_start3A_319 = tpu.memref_squeeze %dma_start3A_318 : memref<1x1x128xi32, #tpu.memory_space<vmem>> -> memref<128xi32, #tpu.memory_space<vmem>>
      %dma_start3A_320 = arith.constant 0 : i32
      %dma_start3A_321 = arith.constant 0 : i32
      %dma_start3A_322 = tpu.memref_slice %arg2[%dma_start3A_320, %dma_start3A_321] : memref<10240x128xf32, #tpu.memory_space<hbm>> -> memref<10240x128xf32, #tpu.memory_space<hbm>>
      tpu.enqueue_indirect_dma source(%dma_start3A_322 : memref<10240x128xf32, #tpu.memory_space<hbm>>) target(%dma_start3A_316 : memref<128x128xf32, #tpu.memory_space<vmem>>) offsets(%dma_start3A_319 : memref<128xi32, #tpu.memory_space<vmem>>) semaphore(%arg10 : memref<!tpu.dma_semaphore, #tpu.memory_space<semaphore_mem>>)
      %run_scoped3A_323 = arith.constant 0 : i32
      "tpu.region"() ({
        %run_scoped3A_597 = tpu.sem_alloc : memref<!tpu.dma_semaphore, #tpu.memory_space<semaphore_mem>>
        %dma_start3A_598 = arith.constant 0 : i32
        %dma_start3A_599 = arith.constant 0 : i32
        %dma_start3A_600 = tpu.memref_slice %arg8[%run_scoped3A_323, %dma_start3A_598, %dma_start3A_599] : memref<2x128x128xf32, #tpu.memory_space<vmem>> -> memref<1x128x128xf32, #tpu.memory_space<vmem>>
        %dma_start3A_601 = tpu.memref_squeeze %dma_start3A_600 : memref<1x128x128xf32, #tpu.memory_space<vmem>> -> memref<128x128xf32, #tpu.memory_space<vmem>>
        %dma_start3A_602 = arith.constant 0 : i32
        %dma_start3A_603 = tpu.memref_slice %arg7[%add3A_296, %dma_start3A_602] : memref<80x128xi32, #tpu.memory_space<vmem>> -> memref<1x128xi32, #tpu.memory_space<vmem>>
        %dma_start3A_604 = tpu.memref_squeeze %dma_start3A_603 : memref<1x128xi32, #tpu.memory_space<vmem>> -> memref<128xi32, #tpu.memory_space<vmem>>
        %dma_start3A_605 = arith.constant 0 : i32
        %dma_start3A_606 = arith.constant 0 : i32
        %dma_start3A_607 = tpu.memref_slice %arg9[%dma_start3A_605, %dma_start3A_606] : memref<10240x128xf32, #tpu.memory_space<vmem_shared>> -> memref<10240x128xf32, #tpu.memory_space<vmem_shared>>
        tpu.enqueue_indirect_dma source(%dma_start3A_601 : memref<128x128xf32, #tpu.memory_space<vmem>>) target(%dma_start3A_607 : memref<10240x128xf32, #tpu.memory_space<vmem_shared>>) offsets(%dma_start3A_604 : memref<128xi32, #tpu.memory_space<vmem>>) semaphore(%run_scoped3A_597 : memref<!tpu.dma_semaphore, #tpu.memory_space<semaphore_mem>>) {add = true}
        %dma_wait3A_608 = arith.constant 0 : i32
        %dma_wait3A_609 = arith.constant 0 : i32
        %dma_wait3A_610 = tpu.memref_slice %arg8[%run_scoped3A_323, %dma_wait3A_608, %dma_wait3A_609] : memref<2x128x128xf32, #tpu.memory_space<vmem>> -> memref<1x128x128xf32, #tpu.memory_space<vmem>>
        %dma_wait3A_611 = tpu.memref_squeeze %dma_wait3A_610 : memref<1x128x128xf32, #tpu.memory_space<vmem>> -> memref<128x128xf32, #tpu.memory_space<vmem>>
        %dma_wait3A_612 = arith.constant 0 : i32
        %dma_wait3A_613 = tpu.memref_slice %arg7[%add3A_296, %dma_wait3A_612] : memref<80x128xi32, #tpu.memory_space<vmem>> -> memref<1x128xi32, #tpu.memory_space<vmem>>
        %dma_wait3A_614 = tpu.memref_squeeze %dma_wait3A_613 : memref<1x128xi32, #tpu.memory_space<vmem>> -> memref<128xi32, #tpu.memory_space<vmem>>
        %dma_wait3A_615 = arith.constant 0 : i32
        %dma_wait3A_616 = arith.constant 0 : i32
        %dma_wait3A_617 = tpu.memref_slice %arg9[%dma_wait3A_615, %dma_wait3A_616] : memref<10240x128xf32, #tpu.memory_space<vmem_shared>> -> memref<10240x128xf32, #tpu.memory_space<vmem_shared>>
        tpu.wait_indirect_dma semaphore(%run_scoped3A_597 : memref<!tpu.dma_semaphore, #tpu.memory_space<semaphore_mem>>) src(%dma_wait3A_611 : memref<128x128xf32, #tpu.memory_space<vmem>>) dst(%dma_wait3A_617 : memref<10240x128xf32, #tpu.memory_space<vmem_shared>>)
        tpu.yield
      }) : () -> ()
      %mul3A_324 = arith.constant 8 : i32
      %mul3A_325 = arith.muli %add3A_107, %mul3A_324 : i32
      %add3A_326 = arith.constant 7 : i32
      %add3A_327 = arith.addi %mul3A_325, %add3A_326 : i32
      %dma_wait3A_328 = arith.constant 0 : i32
      %dma_wait3A_329 = arith.constant 7 : i32
      %dma_wait3A_330 = arith.constant 1 : i32
      %dma_wait3A_331 = arith.constant 0 : i32
      %dma_wait3A_332 = arith.constant 0 : i32
      %dma_wait3A_333 = tpu.memref_slice %arg8[%dma_wait3A_330, %dma_wait3A_331, %dma_wait3A_332] : memref<2x128x128xf32, #tpu.memory_space<vmem>> -> memref<1x128x128xf32, #tpu.memory_space<vmem>>
      %dma_wait3A_334 = tpu.memref_squeeze %dma_wait3A_333 : memref<1x128x128xf32, #tpu.memory_space<vmem>> -> memref<128x128xf32, #tpu.memory_space<vmem>>
      %dma_wait3A_335 = arith.constant 0 : i32
      %dma_wait3A_336 = tpu.memref_slice %arg6[%dma_wait3A_328, %dma_wait3A_329, %dma_wait3A_335] : memref<2x8x128xi32, #tpu.memory_space<vmem>> -> memref<1x1x128xi32, #tpu.memory_space<vmem>>
      %dma_wait3A_337 = tpu.memref_squeeze %dma_wait3A_336 : memref<1x1x128xi32, #tpu.memory_space<vmem>> -> memref<128xi32, #tpu.memory_space<vmem>>
      %dma_wait3A_338 = arith.constant 0 : i32
      %dma_wait3A_339 = arith.constant 0 : i32
      %dma_wait3A_340 = tpu.memref_slice %arg2[%dma_wait3A_338, %dma_wait3A_339] : memref<10240x128xf32, #tpu.memory_space<hbm>> -> memref<10240x128xf32, #tpu.memory_space<hbm>>
      tpu.wait_indirect_dma semaphore(%arg10 : memref<!tpu.dma_semaphore, #tpu.memory_space<semaphore_mem>>) src(%dma_wait3A_340 : memref<10240x128xf32, #tpu.memory_space<hbm>>) dst(%dma_wait3A_334 : memref<128x128xf32, #tpu.memory_space<vmem>>)
      %lt3A = arith.constant 9 : i32
      %lt3A_341 = arith.cmpi slt, %add3A_107, %lt3A : i32
      %convert_element_type3A = arith.extui %lt3A_341 : i1 to i32
      %cond3A = arith.constant 0 : i32
      %cond3A_342 = arith.cmpi ne, %convert_element_type3A, %cond3A : i32
      scf.if %cond3A_342 {
        %dma_wait3A_597 = arith.constant 0 : i32
        %dma_wait3A_598 = arith.constant 1 : i32
        %dma_wait3A_599 = arith.constant 0 : i32
        %dma_wait3A_600 = arith.constant 0 : i32
        %dma_wait3A_601 = tpu.memref_slice %arg6[%dma_wait3A_598, %dma_wait3A_599, %dma_wait3A_600] : memref<2x8x128xi32, #tpu.memory_space<vmem>> -> memref<1x8x128xi32, #tpu.memory_space<vmem>>
        %dma_wait3A_602 = tpu.memref_squeeze %dma_wait3A_601 : memref<1x8x128xi32, #tpu.memory_space<vmem>> -> memref<8x128xi32, #tpu.memory_space<vmem>>
        %dma_wait3A_603 = arith.constant 0 : i32
        %dma_wait3A_604 = arith.constant 0 : i32
        %dma_wait3A_605 = tpu.memref_slice %arg3[%add3A, %dma_wait3A_597, %dma_wait3A_603, %dma_wait3A_604] : memref<32x10x8x128xi32, #tpu.memory_space<hbm>> -> memref<1x1x8x128xi32, #tpu.memory_space<hbm>>
        %dma_wait3A_606 = tpu.memref_squeeze %dma_wait3A_605 : memref<1x1x8x128xi32, #tpu.memory_space<hbm>> -> memref<8x128xi32, #tpu.memory_space<hbm>>
        %dma_wait3A_607 = arith.constant 0 : i32
        %dma_wait3A_608 = arith.constant 0 : i32
        %dma_wait3A_609 = tpu.memref_slice %arg6[%dma_wait3A_598, %dma_wait3A_607, %dma_wait3A_608] : memref<2x8x128xi32, #tpu.memory_space<vmem>> -> memref<1x8x128xi32, #tpu.memory_space<vmem>>
        %dma_wait3A_610 = tpu.memref_squeeze %dma_wait3A_609 : memref<1x8x128xi32, #tpu.memory_space<vmem>> -> memref<8x128xi32, #tpu.memory_space<vmem>>
        %dma_wait3A_611 = arith.constant 0 : i32
        %dma_wait3A_612 = arith.constant 0 : i32
        %dma_wait3A_613 = tpu.memref_slice %arg3[%add3A, %dma_wait3A_597, %dma_wait3A_611, %dma_wait3A_612] : memref<32x10x8x128xi32, #tpu.memory_space<hbm>> -> memref<1x1x8x128xi32, #tpu.memory_space<hbm>>
        %dma_wait3A_614 = tpu.memref_squeeze %dma_wait3A_613 : memref<1x1x8x128xi32, #tpu.memory_space<hbm>> -> memref<8x128xi32, #tpu.memory_space<hbm>>
        tpu.wait_dma2 semaphore(%arg11 : memref<!tpu.dma_semaphore, #tpu.memory_space<semaphore_mem>>) src(%dma_wait3A_614 : memref<8x128xi32, #tpu.memory_space<hbm>>) dst(%dma_wait3A_610 : memref<8x128xi32, #tpu.memory_space<vmem>>)
        %dma_start3A_615 = arith.constant 1 : i32
        %dma_start3A_616 = arith.constant 0 : i32
        %dma_start3A_617 = arith.constant 0 : i32
        %dma_start3A_618 = arith.constant 0 : i32
        %dma_start3A_619 = arith.constant 0 : i32
        %dma_start3A_620 = tpu.memref_slice %arg8[%dma_start3A_617, %dma_start3A_618, %dma_start3A_619] : memref<2x128x128xf32, #tpu.memory_space<vmem>> -> memref<1x128x128xf32, #tpu.memory_space<vmem>>
        %dma_start3A_621 = tpu.memref_squeeze %dma_start3A_620 : memref<1x128x128xf32, #tpu.memory_space<vmem>> -> memref<128x128xf32, #tpu.memory_space<vmem>>
        %dma_start3A_622 = arith.constant 0 : i32
        %dma_start3A_623 = tpu.memref_slice %arg6[%dma_start3A_615, %dma_start3A_616, %dma_start3A_622] : memref<2x8x128xi32, #tpu.memory_space<vmem>> -> memref<1x1x128xi32, #tpu.memory_space<vmem>>
        %dma_start3A_624 = tpu.memref_squeeze %dma_start3A_623 : memref<1x1x128xi32, #tpu.memory_space<vmem>> -> memref<128xi32, #tpu.memory_space<vmem>>
        %dma_start3A_625 = arith.constant 0 : i32
        %dma_start3A_626 = arith.constant 0 : i32
        %dma_start3A_627 = tpu.memref_slice %arg2[%dma_start3A_625, %dma_start3A_626] : memref<10240x128xf32, #tpu.memory_space<hbm>> -> memref<10240x128xf32, #tpu.memory_space<hbm>>
        tpu.enqueue_indirect_dma source(%dma_start3A_627 : memref<10240x128xf32, #tpu.memory_space<hbm>>) target(%dma_start3A_621 : memref<128x128xf32, #tpu.memory_space<vmem>>) offsets(%dma_start3A_624 : memref<128xi32, #tpu.memory_space<vmem>>) semaphore(%arg10 : memref<!tpu.dma_semaphore, #tpu.memory_space<semaphore_mem>>)
      } else {
      }
      %lt3A_343 = arith.constant 8 : i32
      %lt3A_344 = arith.cmpi slt, %add3A_107, %lt3A_343 : i32
      %convert_element_type3A_345 = arith.extui %lt3A_344 : i1 to i32
      %cond3A_346 = arith.constant 0 : i32
      %cond3A_347 = arith.cmpi ne, %convert_element_type3A_345, %cond3A_346 : i32
      scf.if %cond3A_347 {
        %add3A_597 = arith.constant 2 : i32
        %add3A_598 = arith.addi %add3A_107, %add3A_597 : i32
        %dma_start3A_599 = arith.constant 0 : i32
        %dma_start3A_600 = arith.constant 0 : i32
        %dma_start3A_601 = arith.constant 0 : i32
        %dma_start3A_602 = tpu.memref_slice %arg6[%dma_start3A_599, %dma_start3A_600, %dma_start3A_601] : memref<2x8x128xi32, #tpu.memory_space<vmem>> -> memref<1x8x128xi32, #tpu.memory_space<vmem>>
        %dma_start3A_603 = tpu.memref_squeeze %dma_start3A_602 : memref<1x8x128xi32, #tpu.memory_space<vmem>> -> memref<8x128xi32, #tpu.memory_space<vmem>>
        %dma_start3A_604 = arith.constant 0 : i32
        %dma_start3A_605 = arith.constant 0 : i32
        %dma_start3A_606 = tpu.memref_slice %arg3[%add3A, %add3A_598, %dma_start3A_604, %dma_start3A_605] : memref<32x10x8x128xi32, #tpu.memory_space<hbm>> -> memref<1x1x8x128xi32, #tpu.memory_space<hbm>>
        %dma_start3A_607 = tpu.memref_squeeze %dma_start3A_606 : memref<1x1x8x128xi32, #tpu.memory_space<hbm>> -> memref<8x128xi32, #tpu.memory_space<hbm>>
        %dma_start3A_608 = arith.constant 0 : i32
        %dma_start3A_609 = arith.constant 0 : i32
        %dma_start3A_610 = tpu.memref_slice %arg6[%dma_start3A_599, %dma_start3A_608, %dma_start3A_609] : memref<2x8x128xi32, #tpu.memory_space<vmem>> -> memref<1x8x128xi32, #tpu.memory_space<vmem>>
        %dma_start3A_611 = tpu.memref_squeeze %dma_start3A_610 : memref<1x8x128xi32, #tpu.memory_space<vmem>> -> memref<8x128xi32, #tpu.memory_space<vmem>>
        %dma_start3A_612 = arith.constant 0 : i32
        %dma_start3A_613 = arith.constant 0 : i32
        %dma_start3A_614 = tpu.memref_slice %arg3[%add3A, %add3A_598, %dma_start3A_612, %dma_start3A_613] : memref<32x10x8x128xi32, #tpu.memory_space<hbm>> -> memref<1x1x8x128xi32, #tpu.memory_space<hbm>>
        %dma_start3A_615 = tpu.memref_squeeze %dma_start3A_614 : memref<1x1x8x128xi32, #tpu.memory_space<hbm>> -> memref<8x128xi32, #tpu.memory_space<hbm>>
        tpu.enqueue_dma source(%dma_start3A_615 : memref<8x128xi32, #tpu.memory_space<hbm>>) target(%dma_start3A_611 : memref<8x128xi32, #tpu.memory_space<vmem>>) target_semaphore(%arg11 : memref<!tpu.dma_semaphore, #tpu.memory_space<semaphore_mem>>)
      } else {
      }
      %run_scoped3A_348 = arith.constant 1 : i32
      "tpu.region"() ({
        %run_scoped3A_597 = tpu.sem_alloc : memref<!tpu.dma_semaphore, #tpu.memory_space<semaphore_mem>>
        %dma_start3A_598 = arith.constant 0 : i32
        %dma_start3A_599 = arith.constant 0 : i32
        %dma_start3A_600 = tpu.memref_slice %arg8[%run_scoped3A_348, %dma_start3A_598, %dma_start3A_599] : memref<2x128x128xf32, #tpu.memory_space<vmem>> -> memref<1x128x128xf32, #tpu.memory_space<vmem>>
        %dma_start3A_601 = tpu.memref_squeeze %dma_start3A_600 : memref<1x128x128xf32, #tpu.memory_space<vmem>> -> memref<128x128xf32, #tpu.memory_space<vmem>>
        %dma_start3A_602 = arith.constant 0 : i32
        %dma_start3A_603 = tpu.memref_slice %arg7[%add3A_327, %dma_start3A_602] : memref<80x128xi32, #tpu.memory_space<vmem>> -> memref<1x128xi32, #tpu.memory_space<vmem>>
        %dma_start3A_604 = tpu.memref_squeeze %dma_start3A_603 : memref<1x128xi32, #tpu.memory_space<vmem>> -> memref<128xi32, #tpu.memory_space<vmem>>
        %dma_start3A_605 = arith.constant 0 : i32
        %dma_start3A_606 = arith.constant 0 : i32
        %dma_start3A_607 = tpu.memref_slice %arg9[%dma_start3A_605, %dma_start3A_606] : memref<10240x128xf32, #tpu.memory_space<vmem_shared>> -> memref<10240x128xf32, #tpu.memory_space<vmem_shared>>
        tpu.enqueue_indirect_dma source(%dma_start3A_601 : memref<128x128xf32, #tpu.memory_space<vmem>>) target(%dma_start3A_607 : memref<10240x128xf32, #tpu.memory_space<vmem_shared>>) offsets(%dma_start3A_604 : memref<128xi32, #tpu.memory_space<vmem>>) semaphore(%run_scoped3A_597 : memref<!tpu.dma_semaphore, #tpu.memory_space<semaphore_mem>>) {add = true}
        %dma_wait3A_608 = arith.constant 0 : i32
        %dma_wait3A_609 = arith.constant 0 : i32
        %dma_wait3A_610 = tpu.memref_slice %arg8[%run_scoped3A_348, %dma_wait3A_608, %dma_wait3A_609] : memref<2x128x128xf32, #tpu.memory_space<vmem>> -> memref<1x128x128xf32, #tpu.memory_space<vmem>>
        %dma_wait3A_611 = tpu.memref_squeeze %dma_wait3A_610 : memref<1x128x128xf32, #tpu.memory_space<vmem>> -> memref<128x128xf32, #tpu.memory_space<vmem>>
        %dma_wait3A_612 = arith.constant 0 : i32
        %dma_wait3A_613 = tpu.memref_slice %arg7[%add3A_327, %dma_wait3A_612] : memref<80x128xi32, #tpu.memory_space<vmem>> -> memref<1x128xi32, #tpu.memory_space<vmem>>
        %dma_wait3A_614 = tpu.memref_squeeze %dma_wait3A_613 : memref<1x128xi32, #tpu.memory_space<vmem>> -> memref<128xi32, #tpu.memory_space<vmem>>
        %dma_wait3A_615 = arith.constant 0 : i32
        %dma_wait3A_616 = arith.constant 0 : i32
        %dma_wait3A_617 = tpu.memref_slice %arg9[%dma_wait3A_615, %dma_wait3A_616] : memref<10240x128xf32, #tpu.memory_space<vmem_shared>> -> memref<10240x128xf32, #tpu.memory_space<vmem_shared>>
        tpu.wait_indirect_dma semaphore(%run_scoped3A_597 : memref<!tpu.dma_semaphore, #tpu.memory_space<semaphore_mem>>) src(%dma_wait3A_611 : memref<128x128xf32, #tpu.memory_space<vmem>>) dst(%dma_wait3A_617 : memref<10240x128xf32, #tpu.memory_space<vmem_shared>>)
        tpu.yield
      }) : () -> ()
      %add3A_349 = arith.constant 1 : i32
      %add3A_350 = arith.addi %mul3A_105, %add3A_349 : i32
      %mul3A_351 = arith.constant 8 : i32
      %mul3A_352 = arith.muli %add3A_350, %mul3A_351 : i32
      %add3A_353 = arith.constant 0 : i32
      %add3A_354 = arith.addi %mul3A_352, %add3A_353 : i32
      %dma_wait3A_355 = arith.constant 1 : i32
      %dma_wait3A_356 = arith.constant 0 : i32
      %dma_wait3A_357 = arith.constant 0 : i32
      %dma_wait3A_358 = arith.constant 0 : i32
      %dma_wait3A_359 = arith.constant 0 : i32
      %dma_wait3A_360 = tpu.memref_slice %arg8[%dma_wait3A_357, %dma_wait3A_358, %dma_wait3A_359] : memref<2x128x128xf32, #tpu.memory_space<vmem>> -> memref<1x128x128xf32, #tpu.memory_space<vmem>>
      %dma_wait3A_361 = tpu.memref_squeeze %dma_wait3A_360 : memref<1x128x128xf32, #tpu.memory_space<vmem>> -> memref<128x128xf32, #tpu.memory_space<vmem>>
      %dma_wait3A_362 = arith.constant 0 : i32
      %dma_wait3A_363 = tpu.memref_slice %arg6[%dma_wait3A_355, %dma_wait3A_356, %dma_wait3A_362] : memref<2x8x128xi32, #tpu.memory_space<vmem>> -> memref<1x1x128xi32, #tpu.memory_space<vmem>>
      %dma_wait3A_364 = tpu.memref_squeeze %dma_wait3A_363 : memref<1x1x128xi32, #tpu.memory_space<vmem>> -> memref<128xi32, #tpu.memory_space<vmem>>
      %dma_wait3A_365 = arith.constant 0 : i32
      %dma_wait3A_366 = arith.constant 0 : i32
      %dma_wait3A_367 = tpu.memref_slice %arg2[%dma_wait3A_365, %dma_wait3A_366] : memref<10240x128xf32, #tpu.memory_space<hbm>> -> memref<10240x128xf32, #tpu.memory_space<hbm>>
      tpu.wait_indirect_dma semaphore(%arg10 : memref<!tpu.dma_semaphore, #tpu.memory_space<semaphore_mem>>) src(%dma_wait3A_367 : memref<10240x128xf32, #tpu.memory_space<hbm>>) dst(%dma_wait3A_361 : memref<128x128xf32, #tpu.memory_space<vmem>>)
      %dma_start3A_368 = arith.constant 1 : i32
      %dma_start3A_369 = arith.constant 1 : i32
      %dma_start3A_370 = arith.constant 1 : i32
      %dma_start3A_371 = arith.constant 0 : i32
      %dma_start3A_372 = arith.constant 0 : i32
      %dma_start3A_373 = tpu.memref_slice %arg8[%dma_start3A_370, %dma_start3A_371, %dma_start3A_372] : memref<2x128x128xf32, #tpu.memory_space<vmem>> -> memref<1x128x128xf32, #tpu.memory_space<vmem>>
      %dma_start3A_374 = tpu.memref_squeeze %dma_start3A_373 : memref<1x128x128xf32, #tpu.memory_space<vmem>> -> memref<128x128xf32, #tpu.memory_space<vmem>>
      %dma_start3A_375 = arith.constant 0 : i32
      %dma_start3A_376 = tpu.memref_slice %arg6[%dma_start3A_368, %dma_start3A_369, %dma_start3A_375] : memref<2x8x128xi32, #tpu.memory_space<vmem>> -> memref<1x1x128xi32, #tpu.memory_space<vmem>>
      %dma_start3A_377 = tpu.memref_squeeze %dma_start3A_376 : memref<1x1x128xi32, #tpu.memory_space<vmem>> -> memref<128xi32, #tpu.memory_space<vmem>>
      %dma_start3A_378 = arith.constant 0 : i32
      %dma_start3A_379 = arith.constant 0 : i32
      %dma_start3A_380 = tpu.memref_slice %arg2[%dma_start3A_378, %dma_start3A_379] : memref<10240x128xf32, #tpu.memory_space<hbm>> -> memref<10240x128xf32, #tpu.memory_space<hbm>>
      tpu.enqueue_indirect_dma source(%dma_start3A_380 : memref<10240x128xf32, #tpu.memory_space<hbm>>) target(%dma_start3A_374 : memref<128x128xf32, #tpu.memory_space<vmem>>) offsets(%dma_start3A_377 : memref<128xi32, #tpu.memory_space<vmem>>) semaphore(%arg10 : memref<!tpu.dma_semaphore, #tpu.memory_space<semaphore_mem>>)
      %run_scoped3A_381 = arith.constant 0 : i32
      "tpu.region"() ({
        %run_scoped3A_597 = tpu.sem_alloc : memref<!tpu.dma_semaphore, #tpu.memory_space<semaphore_mem>>
        %dma_start3A_598 = arith.constant 0 : i32
        %dma_start3A_599 = arith.constant 0 : i32
        %dma_start3A_600 = tpu.memref_slice %arg8[%run_scoped3A_381, %dma_start3A_598, %dma_start3A_599] : memref<2x128x128xf32, #tpu.memory_space<vmem>> -> memref<1x128x128xf32, #tpu.memory_space<vmem>>
        %dma_start3A_601 = tpu.memref_squeeze %dma_start3A_600 : memref<1x128x128xf32, #tpu.memory_space<vmem>> -> memref<128x128xf32, #tpu.memory_space<vmem>>
        %dma_start3A_602 = arith.constant 0 : i32
        %dma_start3A_603 = tpu.memref_slice %arg7[%add3A_354, %dma_start3A_602] : memref<80x128xi32, #tpu.memory_space<vmem>> -> memref<1x128xi32, #tpu.memory_space<vmem>>
        %dma_start3A_604 = tpu.memref_squeeze %dma_start3A_603 : memref<1x128xi32, #tpu.memory_space<vmem>> -> memref<128xi32, #tpu.memory_space<vmem>>
        %dma_start3A_605 = arith.constant 0 : i32
        %dma_start3A_606 = arith.constant 0 : i32
        %dma_start3A_607 = tpu.memref_slice %arg9[%dma_start3A_605, %dma_start3A_606] : memref<10240x128xf32, #tpu.memory_space<vmem_shared>> -> memref<10240x128xf32, #tpu.memory_space<vmem_shared>>
        tpu.enqueue_indirect_dma source(%dma_start3A_601 : memref<128x128xf32, #tpu.memory_space<vmem>>) target(%dma_start3A_607 : memref<10240x128xf32, #tpu.memory_space<vmem_shared>>) offsets(%dma_start3A_604 : memref<128xi32, #tpu.memory_space<vmem>>) semaphore(%run_scoped3A_597 : memref<!tpu.dma_semaphore, #tpu.memory_space<semaphore_mem>>) {add = true}
        %dma_wait3A_608 = arith.constant 0 : i32
        %dma_wait3A_609 = arith.constant 0 : i32
        %dma_wait3A_610 = tpu.memref_slice %arg8[%run_scoped3A_381, %dma_wait3A_608, %dma_wait3A_609] : memref<2x128x128xf32, #tpu.memory_space<vmem>> -> memref<1x128x128xf32, #tpu.memory_space<vmem>>
        %dma_wait3A_611 = tpu.memref_squeeze %dma_wait3A_610 : memref<1x128x128xf32, #tpu.memory_space<vmem>> -> memref<128x128xf32, #tpu.memory_space<vmem>>
        %dma_wait3A_612 = arith.constant 0 : i32
        %dma_wait3A_613 = tpu.memref_slice %arg7[%add3A_354, %dma_wait3A_612] : memref<80x128xi32, #tpu.memory_space<vmem>> -> memref<1x128xi32, #tpu.memory_space<vmem>>
        %dma_wait3A_614 = tpu.memref_squeeze %dma_wait3A_613 : memref<1x128xi32, #tpu.memory_space<vmem>> -> memref<128xi32, #tpu.memory_space<vmem>>
        %dma_wait3A_615 = arith.constant 0 : i32
        %dma_wait3A_616 = arith.constant 0 : i32
        %dma_wait3A_617 = tpu.memref_slice %arg9[%dma_wait3A_615, %dma_wait3A_616] : memref<10240x128xf32, #tpu.memory_space<vmem_shared>> -> memref<10240x128xf32, #tpu.memory_space<vmem_shared>>
        tpu.wait_indirect_dma semaphore(%run_scoped3A_597 : memref<!tpu.dma_semaphore, #tpu.memory_space<semaphore_mem>>) src(%dma_wait3A_611 : memref<128x128xf32, #tpu.memory_space<vmem>>) dst(%dma_wait3A_617 : memref<10240x128xf32, #tpu.memory_space<vmem_shared>>)
        tpu.yield
      }) : () -> ()
      %mul3A_382 = arith.constant 8 : i32
      %mul3A_383 = arith.muli %add3A_350, %mul3A_382 : i32
      %add3A_384 = arith.constant 1 : i32
      %add3A_385 = arith.addi %mul3A_383, %add3A_384 : i32
      %dma_wait3A_386 = arith.constant 1 : i32
      %dma_wait3A_387 = arith.constant 1 : i32
      %dma_wait3A_388 = arith.constant 1 : i32
      %dma_wait3A_389 = arith.constant 0 : i32
      %dma_wait3A_390 = arith.constant 0 : i32
      %dma_wait3A_391 = tpu.memref_slice %arg8[%dma_wait3A_388, %dma_wait3A_389, %dma_wait3A_390] : memref<2x128x128xf32, #tpu.memory_space<vmem>> -> memref<1x128x128xf32, #tpu.memory_space<vmem>>
      %dma_wait3A_392 = tpu.memref_squeeze %dma_wait3A_391 : memref<1x128x128xf32, #tpu.memory_space<vmem>> -> memref<128x128xf32, #tpu.memory_space<vmem>>
      %dma_wait3A_393 = arith.constant 0 : i32
      %dma_wait3A_394 = tpu.memref_slice %arg6[%dma_wait3A_386, %dma_wait3A_387, %dma_wait3A_393] : memref<2x8x128xi32, #tpu.memory_space<vmem>> -> memref<1x1x128xi32, #tpu.memory_space<vmem>>
      %dma_wait3A_395 = tpu.memref_squeeze %dma_wait3A_394 : memref<1x1x128xi32, #tpu.memory_space<vmem>> -> memref<128xi32, #tpu.memory_space<vmem>>
      %dma_wait3A_396 = arith.constant 0 : i32
      %dma_wait3A_397 = arith.constant 0 : i32
      %dma_wait3A_398 = tpu.memref_slice %arg2[%dma_wait3A_396, %dma_wait3A_397] : memref<10240x128xf32, #tpu.memory_space<hbm>> -> memref<10240x128xf32, #tpu.memory_space<hbm>>
      tpu.wait_indirect_dma semaphore(%arg10 : memref<!tpu.dma_semaphore, #tpu.memory_space<semaphore_mem>>) src(%dma_wait3A_398 : memref<10240x128xf32, #tpu.memory_space<hbm>>) dst(%dma_wait3A_392 : memref<128x128xf32, #tpu.memory_space<vmem>>)
      %dma_start3A_399 = arith.constant 1 : i32
      %dma_start3A_400 = arith.constant 2 : i32
      %dma_start3A_401 = arith.constant 0 : i32
      %dma_start3A_402 = arith.constant 0 : i32
      %dma_start3A_403 = arith.constant 0 : i32
      %dma_start3A_404 = tpu.memref_slice %arg8[%dma_start3A_401, %dma_start3A_402, %dma_start3A_403] : memref<2x128x128xf32, #tpu.memory_space<vmem>> -> memref<1x128x128xf32, #tpu.memory_space<vmem>>
      %dma_start3A_405 = tpu.memref_squeeze %dma_start3A_404 : memref<1x128x128xf32, #tpu.memory_space<vmem>> -> memref<128x128xf32, #tpu.memory_space<vmem>>
      %dma_start3A_406 = arith.constant 0 : i32
      %dma_start3A_407 = tpu.memref_slice %arg6[%dma_start3A_399, %dma_start3A_400, %dma_start3A_406] : memref<2x8x128xi32, #tpu.memory_space<vmem>> -> memref<1x1x128xi32, #tpu.memory_space<vmem>>
      %dma_start3A_408 = tpu.memref_squeeze %dma_start3A_407 : memref<1x1x128xi32, #tpu.memory_space<vmem>> -> memref<128xi32, #tpu.memory_space<vmem>>
      %dma_start3A_409 = arith.constant 0 : i32
      %dma_start3A_410 = arith.constant 0 : i32
      %dma_start3A_411 = tpu.memref_slice %arg2[%dma_start3A_409, %dma_start3A_410] : memref<10240x128xf32, #tpu.memory_space<hbm>> -> memref<10240x128xf32, #tpu.memory_space<hbm>>
      tpu.enqueue_indirect_dma source(%dma_start3A_411 : memref<10240x128xf32, #tpu.memory_space<hbm>>) target(%dma_start3A_405 : memref<128x128xf32, #tpu.memory_space<vmem>>) offsets(%dma_start3A_408 : memref<128xi32, #tpu.memory_space<vmem>>) semaphore(%arg10 : memref<!tpu.dma_semaphore, #tpu.memory_space<semaphore_mem>>)
      %run_scoped3A_412 = arith.constant 1 : i32
      "tpu.region"() ({
        %run_scoped3A_597 = tpu.sem_alloc : memref<!tpu.dma_semaphore, #tpu.memory_space<semaphore_mem>>
        %dma_start3A_598 = arith.constant 0 : i32
        %dma_start3A_599 = arith.constant 0 : i32
        %dma_start3A_600 = tpu.memref_slice %arg8[%run_scoped3A_412, %dma_start3A_598, %dma_start3A_599] : memref<2x128x128xf32, #tpu.memory_space<vmem>> -> memref<1x128x128xf32, #tpu.memory_space<vmem>>
        %dma_start3A_601 = tpu.memref_squeeze %dma_start3A_600 : memref<1x128x128xf32, #tpu.memory_space<vmem>> -> memref<128x128xf32, #tpu.memory_space<vmem>>
        %dma_start3A_602 = arith.constant 0 : i32
        %dma_start3A_603 = tpu.memref_slice %arg7[%add3A_385, %dma_start3A_602] : memref<80x128xi32, #tpu.memory_space<vmem>> -> memref<1x128xi32, #tpu.memory_space<vmem>>
        %dma_start3A_604 = tpu.memref_squeeze %dma_start3A_603 : memref<1x128xi32, #tpu.memory_space<vmem>> -> memref<128xi32, #tpu.memory_space<vmem>>
        %dma_start3A_605 = arith.constant 0 : i32
        %dma_start3A_606 = arith.constant 0 : i32
        %dma_start3A_607 = tpu.memref_slice %arg9[%dma_start3A_605, %dma_start3A_606] : memref<10240x128xf32, #tpu.memory_space<vmem_shared>> -> memref<10240x128xf32, #tpu.memory_space<vmem_shared>>
        tpu.enqueue_indirect_dma source(%dma_start3A_601 : memref<128x128xf32, #tpu.memory_space<vmem>>) target(%dma_start3A_607 : memref<10240x128xf32, #tpu.memory_space<vmem_shared>>) offsets(%dma_start3A_604 : memref<128xi32, #tpu.memory_space<vmem>>) semaphore(%run_scoped3A_597 : memref<!tpu.dma_semaphore, #tpu.memory_space<semaphore_mem>>) {add = true}
        %dma_wait3A_608 = arith.constant 0 : i32
        %dma_wait3A_609 = arith.constant 0 : i32
        %dma_wait3A_610 = tpu.memref_slice %arg8[%run_scoped3A_412, %dma_wait3A_608, %dma_wait3A_609] : memref<2x128x128xf32, #tpu.memory_space<vmem>> -> memref<1x128x128xf32, #tpu.memory_space<vmem>>
        %dma_wait3A_611 = tpu.memref_squeeze %dma_wait3A_610 : memref<1x128x128xf32, #tpu.memory_space<vmem>> -> memref<128x128xf32, #tpu.memory_space<vmem>>
        %dma_wait3A_612 = arith.constant 0 : i32
        %dma_wait3A_613 = tpu.memref_slice %arg7[%add3A_385, %dma_wait3A_612] : memref<80x128xi32, #tpu.memory_space<vmem>> -> memref<1x128xi32, #tpu.memory_space<vmem>>
        %dma_wait3A_614 = tpu.memref_squeeze %dma_wait3A_613 : memref<1x128xi32, #tpu.memory_space<vmem>> -> memref<128xi32, #tpu.memory_space<vmem>>
        %dma_wait3A_615 = arith.constant 0 : i32
        %dma_wait3A_616 = arith.constant 0 : i32
        %dma_wait3A_617 = tpu.memref_slice %arg9[%dma_wait3A_615, %dma_wait3A_616] : memref<10240x128xf32, #tpu.memory_space<vmem_shared>> -> memref<10240x128xf32, #tpu.memory_space<vmem_shared>>
        tpu.wait_indirect_dma semaphore(%run_scoped3A_597 : memref<!tpu.dma_semaphore, #tpu.memory_space<semaphore_mem>>) src(%dma_wait3A_611 : memref<128x128xf32, #tpu.memory_space<vmem>>) dst(%dma_wait3A_617 : memref<10240x128xf32, #tpu.memory_space<vmem_shared>>)
        tpu.yield
      }) : () -> ()
      %mul3A_413 = arith.constant 8 : i32
      %mul3A_414 = arith.muli %add3A_350, %mul3A_413 : i32
      %add3A_415 = arith.constant 2 : i32
      %add3A_416 = arith.addi %mul3A_414, %add3A_415 : i32
      %dma_wait3A_417 = arith.constant 1 : i32
      %dma_wait3A_418 = arith.constant 2 : i32
      %dma_wait3A_419 = arith.constant 0 : i32
      %dma_wait3A_420 = arith.constant 0 : i32
      %dma_wait3A_421 = arith.constant 0 : i32
      %dma_wait3A_422 = tpu.memref_slice %arg8[%dma_wait3A_419, %dma_wait3A_420, %dma_wait3A_421] : memref<2x128x128xf32, #tpu.memory_space<vmem>> -> memref<1x128x128xf32, #tpu.memory_space<vmem>>
      %dma_wait3A_423 = tpu.memref_squeeze %dma_wait3A_422 : memref<1x128x128xf32, #tpu.memory_space<vmem>> -> memref<128x128xf32, #tpu.memory_space<vmem>>
      %dma_wait3A_424 = arith.constant 0 : i32
      %dma_wait3A_425 = tpu.memref_slice %arg6[%dma_wait3A_417, %dma_wait3A_418, %dma_wait3A_424] : memref<2x8x128xi32, #tpu.memory_space<vmem>> -> memref<1x1x128xi32, #tpu.memory_space<vmem>>
      %dma_wait3A_426 = tpu.memref_squeeze %dma_wait3A_425 : memref<1x1x128xi32, #tpu.memory_space<vmem>> -> memref<128xi32, #tpu.memory_space<vmem>>
      %dma_wait3A_427 = arith.constant 0 : i32
      %dma_wait3A_428 = arith.constant 0 : i32
      %dma_wait3A_429 = tpu.memref_slice %arg2[%dma_wait3A_427, %dma_wait3A_428] : memref<10240x128xf32, #tpu.memory_space<hbm>> -> memref<10240x128xf32, #tpu.memory_space<hbm>>
      tpu.wait_indirect_dma semaphore(%arg10 : memref<!tpu.dma_semaphore, #tpu.memory_space<semaphore_mem>>) src(%dma_wait3A_429 : memref<10240x128xf32, #tpu.memory_space<hbm>>) dst(%dma_wait3A_423 : memref<128x128xf32, #tpu.memory_space<vmem>>)
      %dma_start3A_430 = arith.constant 1 : i32
      %dma_start3A_431 = arith.constant 3 : i32
      %dma_start3A_432 = arith.constant 1 : i32
      %dma_start3A_433 = arith.constant 0 : i32
      %dma_start3A_434 = arith.constant 0 : i32
      %dma_start3A_435 = tpu.memref_slice %arg8[%dma_start3A_432, %dma_start3A_433, %dma_start3A_434] : memref<2x128x128xf32, #tpu.memory_space<vmem>> -> memref<1x128x128xf32, #tpu.memory_space<vmem>>
      %dma_start3A_436 = tpu.memref_squeeze %dma_start3A_435 : memref<1x128x128xf32, #tpu.memory_space<vmem>> -> memref<128x128xf32, #tpu.memory_space<vmem>>
      %dma_start3A_437 = arith.constant 0 : i32
      %dma_start3A_438 = tpu.memref_slice %arg6[%dma_start3A_430, %dma_start3A_431, %dma_start3A_437] : memref<2x8x128xi32, #tpu.memory_space<vmem>> -> memref<1x1x128xi32, #tpu.memory_space<vmem>>
      %dma_start3A_439 = tpu.memref_squeeze %dma_start3A_438 : memref<1x1x128xi32, #tpu.memory_space<vmem>> -> memref<128xi32, #tpu.memory_space<vmem>>
      %dma_start3A_440 = arith.constant 0 : i32
      %dma_start3A_441 = arith.constant 0 : i32
      %dma_start3A_442 = tpu.memref_slice %arg2[%dma_start3A_440, %dma_start3A_441] : memref<10240x128xf32, #tpu.memory_space<hbm>> -> memref<10240x128xf32, #tpu.memory_space<hbm>>
      tpu.enqueue_indirect_dma source(%dma_start3A_442 : memref<10240x128xf32, #tpu.memory_space<hbm>>) target(%dma_start3A_436 : memref<128x128xf32, #tpu.memory_space<vmem>>) offsets(%dma_start3A_439 : memref<128xi32, #tpu.memory_space<vmem>>) semaphore(%arg10 : memref<!tpu.dma_semaphore, #tpu.memory_space<semaphore_mem>>)
      %run_scoped3A_443 = arith.constant 0 : i32
      "tpu.region"() ({
        %run_scoped3A_597 = tpu.sem_alloc : memref<!tpu.dma_semaphore, #tpu.memory_space<semaphore_mem>>
        %dma_start3A_598 = arith.constant 0 : i32
        %dma_start3A_599 = arith.constant 0 : i32
        %dma_start3A_600 = tpu.memref_slice %arg8[%run_scoped3A_443, %dma_start3A_598, %dma_start3A_599] : memref<2x128x128xf32, #tpu.memory_space<vmem>> -> memref<1x128x128xf32, #tpu.memory_space<vmem>>
        %dma_start3A_601 = tpu.memref_squeeze %dma_start3A_600 : memref<1x128x128xf32, #tpu.memory_space<vmem>> -> memref<128x128xf32, #tpu.memory_space<vmem>>
        %dma_start3A_602 = arith.constant 0 : i32
        %dma_start3A_603 = tpu.memref_slice %arg7[%add3A_416, %dma_start3A_602] : memref<80x128xi32, #tpu.memory_space<vmem>> -> memref<1x128xi32, #tpu.memory_space<vmem>>
        %dma_start3A_604 = tpu.memref_squeeze %dma_start3A_603 : memref<1x128xi32, #tpu.memory_space<vmem>> -> memref<128xi32, #tpu.memory_space<vmem>>
        %dma_start3A_605 = arith.constant 0 : i32
        %dma_start3A_606 = arith.constant 0 : i32
        %dma_start3A_607 = tpu.memref_slice %arg9[%dma_start3A_605, %dma_start3A_606] : memref<10240x128xf32, #tpu.memory_space<vmem_shared>> -> memref<10240x128xf32, #tpu.memory_space<vmem_shared>>
        tpu.enqueue_indirect_dma source(%dma_start3A_601 : memref<128x128xf32, #tpu.memory_space<vmem>>) target(%dma_start3A_607 : memref<10240x128xf32, #tpu.memory_space<vmem_shared>>) offsets(%dma_start3A_604 : memref<128xi32, #tpu.memory_space<vmem>>) semaphore(%run_scoped3A_597 : memref<!tpu.dma_semaphore, #tpu.memory_space<semaphore_mem>>) {add = true}
        %dma_wait3A_608 = arith.constant 0 : i32
        %dma_wait3A_609 = arith.constant 0 : i32
        %dma_wait3A_610 = tpu.memref_slice %arg8[%run_scoped3A_443, %dma_wait3A_608, %dma_wait3A_609] : memref<2x128x128xf32, #tpu.memory_space<vmem>> -> memref<1x128x128xf32, #tpu.memory_space<vmem>>
        %dma_wait3A_611 = tpu.memref_squeeze %dma_wait3A_610 : memref<1x128x128xf32, #tpu.memory_space<vmem>> -> memref<128x128xf32, #tpu.memory_space<vmem>>
        %dma_wait3A_612 = arith.constant 0 : i32
        %dma_wait3A_613 = tpu.memref_slice %arg7[%add3A_416, %dma_wait3A_612] : memref<80x128xi32, #tpu.memory_space<vmem>> -> memref<1x128xi32, #tpu.memory_space<vmem>>
        %dma_wait3A_614 = tpu.memref_squeeze %dma_wait3A_613 : memref<1x128xi32, #tpu.memory_space<vmem>> -> memref<128xi32, #tpu.memory_space<vmem>>
        %dma_wait3A_615 = arith.constant 0 : i32
        %dma_wait3A_616 = arith.constant 0 : i32
        %dma_wait3A_617 = tpu.memref_slice %arg9[%dma_wait3A_615, %dma_wait3A_616] : memref<10240x128xf32, #tpu.memory_space<vmem_shared>> -> memref<10240x128xf32, #tpu.memory_space<vmem_shared>>
        tpu.wait_indirect_dma semaphore(%run_scoped3A_597 : memref<!tpu.dma_semaphore, #tpu.memory_space<semaphore_mem>>) src(%dma_wait3A_611 : memref<128x128xf32, #tpu.memory_space<vmem>>) dst(%dma_wait3A_617 : memref<10240x128xf32, #tpu.memory_space<vmem_shared>>)
        tpu.yield
      }) : () -> ()
      %mul3A_444 = arith.constant 8 : i32
      %mul3A_445 = arith.muli %add3A_350, %mul3A_444 : i32
      %add3A_446 = arith.constant 3 : i32
      %add3A_447 = arith.addi %mul3A_445, %add3A_446 : i32
      %dma_wait3A_448 = arith.constant 1 : i32
      %dma_wait3A_449 = arith.constant 3 : i32
      %dma_wait3A_450 = arith.constant 1 : i32
      %dma_wait3A_451 = arith.constant 0 : i32
      %dma_wait3A_452 = arith.constant 0 : i32
      %dma_wait3A_453 = tpu.memref_slice %arg8[%dma_wait3A_450, %dma_wait3A_451, %dma_wait3A_452] : memref<2x128x128xf32, #tpu.memory_space<vmem>> -> memref<1x128x128xf32, #tpu.memory_space<vmem>>
      %dma_wait3A_454 = tpu.memref_squeeze %dma_wait3A_453 : memref<1x128x128xf32, #tpu.memory_space<vmem>> -> memref<128x128xf32, #tpu.memory_space<vmem>>
      %dma_wait3A_455 = arith.constant 0 : i32
      %dma_wait3A_456 = tpu.memref_slice %arg6[%dma_wait3A_448, %dma_wait3A_449, %dma_wait3A_455] : memref<2x8x128xi32, #tpu.memory_space<vmem>> -> memref<1x1x128xi32, #tpu.memory_space<vmem>>
      %dma_wait3A_457 = tpu.memref_squeeze %dma_wait3A_456 : memref<1x1x128xi32, #tpu.memory_space<vmem>> -> memref<128xi32, #tpu.memory_space<vmem>>
      %dma_wait3A_458 = arith.constant 0 : i32
      %dma_wait3A_459 = arith.constant 0 : i32
      %dma_wait3A_460 = tpu.memref_slice %arg2[%dma_wait3A_458, %dma_wait3A_459] : memref<10240x128xf32, #tpu.memory_space<hbm>> -> memref<10240x128xf32, #tpu.memory_space<hbm>>
      tpu.wait_indirect_dma semaphore(%arg10 : memref<!tpu.dma_semaphore, #tpu.memory_space<semaphore_mem>>) src(%dma_wait3A_460 : memref<10240x128xf32, #tpu.memory_space<hbm>>) dst(%dma_wait3A_454 : memref<128x128xf32, #tpu.memory_space<vmem>>)
      %dma_start3A_461 = arith.constant 1 : i32
      %dma_start3A_462 = arith.constant 4 : i32
      %dma_start3A_463 = arith.constant 0 : i32
      %dma_start3A_464 = arith.constant 0 : i32
      %dma_start3A_465 = arith.constant 0 : i32
      %dma_start3A_466 = tpu.memref_slice %arg8[%dma_start3A_463, %dma_start3A_464, %dma_start3A_465] : memref<2x128x128xf32, #tpu.memory_space<vmem>> -> memref<1x128x128xf32, #tpu.memory_space<vmem>>
      %dma_start3A_467 = tpu.memref_squeeze %dma_start3A_466 : memref<1x128x128xf32, #tpu.memory_space<vmem>> -> memref<128x128xf32, #tpu.memory_space<vmem>>
      %dma_start3A_468 = arith.constant 0 : i32
      %dma_start3A_469 = tpu.memref_slice %arg6[%dma_start3A_461, %dma_start3A_462, %dma_start3A_468] : memref<2x8x128xi32, #tpu.memory_space<vmem>> -> memref<1x1x128xi32, #tpu.memory_space<vmem>>
      %dma_start3A_470 = tpu.memref_squeeze %dma_start3A_469 : memref<1x1x128xi32, #tpu.memory_space<vmem>> -> memref<128xi32, #tpu.memory_space<vmem>>
      %dma_start3A_471 = arith.constant 0 : i32
      %dma_start3A_472 = arith.constant 0 : i32
      %dma_start3A_473 = tpu.memref_slice %arg2[%dma_start3A_471, %dma_start3A_472] : memref<10240x128xf32, #tpu.memory_space<hbm>> -> memref<10240x128xf32, #tpu.memory_space<hbm>>
      tpu.enqueue_indirect_dma source(%dma_start3A_473 : memref<10240x128xf32, #tpu.memory_space<hbm>>) target(%dma_start3A_467 : memref<128x128xf32, #tpu.memory_space<vmem>>) offsets(%dma_start3A_470 : memref<128xi32, #tpu.memory_space<vmem>>) semaphore(%arg10 : memref<!tpu.dma_semaphore, #tpu.memory_space<semaphore_mem>>)
      %run_scoped3A_474 = arith.constant 1 : i32
      "tpu.region"() ({
        %run_scoped3A_597 = tpu.sem_alloc : memref<!tpu.dma_semaphore, #tpu.memory_space<semaphore_mem>>
        %dma_start3A_598 = arith.constant 0 : i32
        %dma_start3A_599 = arith.constant 0 : i32
        %dma_start3A_600 = tpu.memref_slice %arg8[%run_scoped3A_474, %dma_start3A_598, %dma_start3A_599] : memref<2x128x128xf32, #tpu.memory_space<vmem>> -> memref<1x128x128xf32, #tpu.memory_space<vmem>>
        %dma_start3A_601 = tpu.memref_squeeze %dma_start3A_600 : memref<1x128x128xf32, #tpu.memory_space<vmem>> -> memref<128x128xf32, #tpu.memory_space<vmem>>
        %dma_start3A_602 = arith.constant 0 : i32
        %dma_start3A_603 = tpu.memref_slice %arg7[%add3A_447, %dma_start3A_602] : memref<80x128xi32, #tpu.memory_space<vmem>> -> memref<1x128xi32, #tpu.memory_space<vmem>>
        %dma_start3A_604 = tpu.memref_squeeze %dma_start3A_603 : memref<1x128xi32, #tpu.memory_space<vmem>> -> memref<128xi32, #tpu.memory_space<vmem>>
        %dma_start3A_605 = arith.constant 0 : i32
        %dma_start3A_606 = arith.constant 0 : i32
        %dma_start3A_607 = tpu.memref_slice %arg9[%dma_start3A_605, %dma_start3A_606] : memref<10240x128xf32, #tpu.memory_space<vmem_shared>> -> memref<10240x128xf32, #tpu.memory_space<vmem_shared>>
        tpu.enqueue_indirect_dma source(%dma_start3A_601 : memref<128x128xf32, #tpu.memory_space<vmem>>) target(%dma_start3A_607 : memref<10240x128xf32, #tpu.memory_space<vmem_shared>>) offsets(%dma_start3A_604 : memref<128xi32, #tpu.memory_space<vmem>>) semaphore(%run_scoped3A_597 : memref<!tpu.dma_semaphore, #tpu.memory_space<semaphore_mem>>) {add = true}
        %dma_wait3A_608 = arith.constant 0 : i32
        %dma_wait3A_609 = arith.constant 0 : i32
        %dma_wait3A_610 = tpu.memref_slice %arg8[%run_scoped3A_474, %dma_wait3A_608, %dma_wait3A_609] : memref<2x128x128xf32, #tpu.memory_space<vmem>> -> memref<1x128x128xf32, #tpu.memory_space<vmem>>
        %dma_wait3A_611 = tpu.memref_squeeze %dma_wait3A_610 : memref<1x128x128xf32, #tpu.memory_space<vmem>> -> memref<128x128xf32, #tpu.memory_space<vmem>>
        %dma_wait3A_612 = arith.constant 0 : i32
        %dma_wait3A_613 = tpu.memref_slice %arg7[%add3A_447, %dma_wait3A_612] : memref<80x128xi32, #tpu.memory_space<vmem>> -> memref<1x128xi32, #tpu.memory_space<vmem>>
        %dma_wait3A_614 = tpu.memref_squeeze %dma_wait3A_613 : memref<1x128xi32, #tpu.memory_space<vmem>> -> memref<128xi32, #tpu.memory_space<vmem>>
        %dma_wait3A_615 = arith.constant 0 : i32
        %dma_wait3A_616 = arith.constant 0 : i32
        %dma_wait3A_617 = tpu.memref_slice %arg9[%dma_wait3A_615, %dma_wait3A_616] : memref<10240x128xf32, #tpu.memory_space<vmem_shared>> -> memref<10240x128xf32, #tpu.memory_space<vmem_shared>>
        tpu.wait_indirect_dma semaphore(%run_scoped3A_597 : memref<!tpu.dma_semaphore, #tpu.memory_space<semaphore_mem>>) src(%dma_wait3A_611 : memref<128x128xf32, #tpu.memory_space<vmem>>) dst(%dma_wait3A_617 : memref<10240x128xf32, #tpu.memory_space<vmem_shared>>)
        tpu.yield
      }) : () -> ()
      %mul3A_475 = arith.constant 8 : i32
      %mul3A_476 = arith.muli %add3A_350, %mul3A_475 : i32
      %add3A_477 = arith.constant 4 : i32
      %add3A_478 = arith.addi %mul3A_476, %add3A_477 : i32
      %dma_wait3A_479 = arith.constant 1 : i32
      %dma_wait3A_480 = arith.constant 4 : i32
      %dma_wait3A_481 = arith.constant 0 : i32
      %dma_wait3A_482 = arith.constant 0 : i32
      %dma_wait3A_483 = arith.constant 0 : i32
      %dma_wait3A_484 = tpu.memref_slice %arg8[%dma_wait3A_481, %dma_wait3A_482, %dma_wait3A_483] : memref<2x128x128xf32, #tpu.memory_space<vmem>> -> memref<1x128x128xf32, #tpu.memory_space<vmem>>
      %dma_wait3A_485 = tpu.memref_squeeze %dma_wait3A_484 : memref<1x128x128xf32, #tpu.memory_space<vmem>> -> memref<128x128xf32, #tpu.memory_space<vmem>>
      %dma_wait3A_486 = arith.constant 0 : i32
      %dma_wait3A_487 = tpu.memref_slice %arg6[%dma_wait3A_479, %dma_wait3A_480, %dma_wait3A_486] : memref<2x8x128xi32, #tpu.memory_space<vmem>> -> memref<1x1x128xi32, #tpu.memory_space<vmem>>
      %dma_wait3A_488 = tpu.memref_squeeze %dma_wait3A_487 : memref<1x1x128xi32, #tpu.memory_space<vmem>> -> memref<128xi32, #tpu.memory_space<vmem>>
      %dma_wait3A_489 = arith.constant 0 : i32
      %dma_wait3A_490 = arith.constant 0 : i32
      %dma_wait3A_491 = tpu.memref_slice %arg2[%dma_wait3A_489, %dma_wait3A_490] : memref<10240x128xf32, #tpu.memory_space<hbm>> -> memref<10240x128xf32, #tpu.memory_space<hbm>>
      tpu.wait_indirect_dma semaphore(%arg10 : memref<!tpu.dma_semaphore, #tpu.memory_space<semaphore_mem>>) src(%dma_wait3A_491 : memref<10240x128xf32, #tpu.memory_space<hbm>>) dst(%dma_wait3A_485 : memref<128x128xf32, #tpu.memory_space<vmem>>)
      %dma_start3A_492 = arith.constant 1 : i32
      %dma_start3A_493 = arith.constant 5 : i32
      %dma_start3A_494 = arith.constant 1 : i32
      %dma_start3A_495 = arith.constant 0 : i32
      %dma_start3A_496 = arith.constant 0 : i32
      %dma_start3A_497 = tpu.memref_slice %arg8[%dma_start3A_494, %dma_start3A_495, %dma_start3A_496] : memref<2x128x128xf32, #tpu.memory_space<vmem>> -> memref<1x128x128xf32, #tpu.memory_space<vmem>>
      %dma_start3A_498 = tpu.memref_squeeze %dma_start3A_497 : memref<1x128x128xf32, #tpu.memory_space<vmem>> -> memref<128x128xf32, #tpu.memory_space<vmem>>
      %dma_start3A_499 = arith.constant 0 : i32
      %dma_start3A_500 = tpu.memref_slice %arg6[%dma_start3A_492, %dma_start3A_493, %dma_start3A_499] : memref<2x8x128xi32, #tpu.memory_space<vmem>> -> memref<1x1x128xi32, #tpu.memory_space<vmem>>
      %dma_start3A_501 = tpu.memref_squeeze %dma_start3A_500 : memref<1x1x128xi32, #tpu.memory_space<vmem>> -> memref<128xi32, #tpu.memory_space<vmem>>
      %dma_start3A_502 = arith.constant 0 : i32
      %dma_start3A_503 = arith.constant 0 : i32
      %dma_start3A_504 = tpu.memref_slice %arg2[%dma_start3A_502, %dma_start3A_503] : memref<10240x128xf32, #tpu.memory_space<hbm>> -> memref<10240x128xf32, #tpu.memory_space<hbm>>
      tpu.enqueue_indirect_dma source(%dma_start3A_504 : memref<10240x128xf32, #tpu.memory_space<hbm>>) target(%dma_start3A_498 : memref<128x128xf32, #tpu.memory_space<vmem>>) offsets(%dma_start3A_501 : memref<128xi32, #tpu.memory_space<vmem>>) semaphore(%arg10 : memref<!tpu.dma_semaphore, #tpu.memory_space<semaphore_mem>>)
      %run_scoped3A_505 = arith.constant 0 : i32
      "tpu.region"() ({
        %run_scoped3A_597 = tpu.sem_alloc : memref<!tpu.dma_semaphore, #tpu.memory_space<semaphore_mem>>
        %dma_start3A_598 = arith.constant 0 : i32
        %dma_start3A_599 = arith.constant 0 : i32
        %dma_start3A_600 = tpu.memref_slice %arg8[%run_scoped3A_505, %dma_start3A_598, %dma_start3A_599] : memref<2x128x128xf32, #tpu.memory_space<vmem>> -> memref<1x128x128xf32, #tpu.memory_space<vmem>>
        %dma_start3A_601 = tpu.memref_squeeze %dma_start3A_600 : memref<1x128x128xf32, #tpu.memory_space<vmem>> -> memref<128x128xf32, #tpu.memory_space<vmem>>
        %dma_start3A_602 = arith.constant 0 : i32
        %dma_start3A_603 = tpu.memref_slice %arg7[%add3A_478, %dma_start3A_602] : memref<80x128xi32, #tpu.memory_space<vmem>> -> memref<1x128xi32, #tpu.memory_space<vmem>>
        %dma_start3A_604 = tpu.memref_squeeze %dma_start3A_603 : memref<1x128xi32, #tpu.memory_space<vmem>> -> memref<128xi32, #tpu.memory_space<vmem>>
        %dma_start3A_605 = arith.constant 0 : i32
        %dma_start3A_606 = arith.constant 0 : i32
        %dma_start3A_607 = tpu.memref_slice %arg9[%dma_start3A_605, %dma_start3A_606] : memref<10240x128xf32, #tpu.memory_space<vmem_shared>> -> memref<10240x128xf32, #tpu.memory_space<vmem_shared>>
        tpu.enqueue_indirect_dma source(%dma_start3A_601 : memref<128x128xf32, #tpu.memory_space<vmem>>) target(%dma_start3A_607 : memref<10240x128xf32, #tpu.memory_space<vmem_shared>>) offsets(%dma_start3A_604 : memref<128xi32, #tpu.memory_space<vmem>>) semaphore(%run_scoped3A_597 : memref<!tpu.dma_semaphore, #tpu.memory_space<semaphore_mem>>) {add = true}
        %dma_wait3A_608 = arith.constant 0 : i32
        %dma_wait3A_609 = arith.constant 0 : i32
        %dma_wait3A_610 = tpu.memref_slice %arg8[%run_scoped3A_505, %dma_wait3A_608, %dma_wait3A_609] : memref<2x128x128xf32, #tpu.memory_space<vmem>> -> memref<1x128x128xf32, #tpu.memory_space<vmem>>
        %dma_wait3A_611 = tpu.memref_squeeze %dma_wait3A_610 : memref<1x128x128xf32, #tpu.memory_space<vmem>> -> memref<128x128xf32, #tpu.memory_space<vmem>>
        %dma_wait3A_612 = arith.constant 0 : i32
        %dma_wait3A_613 = tpu.memref_slice %arg7[%add3A_478, %dma_wait3A_612] : memref<80x128xi32, #tpu.memory_space<vmem>> -> memref<1x128xi32, #tpu.memory_space<vmem>>
        %dma_wait3A_614 = tpu.memref_squeeze %dma_wait3A_613 : memref<1x128xi32, #tpu.memory_space<vmem>> -> memref<128xi32, #tpu.memory_space<vmem>>
        %dma_wait3A_615 = arith.constant 0 : i32
        %dma_wait3A_616 = arith.constant 0 : i32
        %dma_wait3A_617 = tpu.memref_slice %arg9[%dma_wait3A_615, %dma_wait3A_616] : memref<10240x128xf32, #tpu.memory_space<vmem_shared>> -> memref<10240x128xf32, #tpu.memory_space<vmem_shared>>
        tpu.wait_indirect_dma semaphore(%run_scoped3A_597 : memref<!tpu.dma_semaphore, #tpu.memory_space<semaphore_mem>>) src(%dma_wait3A_611 : memref<128x128xf32, #tpu.memory_space<vmem>>) dst(%dma_wait3A_617 : memref<10240x128xf32, #tpu.memory_space<vmem_shared>>)
        tpu.yield
      }) : () -> ()
      %mul3A_506 = arith.constant 8 : i32
      %mul3A_507 = arith.muli %add3A_350, %mul3A_506 : i32
      %add3A_508 = arith.constant 5 : i32
      %add3A_509 = arith.addi %mul3A_507, %add3A_508 : i32
      %dma_wait3A_510 = arith.constant 1 : i32
      %dma_wait3A_511 = arith.constant 5 : i32
      %dma_wait3A_512 = arith.constant 1 : i32
      %dma_wait3A_513 = arith.constant 0 : i32
      %dma_wait3A_514 = arith.constant 0 : i32
      %dma_wait3A_515 = tpu.memref_slice %arg8[%dma_wait3A_512, %dma_wait3A_513, %dma_wait3A_514] : memref<2x128x128xf32, #tpu.memory_space<vmem>> -> memref<1x128x128xf32, #tpu.memory_space<vmem>>
      %dma_wait3A_516 = tpu.memref_squeeze %dma_wait3A_515 : memref<1x128x128xf32, #tpu.memory_space<vmem>> -> memref<128x128xf32, #tpu.memory_space<vmem>>
      %dma_wait3A_517 = arith.constant 0 : i32
      %dma_wait3A_518 = tpu.memref_slice %arg6[%dma_wait3A_510, %dma_wait3A_511, %dma_wait3A_517] : memref<2x8x128xi32, #tpu.memory_space<vmem>> -> memref<1x1x128xi32, #tpu.memory_space<vmem>>
      %dma_wait3A_519 = tpu.memref_squeeze %dma_wait3A_518 : memref<1x1x128xi32, #tpu.memory_space<vmem>> -> memref<128xi32, #tpu.memory_space<vmem>>
      %dma_wait3A_520 = arith.constant 0 : i32
      %dma_wait3A_521 = arith.constant 0 : i32
      %dma_wait3A_522 = tpu.memref_slice %arg2[%dma_wait3A_520, %dma_wait3A_521] : memref<10240x128xf32, #tpu.memory_space<hbm>> -> memref<10240x128xf32, #tpu.memory_space<hbm>>
      tpu.wait_indirect_dma semaphore(%arg10 : memref<!tpu.dma_semaphore, #tpu.memory_space<semaphore_mem>>) src(%dma_wait3A_522 : memref<10240x128xf32, #tpu.memory_space<hbm>>) dst(%dma_wait3A_516 : memref<128x128xf32, #tpu.memory_space<vmem>>)
      %dma_start3A_523 = arith.constant 1 : i32
      %dma_start3A_524 = arith.constant 6 : i32
      %dma_start3A_525 = arith.constant 0 : i32
      %dma_start3A_526 = arith.constant 0 : i32
      %dma_start3A_527 = arith.constant 0 : i32
      %dma_start3A_528 = tpu.memref_slice %arg8[%dma_start3A_525, %dma_start3A_526, %dma_start3A_527] : memref<2x128x128xf32, #tpu.memory_space<vmem>> -> memref<1x128x128xf32, #tpu.memory_space<vmem>>
      %dma_start3A_529 = tpu.memref_squeeze %dma_start3A_528 : memref<1x128x128xf32, #tpu.memory_space<vmem>> -> memref<128x128xf32, #tpu.memory_space<vmem>>
      %dma_start3A_530 = arith.constant 0 : i32
      %dma_start3A_531 = tpu.memref_slice %arg6[%dma_start3A_523, %dma_start3A_524, %dma_start3A_530] : memref<2x8x128xi32, #tpu.memory_space<vmem>> -> memref<1x1x128xi32, #tpu.memory_space<vmem>>
      %dma_start3A_532 = tpu.memref_squeeze %dma_start3A_531 : memref<1x1x128xi32, #tpu.memory_space<vmem>> -> memref<128xi32, #tpu.memory_space<vmem>>
      %dma_start3A_533 = arith.constant 0 : i32
      %dma_start3A_534 = arith.constant 0 : i32
      %dma_start3A_535 = tpu.memref_slice %arg2[%dma_start3A_533, %dma_start3A_534] : memref<10240x128xf32, #tpu.memory_space<hbm>> -> memref<10240x128xf32, #tpu.memory_space<hbm>>
      tpu.enqueue_indirect_dma source(%dma_start3A_535 : memref<10240x128xf32, #tpu.memory_space<hbm>>) target(%dma_start3A_529 : memref<128x128xf32, #tpu.memory_space<vmem>>) offsets(%dma_start3A_532 : memref<128xi32, #tpu.memory_space<vmem>>) semaphore(%arg10 : memref<!tpu.dma_semaphore, #tpu.memory_space<semaphore_mem>>)
      %run_scoped3A_536 = arith.constant 1 : i32
      "tpu.region"() ({
        %run_scoped3A_597 = tpu.sem_alloc : memref<!tpu.dma_semaphore, #tpu.memory_space<semaphore_mem>>
        %dma_start3A_598 = arith.constant 0 : i32
        %dma_start3A_599 = arith.constant 0 : i32
        %dma_start3A_600 = tpu.memref_slice %arg8[%run_scoped3A_536, %dma_start3A_598, %dma_start3A_599] : memref<2x128x128xf32, #tpu.memory_space<vmem>> -> memref<1x128x128xf32, #tpu.memory_space<vmem>>
        %dma_start3A_601 = tpu.memref_squeeze %dma_start3A_600 : memref<1x128x128xf32, #tpu.memory_space<vmem>> -> memref<128x128xf32, #tpu.memory_space<vmem>>
        %dma_start3A_602 = arith.constant 0 : i32
        %dma_start3A_603 = tpu.memref_slice %arg7[%add3A_509, %dma_start3A_602] : memref<80x128xi32, #tpu.memory_space<vmem>> -> memref<1x128xi32, #tpu.memory_space<vmem>>
        %dma_start3A_604 = tpu.memref_squeeze %dma_start3A_603 : memref<1x128xi32, #tpu.memory_space<vmem>> -> memref<128xi32, #tpu.memory_space<vmem>>
        %dma_start3A_605 = arith.constant 0 : i32
        %dma_start3A_606 = arith.constant 0 : i32
        %dma_start3A_607 = tpu.memref_slice %arg9[%dma_start3A_605, %dma_start3A_606] : memref<10240x128xf32, #tpu.memory_space<vmem_shared>> -> memref<10240x128xf32, #tpu.memory_space<vmem_shared>>
        tpu.enqueue_indirect_dma source(%dma_start3A_601 : memref<128x128xf32, #tpu.memory_space<vmem>>) target(%dma_start3A_607 : memref<10240x128xf32, #tpu.memory_space<vmem_shared>>) offsets(%dma_start3A_604 : memref<128xi32, #tpu.memory_space<vmem>>) semaphore(%run_scoped3A_597 : memref<!tpu.dma_semaphore, #tpu.memory_space<semaphore_mem>>) {add = true}
        %dma_wait3A_608 = arith.constant 0 : i32
        %dma_wait3A_609 = arith.constant 0 : i32
        %dma_wait3A_610 = tpu.memref_slice %arg8[%run_scoped3A_536, %dma_wait3A_608, %dma_wait3A_609] : memref<2x128x128xf32, #tpu.memory_space<vmem>> -> memref<1x128x128xf32, #tpu.memory_space<vmem>>
        %dma_wait3A_611 = tpu.memref_squeeze %dma_wait3A_610 : memref<1x128x128xf32, #tpu.memory_space<vmem>> -> memref<128x128xf32, #tpu.memory_space<vmem>>
        %dma_wait3A_612 = arith.constant 0 : i32
        %dma_wait3A_613 = tpu.memref_slice %arg7[%add3A_509, %dma_wait3A_612] : memref<80x128xi32, #tpu.memory_space<vmem>> -> memref<1x128xi32, #tpu.memory_space<vmem>>
        %dma_wait3A_614 = tpu.memref_squeeze %dma_wait3A_613 : memref<1x128xi32, #tpu.memory_space<vmem>> -> memref<128xi32, #tpu.memory_space<vmem>>
        %dma_wait3A_615 = arith.constant 0 : i32
        %dma_wait3A_616 = arith.constant 0 : i32
        %dma_wait3A_617 = tpu.memref_slice %arg9[%dma_wait3A_615, %dma_wait3A_616] : memref<10240x128xf32, #tpu.memory_space<vmem_shared>> -> memref<10240x128xf32, #tpu.memory_space<vmem_shared>>
        tpu.wait_indirect_dma semaphore(%run_scoped3A_597 : memref<!tpu.dma_semaphore, #tpu.memory_space<semaphore_mem>>) src(%dma_wait3A_611 : memref<128x128xf32, #tpu.memory_space<vmem>>) dst(%dma_wait3A_617 : memref<10240x128xf32, #tpu.memory_space<vmem_shared>>)
        tpu.yield
      }) : () -> ()
      %mul3A_537 = arith.constant 8 : i32
      %mul3A_538 = arith.muli %add3A_350, %mul3A_537 : i32
      %add3A_539 = arith.constant 6 : i32
      %add3A_540 = arith.addi %mul3A_538, %add3A_539 : i32
      %dma_wait3A_541 = arith.constant 1 : i32
      %dma_wait3A_542 = arith.constant 6 : i32
      %dma_wait3A_543 = arith.constant 0 : i32
      %dma_wait3A_544 = arith.constant 0 : i32
      %dma_wait3A_545 = arith.constant 0 : i32
      %dma_wait3A_546 = tpu.memref_slice %arg8[%dma_wait3A_543, %dma_wait3A_544, %dma_wait3A_545] : memref<2x128x128xf32, #tpu.memory_space<vmem>> -> memref<1x128x128xf32, #tpu.memory_space<vmem>>
      %dma_wait3A_547 = tpu.memref_squeeze %dma_wait3A_546 : memref<1x128x128xf32, #tpu.memory_space<vmem>> -> memref<128x128xf32, #tpu.memory_space<vmem>>
      %dma_wait3A_548 = arith.constant 0 : i32
      %dma_wait3A_549 = tpu.memref_slice %arg6[%dma_wait3A_541, %dma_wait3A_542, %dma_wait3A_548] : memref<2x8x128xi32, #tpu.memory_space<vmem>> -> memref<1x1x128xi32, #tpu.memory_space<vmem>>
      %dma_wait3A_550 = tpu.memref_squeeze %dma_wait3A_549 : memref<1x1x128xi32, #tpu.memory_space<vmem>> -> memref<128xi32, #tpu.memory_space<vmem>>
      %dma_wait3A_551 = arith.constant 0 : i32
      %dma_wait3A_552 = arith.constant 0 : i32
      %dma_wait3A_553 = tpu.memref_slice %arg2[%dma_wait3A_551, %dma_wait3A_552] : memref<10240x128xf32, #tpu.memory_space<hbm>> -> memref<10240x128xf32, #tpu.memory_space<hbm>>
      tpu.wait_indirect_dma semaphore(%arg10 : memref<!tpu.dma_semaphore, #tpu.memory_space<semaphore_mem>>) src(%dma_wait3A_553 : memref<10240x128xf32, #tpu.memory_space<hbm>>) dst(%dma_wait3A_547 : memref<128x128xf32, #tpu.memory_space<vmem>>)
      %dma_start3A_554 = arith.constant 1 : i32
      %dma_start3A_555 = arith.constant 7 : i32
      %dma_start3A_556 = arith.constant 1 : i32
      %dma_start3A_557 = arith.constant 0 : i32
      %dma_start3A_558 = arith.constant 0 : i32
      %dma_start3A_559 = tpu.memref_slice %arg8[%dma_start3A_556, %dma_start3A_557, %dma_start3A_558] : memref<2x128x128xf32, #tpu.memory_space<vmem>> -> memref<1x128x128xf32, #tpu.memory_space<vmem>>
      %dma_start3A_560 = tpu.memref_squeeze %dma_start3A_559 : memref<1x128x128xf32, #tpu.memory_space<vmem>> -> memref<128x128xf32, #tpu.memory_space<vmem>>
      %dma_start3A_561 = arith.constant 0 : i32
      %dma_start3A_562 = tpu.memref_slice %arg6[%dma_start3A_554, %dma_start3A_555, %dma_start3A_561] : memref<2x8x128xi32, #tpu.memory_space<vmem>> -> memref<1x1x128xi32, #tpu.memory_space<vmem>>
      %dma_start3A_563 = tpu.memref_squeeze %dma_start3A_562 : memref<1x1x128xi32, #tpu.memory_space<vmem>> -> memref<128xi32, #tpu.memory_space<vmem>>
      %dma_start3A_564 = arith.constant 0 : i32
      %dma_start3A_565 = arith.constant 0 : i32
      %dma_start3A_566 = tpu.memref_slice %arg2[%dma_start3A_564, %dma_start3A_565] : memref<10240x128xf32, #tpu.memory_space<hbm>> -> memref<10240x128xf32, #tpu.memory_space<hbm>>
      tpu.enqueue_indirect_dma source(%dma_start3A_566 : memref<10240x128xf32, #tpu.memory_space<hbm>>) target(%dma_start3A_560 : memref<128x128xf32, #tpu.memory_space<vmem>>) offsets(%dma_start3A_563 : memref<128xi32, #tpu.memory_space<vmem>>) semaphore(%arg10 : memref<!tpu.dma_semaphore, #tpu.memory_space<semaphore_mem>>)
      %run_scoped3A_567 = arith.constant 0 : i32
      "tpu.region"() ({
        %run_scoped3A_597 = tpu.sem_alloc : memref<!tpu.dma_semaphore, #tpu.memory_space<semaphore_mem>>
        %dma_start3A_598 = arith.constant 0 : i32
        %dma_start3A_599 = arith.constant 0 : i32
        %dma_start3A_600 = tpu.memref_slice %arg8[%run_scoped3A_567, %dma_start3A_598, %dma_start3A_599] : memref<2x128x128xf32, #tpu.memory_space<vmem>> -> memref<1x128x128xf32, #tpu.memory_space<vmem>>
        %dma_start3A_601 = tpu.memref_squeeze %dma_start3A_600 : memref<1x128x128xf32, #tpu.memory_space<vmem>> -> memref<128x128xf32, #tpu.memory_space<vmem>>
        %dma_start3A_602 = arith.constant 0 : i32
        %dma_start3A_603 = tpu.memref_slice %arg7[%add3A_540, %dma_start3A_602] : memref<80x128xi32, #tpu.memory_space<vmem>> -> memref<1x128xi32, #tpu.memory_space<vmem>>
        %dma_start3A_604 = tpu.memref_squeeze %dma_start3A_603 : memref<1x128xi32, #tpu.memory_space<vmem>> -> memref<128xi32, #tpu.memory_space<vmem>>
        %dma_start3A_605 = arith.constant 0 : i32
        %dma_start3A_606 = arith.constant 0 : i32
        %dma_start3A_607 = tpu.memref_slice %arg9[%dma_start3A_605, %dma_start3A_606] : memref<10240x128xf32, #tpu.memory_space<vmem_shared>> -> memref<10240x128xf32, #tpu.memory_space<vmem_shared>>
        tpu.enqueue_indirect_dma source(%dma_start3A_601 : memref<128x128xf32, #tpu.memory_space<vmem>>) target(%dma_start3A_607 : memref<10240x128xf32, #tpu.memory_space<vmem_shared>>) offsets(%dma_start3A_604 : memref<128xi32, #tpu.memory_space<vmem>>) semaphore(%run_scoped3A_597 : memref<!tpu.dma_semaphore, #tpu.memory_space<semaphore_mem>>) {add = true}
        %dma_wait3A_608 = arith.constant 0 : i32
        %dma_wait3A_609 = arith.constant 0 : i32
        %dma_wait3A_610 = tpu.memref_slice %arg8[%run_scoped3A_567, %dma_wait3A_608, %dma_wait3A_609] : memref<2x128x128xf32, #tpu.memory_space<vmem>> -> memref<1x128x128xf32, #tpu.memory_space<vmem>>
        %dma_wait3A_611 = tpu.memref_squeeze %dma_wait3A_610 : memref<1x128x128xf32, #tpu.memory_space<vmem>> -> memref<128x128xf32, #tpu.memory_space<vmem>>
        %dma_wait3A_612 = arith.constant 0 : i32
        %dma_wait3A_613 = tpu.memref_slice %arg7[%add3A_540, %dma_wait3A_612] : memref<80x128xi32, #tpu.memory_space<vmem>> -> memref<1x128xi32, #tpu.memory_space<vmem>>
        %dma_wait3A_614 = tpu.memref_squeeze %dma_wait3A_613 : memref<1x128xi32, #tpu.memory_space<vmem>> -> memref<128xi32, #tpu.memory_space<vmem>>
        %dma_wait3A_615 = arith.constant 0 : i32
        %dma_wait3A_616 = arith.constant 0 : i32
        %dma_wait3A_617 = tpu.memref_slice %arg9[%dma_wait3A_615, %dma_wait3A_616] : memref<10240x128xf32, #tpu.memory_space<vmem_shared>> -> memref<10240x128xf32, #tpu.memory_space<vmem_shared>>
        tpu.wait_indirect_dma semaphore(%run_scoped3A_597 : memref<!tpu.dma_semaphore, #tpu.memory_space<semaphore_mem>>) src(%dma_wait3A_611 : memref<128x128xf32, #tpu.memory_space<vmem>>) dst(%dma_wait3A_617 : memref<10240x128xf32, #tpu.memory_space<vmem_shared>>)
        tpu.yield
      }) : () -> ()
      %mul3A_568 = arith.constant 8 : i32
      %mul3A_569 = arith.muli %add3A_350, %mul3A_568 : i32
      %add3A_570 = arith.constant 7 : i32
      %add3A_571 = arith.addi %mul3A_569, %add3A_570 : i32
      %dma_wait3A_572 = arith.constant 1 : i32
      %dma_wait3A_573 = arith.constant 7 : i32
      %dma_wait3A_574 = arith.constant 1 : i32
      %dma_wait3A_575 = arith.constant 0 : i32
      %dma_wait3A_576 = arith.constant 0 : i32
      %dma_wait3A_577 = tpu.memref_slice %arg8[%dma_wait3A_574, %dma_wait3A_575, %dma_wait3A_576] : memref<2x128x128xf32, #tpu.memory_space<vmem>> -> memref<1x128x128xf32, #tpu.memory_space<vmem>>
      %dma_wait3A_578 = tpu.memref_squeeze %dma_wait3A_577 : memref<1x128x128xf32, #tpu.memory_space<vmem>> -> memref<128x128xf32, #tpu.memory_space<vmem>>
      %dma_wait3A_579 = arith.constant 0 : i32
      %dma_wait3A_580 = tpu.memref_slice %arg6[%dma_wait3A_572, %dma_wait3A_573, %dma_wait3A_579] : memref<2x8x128xi32, #tpu.memory_space<vmem>> -> memref<1x1x128xi32, #tpu.memory_space<vmem>>
      %dma_wait3A_581 = tpu.memref_squeeze %dma_wait3A_580 : memref<1x1x128xi32, #tpu.memory_space<vmem>> -> memref<128xi32, #tpu.memory_space<vmem>>
      %dma_wait3A_582 = arith.constant 0 : i32
      %dma_wait3A_583 = arith.constant 0 : i32
      %dma_wait3A_584 = tpu.memref_slice %arg2[%dma_wait3A_582, %dma_wait3A_583] : memref<10240x128xf32, #tpu.memory_space<hbm>> -> memref<10240x128xf32, #tpu.memory_space<hbm>>
      tpu.wait_indirect_dma semaphore(%arg10 : memref<!tpu.dma_semaphore, #tpu.memory_space<semaphore_mem>>) src(%dma_wait3A_584 : memref<10240x128xf32, #tpu.memory_space<hbm>>) dst(%dma_wait3A_578 : memref<128x128xf32, #tpu.memory_space<vmem>>)
      %lt3A_585 = arith.constant 9 : i32
      %lt3A_586 = arith.cmpi slt, %add3A_350, %lt3A_585 : i32
      %convert_element_type3A_587 = arith.extui %lt3A_586 : i1 to i32
      %cond3A_588 = arith.constant 0 : i32
      %cond3A_589 = arith.cmpi ne, %convert_element_type3A_587, %cond3A_588 : i32
      scf.if %cond3A_589 {
        %dma_wait3A_597 = arith.constant 0 : i32
        %dma_wait3A_598 = arith.constant 0 : i32
        %dma_wait3A_599 = arith.constant 0 : i32
        %dma_wait3A_600 = arith.constant 0 : i32
        %dma_wait3A_601 = tpu.memref_slice %arg6[%dma_wait3A_598, %dma_wait3A_599, %dma_wait3A_600] : memref<2x8x128xi32, #tpu.memory_space<vmem>> -> memref<1x8x128xi32, #tpu.memory_space<vmem>>
        %dma_wait3A_602 = tpu.memref_squeeze %dma_wait3A_601 : memref<1x8x128xi32, #tpu.memory_space<vmem>> -> memref<8x128xi32, #tpu.memory_space<vmem>>
        %dma_wait3A_603 = arith.constant 0 : i32
        %dma_wait3A_604 = arith.constant 0 : i32
        %dma_wait3A_605 = tpu.memref_slice %arg3[%add3A, %dma_wait3A_597, %dma_wait3A_603, %dma_wait3A_604] : memref<32x10x8x128xi32, #tpu.memory_space<hbm>> -> memref<1x1x8x128xi32, #tpu.memory_space<hbm>>
        %dma_wait3A_606 = tpu.memref_squeeze %dma_wait3A_605 : memref<1x1x8x128xi32, #tpu.memory_space<hbm>> -> memref<8x128xi32, #tpu.memory_space<hbm>>
        %dma_wait3A_607 = arith.constant 0 : i32
        %dma_wait3A_608 = arith.constant 0 : i32
        %dma_wait3A_609 = tpu.memref_slice %arg6[%dma_wait3A_598, %dma_wait3A_607, %dma_wait3A_608] : memref<2x8x128xi32, #tpu.memory_space<vmem>> -> memref<1x8x128xi32, #tpu.memory_space<vmem>>
        %dma_wait3A_610 = tpu.memref_squeeze %dma_wait3A_609 : memref<1x8x128xi32, #tpu.memory_space<vmem>> -> memref<8x128xi32, #tpu.memory_space<vmem>>
        %dma_wait3A_611 = arith.constant 0 : i32
        %dma_wait3A_612 = arith.constant 0 : i32
        %dma_wait3A_613 = tpu.memref_slice %arg3[%add3A, %dma_wait3A_597, %dma_wait3A_611, %dma_wait3A_612] : memref<32x10x8x128xi32, #tpu.memory_space<hbm>> -> memref<1x1x8x128xi32, #tpu.memory_space<hbm>>
        %dma_wait3A_614 = tpu.memref_squeeze %dma_wait3A_613 : memref<1x1x8x128xi32, #tpu.memory_space<hbm>> -> memref<8x128xi32, #tpu.memory_space<hbm>>
        tpu.wait_dma2 semaphore(%arg11 : memref<!tpu.dma_semaphore, #tpu.memory_space<semaphore_mem>>) src(%dma_wait3A_614 : memref<8x128xi32, #tpu.memory_space<hbm>>) dst(%dma_wait3A_610 : memref<8x128xi32, #tpu.memory_space<vmem>>)
        %dma_start3A_615 = arith.constant 0 : i32
        %dma_start3A_616 = arith.constant 0 : i32
        %dma_start3A_617 = arith.constant 0 : i32
        %dma_start3A_618 = arith.constant 0 : i32
        %dma_start3A_619 = arith.constant 0 : i32
        %dma_start3A_620 = tpu.memref_slice %arg8[%dma_start3A_617, %dma_start3A_618, %dma_start3A_619] : memref<2x128x128xf32, #tpu.memory_space<vmem>> -> memref<1x128x128xf32, #tpu.memory_space<vmem>>
        %dma_start3A_621 = tpu.memref_squeeze %dma_start3A_620 : memref<1x128x128xf32, #tpu.memory_space<vmem>> -> memref<128x128xf32, #tpu.memory_space<vmem>>
        %dma_start3A_622 = arith.constant 0 : i32
        %dma_start3A_623 = tpu.memref_slice %arg6[%dma_start3A_615, %dma_start3A_616, %dma_start3A_622] : memref<2x8x128xi32, #tpu.memory_space<vmem>> -> memref<1x1x128xi32, #tpu.memory_space<vmem>>
        %dma_start3A_624 = tpu.memref_squeeze %dma_start3A_623 : memref<1x1x128xi32, #tpu.memory_space<vmem>> -> memref<128xi32, #tpu.memory_space<vmem>>
        %dma_start3A_625 = arith.constant 0 : i32
        %dma_start3A_626 = arith.constant 0 : i32
        %dma_start3A_627 = tpu.memref_slice %arg2[%dma_start3A_625, %dma_start3A_626] : memref<10240x128xf32, #tpu.memory_space<hbm>> -> memref<10240x128xf32, #tpu.memory_space<hbm>>
        tpu.enqueue_indirect_dma source(%dma_start3A_627 : memref<10240x128xf32, #tpu.memory_space<hbm>>) target(%dma_start3A_621 : memref<128x128xf32, #tpu.memory_space<vmem>>) offsets(%dma_start3A_624 : memref<128xi32, #tpu.memory_space<vmem>>) semaphore(%arg10 : memref<!tpu.dma_semaphore, #tpu.memory_space<semaphore_mem>>)
      } else {
      }
      %lt3A_590 = arith.constant 8 : i32
      %lt3A_591 = arith.cmpi slt, %add3A_350, %lt3A_590 : i32
      %convert_element_type3A_592 = arith.extui %lt3A_591 : i1 to i32
      %cond3A_593 = arith.constant 0 : i32
      %cond3A_594 = arith.cmpi ne, %convert_element_type3A_592, %cond3A_593 : i32
      scf.if %cond3A_594 {
        %add3A_597 = arith.constant 2 : i32
        %add3A_598 = arith.addi %add3A_350, %add3A_597 : i32
        %dma_start3A_599 = arith.constant 1 : i32
        %dma_start3A_600 = arith.constant 0 : i32
        %dma_start3A_601 = arith.constant 0 : i32
        %dma_start3A_602 = tpu.memref_slice %arg6[%dma_start3A_599, %dma_start3A_600, %dma_start3A_601] : memref<2x8x128xi32, #tpu.memory_space<vmem>> -> memref<1x8x128xi32, #tpu.memory_space<vmem>>
        %dma_start3A_603 = tpu.memref_squeeze %dma_start3A_602 : memref<1x8x128xi32, #tpu.memory_space<vmem>> -> memref<8x128xi32, #tpu.memory_space<vmem>>
        %dma_start3A_604 = arith.constant 0 : i32
        %dma_start3A_605 = arith.constant 0 : i32
        %dma_start3A_606 = tpu.memref_slice %arg3[%add3A, %add3A_598, %dma_start3A_604, %dma_start3A_605] : memref<32x10x8x128xi32, #tpu.memory_space<hbm>> -> memref<1x1x8x128xi32, #tpu.memory_space<hbm>>
        %dma_start3A_607 = tpu.memref_squeeze %dma_start3A_606 : memref<1x1x8x128xi32, #tpu.memory_space<hbm>> -> memref<8x128xi32, #tpu.memory_space<hbm>>
        %dma_start3A_608 = arith.constant 0 : i32
        %dma_start3A_609 = arith.constant 0 : i32
        %dma_start3A_610 = tpu.memref_slice %arg6[%dma_start3A_599, %dma_start3A_608, %dma_start3A_609] : memref<2x8x128xi32, #tpu.memory_space<vmem>> -> memref<1x8x128xi32, #tpu.memory_space<vmem>>
        %dma_start3A_611 = tpu.memref_squeeze %dma_start3A_610 : memref<1x8x128xi32, #tpu.memory_space<vmem>> -> memref<8x128xi32, #tpu.memory_space<vmem>>
        %dma_start3A_612 = arith.constant 0 : i32
        %dma_start3A_613 = arith.constant 0 : i32
        %dma_start3A_614 = tpu.memref_slice %arg3[%add3A, %add3A_598, %dma_start3A_612, %dma_start3A_613] : memref<32x10x8x128xi32, #tpu.memory_space<hbm>> -> memref<1x1x8x128xi32, #tpu.memory_space<hbm>>
        %dma_start3A_615 = tpu.memref_squeeze %dma_start3A_614 : memref<1x1x8x128xi32, #tpu.memory_space<hbm>> -> memref<8x128xi32, #tpu.memory_space<hbm>>
        tpu.enqueue_dma source(%dma_start3A_615 : memref<8x128xi32, #tpu.memory_space<hbm>>) target(%dma_start3A_611 : memref<8x128xi32, #tpu.memory_space<vmem>>) target_semaphore(%arg11 : memref<!tpu.dma_semaphore, #tpu.memory_space<semaphore_mem>>)
      } else {
      }
      %run_scoped3A_595 = arith.constant 1 : i32
      "tpu.region"() ({
        %run_scoped3A_597 = tpu.sem_alloc : memref<!tpu.dma_semaphore, #tpu.memory_space<semaphore_mem>>
        %dma_start3A_598 = arith.constant 0 : i32
        %dma_start3A_599 = arith.constant 0 : i32
        %dma_start3A_600 = tpu.memref_slice %arg8[%run_scoped3A_595, %dma_start3A_598, %dma_start3A_599] : memref<2x128x128xf32, #tpu.memory_space<vmem>> -> memref<1x128x128xf32, #tpu.memory_space<vmem>>
        %dma_start3A_601 = tpu.memref_squeeze %dma_start3A_600 : memref<1x128x128xf32, #tpu.memory_space<vmem>> -> memref<128x128xf32, #tpu.memory_space<vmem>>
        %dma_start3A_602 = arith.constant 0 : i32
        %dma_start3A_603 = tpu.memref_slice %arg7[%add3A_571, %dma_start3A_602] : memref<80x128xi32, #tpu.memory_space<vmem>> -> memref<1x128xi32, #tpu.memory_space<vmem>>
        %dma_start3A_604 = tpu.memref_squeeze %dma_start3A_603 : memref<1x128xi32, #tpu.memory_space<vmem>> -> memref<128xi32, #tpu.memory_space<vmem>>
        %dma_start3A_605 = arith.constant 0 : i32
        %dma_start3A_606 = arith.constant 0 : i32
        %dma_start3A_607 = tpu.memref_slice %arg9[%dma_start3A_605, %dma_start3A_606] : memref<10240x128xf32, #tpu.memory_space<vmem_shared>> -> memref<10240x128xf32, #tpu.memory_space<vmem_shared>>
        tpu.enqueue_indirect_dma source(%dma_start3A_601 : memref<128x128xf32, #tpu.memory_space<vmem>>) target(%dma_start3A_607 : memref<10240x128xf32, #tpu.memory_space<vmem_shared>>) offsets(%dma_start3A_604 : memref<128xi32, #tpu.memory_space<vmem>>) semaphore(%run_scoped3A_597 : memref<!tpu.dma_semaphore, #tpu.memory_space<semaphore_mem>>) {add = true}
        %dma_wait3A_608 = arith.constant 0 : i32
        %dma_wait3A_609 = arith.constant 0 : i32
        %dma_wait3A_610 = tpu.memref_slice %arg8[%run_scoped3A_595, %dma_wait3A_608, %dma_wait3A_609] : memref<2x128x128xf32, #tpu.memory_space<vmem>> -> memref<1x128x128xf32, #tpu.memory_space<vmem>>
        %dma_wait3A_611 = tpu.memref_squeeze %dma_wait3A_610 : memref<1x128x128xf32, #tpu.memory_space<vmem>> -> memref<128x128xf32, #tpu.memory_space<vmem>>
        %dma_wait3A_612 = arith.constant 0 : i32
        %dma_wait3A_613 = tpu.memref_slice %arg7[%add3A_571, %dma_wait3A_612] : memref<80x128xi32, #tpu.memory_space<vmem>> -> memref<1x128xi32, #tpu.memory_space<vmem>>
        %dma_wait3A_614 = tpu.memref_squeeze %dma_wait3A_613 : memref<1x128xi32, #tpu.memory_space<vmem>> -> memref<128xi32, #tpu.memory_space<vmem>>
        %dma_wait3A_615 = arith.constant 0 : i32
        %dma_wait3A_616 = arith.constant 0 : i32
        %dma_wait3A_617 = tpu.memref_slice %arg9[%dma_wait3A_615, %dma_wait3A_616] : memref<10240x128xf32, #tpu.memory_space<vmem_shared>> -> memref<10240x128xf32, #tpu.memory_space<vmem_shared>>
        tpu.wait_indirect_dma semaphore(%run_scoped3A_597 : memref<!tpu.dma_semaphore, #tpu.memory_space<semaphore_mem>>) src(%dma_wait3A_611 : memref<128x128xf32, #tpu.memory_space<vmem>>) dst(%dma_wait3A_617 : memref<10240x128xf32, #tpu.memory_space<vmem_shared>>)
        tpu.yield
      }) : () -> ()
      %scan3A_596 = arith.constant 0 : i32
      scf.yield %scan3A_596 : i32
    }
    %scan3A_70 = arith.constant 5 : i32
    %barrier3A_71 = arith.constant 0 : index
    tpu.barrier barrier_id(%barrier3A_71)
    %mul3A_72 = arith.constant 640 : i32
    %mul3A_73 = arith.muli %arg1, %mul3A_72 : i32
    %add3A_74 = arith.constant 0 : i32
    %add3A_75 = arith.addi %mul3A_73, %add3A_74 : i32
    %run_scoped3A_76 = arith.constant 0 : i32
    "tpu.region"() ({
      %run_scoped3A_102 = tpu.sem_alloc : memref<!tpu.dma_semaphore, #tpu.memory_space<semaphore_mem>>
      %dma_start3A_103 = arith.constant 0 : i32
      %dma_start3A_104 = arith.constant 0 : i32
      %dma_start3A_105 = tpu.memref_slice %arg8[%run_scoped3A_76, %dma_start3A_103, %dma_start3A_104] : memref<2x128x128xf32, #tpu.memory_space<vmem>> -> memref<1x128x128xf32, #tpu.memory_space<vmem>>
      %dma_start3A_106 = tpu.memref_squeeze %dma_start3A_105 : memref<1x128x128xf32, #tpu.memory_space<vmem>> -> memref<128x128xf32, #tpu.memory_space<vmem>>
      %dma_start3A_107 = arith.constant 0 : i32
      %dma_start3A_108 = tpu.memref_slice %arg9[%add3A_75, %dma_start3A_107] : memref<10240x128xf32, #tpu.memory_space<vmem_shared>> -> memref<128x128xf32, #tpu.memory_space<vmem_shared>>
      %dma_start3A_109 = arith.constant 0 : i32
      %dma_start3A_110 = arith.constant 0 : i32
      %dma_start3A_111 = tpu.memref_slice %arg8[%run_scoped3A_76, %dma_start3A_109, %dma_start3A_110] : memref<2x128x128xf32, #tpu.memory_space<vmem>> -> memref<1x128x128xf32, #tpu.memory_space<vmem>>
      %dma_start3A_112 = tpu.memref_squeeze %dma_start3A_111 : memref<1x128x128xf32, #tpu.memory_space<vmem>> -> memref<128x128xf32, #tpu.memory_space<vmem>>
      %dma_start3A_113 = arith.constant 0 : i32
      %dma_start3A_114 = tpu.memref_slice %arg9[%add3A_75, %dma_start3A_113] : memref<10240x128xf32, #tpu.memory_space<vmem_shared>> -> memref<128x128xf32, #tpu.memory_space<vmem_shared>>
      tpu.enqueue_dma source(%dma_start3A_114 : memref<128x128xf32, #tpu.memory_space<vmem_shared>>) target(%dma_start3A_112 : memref<128x128xf32, #tpu.memory_space<vmem>>) target_semaphore(%run_scoped3A_102 : memref<!tpu.dma_semaphore, #tpu.memory_space<semaphore_mem>>)
      %dma_wait3A = arith.constant 0 : i32
      %dma_wait3A_115 = arith.constant 0 : i32
      %dma_wait3A_116 = tpu.memref_slice %arg8[%run_scoped3A_76, %dma_wait3A, %dma_wait3A_115] : memref<2x128x128xf32, #tpu.memory_space<vmem>> -> memref<1x128x128xf32, #tpu.memory_space<vmem>>
      %dma_wait3A_117 = tpu.memref_squeeze %dma_wait3A_116 : memref<1x128x128xf32, #tpu.memory_space<vmem>> -> memref<128x128xf32, #tpu.memory_space<vmem>>
      %dma_wait3A_118 = arith.constant 0 : i32
      %dma_wait3A_119 = tpu.memref_slice %arg9[%add3A_75, %dma_wait3A_118] : memref<10240x128xf32, #tpu.memory_space<vmem_shared>> -> memref<128x128xf32, #tpu.memory_space<vmem_shared>>
      %dma_wait3A_120 = arith.constant 0 : i32
      %dma_wait3A_121 = arith.constant 0 : i32
      %dma_wait3A_122 = tpu.memref_slice %arg8[%run_scoped3A_76, %dma_wait3A_120, %dma_wait3A_121] : memref<2x128x128xf32, #tpu.memory_space<vmem>> -> memref<1x128x128xf32, #tpu.memory_space<vmem>>
      %dma_wait3A_123 = tpu.memref_squeeze %dma_wait3A_122 : memref<1x128x128xf32, #tpu.memory_space<vmem>> -> memref<128x128xf32, #tpu.memory_space<vmem>>
      %dma_wait3A_124 = arith.constant 0 : i32
      %dma_wait3A_125 = tpu.memref_slice %arg9[%add3A_75, %dma_wait3A_124] : memref<10240x128xf32, #tpu.memory_space<vmem_shared>> -> memref<128x128xf32, #tpu.memory_space<vmem_shared>>
      tpu.wait_dma2 semaphore(%run_scoped3A_102 : memref<!tpu.dma_semaphore, #tpu.memory_space<semaphore_mem>>) src(%dma_wait3A_125 : memref<128x128xf32, #tpu.memory_space<vmem_shared>>) dst(%dma_wait3A_123 : memref<128x128xf32, #tpu.memory_space<vmem>>)
      tpu.yield
    }) : () -> ()
    %run_scoped3A_77 = arith.constant 0 : i32
    "tpu.region"() ({
      %run_scoped3A_102 = tpu.sem_alloc : memref<!tpu.dma_semaphore, #tpu.memory_space<semaphore_mem>>
      %dma_start3A_103 = arith.constant 0 : i32
      %dma_start3A_104 = arith.constant 0 : i32
      %dma_start3A_105 = tpu.memref_slice %arg8[%run_scoped3A_77, %dma_start3A_103, %dma_start3A_104] : memref<2x128x128xf32, #tpu.memory_space<vmem>> -> memref<1x128x128xf32, #tpu.memory_space<vmem>>
      %dma_start3A_106 = tpu.memref_squeeze %dma_start3A_105 : memref<1x128x128xf32, #tpu.memory_space<vmem>> -> memref<128x128xf32, #tpu.memory_space<vmem>>
      %dma_start3A_107 = arith.constant 0 : i32
      %dma_start3A_108 = tpu.memref_slice %arg5[%arg0, %add3A_75, %dma_start3A_107] : memref<2x10240x128xf32, #tpu.memory_space<hbm>> -> memref<1x128x128xf32, #tpu.memory_space<hbm>>
      %dma_start3A_109 = tpu.memref_squeeze %dma_start3A_108 : memref<1x128x128xf32, #tpu.memory_space<hbm>> -> memref<128x128xf32, #tpu.memory_space<hbm>>
      %dma_start3A_110 = arith.constant 0 : i32
      %dma_start3A_111 = tpu.memref_slice %arg5[%arg0, %add3A_75, %dma_start3A_110] : memref<2x10240x128xf32, #tpu.memory_space<hbm>> -> memref<1x128x128xf32, #tpu.memory_space<hbm>>
      %dma_start3A_112 = tpu.memref_squeeze %dma_start3A_111 : memref<1x128x128xf32, #tpu.memory_space<hbm>> -> memref<128x128xf32, #tpu.memory_space<hbm>>
      %dma_start3A_113 = arith.constant 0 : i32
      %dma_start3A_114 = arith.constant 0 : i32
      %dma_start3A_115 = tpu.memref_slice %arg8[%run_scoped3A_77, %dma_start3A_113, %dma_start3A_114] : memref<2x128x128xf32, #tpu.memory_space<vmem>> -> memref<1x128x128xf32, #tpu.memory_space<vmem>>
      %dma_start3A_116 = tpu.memref_squeeze %dma_start3A_115 : memref<1x128x128xf32, #tpu.memory_space<vmem>> -> memref<128x128xf32, #tpu.memory_space<vmem>>
      tpu.enqueue_dma source(%dma_start3A_116 : memref<128x128xf32, #tpu.memory_space<vmem>>) target(%dma_start3A_112 : memref<128x128xf32, #tpu.memory_space<hbm>>) target_semaphore(%run_scoped3A_102 : memref<!tpu.dma_semaphore, #tpu.memory_space<semaphore_mem>>)
      %dma_wait3A = arith.constant 0 : i32
      %dma_wait3A_117 = arith.constant 0 : i32
      %dma_wait3A_118 = tpu.memref_slice %arg8[%run_scoped3A_77, %dma_wait3A, %dma_wait3A_117] : memref<2x128x128xf32, #tpu.memory_space<vmem>> -> memref<1x128x128xf32, #tpu.memory_space<vmem>>
      %dma_wait3A_119 = tpu.memref_squeeze %dma_wait3A_118 : memref<1x128x128xf32, #tpu.memory_space<vmem>> -> memref<128x128xf32, #tpu.memory_space<vmem>>
      %dma_wait3A_120 = arith.constant 0 : i32
      %dma_wait3A_121 = tpu.memref_slice %arg5[%arg0, %add3A_75, %dma_wait3A_120] : memref<2x10240x128xf32, #tpu.memory_space<hbm>> -> memref<1x128x128xf32, #tpu.memory_space<hbm>>
      %dma_wait3A_122 = tpu.memref_squeeze %dma_wait3A_121 : memref<1x128x128xf32, #tpu.memory_space<hbm>> -> memref<128x128xf32, #tpu.memory_space<hbm>>
      %dma_wait3A_123 = arith.constant 0 : i32
      %dma_wait3A_124 = tpu.memref_slice %arg5[%arg0, %add3A_75, %dma_wait3A_123] : memref<2x10240x128xf32, #tpu.memory_space<hbm>> -> memref<1x128x128xf32, #tpu.memory_space<hbm>>
      %dma_wait3A_125 = tpu.memref_squeeze %dma_wait3A_124 : memref<1x128x128xf32, #tpu.memory_space<hbm>> -> memref<128x128xf32, #tpu.memory_space<hbm>>
      %dma_wait3A_126 = arith.constant 0 : i32
      %dma_wait3A_127 = arith.constant 0 : i32
      %dma_wait3A_128 = tpu.memref_slice %arg8[%run_scoped3A_77, %dma_wait3A_126, %dma_wait3A_127] : memref<2x128x128xf32, #tpu.memory_space<vmem>> -> memref<1x128x128xf32, #tpu.memory_space<vmem>>
      %dma_wait3A_129 = tpu.memref_squeeze %dma_wait3A_128 : memref<1x128x128xf32, #tpu.memory_space<vmem>> -> memref<128x128xf32, #tpu.memory_space<vmem>>
      tpu.wait_dma2 semaphore(%run_scoped3A_102 : memref<!tpu.dma_semaphore, #tpu.memory_space<semaphore_mem>>) src(%dma_wait3A_129 : memref<128x128xf32, #tpu.memory_space<vmem>>) dst(%dma_wait3A_125 : memref<128x128xf32, #tpu.memory_space<hbm>>)
      tpu.yield
    }) : () -> ()
    %mul3A_78 = arith.constant 640 : i32
    %mul3A_79 = arith.muli %arg1, %mul3A_78 : i32
    %add3A_80 = arith.constant 128 : i32
    %add3A_81 = arith.addi %mul3A_79, %add3A_80 : i32
    %run_scoped3A_82 = arith.constant 0 : i32
    "tpu.region"() ({
      %run_scoped3A_102 = tpu.sem_alloc : memref<!tpu.dma_semaphore, #tpu.memory_space<semaphore_mem>>
      %dma_start3A_103 = arith.constant 0 : i32
      %dma_start3A_104 = arith.constant 0 : i32
      %dma_start3A_105 = tpu.memref_slice %arg8[%run_scoped3A_82, %dma_start3A_103, %dma_start3A_104] : memref<2x128x128xf32, #tpu.memory_space<vmem>> -> memref<1x128x128xf32, #tpu.memory_space<vmem>>
      %dma_start3A_106 = tpu.memref_squeeze %dma_start3A_105 : memref<1x128x128xf32, #tpu.memory_space<vmem>> -> memref<128x128xf32, #tpu.memory_space<vmem>>
      %dma_start3A_107 = arith.constant 0 : i32
      %dma_start3A_108 = tpu.memref_slice %arg9[%add3A_81, %dma_start3A_107] : memref<10240x128xf32, #tpu.memory_space<vmem_shared>> -> memref<128x128xf32, #tpu.memory_space<vmem_shared>>
      %dma_start3A_109 = arith.constant 0 : i32
      %dma_start3A_110 = arith.constant 0 : i32
      %dma_start3A_111 = tpu.memref_slice %arg8[%run_scoped3A_82, %dma_start3A_109, %dma_start3A_110] : memref<2x128x128xf32, #tpu.memory_space<vmem>> -> memref<1x128x128xf32, #tpu.memory_space<vmem>>
      %dma_start3A_112 = tpu.memref_squeeze %dma_start3A_111 : memref<1x128x128xf32, #tpu.memory_space<vmem>> -> memref<128x128xf32, #tpu.memory_space<vmem>>
      %dma_start3A_113 = arith.constant 0 : i32
      %dma_start3A_114 = tpu.memref_slice %arg9[%add3A_81, %dma_start3A_113] : memref<10240x128xf32, #tpu.memory_space<vmem_shared>> -> memref<128x128xf32, #tpu.memory_space<vmem_shared>>
      tpu.enqueue_dma source(%dma_start3A_114 : memref<128x128xf32, #tpu.memory_space<vmem_shared>>) target(%dma_start3A_112 : memref<128x128xf32, #tpu.memory_space<vmem>>) target_semaphore(%run_scoped3A_102 : memref<!tpu.dma_semaphore, #tpu.memory_space<semaphore_mem>>)
      %dma_wait3A = arith.constant 0 : i32
      %dma_wait3A_115 = arith.constant 0 : i32
      %dma_wait3A_116 = tpu.memref_slice %arg8[%run_scoped3A_82, %dma_wait3A, %dma_wait3A_115] : memref<2x128x128xf32, #tpu.memory_space<vmem>> -> memref<1x128x128xf32, #tpu.memory_space<vmem>>
      %dma_wait3A_117 = tpu.memref_squeeze %dma_wait3A_116 : memref<1x128x128xf32, #tpu.memory_space<vmem>> -> memref<128x128xf32, #tpu.memory_space<vmem>>
      %dma_wait3A_118 = arith.constant 0 : i32
      %dma_wait3A_119 = tpu.memref_slice %arg9[%add3A_81, %dma_wait3A_118] : memref<10240x128xf32, #tpu.memory_space<vmem_shared>> -> memref<128x128xf32, #tpu.memory_space<vmem_shared>>
      %dma_wait3A_120 = arith.constant 0 : i32
      %dma_wait3A_121 = arith.constant 0 : i32
      %dma_wait3A_122 = tpu.memref_slice %arg8[%run_scoped3A_82, %dma_wait3A_120, %dma_wait3A_121] : memref<2x128x128xf32, #tpu.memory_space<vmem>> -> memref<1x128x128xf32, #tpu.memory_space<vmem>>
      %dma_wait3A_123 = tpu.memref_squeeze %dma_wait3A_122 : memref<1x128x128xf32, #tpu.memory_space<vmem>> -> memref<128x128xf32, #tpu.memory_space<vmem>>
      %dma_wait3A_124 = arith.constant 0 : i32
      %dma_wait3A_125 = tpu.memref_slice %arg9[%add3A_81, %dma_wait3A_124] : memref<10240x128xf32, #tpu.memory_space<vmem_shared>> -> memref<128x128xf32, #tpu.memory_space<vmem_shared>>
      tpu.wait_dma2 semaphore(%run_scoped3A_102 : memref<!tpu.dma_semaphore, #tpu.memory_space<semaphore_mem>>) src(%dma_wait3A_125 : memref<128x128xf32, #tpu.memory_space<vmem_shared>>) dst(%dma_wait3A_123 : memref<128x128xf32, #tpu.memory_space<vmem>>)
      tpu.yield
    }) : () -> ()
    %run_scoped3A_83 = arith.constant 0 : i32
    "tpu.region"() ({
      %run_scoped3A_102 = tpu.sem_alloc : memref<!tpu.dma_semaphore, #tpu.memory_space<semaphore_mem>>
      %dma_start3A_103 = arith.constant 0 : i32
      %dma_start3A_104 = arith.constant 0 : i32
      %dma_start3A_105 = tpu.memref_slice %arg8[%run_scoped3A_83, %dma_start3A_103, %dma_start3A_104] : memref<2x128x128xf32, #tpu.memory_space<vmem>> -> memref<1x128x128xf32, #tpu.memory_space<vmem>>
      %dma_start3A_106 = tpu.memref_squeeze %dma_start3A_105 : memref<1x128x128xf32, #tpu.memory_space<vmem>> -> memref<128x128xf32, #tpu.memory_space<vmem>>
      %dma_start3A_107 = arith.constant 0 : i32
      %dma_start3A_108 = tpu.memref_slice %arg5[%arg0, %add3A_81, %dma_start3A_107] : memref<2x10240x128xf32, #tpu.memory_space<hbm>> -> memref<1x128x128xf32, #tpu.memory_space<hbm>>
      %dma_start3A_109 = tpu.memref_squeeze %dma_start3A_108 : memref<1x128x128xf32, #tpu.memory_space<hbm>> -> memref<128x128xf32, #tpu.memory_space<hbm>>
      %dma_start3A_110 = arith.constant 0 : i32
      %dma_start3A_111 = tpu.memref_slice %arg5[%arg0, %add3A_81, %dma_start3A_110] : memref<2x10240x128xf32, #tpu.memory_space<hbm>> -> memref<1x128x128xf32, #tpu.memory_space<hbm>>
      %dma_start3A_112 = tpu.memref_squeeze %dma_start3A_111 : memref<1x128x128xf32, #tpu.memory_space<hbm>> -> memref<128x128xf32, #tpu.memory_space<hbm>>
      %dma_start3A_113 = arith.constant 0 : i32
      %dma_start3A_114 = arith.constant 0 : i32
      %dma_start3A_115 = tpu.memref_slice %arg8[%run_scoped3A_83, %dma_start3A_113, %dma_start3A_114] : memref<2x128x128xf32, #tpu.memory_space<vmem>> -> memref<1x128x128xf32, #tpu.memory_space<vmem>>
      %dma_start3A_116 = tpu.memref_squeeze %dma_start3A_115 : memref<1x128x128xf32, #tpu.memory_space<vmem>> -> memref<128x128xf32, #tpu.memory_space<vmem>>
      tpu.enqueue_dma source(%dma_start3A_116 : memref<128x128xf32, #tpu.memory_space<vmem>>) target(%dma_start3A_112 : memref<128x128xf32, #tpu.memory_space<hbm>>) target_semaphore(%run_scoped3A_102 : memref<!tpu.dma_semaphore, #tpu.memory_space<semaphore_mem>>)
      %dma_wait3A = arith.constant 0 : i32
      %dma_wait3A_117 = arith.constant 0 : i32
      %dma_wait3A_118 = tpu.memref_slice %arg8[%run_scoped3A_83, %dma_wait3A, %dma_wait3A_117] : memref<2x128x128xf32, #tpu.memory_space<vmem>> -> memref<1x128x128xf32, #tpu.memory_space<vmem>>
      %dma_wait3A_119 = tpu.memref_squeeze %dma_wait3A_118 : memref<1x128x128xf32, #tpu.memory_space<vmem>> -> memref<128x128xf32, #tpu.memory_space<vmem>>
      %dma_wait3A_120 = arith.constant 0 : i32
      %dma_wait3A_121 = tpu.memref_slice %arg5[%arg0, %add3A_81, %dma_wait3A_120] : memref<2x10240x128xf32, #tpu.memory_space<hbm>> -> memref<1x128x128xf32, #tpu.memory_space<hbm>>
      %dma_wait3A_122 = tpu.memref_squeeze %dma_wait3A_121 : memref<1x128x128xf32, #tpu.memory_space<hbm>> -> memref<128x128xf32, #tpu.memory_space<hbm>>
      %dma_wait3A_123 = arith.constant 0 : i32
      %dma_wait3A_124 = tpu.memref_slice %arg5[%arg0, %add3A_81, %dma_wait3A_123] : memref<2x10240x128xf32, #tpu.memory_space<hbm>> -> memref<1x128x128xf32, #tpu.memory_space<hbm>>
      %dma_wait3A_125 = tpu.memref_squeeze %dma_wait3A_124 : memref<1x128x128xf32, #tpu.memory_space<hbm>> -> memref<128x128xf32, #tpu.memory_space<hbm>>
      %dma_wait3A_126 = arith.constant 0 : i32
      %dma_wait3A_127 = arith.constant 0 : i32
      %dma_wait3A_128 = tpu.memref_slice %arg8[%run_scoped3A_83, %dma_wait3A_126, %dma_wait3A_127] : memref<2x128x128xf32, #tpu.memory_space<vmem>> -> memref<1x128x128xf32, #tpu.memory_space<vmem>>
      %dma_wait3A_129 = tpu.memref_squeeze %dma_wait3A_128 : memref<1x128x128xf32, #tpu.memory_space<vmem>> -> memref<128x128xf32, #tpu.memory_space<vmem>>
      tpu.wait_dma2 semaphore(%run_scoped3A_102 : memref<!tpu.dma_semaphore, #tpu.memory_space<semaphore_mem>>) src(%dma_wait3A_129 : memref<128x128xf32, #tpu.memory_space<vmem>>) dst(%dma_wait3A_125 : memref<128x128xf32, #tpu.memory_space<hbm>>)
      tpu.yield
    }) : () -> ()
    %mul3A_84 = arith.constant 640 : i32
    %mul3A_85 = arith.muli %arg1, %mul3A_84 : i32
    %add3A_86 = arith.constant 256 : i32
    %add3A_87 = arith.addi %mul3A_85, %add3A_86 : i32
    %run_scoped3A_88 = arith.constant 0 : i32
    "tpu.region"() ({
      %run_scoped3A_102 = tpu.sem_alloc : memref<!tpu.dma_semaphore, #tpu.memory_space<semaphore_mem>>
      %dma_start3A_103 = arith.constant 0 : i32
      %dma_start3A_104 = arith.constant 0 : i32
      %dma_start3A_105 = tpu.memref_slice %arg8[%run_scoped3A_88, %dma_start3A_103, %dma_start3A_104] : memref<2x128x128xf32, #tpu.memory_space<vmem>> -> memref<1x128x128xf32, #tpu.memory_space<vmem>>
      %dma_start3A_106 = tpu.memref_squeeze %dma_start3A_105 : memref<1x128x128xf32, #tpu.memory_space<vmem>> -> memref<128x128xf32, #tpu.memory_space<vmem>>
      %dma_start3A_107 = arith.constant 0 : i32
      %dma_start3A_108 = tpu.memref_slice %arg9[%add3A_87, %dma_start3A_107] : memref<10240x128xf32, #tpu.memory_space<vmem_shared>> -> memref<128x128xf32, #tpu.memory_space<vmem_shared>>
      %dma_start3A_109 = arith.constant 0 : i32
      %dma_start3A_110 = arith.constant 0 : i32
      %dma_start3A_111 = tpu.memref_slice %arg8[%run_scoped3A_88, %dma_start3A_109, %dma_start3A_110] : memref<2x128x128xf32, #tpu.memory_space<vmem>> -> memref<1x128x128xf32, #tpu.memory_space<vmem>>
      %dma_start3A_112 = tpu.memref_squeeze %dma_start3A_111 : memref<1x128x128xf32, #tpu.memory_space<vmem>> -> memref<128x128xf32, #tpu.memory_space<vmem>>
      %dma_start3A_113 = arith.constant 0 : i32
      %dma_start3A_114 = tpu.memref_slice %arg9[%add3A_87, %dma_start3A_113] : memref<10240x128xf32, #tpu.memory_space<vmem_shared>> -> memref<128x128xf32, #tpu.memory_space<vmem_shared>>
      tpu.enqueue_dma source(%dma_start3A_114 : memref<128x128xf32, #tpu.memory_space<vmem_shared>>) target(%dma_start3A_112 : memref<128x128xf32, #tpu.memory_space<vmem>>) target_semaphore(%run_scoped3A_102 : memref<!tpu.dma_semaphore, #tpu.memory_space<semaphore_mem>>)
      %dma_wait3A = arith.constant 0 : i32
      %dma_wait3A_115 = arith.constant 0 : i32
      %dma_wait3A_116 = tpu.memref_slice %arg8[%run_scoped3A_88, %dma_wait3A, %dma_wait3A_115] : memref<2x128x128xf32, #tpu.memory_space<vmem>> -> memref<1x128x128xf32, #tpu.memory_space<vmem>>
      %dma_wait3A_117 = tpu.memref_squeeze %dma_wait3A_116 : memref<1x128x128xf32, #tpu.memory_space<vmem>> -> memref<128x128xf32, #tpu.memory_space<vmem>>
      %dma_wait3A_118 = arith.constant 0 : i32
      %dma_wait3A_119 = tpu.memref_slice %arg9[%add3A_87, %dma_wait3A_118] : memref<10240x128xf32, #tpu.memory_space<vmem_shared>> -> memref<128x128xf32, #tpu.memory_space<vmem_shared>>
      %dma_wait3A_120 = arith.constant 0 : i32
      %dma_wait3A_121 = arith.constant 0 : i32
      %dma_wait3A_122 = tpu.memref_slice %arg8[%run_scoped3A_88, %dma_wait3A_120, %dma_wait3A_121] : memref<2x128x128xf32, #tpu.memory_space<vmem>> -> memref<1x128x128xf32, #tpu.memory_space<vmem>>
      %dma_wait3A_123 = tpu.memref_squeeze %dma_wait3A_122 : memref<1x128x128xf32, #tpu.memory_space<vmem>> -> memref<128x128xf32, #tpu.memory_space<vmem>>
      %dma_wait3A_124 = arith.constant 0 : i32
      %dma_wait3A_125 = tpu.memref_slice %arg9[%add3A_87, %dma_wait3A_124] : memref<10240x128xf32, #tpu.memory_space<vmem_shared>> -> memref<128x128xf32, #tpu.memory_space<vmem_shared>>
      tpu.wait_dma2 semaphore(%run_scoped3A_102 : memref<!tpu.dma_semaphore, #tpu.memory_space<semaphore_mem>>) src(%dma_wait3A_125 : memref<128x128xf32, #tpu.memory_space<vmem_shared>>) dst(%dma_wait3A_123 : memref<128x128xf32, #tpu.memory_space<vmem>>)
      tpu.yield
    }) : () -> ()
    %run_scoped3A_89 = arith.constant 0 : i32
    "tpu.region"() ({
      %run_scoped3A_102 = tpu.sem_alloc : memref<!tpu.dma_semaphore, #tpu.memory_space<semaphore_mem>>
      %dma_start3A_103 = arith.constant 0 : i32
      %dma_start3A_104 = arith.constant 0 : i32
      %dma_start3A_105 = tpu.memref_slice %arg8[%run_scoped3A_89, %dma_start3A_103, %dma_start3A_104] : memref<2x128x128xf32, #tpu.memory_space<vmem>> -> memref<1x128x128xf32, #tpu.memory_space<vmem>>
      %dma_start3A_106 = tpu.memref_squeeze %dma_start3A_105 : memref<1x128x128xf32, #tpu.memory_space<vmem>> -> memref<128x128xf32, #tpu.memory_space<vmem>>
      %dma_start3A_107 = arith.constant 0 : i32
      %dma_start3A_108 = tpu.memref_slice %arg5[%arg0, %add3A_87, %dma_start3A_107] : memref<2x10240x128xf32, #tpu.memory_space<hbm>> -> memref<1x128x128xf32, #tpu.memory_space<hbm>>
      %dma_start3A_109 = tpu.memref_squeeze %dma_start3A_108 : memref<1x128x128xf32, #tpu.memory_space<hbm>> -> memref<128x128xf32, #tpu.memory_space<hbm>>
      %dma_start3A_110 = arith.constant 0 : i32
      %dma_start3A_111 = tpu.memref_slice %arg5[%arg0, %add3A_87, %dma_start3A_110] : memref<2x10240x128xf32, #tpu.memory_space<hbm>> -> memref<1x128x128xf32, #tpu.memory_space<hbm>>
      %dma_start3A_112 = tpu.memref_squeeze %dma_start3A_111 : memref<1x128x128xf32, #tpu.memory_space<hbm>> -> memref<128x128xf32, #tpu.memory_space<hbm>>
      %dma_start3A_113 = arith.constant 0 : i32
      %dma_start3A_114 = arith.constant 0 : i32
      %dma_start3A_115 = tpu.memref_slice %arg8[%run_scoped3A_89, %dma_start3A_113, %dma_start3A_114] : memref<2x128x128xf32, #tpu.memory_space<vmem>> -> memref<1x128x128xf32, #tpu.memory_space<vmem>>
      %dma_start3A_116 = tpu.memref_squeeze %dma_start3A_115 : memref<1x128x128xf32, #tpu.memory_space<vmem>> -> memref<128x128xf32, #tpu.memory_space<vmem>>
      tpu.enqueue_dma source(%dma_start3A_116 : memref<128x128xf32, #tpu.memory_space<vmem>>) target(%dma_start3A_112 : memref<128x128xf32, #tpu.memory_space<hbm>>) target_semaphore(%run_scoped3A_102 : memref<!tpu.dma_semaphore, #tpu.memory_space<semaphore_mem>>)
      %dma_wait3A = arith.constant 0 : i32
      %dma_wait3A_117 = arith.constant 0 : i32
      %dma_wait3A_118 = tpu.memref_slice %arg8[%run_scoped3A_89, %dma_wait3A, %dma_wait3A_117] : memref<2x128x128xf32, #tpu.memory_space<vmem>> -> memref<1x128x128xf32, #tpu.memory_space<vmem>>
      %dma_wait3A_119 = tpu.memref_squeeze %dma_wait3A_118 : memref<1x128x128xf32, #tpu.memory_space<vmem>> -> memref<128x128xf32, #tpu.memory_space<vmem>>
      %dma_wait3A_120 = arith.constant 0 : i32
      %dma_wait3A_121 = tpu.memref_slice %arg5[%arg0, %add3A_87, %dma_wait3A_120] : memref<2x10240x128xf32, #tpu.memory_space<hbm>> -> memref<1x128x128xf32, #tpu.memory_space<hbm>>
      %dma_wait3A_122 = tpu.memref_squeeze %dma_wait3A_121 : memref<1x128x128xf32, #tpu.memory_space<hbm>> -> memref<128x128xf32, #tpu.memory_space<hbm>>
      %dma_wait3A_123 = arith.constant 0 : i32
      %dma_wait3A_124 = tpu.memref_slice %arg5[%arg0, %add3A_87, %dma_wait3A_123] : memref<2x10240x128xf32, #tpu.memory_space<hbm>> -> memref<1x128x128xf32, #tpu.memory_space<hbm>>
      %dma_wait3A_125 = tpu.memref_squeeze %dma_wait3A_124 : memref<1x128x128xf32, #tpu.memory_space<hbm>> -> memref<128x128xf32, #tpu.memory_space<hbm>>
      %dma_wait3A_126 = arith.constant 0 : i32
      %dma_wait3A_127 = arith.constant 0 : i32
      %dma_wait3A_128 = tpu.memref_slice %arg8[%run_scoped3A_89, %dma_wait3A_126, %dma_wait3A_127] : memref<2x128x128xf32, #tpu.memory_space<vmem>> -> memref<1x128x128xf32, #tpu.memory_space<vmem>>
      %dma_wait3A_129 = tpu.memref_squeeze %dma_wait3A_128 : memref<1x128x128xf32, #tpu.memory_space<vmem>> -> memref<128x128xf32, #tpu.memory_space<vmem>>
      tpu.wait_dma2 semaphore(%run_scoped3A_102 : memref<!tpu.dma_semaphore, #tpu.memory_space<semaphore_mem>>) src(%dma_wait3A_129 : memref<128x128xf32, #tpu.memory_space<vmem>>) dst(%dma_wait3A_125 : memref<128x128xf32, #tpu.memory_space<hbm>>)
      tpu.yield
    }) : () -> ()
    %mul3A_90 = arith.constant 640 : i32
    %mul3A_91 = arith.muli %arg1, %mul3A_90 : i32
    %add3A_92 = arith.constant 384 : i32
    %add3A_93 = arith.addi %mul3A_91, %add3A_92 : i32
    %run_scoped3A_94 = arith.constant 0 : i32
    "tpu.region"() ({
      %run_scoped3A_102 = tpu.sem_alloc : memref<!tpu.dma_semaphore, #tpu.memory_space<semaphore_mem>>
      %dma_start3A_103 = arith.constant 0 : i32
      %dma_start3A_104 = arith.constant 0 : i32
      %dma_start3A_105 = tpu.memref_slice %arg8[%run_scoped3A_94, %dma_start3A_103, %dma_start3A_104] : memref<2x128x128xf32, #tpu.memory_space<vmem>> -> memref<1x128x128xf32, #tpu.memory_space<vmem>>
      %dma_start3A_106 = tpu.memref_squeeze %dma_start3A_105 : memref<1x128x128xf32, #tpu.memory_space<vmem>> -> memref<128x128xf32, #tpu.memory_space<vmem>>
      %dma_start3A_107 = arith.constant 0 : i32
      %dma_start3A_108 = tpu.memref_slice %arg9[%add3A_93, %dma_start3A_107] : memref<10240x128xf32, #tpu.memory_space<vmem_shared>> -> memref<128x128xf32, #tpu.memory_space<vmem_shared>>
      %dma_start3A_109 = arith.constant 0 : i32
      %dma_start3A_110 = arith.constant 0 : i32
      %dma_start3A_111 = tpu.memref_slice %arg8[%run_scoped3A_94, %dma_start3A_109, %dma_start3A_110] : memref<2x128x128xf32, #tpu.memory_space<vmem>> -> memref<1x128x128xf32, #tpu.memory_space<vmem>>
      %dma_start3A_112 = tpu.memref_squeeze %dma_start3A_111 : memref<1x128x128xf32, #tpu.memory_space<vmem>> -> memref<128x128xf32, #tpu.memory_space<vmem>>
      %dma_start3A_113 = arith.constant 0 : i32
      %dma_start3A_114 = tpu.memref_slice %arg9[%add3A_93, %dma_start3A_113] : memref<10240x128xf32, #tpu.memory_space<vmem_shared>> -> memref<128x128xf32, #tpu.memory_space<vmem_shared>>
      tpu.enqueue_dma source(%dma_start3A_114 : memref<128x128xf32, #tpu.memory_space<vmem_shared>>) target(%dma_start3A_112 : memref<128x128xf32, #tpu.memory_space<vmem>>) target_semaphore(%run_scoped3A_102 : memref<!tpu.dma_semaphore, #tpu.memory_space<semaphore_mem>>)
      %dma_wait3A = arith.constant 0 : i32
      %dma_wait3A_115 = arith.constant 0 : i32
      %dma_wait3A_116 = tpu.memref_slice %arg8[%run_scoped3A_94, %dma_wait3A, %dma_wait3A_115] : memref<2x128x128xf32, #tpu.memory_space<vmem>> -> memref<1x128x128xf32, #tpu.memory_space<vmem>>
      %dma_wait3A_117 = tpu.memref_squeeze %dma_wait3A_116 : memref<1x128x128xf32, #tpu.memory_space<vmem>> -> memref<128x128xf32, #tpu.memory_space<vmem>>
      %dma_wait3A_118 = arith.constant 0 : i32
      %dma_wait3A_119 = tpu.memref_slice %arg9[%add3A_93, %dma_wait3A_118] : memref<10240x128xf32, #tpu.memory_space<vmem_shared>> -> memref<128x128xf32, #tpu.memory_space<vmem_shared>>
      %dma_wait3A_120 = arith.constant 0 : i32
      %dma_wait3A_121 = arith.constant 0 : i32
      %dma_wait3A_122 = tpu.memref_slice %arg8[%run_scoped3A_94, %dma_wait3A_120, %dma_wait3A_121] : memref<2x128x128xf32, #tpu.memory_space<vmem>> -> memref<1x128x128xf32, #tpu.memory_space<vmem>>
      %dma_wait3A_123 = tpu.memref_squeeze %dma_wait3A_122 : memref<1x128x128xf32, #tpu.memory_space<vmem>> -> memref<128x128xf32, #tpu.memory_space<vmem>>
      %dma_wait3A_124 = arith.constant 0 : i32
      %dma_wait3A_125 = tpu.memref_slice %arg9[%add3A_93, %dma_wait3A_124] : memref<10240x128xf32, #tpu.memory_space<vmem_shared>> -> memref<128x128xf32, #tpu.memory_space<vmem_shared>>
      tpu.wait_dma2 semaphore(%run_scoped3A_102 : memref<!tpu.dma_semaphore, #tpu.memory_space<semaphore_mem>>) src(%dma_wait3A_125 : memref<128x128xf32, #tpu.memory_space<vmem_shared>>) dst(%dma_wait3A_123 : memref<128x128xf32, #tpu.memory_space<vmem>>)
      tpu.yield
    }) : () -> ()
    %run_scoped3A_95 = arith.constant 0 : i32
    "tpu.region"() ({
      %run_scoped3A_102 = tpu.sem_alloc : memref<!tpu.dma_semaphore, #tpu.memory_space<semaphore_mem>>
      %dma_start3A_103 = arith.constant 0 : i32
      %dma_start3A_104 = arith.constant 0 : i32
      %dma_start3A_105 = tpu.memref_slice %arg8[%run_scoped3A_95, %dma_start3A_103, %dma_start3A_104] : memref<2x128x128xf32, #tpu.memory_space<vmem>> -> memref<1x128x128xf32, #tpu.memory_space<vmem>>
      %dma_start3A_106 = tpu.memref_squeeze %dma_start3A_105 : memref<1x128x128xf32, #tpu.memory_space<vmem>> -> memref<128x128xf32, #tpu.memory_space<vmem>>
      %dma_start3A_107 = arith.constant 0 : i32
      %dma_start3A_108 = tpu.memref_slice %arg5[%arg0, %add3A_93, %dma_start3A_107] : memref<2x10240x128xf32, #tpu.memory_space<hbm>> -> memref<1x128x128xf32, #tpu.memory_space<hbm>>
      %dma_start3A_109 = tpu.memref_squeeze %dma_start3A_108 : memref<1x128x128xf32, #tpu.memory_space<hbm>> -> memref<128x128xf32, #tpu.memory_space<hbm>>
      %dma_start3A_110 = arith.constant 0 : i32
      %dma_start3A_111 = tpu.memref_slice %arg5[%arg0, %add3A_93, %dma_start3A_110] : memref<2x10240x128xf32, #tpu.memory_space<hbm>> -> memref<1x128x128xf32, #tpu.memory_space<hbm>>
      %dma_start3A_112 = tpu.memref_squeeze %dma_start3A_111 : memref<1x128x128xf32, #tpu.memory_space<hbm>> -> memref<128x128xf32, #tpu.memory_space<hbm>>
      %dma_start3A_113 = arith.constant 0 : i32
      %dma_start3A_114 = arith.constant 0 : i32
      %dma_start3A_115 = tpu.memref_slice %arg8[%run_scoped3A_95, %dma_start3A_113, %dma_start3A_114] : memref<2x128x128xf32, #tpu.memory_space<vmem>> -> memref<1x128x128xf32, #tpu.memory_space<vmem>>
      %dma_start3A_116 = tpu.memref_squeeze %dma_start3A_115 : memref<1x128x128xf32, #tpu.memory_space<vmem>> -> memref<128x128xf32, #tpu.memory_space<vmem>>
      tpu.enqueue_dma source(%dma_start3A_116 : memref<128x128xf32, #tpu.memory_space<vmem>>) target(%dma_start3A_112 : memref<128x128xf32, #tpu.memory_space<hbm>>) target_semaphore(%run_scoped3A_102 : memref<!tpu.dma_semaphore, #tpu.memory_space<semaphore_mem>>)
      %dma_wait3A = arith.constant 0 : i32
      %dma_wait3A_117 = arith.constant 0 : i32
      %dma_wait3A_118 = tpu.memref_slice %arg8[%run_scoped3A_95, %dma_wait3A, %dma_wait3A_117] : memref<2x128x128xf32, #tpu.memory_space<vmem>> -> memref<1x128x128xf32, #tpu.memory_space<vmem>>
      %dma_wait3A_119 = tpu.memref_squeeze %dma_wait3A_118 : memref<1x128x128xf32, #tpu.memory_space<vmem>> -> memref<128x128xf32, #tpu.memory_space<vmem>>
      %dma_wait3A_120 = arith.constant 0 : i32
      %dma_wait3A_121 = tpu.memref_slice %arg5[%arg0, %add3A_93, %dma_wait3A_120] : memref<2x10240x128xf32, #tpu.memory_space<hbm>> -> memref<1x128x128xf32, #tpu.memory_space<hbm>>
      %dma_wait3A_122 = tpu.memref_squeeze %dma_wait3A_121 : memref<1x128x128xf32, #tpu.memory_space<hbm>> -> memref<128x128xf32, #tpu.memory_space<hbm>>
      %dma_wait3A_123 = arith.constant 0 : i32
      %dma_wait3A_124 = tpu.memref_slice %arg5[%arg0, %add3A_93, %dma_wait3A_123] : memref<2x10240x128xf32, #tpu.memory_space<hbm>> -> memref<1x128x128xf32, #tpu.memory_space<hbm>>
      %dma_wait3A_125 = tpu.memref_squeeze %dma_wait3A_124 : memref<1x128x128xf32, #tpu.memory_space<hbm>> -> memref<128x128xf32, #tpu.memory_space<hbm>>
      %dma_wait3A_126 = arith.constant 0 : i32
      %dma_wait3A_127 = arith.constant 0 : i32
      %dma_wait3A_128 = tpu.memref_slice %arg8[%run_scoped3A_95, %dma_wait3A_126, %dma_wait3A_127] : memref<2x128x128xf32, #tpu.memory_space<vmem>> -> memref<1x128x128xf32, #tpu.memory_space<vmem>>
      %dma_wait3A_129 = tpu.memref_squeeze %dma_wait3A_128 : memref<1x128x128xf32, #tpu.memory_space<vmem>> -> memref<128x128xf32, #tpu.memory_space<vmem>>
      tpu.wait_dma2 semaphore(%run_scoped3A_102 : memref<!tpu.dma_semaphore, #tpu.memory_space<semaphore_mem>>) src(%dma_wait3A_129 : memref<128x128xf32, #tpu.memory_space<vmem>>) dst(%dma_wait3A_125 : memref<128x128xf32, #tpu.memory_space<hbm>>)
      tpu.yield
    }) : () -> ()
    %mul3A_96 = arith.constant 640 : i32
    %mul3A_97 = arith.muli %arg1, %mul3A_96 : i32
    %add3A_98 = arith.constant 512 : i32
    %add3A_99 = arith.addi %mul3A_97, %add3A_98 : i32
    %run_scoped3A_100 = arith.constant 0 : i32
    "tpu.region"() ({
      %run_scoped3A_102 = tpu.sem_alloc : memref<!tpu.dma_semaphore, #tpu.memory_space<semaphore_mem>>
      %dma_start3A_103 = arith.constant 0 : i32
      %dma_start3A_104 = arith.constant 0 : i32
      %dma_start3A_105 = tpu.memref_slice %arg8[%run_scoped3A_100, %dma_start3A_103, %dma_start3A_104] : memref<2x128x128xf32, #tpu.memory_space<vmem>> -> memref<1x128x128xf32, #tpu.memory_space<vmem>>
      %dma_start3A_106 = tpu.memref_squeeze %dma_start3A_105 : memref<1x128x128xf32, #tpu.memory_space<vmem>> -> memref<128x128xf32, #tpu.memory_space<vmem>>
      %dma_start3A_107 = arith.constant 0 : i32
      %dma_start3A_108 = tpu.memref_slice %arg9[%add3A_99, %dma_start3A_107] : memref<10240x128xf32, #tpu.memory_space<vmem_shared>> -> memref<128x128xf32, #tpu.memory_space<vmem_shared>>
      %dma_start3A_109 = arith.constant 0 : i32
      %dma_start3A_110 = arith.constant 0 : i32
      %dma_start3A_111 = tpu.memref_slice %arg8[%run_scoped3A_100, %dma_start3A_109, %dma_start3A_110] : memref<2x128x128xf32, #tpu.memory_space<vmem>> -> memref<1x128x128xf32, #tpu.memory_space<vmem>>
      %dma_start3A_112 = tpu.memref_squeeze %dma_start3A_111 : memref<1x128x128xf32, #tpu.memory_space<vmem>> -> memref<128x128xf32, #tpu.memory_space<vmem>>
      %dma_start3A_113 = arith.constant 0 : i32
      %dma_start3A_114 = tpu.memref_slice %arg9[%add3A_99, %dma_start3A_113] : memref<10240x128xf32, #tpu.memory_space<vmem_shared>> -> memref<128x128xf32, #tpu.memory_space<vmem_shared>>
      tpu.enqueue_dma source(%dma_start3A_114 : memref<128x128xf32, #tpu.memory_space<vmem_shared>>) target(%dma_start3A_112 : memref<128x128xf32, #tpu.memory_space<vmem>>) target_semaphore(%run_scoped3A_102 : memref<!tpu.dma_semaphore, #tpu.memory_space<semaphore_mem>>)
      %dma_wait3A = arith.constant 0 : i32
      %dma_wait3A_115 = arith.constant 0 : i32
      %dma_wait3A_116 = tpu.memref_slice %arg8[%run_scoped3A_100, %dma_wait3A, %dma_wait3A_115] : memref<2x128x128xf32, #tpu.memory_space<vmem>> -> memref<1x128x128xf32, #tpu.memory_space<vmem>>
      %dma_wait3A_117 = tpu.memref_squeeze %dma_wait3A_116 : memref<1x128x128xf32, #tpu.memory_space<vmem>> -> memref<128x128xf32, #tpu.memory_space<vmem>>
      %dma_wait3A_118 = arith.constant 0 : i32
      %dma_wait3A_119 = tpu.memref_slice %arg9[%add3A_99, %dma_wait3A_118] : memref<10240x128xf32, #tpu.memory_space<vmem_shared>> -> memref<128x128xf32, #tpu.memory_space<vmem_shared>>
      %dma_wait3A_120 = arith.constant 0 : i32
      %dma_wait3A_121 = arith.constant 0 : i32
      %dma_wait3A_122 = tpu.memref_slice %arg8[%run_scoped3A_100, %dma_wait3A_120, %dma_wait3A_121] : memref<2x128x128xf32, #tpu.memory_space<vmem>> -> memref<1x128x128xf32, #tpu.memory_space<vmem>>
      %dma_wait3A_123 = tpu.memref_squeeze %dma_wait3A_122 : memref<1x128x128xf32, #tpu.memory_space<vmem>> -> memref<128x128xf32, #tpu.memory_space<vmem>>
      %dma_wait3A_124 = arith.constant 0 : i32
      %dma_wait3A_125 = tpu.memref_slice %arg9[%add3A_99, %dma_wait3A_124] : memref<10240x128xf32, #tpu.memory_space<vmem_shared>> -> memref<128x128xf32, #tpu.memory_space<vmem_shared>>
      tpu.wait_dma2 semaphore(%run_scoped3A_102 : memref<!tpu.dma_semaphore, #tpu.memory_space<semaphore_mem>>) src(%dma_wait3A_125 : memref<128x128xf32, #tpu.memory_space<vmem_shared>>) dst(%dma_wait3A_123 : memref<128x128xf32, #tpu.memory_space<vmem>>)
      tpu.yield
    }) : () -> ()
    %run_scoped3A_101 = arith.constant 0 : i32
    "tpu.region"() ({
      %run_scoped3A_102 = tpu.sem_alloc : memref<!tpu.dma_semaphore, #tpu.memory_space<semaphore_mem>>
      %dma_start3A_103 = arith.constant 0 : i32
      %dma_start3A_104 = arith.constant 0 : i32
      %dma_start3A_105 = tpu.memref_slice %arg8[%run_scoped3A_101, %dma_start3A_103, %dma_start3A_104] : memref<2x128x128xf32, #tpu.memory_space<vmem>> -> memref<1x128x128xf32, #tpu.memory_space<vmem>>
      %dma_start3A_106 = tpu.memref_squeeze %dma_start3A_105 : memref<1x128x128xf32, #tpu.memory_space<vmem>> -> memref<128x128xf32, #tpu.memory_space<vmem>>
      %dma_start3A_107 = arith.constant 0 : i32
      %dma_start3A_108 = tpu.memref_slice %arg5[%arg0, %add3A_99, %dma_start3A_107] : memref<2x10240x128xf32, #tpu.memory_space<hbm>> -> memref<1x128x128xf32, #tpu.memory_space<hbm>>
      %dma_start3A_109 = tpu.memref_squeeze %dma_start3A_108 : memref<1x128x128xf32, #tpu.memory_space<hbm>> -> memref<128x128xf32, #tpu.memory_space<hbm>>
      %dma_start3A_110 = arith.constant 0 : i32
      %dma_start3A_111 = tpu.memref_slice %arg5[%arg0, %add3A_99, %dma_start3A_110] : memref<2x10240x128xf32, #tpu.memory_space<hbm>> -> memref<1x128x128xf32, #tpu.memory_space<hbm>>
      %dma_start3A_112 = tpu.memref_squeeze %dma_start3A_111 : memref<1x128x128xf32, #tpu.memory_space<hbm>> -> memref<128x128xf32, #tpu.memory_space<hbm>>
      %dma_start3A_113 = arith.constant 0 : i32
      %dma_start3A_114 = arith.constant 0 : i32
      %dma_start3A_115 = tpu.memref_slice %arg8[%run_scoped3A_101, %dma_start3A_113, %dma_start3A_114] : memref<2x128x128xf32, #tpu.memory_space<vmem>> -> memref<1x128x128xf32, #tpu.memory_space<vmem>>
      %dma_start3A_116 = tpu.memref_squeeze %dma_start3A_115 : memref<1x128x128xf32, #tpu.memory_space<vmem>> -> memref<128x128xf32, #tpu.memory_space<vmem>>
      tpu.enqueue_dma source(%dma_start3A_116 : memref<128x128xf32, #tpu.memory_space<vmem>>) target(%dma_start3A_112 : memref<128x128xf32, #tpu.memory_space<hbm>>) target_semaphore(%run_scoped3A_102 : memref<!tpu.dma_semaphore, #tpu.memory_space<semaphore_mem>>)
      %dma_wait3A = arith.constant 0 : i32
      %dma_wait3A_117 = arith.constant 0 : i32
      %dma_wait3A_118 = tpu.memref_slice %arg8[%run_scoped3A_101, %dma_wait3A, %dma_wait3A_117] : memref<2x128x128xf32, #tpu.memory_space<vmem>> -> memref<1x128x128xf32, #tpu.memory_space<vmem>>
      %dma_wait3A_119 = tpu.memref_squeeze %dma_wait3A_118 : memref<1x128x128xf32, #tpu.memory_space<vmem>> -> memref<128x128xf32, #tpu.memory_space<vmem>>
      %dma_wait3A_120 = arith.constant 0 : i32
      %dma_wait3A_121 = tpu.memref_slice %arg5[%arg0, %add3A_99, %dma_wait3A_120] : memref<2x10240x128xf32, #tpu.memory_space<hbm>> -> memref<1x128x128xf32, #tpu.memory_space<hbm>>
      %dma_wait3A_122 = tpu.memref_squeeze %dma_wait3A_121 : memref<1x128x128xf32, #tpu.memory_space<hbm>> -> memref<128x128xf32, #tpu.memory_space<hbm>>
      %dma_wait3A_123 = arith.constant 0 : i32
      %dma_wait3A_124 = tpu.memref_slice %arg5[%arg0, %add3A_99, %dma_wait3A_123] : memref<2x10240x128xf32, #tpu.memory_space<hbm>> -> memref<1x128x128xf32, #tpu.memory_space<hbm>>
      %dma_wait3A_125 = tpu.memref_squeeze %dma_wait3A_124 : memref<1x128x128xf32, #tpu.memory_space<hbm>> -> memref<128x128xf32, #tpu.memory_space<hbm>>
      %dma_wait3A_126 = arith.constant 0 : i32
      %dma_wait3A_127 = arith.constant 0 : i32
      %dma_wait3A_128 = tpu.memref_slice %arg8[%run_scoped3A_101, %dma_wait3A_126, %dma_wait3A_127] : memref<2x128x128xf32, #tpu.memory_space<vmem>> -> memref<1x128x128xf32, #tpu.memory_space<vmem>>
      %dma_wait3A_129 = tpu.memref_squeeze %dma_wait3A_128 : memref<1x128x128xf32, #tpu.memory_space<vmem>> -> memref<128x128xf32, #tpu.memory_space<vmem>>
      tpu.wait_dma2 semaphore(%run_scoped3A_102 : memref<!tpu.dma_semaphore, #tpu.memory_space<semaphore_mem>>) src(%dma_wait3A_129 : memref<128x128xf32, #tpu.memory_space<vmem>>) dst(%dma_wait3A_125 : memref<128x128xf32, #tpu.memory_space<hbm>>)
      tpu.yield
    }) : () -> ()
    return
  }
}

#map = affine_map<(d0, d1) -> (0, 0, 0)>
#map1 = affine_map<(d0, d1) -> (0, 0)>
module attributes {stable_mosaic.version = 14 : i64} {
  func.func @_deg_kernel(%arg0: i32, %arg1: i32, %arg2: memref<32x80x128xi32, #tpu.memory_space<hbm>>, %arg3: memref<32x10240xf32, #tpu.memory_space<hbm>>, %arg4: memref<80x128xi32, #tpu.memory_space<vmem>>, %arg5: memref<10240xf32, #tpu.memory_space<vmem>>) attributes {dimension_semantics = [#tpu.dimension_semantics<core_parallel>, #tpu.dimension_semantics<subcore_parallel>], iteration_bounds = array<i64: 2, 16>, scalar_prefetch = 0 : i64, scratch_operands = 2 : i64, tpu.core_type = #tpu.core_type<sc_vector_subcore>, window_params = [{transform_indices = #map}, {transform_indices = #map1}]} {
    %mul3A = arith.constant 2 : i32
    %mul3A_0 = arith.muli %arg1, %mul3A : i32
    %add3A = arith.addi %mul3A_0, %arg0 : i32
    %broadcast_in_dim3A = arith.constant 0.000000e+00 : f32
    %broadcast_in_dim3A_1 = vector.broadcast %broadcast_in_dim3A : f32 to vector<16xf32>
    %scan3A = arith.constant 0 : i32
    %scan3A_2 = arith.constant 0 : i32
    %scan3A_3 = arith.constant 640 : i32
    %scan3A_4 = arith.addi %scan3A_2, %scan3A_3 : i32
    %scan3A_5 = arith.constant 1 : i32
    %scan3A_6 = scf.for %scan3A_17 = %scan3A_2 to %scan3A_4 step %scan3A_5 iter_args(%scan3A_18 = %scan3A) -> (i32)  : i32 {
      %mul3A_19 = arith.constant 16 : i32
      %mul3A_20 = arith.muli %scan3A_17, %mul3A_19 : i32
      %swap3A = arith.index_cast %mul3A_20 : i32 to index
      %swap3A_21 = tpu.vector_load %arg5[%swap3A] {strides = array<i32>} : memref<10240xf32, #tpu.memory_space<vmem>>, vector<16xf32>,
      tpu.vector_store %arg5[%swap3A], %broadcast_in_dim3A_1 {strides = array<i32>} : memref<10240xf32, #tpu.memory_space<vmem>>, vector<16xf32>,
      %scan3A_22 = arith.constant 0 : i32
      scf.yield %scan3A_22 : i32
    }
    %scan3A_7 = arith.constant 640 : i32
    "tpu.region"() ({
      %run_scoped3A = tpu.sem_alloc : memref<!tpu.dma_semaphore, #tpu.memory_space<semaphore_mem>>
      %dma_start3A = arith.constant 0 : i32
      %dma_start3A_17 = arith.constant 0 : i32
      %dma_start3A_18 = tpu.memref_slice %arg2[%add3A, %dma_start3A, %dma_start3A_17] : memref<32x80x128xi32, #tpu.memory_space<hbm>> -> memref<1x80x128xi32, #tpu.memory_space<hbm>>
      %dma_start3A_19 = tpu.memref_squeeze %dma_start3A_18 : memref<1x80x128xi32, #tpu.memory_space<hbm>> -> memref<80x128xi32, #tpu.memory_space<hbm>>
      %dma_start3A_20 = arith.constant 0 : i32
      %dma_start3A_21 = arith.constant 0 : i32
      %dma_start3A_22 = tpu.memref_slice %arg2[%add3A, %dma_start3A_20, %dma_start3A_21] : memref<32x80x128xi32, #tpu.memory_space<hbm>> -> memref<1x80x128xi32, #tpu.memory_space<hbm>>
      %dma_start3A_23 = tpu.memref_squeeze %dma_start3A_22 : memref<1x80x128xi32, #tpu.memory_space<hbm>> -> memref<80x128xi32, #tpu.memory_space<hbm>>
      tpu.enqueue_dma source(%dma_start3A_23 : memref<80x128xi32, #tpu.memory_space<hbm>>) target(%arg4 : memref<80x128xi32, #tpu.memory_space<vmem>>) target_semaphore(%run_scoped3A : memref<!tpu.dma_semaphore, #tpu.memory_space<semaphore_mem>>)
      %dma_wait3A = arith.constant 0 : i32
      %dma_wait3A_24 = arith.constant 0 : i32
      %dma_wait3A_25 = tpu.memref_slice %arg2[%add3A, %dma_wait3A, %dma_wait3A_24] : memref<32x80x128xi32, #tpu.memory_space<hbm>> -> memref<1x80x128xi32, #tpu.memory_space<hbm>>
      %dma_wait3A_26 = tpu.memref_squeeze %dma_wait3A_25 : memref<1x80x128xi32, #tpu.memory_space<hbm>> -> memref<80x128xi32, #tpu.memory_space<hbm>>
      %dma_wait3A_27 = arith.constant 0 : i32
      %dma_wait3A_28 = arith.constant 0 : i32
      %dma_wait3A_29 = tpu.memref_slice %arg2[%add3A, %dma_wait3A_27, %dma_wait3A_28] : memref<32x80x128xi32, #tpu.memory_space<hbm>> -> memref<1x80x128xi32, #tpu.memory_space<hbm>>
      %dma_wait3A_30 = tpu.memref_squeeze %dma_wait3A_29 : memref<1x80x128xi32, #tpu.memory_space<hbm>> -> memref<80x128xi32, #tpu.memory_space<hbm>>
      tpu.wait_dma2 semaphore(%run_scoped3A : memref<!tpu.dma_semaphore, #tpu.memory_space<semaphore_mem>>) src(%dma_wait3A_30 : memref<80x128xi32, #tpu.memory_space<hbm>>) dst(%arg4 : memref<80x128xi32, #tpu.memory_space<vmem>>)
      tpu.yield
    }) : () -> ()
    %broadcast_in_dim3A_8 = arith.constant 1.000000e+00 : f32
    %broadcast_in_dim3A_9 = vector.broadcast %broadcast_in_dim3A_8 : f32 to vector<16xf32>
    %scan3A_10 = arith.constant 0 : i32
    %scan3A_11 = arith.constant 0 : i32
    %scan3A_12 = arith.constant 80 : i32
    %scan3A_13 = arith.addi %scan3A_11, %scan3A_12 : i32
    %scan3A_14 = arith.constant 1 : i32
    %scan3A_15 = scf.for %scan3A_17 = %scan3A_11 to %scan3A_13 step %scan3A_14 iter_args(%scan3A_18 = %scan3A_10) -> (i32)  : i32 {
      %get3A = arith.index_cast %scan3A_17 : i32 to index
      %get3A_19 = arith.constant 0 : index
      %get3A_20 = tpu.vector_load %arg4[%get3A, %get3A_19] {strides = array<i32>} : memref<80x128xi32, #tpu.memory_space<vmem>>, vector<16xi32>,
      tpu.vector_store_idx %arg5[%get3A_20], %broadcast_in_dim3A_9 {add = true} : memref<10240xf32, #tpu.memory_space<vmem>>[vector<16xi32>], vector<16xf32>,
      %get3A_21 = arith.index_cast %scan3A_17 : i32 to index
      %get3A_22 = arith.constant 16 : index
      %get3A_23 = tpu.vector_load %arg4[%get3A_21, %get3A_22] {strides = array<i32>} : memref<80x128xi32, #tpu.memory_space<vmem>>, vector<16xi32>,
      tpu.vector_store_idx %arg5[%get3A_23], %broadcast_in_dim3A_9 {add = true} : memref<10240xf32, #tpu.memory_space<vmem>>[vector<16xi32>], vector<16xf32>,
      %get3A_24 = arith.index_cast %scan3A_17 : i32 to index
      %get3A_25 = arith.constant 32 : index
      %get3A_26 = tpu.vector_load %arg4[%get3A_24, %get3A_25] {strides = array<i32>} : memref<80x128xi32, #tpu.memory_space<vmem>>, vector<16xi32>,
      tpu.vector_store_idx %arg5[%get3A_26], %broadcast_in_dim3A_9 {add = true} : memref<10240xf32, #tpu.memory_space<vmem>>[vector<16xi32>], vector<16xf32>,
      %get3A_27 = arith.index_cast %scan3A_17 : i32 to index
      %get3A_28 = arith.constant 48 : index
      %get3A_29 = tpu.vector_load %arg4[%get3A_27, %get3A_28] {strides = array<i32>} : memref<80x128xi32, #tpu.memory_space<vmem>>, vector<16xi32>,
      tpu.vector_store_idx %arg5[%get3A_29], %broadcast_in_dim3A_9 {add = true} : memref<10240xf32, #tpu.memory_space<vmem>>[vector<16xi32>], vector<16xf32>,
      %get3A_30 = arith.index_cast %scan3A_17 : i32 to index
      %get3A_31 = arith.constant 64 : index
      %get3A_32 = tpu.vector_load %arg4[%get3A_30, %get3A_31] {strides = array<i32>} : memref<80x128xi32, #tpu.memory_space<vmem>>, vector<16xi32>,
      tpu.vector_store_idx %arg5[%get3A_32], %broadcast_in_dim3A_9 {add = true} : memref<10240xf32, #tpu.memory_space<vmem>>[vector<16xi32>], vector<16xf32>,
      %get3A_33 = arith.index_cast %scan3A_17 : i32 to index
      %get3A_34 = arith.constant 80 : index
      %get3A_35 = tpu.vector_load %arg4[%get3A_33, %get3A_34] {strides = array<i32>} : memref<80x128xi32, #tpu.memory_space<vmem>>, vector<16xi32>,
      tpu.vector_store_idx %arg5[%get3A_35], %broadcast_in_dim3A_9 {add = true} : memref<10240xf32, #tpu.memory_space<vmem>>[vector<16xi32>], vector<16xf32>,
      %get3A_36 = arith.index_cast %scan3A_17 : i32 to index
      %get3A_37 = arith.constant 96 : index
      %get3A_38 = tpu.vector_load %arg4[%get3A_36, %get3A_37] {strides = array<i32>} : memref<80x128xi32, #tpu.memory_space<vmem>>, vector<16xi32>,
      tpu.vector_store_idx %arg5[%get3A_38], %broadcast_in_dim3A_9 {add = true} : memref<10240xf32, #tpu.memory_space<vmem>>[vector<16xi32>], vector<16xf32>,
      %get3A_39 = arith.index_cast %scan3A_17 : i32 to index
      %get3A_40 = arith.constant 112 : index
      %get3A_41 = tpu.vector_load %arg4[%get3A_39, %get3A_40] {strides = array<i32>} : memref<80x128xi32, #tpu.memory_space<vmem>>, vector<16xi32>,
      tpu.vector_store_idx %arg5[%get3A_41], %broadcast_in_dim3A_9 {add = true} : memref<10240xf32, #tpu.memory_space<vmem>>[vector<16xi32>], vector<16xf32>,
      %scan3A_42 = arith.constant 0 : i32
      scf.yield %scan3A_42 : i32
    }
    %scan3A_16 = arith.constant 80 : i32
    "tpu.region"() ({
      %run_scoped3A = tpu.sem_alloc : memref<!tpu.dma_semaphore, #tpu.memory_space<semaphore_mem>>
      %dma_start3A = arith.constant 0 : i32
      %dma_start3A_17 = tpu.memref_slice %arg3[%add3A, %dma_start3A] : memref<32x10240xf32, #tpu.memory_space<hbm>> -> memref<1x10240xf32, #tpu.memory_space<hbm>>
      %dma_start3A_18 = tpu.memref_squeeze %dma_start3A_17 : memref<1x10240xf32, #tpu.memory_space<hbm>> -> memref<10240xf32, #tpu.memory_space<hbm>>
      %dma_start3A_19 = arith.constant 0 : i32
      %dma_start3A_20 = tpu.memref_slice %arg3[%add3A, %dma_start3A_19] : memref<32x10240xf32, #tpu.memory_space<hbm>> -> memref<1x10240xf32, #tpu.memory_space<hbm>>
      %dma_start3A_21 = tpu.memref_squeeze %dma_start3A_20 : memref<1x10240xf32, #tpu.memory_space<hbm>> -> memref<10240xf32, #tpu.memory_space<hbm>>
      tpu.enqueue_dma source(%arg5 : memref<10240xf32, #tpu.memory_space<vmem>>) target(%dma_start3A_21 : memref<10240xf32, #tpu.memory_space<hbm>>) target_semaphore(%run_scoped3A : memref<!tpu.dma_semaphore, #tpu.memory_space<semaphore_mem>>)
      %dma_wait3A = arith.constant 0 : i32
      %dma_wait3A_22 = tpu.memref_slice %arg3[%add3A, %dma_wait3A] : memref<32x10240xf32, #tpu.memory_space<hbm>> -> memref<1x10240xf32, #tpu.memory_space<hbm>>
      %dma_wait3A_23 = tpu.memref_squeeze %dma_wait3A_22 : memref<1x10240xf32, #tpu.memory_space<hbm>> -> memref<10240xf32, #tpu.memory_space<hbm>>
      %dma_wait3A_24 = arith.constant 0 : i32
      %dma_wait3A_25 = tpu.memref_slice %arg3[%add3A, %dma_wait3A_24] : memref<32x10240xf32, #tpu.memory_space<hbm>> -> memref<1x10240xf32, #tpu.memory_space<hbm>>
      %dma_wait3A_26 = tpu.memref_squeeze %dma_wait3A_25 : memref<1x10240xf32, #tpu.memory_space<hbm>> -> memref<10240xf32, #tpu.memory_space<hbm>>
      tpu.wait_dma2 semaphore(%run_scoped3A : memref<!tpu.dma_semaphore, #tpu.memory_space<semaphore_mem>>) src(%arg5 : memref<10240xf32, #tpu.memory_space<vmem>>) dst(%dma_wait3A_26 : memref<10240xf32, #tpu.memory_space<hbm>>)
      tpu.yield
    }) : () -> ()
    return
  }
}

#map = affine_map<(d0, d1) -> (0, 0)>
#map1 = affine_map<(d0, d1) -> (0, 0, 0, 0)>
#map2 = affine_map<(d0, d1) -> (0, 0, 0)>
module attributes {stable_mosaic.version = 14 : i64} {
  func.func @_msg_kernel(%arg0: i32, %arg1: i32, %arg2: memref<10240x128xf32, #tpu.memory_space<hbm>>, %arg3: memref<32x10x8x128xi32, #tpu.memory_space<hbm>>, %arg4: memref<32x80x128xi32, #tpu.memory_space<hbm>>, %arg5: memref<2x10240x128xf32, #tpu.memory_space<hbm>>, %arg6: memref<2x8x128xi32, #tpu.memory_space<vmem>>, %arg7: memref<80x128xi32, #tpu.memory_space<vmem>>, %arg8: memref<2x128x128xf32, #tpu.memory_space<vmem>>, %arg9: memref<10240x128xf32, #tpu.memory_space<vmem_shared>>, %arg10: memref<!tpu.dma_semaphore, #tpu.memory_space<semaphore_mem>>, %arg11: memref<!tpu.dma_semaphore, #tpu.memory_space<semaphore_mem>>) attributes {dimension_semantics = [#tpu.dimension_semantics<core_parallel>, #tpu.dimension_semantics<subcore_parallel>], iteration_bounds = array<i64: 2, 16>, scalar_prefetch = 0 : i64, scratch_operands = 6 : i64, tpu.core_type = #tpu.core_type<sc_vector_subcore>, window_params = [{transform_indices = #map}, {transform_indices = #map1}, {transform_indices = #map2}, {transform_indices = #map2}]} {
    %mul3A = arith.constant 2 : i32
    %mul3A_0 = arith.muli %arg1, %mul3A : i32
    %add3A = arith.addi %mul3A_0, %arg0 : i32
    %broadcast_in_dim3A = arith.constant 0.000000e+00 : f32
    %broadcast_in_dim3A_1 = vector.broadcast %broadcast_in_dim3A : f32 to vector<16xf32>
    %scan3A = arith.constant 0 : i32
    %scan3A_2 = arith.constant 0 : i32
    %scan3A_3 = arith.constant 1024 : i32
    %scan3A_4 = arith.addi %scan3A_2, %scan3A_3 : i32
    %scan3A_5 = arith.constant 1 : i32
    %scan3A_6 = scf.for %scan3A_102 = %scan3A_2 to %scan3A_4 step %scan3A_5 iter_args(%scan3A_103 = %scan3A) -> (i32)  : i32 {
      %jit3A = arith.constant 8 : i32
      %div3A = arith.divsi %scan3A_102, %jit3A : i32
      %sign3A = arith.constant 0 : i32
      %sign3A_104 = arith.cmpi sgt, %scan3A_102, %sign3A : i32
      %sign3A_105 = arith.extui %sign3A_104 : i1 to i32
      %sign3A_106 = arith.constant 0 : i32
      %sign3A_107 = arith.cmpi slt, %scan3A_102, %sign3A_106 : i32
      %sign3A_108 = arith.extui %sign3A_107 : i1 to i32
      %sign3A_109 = arith.subi %sign3A_105, %sign3A_108 : i32
      %sign3A_110 = arith.constant 0 : i32
      %sign3A_111 = arith.cmpi sgt, %jit3A, %sign3A_110 : i32
      %sign3A_112 = arith.extui %sign3A_111 : i1 to i32
      %sign3A_113 = arith.constant 0 : i32
      %sign3A_114 = arith.cmpi slt, %jit3A, %sign3A_113 : i32
      %sign3A_115 = arith.extui %sign3A_114 : i1 to i32
      %sign3A_116 = arith.subi %sign3A_112, %sign3A_115 : i32
      %ne3A = arith.cmpi ne, %sign3A_109, %sign3A_116 : i32
      %rem3A = arith.remsi %scan3A_102, %jit3A : i32
      %ne3A_117 = arith.constant 0 : i32
      %ne3A_118 = arith.cmpi ne, %rem3A, %ne3A_117 : i32
      %and3A = arith.andi %ne3A, %ne3A_118 : i1
      %sub3A = arith.constant 1 : i32
      %sub3A_119 = arith.subi %div3A, %sub3A : i32
      %select_n3A = arith.select %and3A, %sub3A_119, %div3A : i32
      %jit3A_120 = arith.constant 8 : i32
      %eq3A = arith.constant 0 : i32
      %eq3A_121 = arith.cmpi eq, %jit3A_120, %eq3A : i32
      %jit3A_122 = arith.constant 1 : i32
      %select_n3A_123 = arith.select %eq3A_121, %jit3A_122, %jit3A_120 : i32
      %rem3A_124 = arith.remsi %scan3A_102, %select_n3A_123 : i32
      %ne3A_125 = arith.constant 0 : i32
      %ne3A_126 = arith.cmpi ne, %rem3A_124, %ne3A_125 : i32
      %lt3A = arith.constant 0 : i32
      %lt3A_127 = arith.cmpi slt, %rem3A_124, %lt3A : i32
      %lt3A_128 = arith.constant 0 : i32
      %lt3A_129 = arith.cmpi slt, %select_n3A_123, %lt3A_128 : i32
      %ne3A_130 = arith.xori %lt3A_127, %lt3A_129 : i1
      %and3A_131 = arith.andi %ne3A_130, %ne3A_126 : i1
      %add3A_132 = arith.addi %rem3A_124, %select_n3A_123 : i32
      %select_n3A_133 = arith.select %and3A_131, %add3A_132, %rem3A_124 : i32
      %mul3A_134 = arith.constant 16 : i32
      %mul3A_135 = arith.muli %select_n3A_133, %mul3A_134 : i32
      %swap3A = arith.constant 0 : i32
      %swap3A_136 = arith.index_cast %swap3A : i32 to index
      %swap3A_137 = arith.index_cast %select_n3A : i32 to index
      %swap3A_138 = arith.index_cast %mul3A_135 : i32 to index
      %swap3A_139 = tpu.vector_load %arg8[%swap3A_136, %swap3A_137, %swap3A_138] {strides = array<i32>} : memref<2x128x128xf32, #tpu.memory_space<vmem>>, vector<16xf32>,
      tpu.vector_store %arg8[%swap3A_136, %swap3A_137, %swap3A_138], %broadcast_in_dim3A_1 {strides = array<i32>} : memref<2x128x128xf32, #tpu.memory_space<vmem>>, vector<16xf32>,
      %scan3A_140 = arith.constant 0 : i32
      scf.yield %scan3A_140 : i32
    }
    %scan3A_7 = arith.constant 1024 : i32
    %mul3A_8 = arith.constant 640 : i32
    %mul3A_9 = arith.muli %arg1, %mul3A_8 : i32
    %add3A_10 = arith.constant 0 : i32
    %add3A_11 = arith.addi %mul3A_9, %add3A_10 : i32
    %run_scoped3A = arith.constant 0 : i32
    "tpu.region"() ({
      %run_scoped3A_102 = tpu.sem_alloc : memref<!tpu.dma_semaphore, #tpu.memory_space<semaphore_mem>>
      %dma_start3A_103 = arith.constant 0 : i32
      %dma_start3A_104 = arith.constant 0 : i32
      %dma_start3A_105 = tpu.memref_slice %arg8[%run_scoped3A, %dma_start3A_103, %dma_start3A_104] : memref<2x128x128xf32, #tpu.memory_space<vmem>> -> memref<1x128x128xf32, #tpu.memory_space<vmem>>
      %dma_start3A_106 = tpu.memref_squeeze %dma_start3A_105 : memref<1x128x128xf32, #tpu.memory_space<vmem>> -> memref<128x128xf32, #tpu.memory_space<vmem>>
      %dma_start3A_107 = arith.constant 0 : i32
      %dma_start3A_108 = tpu.memref_slice %arg9[%add3A_11, %dma_start3A_107] : memref<10240x128xf32, #tpu.memory_space<vmem_shared>> -> memref<128x128xf32, #tpu.memory_space<vmem_shared>>
      %dma_start3A_109 = arith.constant 0 : i32
      %dma_start3A_110 = tpu.memref_slice %arg9[%add3A_11, %dma_start3A_109] : memref<10240x128xf32, #tpu.memory_space<vmem_shared>> -> memref<128x128xf32, #tpu.memory_space<vmem_shared>>
      %dma_start3A_111 = arith.constant 0 : i32
      %dma_start3A_112 = arith.constant 0 : i32
      %dma_start3A_113 = tpu.memref_slice %arg8[%run_scoped3A, %dma_start3A_111, %dma_start3A_112] : memref<2x128x128xf32, #tpu.memory_space<vmem>> -> memref<1x128x128xf32, #tpu.memory_space<vmem>>
      %dma_start3A_114 = tpu.memref_squeeze %dma_start3A_113 : memref<1x128x128xf32, #tpu.memory_space<vmem>> -> memref<128x128xf32, #tpu.memory_space<vmem>>
      tpu.enqueue_dma source(%dma_start3A_114 : memref<128x128xf32, #tpu.memory_space<vmem>>) target(%dma_start3A_110 : memref<128x128xf32, #tpu.memory_space<vmem_shared>>) target_semaphore(%run_scoped3A_102 : memref<!tpu.dma_semaphore, #tpu.memory_space<semaphore_mem>>)
      %dma_wait3A = arith.constant 0 : i32
      %dma_wait3A_115 = arith.constant 0 : i32
      %dma_wait3A_116 = tpu.memref_slice %arg8[%run_scoped3A, %dma_wait3A, %dma_wait3A_115] : memref<2x128x128xf32, #tpu.memory_space<vmem>> -> memref<1x128x128xf32, #tpu.memory_space<vmem>>
      %dma_wait3A_117 = tpu.memref_squeeze %dma_wait3A_116 : memref<1x128x128xf32, #tpu.memory_space<vmem>> -> memref<128x128xf32, #tpu.memory_space<vmem>>
      %dma_wait3A_118 = arith.constant 0 : i32
      %dma_wait3A_119 = tpu.memref_slice %arg9[%add3A_11, %dma_wait3A_118] : memref<10240x128xf32, #tpu.memory_space<vmem_shared>> -> memref<128x128xf32, #tpu.memory_space<vmem_shared>>
      %dma_wait3A_120 = arith.constant 0 : i32
      %dma_wait3A_121 = tpu.memref_slice %arg9[%add3A_11, %dma_wait3A_120] : memref<10240x128xf32, #tpu.memory_space<vmem_shared>> -> memref<128x128xf32, #tpu.memory_space<vmem_shared>>
      %dma_wait3A_122 = arith.constant 0 : i32
      %dma_wait3A_123 = arith.constant 0 : i32
      %dma_wait3A_124 = tpu.memref_slice %arg8[%run_scoped3A, %dma_wait3A_122, %dma_wait3A_123] : memref<2x128x128xf32, #tpu.memory_space<vmem>> -> memref<1x128x128xf32, #tpu.memory_space<vmem>>
      %dma_wait3A_125 = tpu.memref_squeeze %dma_wait3A_124 : memref<1x128x128xf32, #tpu.memory_space<vmem>> -> memref<128x128xf32, #tpu.memory_space<vmem>>
      tpu.wait_dma2 semaphore(%run_scoped3A_102 : memref<!tpu.dma_semaphore, #tpu.memory_space<semaphore_mem>>) src(%dma_wait3A_125 : memref<128x128xf32, #tpu.memory_space<vmem>>) dst(%dma_wait3A_121 : memref<128x128xf32, #tpu.memory_space<vmem_shared>>)
      tpu.yield
    }) : () -> ()
    %mul3A_12 = arith.constant 640 : i32
    %mul3A_13 = arith.muli %arg1, %mul3A_12 : i32
    %add3A_14 = arith.constant 128 : i32
    %add3A_15 = arith.addi %mul3A_13, %add3A_14 : i32
    %run_scoped3A_16 = arith.constant 0 : i32
    "tpu.region"() ({
      %run_scoped3A_102 = tpu.sem_alloc : memref<!tpu.dma_semaphore, #tpu.memory_space<semaphore_mem>>
      %dma_start3A_103 = arith.constant 0 : i32
      %dma_start3A_104 = arith.constant 0 : i32
      %dma_start3A_105 = tpu.memref_slice %arg8[%run_scoped3A_16, %dma_start3A_103, %dma_start3A_104] : memref<2x128x128xf32, #tpu.memory_space<vmem>> -> memref<1x128x128xf32, #tpu.memory_space<vmem>>
      %dma_start3A_106 = tpu.memref_squeeze %dma_start3A_105 : memref<1x128x128xf32, #tpu.memory_space<vmem>> -> memref<128x128xf32, #tpu.memory_space<vmem>>
      %dma_start3A_107 = arith.constant 0 : i32
      %dma_start3A_108 = tpu.memref_slice %arg9[%add3A_15, %dma_start3A_107] : memref<10240x128xf32, #tpu.memory_space<vmem_shared>> -> memref<128x128xf32, #tpu.memory_space<vmem_shared>>
      %dma_start3A_109 = arith.constant 0 : i32
      %dma_start3A_110 = tpu.memref_slice %arg9[%add3A_15, %dma_start3A_109] : memref<10240x128xf32, #tpu.memory_space<vmem_shared>> -> memref<128x128xf32, #tpu.memory_space<vmem_shared>>
      %dma_start3A_111 = arith.constant 0 : i32
      %dma_start3A_112 = arith.constant 0 : i32
      %dma_start3A_113 = tpu.memref_slice %arg8[%run_scoped3A_16, %dma_start3A_111, %dma_start3A_112] : memref<2x128x128xf32, #tpu.memory_space<vmem>> -> memref<1x128x128xf32, #tpu.memory_space<vmem>>
      %dma_start3A_114 = tpu.memref_squeeze %dma_start3A_113 : memref<1x128x128xf32, #tpu.memory_space<vmem>> -> memref<128x128xf32, #tpu.memory_space<vmem>>
      tpu.enqueue_dma source(%dma_start3A_114 : memref<128x128xf32, #tpu.memory_space<vmem>>) target(%dma_start3A_110 : memref<128x128xf32, #tpu.memory_space<vmem_shared>>) target_semaphore(%run_scoped3A_102 : memref<!tpu.dma_semaphore, #tpu.memory_space<semaphore_mem>>)
      %dma_wait3A = arith.constant 0 : i32
      %dma_wait3A_115 = arith.constant 0 : i32
      %dma_wait3A_116 = tpu.memref_slice %arg8[%run_scoped3A_16, %dma_wait3A, %dma_wait3A_115] : memref<2x128x128xf32, #tpu.memory_space<vmem>> -> memref<1x128x128xf32, #tpu.memory_space<vmem>>
      %dma_wait3A_117 = tpu.memref_squeeze %dma_wait3A_116 : memref<1x128x128xf32, #tpu.memory_space<vmem>> -> memref<128x128xf32, #tpu.memory_space<vmem>>
      %dma_wait3A_118 = arith.constant 0 : i32
      %dma_wait3A_119 = tpu.memref_slice %arg9[%add3A_15, %dma_wait3A_118] : memref<10240x128xf32, #tpu.memory_space<vmem_shared>> -> memref<128x128xf32, #tpu.memory_space<vmem_shared>>
      %dma_wait3A_120 = arith.constant 0 : i32
      %dma_wait3A_121 = tpu.memref_slice %arg9[%add3A_15, %dma_wait3A_120] : memref<10240x128xf32, #tpu.memory_space<vmem_shared>> -> memref<128x128xf32, #tpu.memory_space<vmem_shared>>
      %dma_wait3A_122 = arith.constant 0 : i32
      %dma_wait3A_123 = arith.constant 0 : i32
      %dma_wait3A_124 = tpu.memref_slice %arg8[%run_scoped3A_16, %dma_wait3A_122, %dma_wait3A_123] : memref<2x128x128xf32, #tpu.memory_space<vmem>> -> memref<1x128x128xf32, #tpu.memory_space<vmem>>
      %dma_wait3A_125 = tpu.memref_squeeze %dma_wait3A_124 : memref<1x128x128xf32, #tpu.memory_space<vmem>> -> memref<128x128xf32, #tpu.memory_space<vmem>>
      tpu.wait_dma2 semaphore(%run_scoped3A_102 : memref<!tpu.dma_semaphore, #tpu.memory_space<semaphore_mem>>) src(%dma_wait3A_125 : memref<128x128xf32, #tpu.memory_space<vmem>>) dst(%dma_wait3A_121 : memref<128x128xf32, #tpu.memory_space<vmem_shared>>)
      tpu.yield
    }) : () -> ()
    %mul3A_17 = arith.constant 640 : i32
    %mul3A_18 = arith.muli %arg1, %mul3A_17 : i32
    %add3A_19 = arith.constant 256 : i32
    %add3A_20 = arith.addi %mul3A_18, %add3A_19 : i32
    %run_scoped3A_21 = arith.constant 0 : i32
    "tpu.region"() ({
      %run_scoped3A_102 = tpu.sem_alloc : memref<!tpu.dma_semaphore, #tpu.memory_space<semaphore_mem>>
      %dma_start3A_103 = arith.constant 0 : i32
      %dma_start3A_104 = arith.constant 0 : i32
      %dma_start3A_105 = tpu.memref_slice %arg8[%run_scoped3A_21, %dma_start3A_103, %dma_start3A_104] : memref<2x128x128xf32, #tpu.memory_space<vmem>> -> memref<1x128x128xf32, #tpu.memory_space<vmem>>
      %dma_start3A_106 = tpu.memref_squeeze %dma_start3A_105 : memref<1x128x128xf32, #tpu.memory_space<vmem>> -> memref<128x128xf32, #tpu.memory_space<vmem>>
      %dma_start3A_107 = arith.constant 0 : i32
      %dma_start3A_108 = tpu.memref_slice %arg9[%add3A_20, %dma_start3A_107] : memref<10240x128xf32, #tpu.memory_space<vmem_shared>> -> memref<128x128xf32, #tpu.memory_space<vmem_shared>>
      %dma_start3A_109 = arith.constant 0 : i32
      %dma_start3A_110 = tpu.memref_slice %arg9[%add3A_20, %dma_start3A_109] : memref<10240x128xf32, #tpu.memory_space<vmem_shared>> -> memref<128x128xf32, #tpu.memory_space<vmem_shared>>
      %dma_start3A_111 = arith.constant 0 : i32
      %dma_start3A_112 = arith.constant 0 : i32
      %dma_start3A_113 = tpu.memref_slice %arg8[%run_scoped3A_21, %dma_start3A_111, %dma_start3A_112] : memref<2x128x128xf32, #tpu.memory_space<vmem>> -> memref<1x128x128xf32, #tpu.memory_space<vmem>>
      %dma_start3A_114 = tpu.memref_squeeze %dma_start3A_113 : memref<1x128x128xf32, #tpu.memory_space<vmem>> -> memref<128x128xf32, #tpu.memory_space<vmem>>
      tpu.enqueue_dma source(%dma_start3A_114 : memref<128x128xf32, #tpu.memory_space<vmem>>) target(%dma_start3A_110 : memref<128x128xf32, #tpu.memory_space<vmem_shared>>) target_semaphore(%run_scoped3A_102 : memref<!tpu.dma_semaphore, #tpu.memory_space<semaphore_mem>>)
      %dma_wait3A = arith.constant 0 : i32
      %dma_wait3A_115 = arith.constant 0 : i32
      %dma_wait3A_116 = tpu.memref_slice %arg8[%run_scoped3A_21, %dma_wait3A, %dma_wait3A_115] : memref<2x128x128xf32, #tpu.memory_space<vmem>> -> memref<1x128x128xf32, #tpu.memory_space<vmem>>
      %dma_wait3A_117 = tpu.memref_squeeze %dma_wait3A_116 : memref<1x128x128xf32, #tpu.memory_space<vmem>> -> memref<128x128xf32, #tpu.memory_space<vmem>>
      %dma_wait3A_118 = arith.constant 0 : i32
      %dma_wait3A_119 = tpu.memref_slice %arg9[%add3A_20, %dma_wait3A_118] : memref<10240x128xf32, #tpu.memory_space<vmem_shared>> -> memref<128x128xf32, #tpu.memory_space<vmem_shared>>
      %dma_wait3A_120 = arith.constant 0 : i32
      %dma_wait3A_121 = tpu.memref_slice %arg9[%add3A_20, %dma_wait3A_120] : memref<10240x128xf32, #tpu.memory_space<vmem_shared>> -> memref<128x128xf32, #tpu.memory_space<vmem_shared>>
      %dma_wait3A_122 = arith.constant 0 : i32
      %dma_wait3A_123 = arith.constant 0 : i32
      %dma_wait3A_124 = tpu.memref_slice %arg8[%run_scoped3A_21, %dma_wait3A_122, %dma_wait3A_123] : memref<2x128x128xf32, #tpu.memory_space<vmem>> -> memref<1x128x128xf32, #tpu.memory_space<vmem>>
      %dma_wait3A_125 = tpu.memref_squeeze %dma_wait3A_124 : memref<1x128x128xf32, #tpu.memory_space<vmem>> -> memref<128x128xf32, #tpu.memory_space<vmem>>
      tpu.wait_dma2 semaphore(%run_scoped3A_102 : memref<!tpu.dma_semaphore, #tpu.memory_space<semaphore_mem>>) src(%dma_wait3A_125 : memref<128x128xf32, #tpu.memory_space<vmem>>) dst(%dma_wait3A_121 : memref<128x128xf32, #tpu.memory_space<vmem_shared>>)
      tpu.yield
    }) : () -> ()
    %mul3A_22 = arith.constant 640 : i32
    %mul3A_23 = arith.muli %arg1, %mul3A_22 : i32
    %add3A_24 = arith.constant 384 : i32
    %add3A_25 = arith.addi %mul3A_23, %add3A_24 : i32
    %run_scoped3A_26 = arith.constant 0 : i32
    "tpu.region"() ({
      %run_scoped3A_102 = tpu.sem_alloc : memref<!tpu.dma_semaphore, #tpu.memory_space<semaphore_mem>>
      %dma_start3A_103 = arith.constant 0 : i32
      %dma_start3A_104 = arith.constant 0 : i32
      %dma_start3A_105 = tpu.memref_slice %arg8[%run_scoped3A_26, %dma_start3A_103, %dma_start3A_104] : memref<2x128x128xf32, #tpu.memory_space<vmem>> -> memref<1x128x128xf32, #tpu.memory_space<vmem>>
      %dma_start3A_106 = tpu.memref_squeeze %dma_start3A_105 : memref<1x128x128xf32, #tpu.memory_space<vmem>> -> memref<128x128xf32, #tpu.memory_space<vmem>>
      %dma_start3A_107 = arith.constant 0 : i32
      %dma_start3A_108 = tpu.memref_slice %arg9[%add3A_25, %dma_start3A_107] : memref<10240x128xf32, #tpu.memory_space<vmem_shared>> -> memref<128x128xf32, #tpu.memory_space<vmem_shared>>
      %dma_start3A_109 = arith.constant 0 : i32
      %dma_start3A_110 = tpu.memref_slice %arg9[%add3A_25, %dma_start3A_109] : memref<10240x128xf32, #tpu.memory_space<vmem_shared>> -> memref<128x128xf32, #tpu.memory_space<vmem_shared>>
      %dma_start3A_111 = arith.constant 0 : i32
      %dma_start3A_112 = arith.constant 0 : i32
      %dma_start3A_113 = tpu.memref_slice %arg8[%run_scoped3A_26, %dma_start3A_111, %dma_start3A_112] : memref<2x128x128xf32, #tpu.memory_space<vmem>> -> memref<1x128x128xf32, #tpu.memory_space<vmem>>
      %dma_start3A_114 = tpu.memref_squeeze %dma_start3A_113 : memref<1x128x128xf32, #tpu.memory_space<vmem>> -> memref<128x128xf32, #tpu.memory_space<vmem>>
      tpu.enqueue_dma source(%dma_start3A_114 : memref<128x128xf32, #tpu.memory_space<vmem>>) target(%dma_start3A_110 : memref<128x128xf32, #tpu.memory_space<vmem_shared>>) target_semaphore(%run_scoped3A_102 : memref<!tpu.dma_semaphore, #tpu.memory_space<semaphore_mem>>)
      %dma_wait3A = arith.constant 0 : i32
      %dma_wait3A_115 = arith.constant 0 : i32
      %dma_wait3A_116 = tpu.memref_slice %arg8[%run_scoped3A_26, %dma_wait3A, %dma_wait3A_115] : memref<2x128x128xf32, #tpu.memory_space<vmem>> -> memref<1x128x128xf32, #tpu.memory_space<vmem>>
      %dma_wait3A_117 = tpu.memref_squeeze %dma_wait3A_116 : memref<1x128x128xf32, #tpu.memory_space<vmem>> -> memref<128x128xf32, #tpu.memory_space<vmem>>
      %dma_wait3A_118 = arith.constant 0 : i32
      %dma_wait3A_119 = tpu.memref_slice %arg9[%add3A_25, %dma_wait3A_118] : memref<10240x128xf32, #tpu.memory_space<vmem_shared>> -> memref<128x128xf32, #tpu.memory_space<vmem_shared>>
      %dma_wait3A_120 = arith.constant 0 : i32
      %dma_wait3A_121 = tpu.memref_slice %arg9[%add3A_25, %dma_wait3A_120] : memref<10240x128xf32, #tpu.memory_space<vmem_shared>> -> memref<128x128xf32, #tpu.memory_space<vmem_shared>>
      %dma_wait3A_122 = arith.constant 0 : i32
      %dma_wait3A_123 = arith.constant 0 : i32
      %dma_wait3A_124 = tpu.memref_slice %arg8[%run_scoped3A_26, %dma_wait3A_122, %dma_wait3A_123] : memref<2x128x128xf32, #tpu.memory_space<vmem>> -> memref<1x128x128xf32, #tpu.memory_space<vmem>>
      %dma_wait3A_125 = tpu.memref_squeeze %dma_wait3A_124 : memref<1x128x128xf32, #tpu.memory_space<vmem>> -> memref<128x128xf32, #tpu.memory_space<vmem>>
      tpu.wait_dma2 semaphore(%run_scoped3A_102 : memref<!tpu.dma_semaphore, #tpu.memory_space<semaphore_mem>>) src(%dma_wait3A_125 : memref<128x128xf32, #tpu.memory_space<vmem>>) dst(%dma_wait3A_121 : memref<128x128xf32, #tpu.memory_space<vmem_shared>>)
      tpu.yield
    }) : () -> ()
    %mul3A_27 = arith.constant 640 : i32
    %mul3A_28 = arith.muli %arg1, %mul3A_27 : i32
    %add3A_29 = arith.constant 512 : i32
    %add3A_30 = arith.addi %mul3A_28, %add3A_29 : i32
    %run_scoped3A_31 = arith.constant 0 : i32
    "tpu.region"() ({
      %run_scoped3A_102 = tpu.sem_alloc : memref<!tpu.dma_semaphore, #tpu.memory_space<semaphore_mem>>
      %dma_start3A_103 = arith.constant 0 : i32
      %dma_start3A_104 = arith.constant 0 : i32
      %dma_start3A_105 = tpu.memref_slice %arg8[%run_scoped3A_31, %dma_start3A_103, %dma_start3A_104] : memref<2x128x128xf32, #tpu.memory_space<vmem>> -> memref<1x128x128xf32, #tpu.memory_space<vmem>>
      %dma_start3A_106 = tpu.memref_squeeze %dma_start3A_105 : memref<1x128x128xf32, #tpu.memory_space<vmem>> -> memref<128x128xf32, #tpu.memory_space<vmem>>
      %dma_start3A_107 = arith.constant 0 : i32
      %dma_start3A_108 = tpu.memref_slice %arg9[%add3A_30, %dma_start3A_107] : memref<10240x128xf32, #tpu.memory_space<vmem_shared>> -> memref<128x128xf32, #tpu.memory_space<vmem_shared>>
      %dma_start3A_109 = arith.constant 0 : i32
      %dma_start3A_110 = tpu.memref_slice %arg9[%add3A_30, %dma_start3A_109] : memref<10240x128xf32, #tpu.memory_space<vmem_shared>> -> memref<128x128xf32, #tpu.memory_space<vmem_shared>>
      %dma_start3A_111 = arith.constant 0 : i32
      %dma_start3A_112 = arith.constant 0 : i32
      %dma_start3A_113 = tpu.memref_slice %arg8[%run_scoped3A_31, %dma_start3A_111, %dma_start3A_112] : memref<2x128x128xf32, #tpu.memory_space<vmem>> -> memref<1x128x128xf32, #tpu.memory_space<vmem>>
      %dma_start3A_114 = tpu.memref_squeeze %dma_start3A_113 : memref<1x128x128xf32, #tpu.memory_space<vmem>> -> memref<128x128xf32, #tpu.memory_space<vmem>>
      tpu.enqueue_dma source(%dma_start3A_114 : memref<128x128xf32, #tpu.memory_space<vmem>>) target(%dma_start3A_110 : memref<128x128xf32, #tpu.memory_space<vmem_shared>>) target_semaphore(%run_scoped3A_102 : memref<!tpu.dma_semaphore, #tpu.memory_space<semaphore_mem>>)
      %dma_wait3A = arith.constant 0 : i32
      %dma_wait3A_115 = arith.constant 0 : i32
      %dma_wait3A_116 = tpu.memref_slice %arg8[%run_scoped3A_31, %dma_wait3A, %dma_wait3A_115] : memref<2x128x128xf32, #tpu.memory_space<vmem>> -> memref<1x128x128xf32, #tpu.memory_space<vmem>>
      %dma_wait3A_117 = tpu.memref_squeeze %dma_wait3A_116 : memref<1x128x128xf32, #tpu.memory_space<vmem>> -> memref<128x128xf32, #tpu.memory_space<vmem>>
      %dma_wait3A_118 = arith.constant 0 : i32
      %dma_wait3A_119 = tpu.memref_slice %arg9[%add3A_30, %dma_wait3A_118] : memref<10240x128xf32, #tpu.memory_space<vmem_shared>> -> memref<128x128xf32, #tpu.memory_space<vmem_shared>>
      %dma_wait3A_120 = arith.constant 0 : i32
      %dma_wait3A_121 = tpu.memref_slice %arg9[%add3A_30, %dma_wait3A_120] : memref<10240x128xf32, #tpu.memory_space<vmem_shared>> -> memref<128x128xf32, #tpu.memory_space<vmem_shared>>
      %dma_wait3A_122 = arith.constant 0 : i32
      %dma_wait3A_123 = arith.constant 0 : i32
      %dma_wait3A_124 = tpu.memref_slice %arg8[%run_scoped3A_31, %dma_wait3A_122, %dma_wait3A_123] : memref<2x128x128xf32, #tpu.memory_space<vmem>> -> memref<1x128x128xf32, #tpu.memory_space<vmem>>
      %dma_wait3A_125 = tpu.memref_squeeze %dma_wait3A_124 : memref<1x128x128xf32, #tpu.memory_space<vmem>> -> memref<128x128xf32, #tpu.memory_space<vmem>>
      tpu.wait_dma2 semaphore(%run_scoped3A_102 : memref<!tpu.dma_semaphore, #tpu.memory_space<semaphore_mem>>) src(%dma_wait3A_125 : memref<128x128xf32, #tpu.memory_space<vmem>>) dst(%dma_wait3A_121 : memref<128x128xf32, #tpu.memory_space<vmem_shared>>)
      tpu.yield
    }) : () -> ()
    %barrier3A = arith.constant 0 : index
    tpu.barrier barrier_id(%barrier3A)
    "tpu.region"() ({
      %run_scoped3A_102 = tpu.sem_alloc : memref<!tpu.dma_semaphore, #tpu.memory_space<semaphore_mem>>
      %dma_start3A_103 = arith.constant 0 : i32
      %dma_start3A_104 = arith.constant 0 : i32
      %dma_start3A_105 = tpu.memref_slice %arg4[%add3A, %dma_start3A_103, %dma_start3A_104] : memref<32x80x128xi32, #tpu.memory_space<hbm>> -> memref<1x80x128xi32, #tpu.memory_space<hbm>>
      %dma_start3A_106 = tpu.memref_squeeze %dma_start3A_105 : memref<1x80x128xi32, #tpu.memory_space<hbm>> -> memref<80x128xi32, #tpu.memory_space<hbm>>
      %dma_start3A_107 = arith.constant 0 : i32
      %dma_start3A_108 = arith.constant 0 : i32
      %dma_start3A_109 = tpu.memref_slice %arg4[%add3A, %dma_start3A_107, %dma_start3A_108] : memref<32x80x128xi32, #tpu.memory_space<hbm>> -> memref<1x80x128xi32, #tpu.memory_space<hbm>>
      %dma_start3A_110 = tpu.memref_squeeze %dma_start3A_109 : memref<1x80x128xi32, #tpu.memory_space<hbm>> -> memref<80x128xi32, #tpu.memory_space<hbm>>
      tpu.enqueue_dma source(%dma_start3A_110 : memref<80x128xi32, #tpu.memory_space<hbm>>) target(%arg7 : memref<80x128xi32, #tpu.memory_space<vmem>>) target_semaphore(%run_scoped3A_102 : memref<!tpu.dma_semaphore, #tpu.memory_space<semaphore_mem>>)
      %dma_wait3A = arith.constant 0 : i32
      %dma_wait3A_111 = arith.constant 0 : i32
      %dma_wait3A_112 = tpu.memref_slice %arg4[%add3A, %dma_wait3A, %dma_wait3A_111] : memref<32x80x128xi32, #tpu.memory_space<hbm>> -> memref<1x80x128xi32, #tpu.memory_space<hbm>>
      %dma_wait3A_113 = tpu.memref_squeeze %dma_wait3A_112 : memref<1x80x128xi32, #tpu.memory_space<hbm>> -> memref<80x128xi32, #tpu.memory_space<hbm>>
      %dma_wait3A_114 = arith.constant 0 : i32
      %dma_wait3A_115 = arith.constant 0 : i32
      %dma_wait3A_116 = tpu.memref_slice %arg4[%add3A, %dma_wait3A_114, %dma_wait3A_115] : memref<32x80x128xi32, #tpu.memory_space<hbm>> -> memref<1x80x128xi32, #tpu.memory_space<hbm>>
      %dma_wait3A_117 = tpu.memref_squeeze %dma_wait3A_116 : memref<1x80x128xi32, #tpu.memory_space<hbm>> -> memref<80x128xi32, #tpu.memory_space<hbm>>
      tpu.wait_dma2 semaphore(%run_scoped3A_102 : memref<!tpu.dma_semaphore, #tpu.memory_space<semaphore_mem>>) src(%dma_wait3A_117 : memref<80x128xi32, #tpu.memory_space<hbm>>) dst(%arg7 : memref<80x128xi32, #tpu.memory_space<vmem>>)
      tpu.yield
    }) : () -> ()
    %run_scoped3A_32 = arith.constant 0 : i32
    %run_scoped3A_33 = arith.constant 0 : i32
    "tpu.region"() ({
      %run_scoped3A_102 = tpu.sem_alloc : memref<!tpu.dma_semaphore, #tpu.memory_space<semaphore_mem>>
      %dma_start3A_103 = arith.constant 0 : i32
      %dma_start3A_104 = arith.constant 0 : i32
      %dma_start3A_105 = tpu.memref_slice %arg6[%run_scoped3A_33, %dma_start3A_103, %dma_start3A_104] : memref<2x8x128xi32, #tpu.memory_space<vmem>> -> memref<1x8x128xi32, #tpu.memory_space<vmem>>
      %dma_start3A_106 = tpu.memref_squeeze %dma_start3A_105 : memref<1x8x128xi32, #tpu.memory_space<vmem>> -> memref<8x128xi32, #tpu.memory_space<vmem>>
      %dma_start3A_107 = arith.constant 0 : i32
      %dma_start3A_108 = arith.constant 0 : i32
      %dma_start3A_109 = tpu.memref_slice %arg3[%add3A, %run_scoped3A_32, %dma_start3A_107, %dma_start3A_108] : memref<32x10x8x128xi32, #tpu.memory_space<hbm>> -> memref<1x1x8x128xi32, #tpu.memory_space<hbm>>
      %dma_start3A_110 = tpu.memref_squeeze %dma_start3A_109 : memref<1x1x8x128xi32, #tpu.memory_space<hbm>> -> memref<8x128xi32, #tpu.memory_space<hbm>>
      %dma_start3A_111 = arith.constant 0 : i32
      %dma_start3A_112 = arith.constant 0 : i32
      %dma_start3A_113 = tpu.memref_slice %arg6[%run_scoped3A_33, %dma_start3A_111, %dma_start3A_112] : memref<2x8x128xi32, #tpu.memory_space<vmem>> -> memref<1x8x128xi32, #tpu.memory_space<vmem>>
      %dma_start3A_114 = tpu.memref_squeeze %dma_start3A_113 : memref<1x8x128xi32, #tpu.memory_space<vmem>> -> memref<8x128xi32, #tpu.memory_space<vmem>>
      %dma_start3A_115 = arith.constant 0 : i32
      %dma_start3A_116 = arith.constant 0 : i32
      %dma_start3A_117 = tpu.memref_slice %arg3[%add3A, %run_scoped3A_32, %dma_start3A_115, %dma_start3A_116] : memref<32x10x8x128xi32, #tpu.memory_space<hbm>> -> memref<1x1x8x128xi32, #tpu.memory_space<hbm>>
      %dma_start3A_118 = tpu.memref_squeeze %dma_start3A_117 : memref<1x1x8x128xi32, #tpu.memory_space<hbm>> -> memref<8x128xi32, #tpu.memory_space<hbm>>
      tpu.enqueue_dma source(%dma_start3A_118 : memref<8x128xi32, #tpu.memory_space<hbm>>) target(%dma_start3A_114 : memref<8x128xi32, #tpu.memory_space<vmem>>) target_semaphore(%run_scoped3A_102 : memref<!tpu.dma_semaphore, #tpu.memory_space<semaphore_mem>>)
      %dma_wait3A = arith.constant 0 : i32
      %dma_wait3A_119 = arith.constant 0 : i32
      %dma_wait3A_120 = tpu.memref_slice %arg6[%run_scoped3A_33, %dma_wait3A, %dma_wait3A_119] : memref<2x8x128xi32, #tpu.memory_space<vmem>> -> memref<1x8x128xi32, #tpu.memory_space<vmem>>
      %dma_wait3A_121 = tpu.memref_squeeze %dma_wait3A_120 : memref<1x8x128xi32, #tpu.memory_space<vmem>> -> memref<8x128xi32, #tpu.memory_space<vmem>>
      %dma_wait3A_122 = arith.constant 0 : i32
      %dma_wait3A_123 = arith.constant 0 : i32
      %dma_wait3A_124 = tpu.memref_slice %arg3[%add3A, %run_scoped3A_32, %dma_wait3A_122, %dma_wait3A_123] : memref<32x10x8x128xi32, #tpu.memory_space<hbm>> -> memref<1x1x8x128xi32, #tpu.memory_space<hbm>>
      %dma_wait3A_125 = tpu.memref_squeeze %dma_wait3A_124 : memref<1x1x8x128xi32, #tpu.memory_space<hbm>> -> memref<8x128xi32, #tpu.memory_space<hbm>>
      %dma_wait3A_126 = arith.constant 0 : i32
      %dma_wait3A_127 = arith.constant 0 : i32
      %dma_wait3A_128 = tpu.memref_slice %arg6[%run_scoped3A_33, %dma_wait3A_126, %dma_wait3A_127] : memref<2x8x128xi32, #tpu.memory_space<vmem>> -> memref<1x8x128xi32, #tpu.memory_space<vmem>>
      %dma_wait3A_129 = tpu.memref_squeeze %dma_wait3A_128 : memref<1x8x128xi32, #tpu.memory_space<vmem>> -> memref<8x128xi32, #tpu.memory_space<vmem>>
      %dma_wait3A_130 = arith.constant 0 : i32
      %dma_wait3A_131 = arith.constant 0 : i32
      %dma_wait3A_132 = tpu.memref_slice %arg3[%add3A, %run_scoped3A_32, %dma_wait3A_130, %dma_wait3A_131] : memref<32x10x8x128xi32, #tpu.memory_space<hbm>> -> memref<1x1x8x128xi32, #tpu.memory_space<hbm>>
      %dma_wait3A_133 = tpu.memref_squeeze %dma_wait3A_132 : memref<1x1x8x128xi32, #tpu.memory_space<hbm>> -> memref<8x128xi32, #tpu.memory_space<hbm>>
      tpu.wait_dma2 semaphore(%run_scoped3A_102 : memref<!tpu.dma_semaphore, #tpu.memory_space<semaphore_mem>>) src(%dma_wait3A_133 : memref<8x128xi32, #tpu.memory_space<hbm>>) dst(%dma_wait3A_129 : memref<8x128xi32, #tpu.memory_space<vmem>>)
      tpu.yield
    }) : () -> ()
    %dma_start3A = arith.constant 0 : i32
    %dma_start3A_34 = arith.constant 0 : i32
    %dma_start3A_35 = arith.constant 0 : i32
    %dma_start3A_36 = arith.constant 0 : i32
    %dma_start3A_37 = arith.constant 0 : i32
    %dma_start3A_38 = tpu.memref_slice %arg8[%dma_start3A_35, %dma_start3A_36, %dma_start3A_37] : memref<2x128x128xf32, #tpu.memory_space<vmem>> -> memref<1x128x128xf32, #tpu.memory_space<vmem>>
    %dma_start3A_39 = tpu.memref_squeeze %dma_start3A_38 : memref<1x128x128xf32, #tpu.memory_space<vmem>> -> memref<128x128xf32, #tpu.memory_space<vmem>>
    %dma_start3A_40 = arith.constant 0 : i32
    %dma_start3A_41 = tpu.memref_slice %arg6[%dma_start3A, %dma_start3A_34, %dma_start3A_40] : memref<2x8x128xi32, #tpu.memory_space<vmem>> -> memref<1x1x128xi32, #tpu.memory_space<vmem>>
    %dma_start3A_42 = tpu.memref_squeeze %dma_start3A_41 : memref<1x1x128xi32, #tpu.memory_space<vmem>> -> memref<128xi32, #tpu.memory_space<vmem>>
    %dma_start3A_43 = arith.constant 0 : i32
    %dma_start3A_44 = arith.constant 0 : i32
    %dma_start3A_45 = tpu.memref_slice %arg2[%dma_start3A_43, %dma_start3A_44] : memref<10240x128xf32, #tpu.memory_space<hbm>> -> memref<10240x128xf32, #tpu.memory_space<hbm>>
    tpu.enqueue_indirect_dma source(%dma_start3A_45 : memref<10240x128xf32, #tpu.memory_space<hbm>>) target(%dma_start3A_39 : memref<128x128xf32, #tpu.memory_space<vmem>>) offsets(%dma_start3A_42 : memref<128xi32, #tpu.memory_space<vmem>>) semaphore(%arg10 : memref<!tpu.dma_semaphore, #tpu.memory_space<semaphore_mem>>)
    %dma_start3A_46 = arith.constant 1 : i32
    %dma_start3A_47 = arith.constant 1 : i32
    %dma_start3A_48 = arith.constant 0 : i32
    %dma_start3A_49 = arith.constant 0 : i32
    %dma_start3A_50 = tpu.memref_slice %arg6[%dma_start3A_47, %dma_start3A_48, %dma_start3A_49] : memref<2x8x128xi32, #tpu.memory_space<vmem>> -> memref<1x8x128xi32, #tpu.memory_space<vmem>>
    %dma_start3A_51 = tpu.memref_squeeze %dma_start3A_50 : memref<1x8x128xi32, #tpu.memory_space<vmem>> -> memref<8x128xi32, #tpu.memory_space<vmem>>
    %dma_start3A_52 = arith.constant 0 : i32
    %dma_start3A_53 = arith.constant 0 : i32
    %dma_start3A_54 = tpu.memref_slice %arg3[%add3A, %dma_start3A_46, %dma_start3A_52, %dma_start3A_53] : memref<32x10x8x128xi32, #tpu.memory_space<hbm>> -> memref<1x1x8x128xi32, #tpu.memory_space<hbm>>
    %dma_start3A_55 = tpu.memref_squeeze %dma_start3A_54 : memref<1x1x8x128xi32, #tpu.memory_space<hbm>> -> memref<8x128xi32, #tpu.memory_space<hbm>>
    %dma_start3A_56 = arith.constant 0 : i32
    %dma_start3A_57 = arith.constant 0 : i32
    %dma_start3A_58 = tpu.memref_slice %arg6[%dma_start3A_47, %dma_start3A_56, %dma_start3A_57] : memref<2x8x128xi32, #tpu.memory_space<vmem>> -> memref<1x8x128xi32, #tpu.memory_space<vmem>>
    %dma_start3A_59 = tpu.memref_squeeze %dma_start3A_58 : memref<1x8x128xi32, #tpu.memory_space<vmem>> -> memref<8x128xi32, #tpu.memory_space<vmem>>
    %dma_start3A_60 = arith.constant 0 : i32
    %dma_start3A_61 = arith.constant 0 : i32
    %dma_start3A_62 = tpu.memref_slice %arg3[%add3A, %dma_start3A_46, %dma_start3A_60, %dma_start3A_61] : memref<32x10x8x128xi32, #tpu.memory_space<hbm>> -> memref<1x1x8x128xi32, #tpu.memory_space<hbm>>
    %dma_start3A_63 = tpu.memref_squeeze %dma_start3A_62 : memref<1x1x8x128xi32, #tpu.memory_space<hbm>> -> memref<8x128xi32, #tpu.memory_space<hbm>>
    tpu.enqueue_dma source(%dma_start3A_63 : memref<8x128xi32, #tpu.memory_space<hbm>>) target(%dma_start3A_59 : memref<8x128xi32, #tpu.memory_space<vmem>>) target_semaphore(%arg11 : memref<!tpu.dma_semaphore, #tpu.memory_space<semaphore_mem>>)
    %scan3A_64 = arith.constant 0 : i32
    %scan3A_65 = arith.constant 0 : i32
    %scan3A_66 = arith.constant 5 : i32
    %scan3A_67 = arith.addi %scan3A_65, %scan3A_66 : i32
    %scan3A_68 = arith.constant 1 : i32
    %scan3A_69 = scf.for %scan3A_102 = %scan3A_65 to %scan3A_67 step %scan3A_68 iter_args(%scan3A_103 = %scan3A_64) -> (i32)  : i32 {
      %mul3A_104 = arith.constant 2 : i32
      %mul3A_105 = arith.muli %scan3A_102, %mul3A_104 : i32
      %add3A_106 = arith.constant 0 : i32
      %add3A_107 = arith.addi %mul3A_105, %add3A_106 : i32
      %mul3A_108 = arith.constant 8 : i32
      %mul3A_109 = arith.muli %add3A_107, %mul3A_108 : i32
      %add3A_110 = arith.constant 0 : i32
      %add3A_111 = arith.addi %mul3A_109, %add3A_110 : i32
      %dma_wait3A = arith.constant 0 : i32
      %dma_wait3A_112 = arith.constant 0 : i32
      %dma_wait3A_113 = arith.constant 0 : i32
      %dma_wait3A_114 = arith.constant 0 : i32
      %dma_wait3A_115 = arith.constant 0 : i32
      %dma_wait3A_116 = tpu.memref_slice %arg8[%dma_wait3A_113, %dma_wait3A_114, %dma_wait3A_115] : memref<2x128x128xf32, #tpu.memory_space<vmem>> -> memref<1x128x128xf32, #tpu.memory_space<vmem>>
      %dma_wait3A_117 = tpu.memref_squeeze %dma_wait3A_116 : memref<1x128x128xf32, #tpu.memory_space<vmem>> -> memref<128x128xf32, #tpu.memory_space<vmem>>
      %dma_wait3A_118 = arith.constant 0 : i32
      %dma_wait3A_119 = tpu.memref_slice %arg6[%dma_wait3A, %dma_wait3A_112, %dma_wait3A_118] : memref<2x8x128xi32, #tpu.memory_space<vmem>> -> memref<1x1x128xi32, #tpu.memory_space<vmem>>
      %dma_wait3A_120 = tpu.memref_squeeze %dma_wait3A_119 : memref<1x1x128xi32, #tpu.memory_space<vmem>> -> memref<128xi32, #tpu.memory_space<vmem>>
      %dma_wait3A_121 = arith.constant 0 : i32
      %dma_wait3A_122 = arith.constant 0 : i32
      %dma_wait3A_123 = tpu.memref_slice %arg2[%dma_wait3A_121, %dma_wait3A_122] : memref<10240x128xf32, #tpu.memory_space<hbm>> -> memref<10240x128xf32, #tpu.memory_space<hbm>>
      tpu.wait_indirect_dma semaphore(%arg10 : memref<!tpu.dma_semaphore, #tpu.memory_space<semaphore_mem>>) src(%dma_wait3A_123 : memref<10240x128xf32, #tpu.memory_space<hbm>>) dst(%dma_wait3A_117 : memref<128x128xf32, #tpu.memory_space<vmem>>)
      %dma_start3A_124 = arith.constant 0 : i32
      %dma_start3A_125 = arith.constant 1 : i32
      %dma_start3A_126 = arith.constant 1 : i32
      %dma_start3A_127 = arith.constant 0 : i32
      %dma_start3A_128 = arith.constant 0 : i32
      %dma_start3A_129 = tpu.memref_slice %arg8[%dma_start3A_126, %dma_start3A_127, %dma_start3A_128] : memref<2x128x128xf32, #tpu.memory_space<vmem>> -> memref<1x128x128xf32, #tpu.memory_space<vmem>>
      %dma_start3A_130 = tpu.memref_squeeze %dma_start3A_129 : memref<1x128x128xf32, #tpu.memory_space<vmem>> -> memref<128x128xf32, #tpu.memory_space<vmem>>
      %dma_start3A_131 = arith.constant 0 : i32
      %dma_start3A_132 = tpu.memref_slice %arg6[%dma_start3A_124, %dma_start3A_125, %dma_start3A_131] : memref<2x8x128xi32, #tpu.memory_space<vmem>> -> memref<1x1x128xi32, #tpu.memory_space<vmem>>
      %dma_start3A_133 = tpu.memref_squeeze %dma_start3A_132 : memref<1x1x128xi32, #tpu.memory_space<vmem>> -> memref<128xi32, #tpu.memory_space<vmem>>
      %dma_start3A_134 = arith.constant 0 : i32
      %dma_start3A_135 = arith.constant 0 : i32
      %dma_start3A_136 = tpu.memref_slice %arg2[%dma_start3A_134, %dma_start3A_135] : memref<10240x128xf32, #tpu.memory_space<hbm>> -> memref<10240x128xf32, #tpu.memory_space<hbm>>
      tpu.enqueue_indirect_dma source(%dma_start3A_136 : memref<10240x128xf32, #tpu.memory_space<hbm>>) target(%dma_start3A_130 : memref<128x128xf32, #tpu.memory_space<vmem>>) offsets(%dma_start3A_133 : memref<128xi32, #tpu.memory_space<vmem>>) semaphore(%arg10 : memref<!tpu.dma_semaphore, #tpu.memory_space<semaphore_mem>>)
      %run_scoped3A_137 = arith.constant 0 : i32
      "tpu.region"() ({
        %run_scoped3A_597 = tpu.sem_alloc : memref<!tpu.dma_semaphore, #tpu.memory_space<semaphore_mem>>
        %dma_start3A_598 = arith.constant 0 : i32
        %dma_start3A_599 = arith.constant 0 : i32
        %dma_start3A_600 = tpu.memref_slice %arg8[%run_scoped3A_137, %dma_start3A_598, %dma_start3A_599] : memref<2x128x128xf32, #tpu.memory_space<vmem>> -> memref<1x128x128xf32, #tpu.memory_space<vmem>>
        %dma_start3A_601 = tpu.memref_squeeze %dma_start3A_600 : memref<1x128x128xf32, #tpu.memory_space<vmem>> -> memref<128x128xf32, #tpu.memory_space<vmem>>
        %dma_start3A_602 = arith.constant 0 : i32
        %dma_start3A_603 = tpu.memref_slice %arg7[%add3A_111, %dma_start3A_602] : memref<80x128xi32, #tpu.memory_space<vmem>> -> memref<1x128xi32, #tpu.memory_space<vmem>>
        %dma_start3A_604 = tpu.memref_squeeze %dma_start3A_603 : memref<1x128xi32, #tpu.memory_space<vmem>> -> memref<128xi32, #tpu.memory_space<vmem>>
        %dma_start3A_605 = arith.constant 0 : i32
        %dma_start3A_606 = arith.constant 0 : i32
        %dma_start3A_607 = tpu.memref_slice %arg9[%dma_start3A_605, %dma_start3A_606] : memref<10240x128xf32, #tpu.memory_space<vmem_shared>> -> memref<10240x128xf32, #tpu.memory_space<vmem_shared>>
        tpu.enqueue_indirect_dma source(%dma_start3A_601 : memref<128x128xf32, #tpu.memory_space<vmem>>) target(%dma_start3A_607 : memref<10240x128xf32, #tpu.memory_space<vmem_shared>>) offsets(%dma_start3A_604 : memref<128xi32, #tpu.memory_space<vmem>>) semaphore(%run_scoped3A_597 : memref<!tpu.dma_semaphore, #tpu.memory_space<semaphore_mem>>) {add = true}
        %dma_wait3A_608 = arith.constant 0 : i32
        %dma_wait3A_609 = arith.constant 0 : i32
        %dma_wait3A_610 = tpu.memref_slice %arg8[%run_scoped3A_137, %dma_wait3A_608, %dma_wait3A_609] : memref<2x128x128xf32, #tpu.memory_space<vmem>> -> memref<1x128x128xf32, #tpu.memory_space<vmem>>
        %dma_wait3A_611 = tpu.memref_squeeze %dma_wait3A_610 : memref<1x128x128xf32, #tpu.memory_space<vmem>> -> memref<128x128xf32, #tpu.memory_space<vmem>>
        %dma_wait3A_612 = arith.constant 0 : i32
        %dma_wait3A_613 = tpu.memref_slice %arg7[%add3A_111, %dma_wait3A_612] : memref<80x128xi32, #tpu.memory_space<vmem>> -> memref<1x128xi32, #tpu.memory_space<vmem>>
        %dma_wait3A_614 = tpu.memref_squeeze %dma_wait3A_613 : memref<1x128xi32, #tpu.memory_space<vmem>> -> memref<128xi32, #tpu.memory_space<vmem>>
        %dma_wait3A_615 = arith.constant 0 : i32
        %dma_wait3A_616 = arith.constant 0 : i32
        %dma_wait3A_617 = tpu.memref_slice %arg9[%dma_wait3A_615, %dma_wait3A_616] : memref<10240x128xf32, #tpu.memory_space<vmem_shared>> -> memref<10240x128xf32, #tpu.memory_space<vmem_shared>>
        tpu.wait_indirect_dma semaphore(%run_scoped3A_597 : memref<!tpu.dma_semaphore, #tpu.memory_space<semaphore_mem>>) src(%dma_wait3A_611 : memref<128x128xf32, #tpu.memory_space<vmem>>) dst(%dma_wait3A_617 : memref<10240x128xf32, #tpu.memory_space<vmem_shared>>)
        tpu.yield
      }) : () -> ()
      %mul3A_138 = arith.constant 8 : i32
      %mul3A_139 = arith.muli %add3A_107, %mul3A_138 : i32
      %add3A_140 = arith.constant 1 : i32
      %add3A_141 = arith.addi %mul3A_139, %add3A_140 : i32
      %dma_wait3A_142 = arith.constant 0 : i32
      %dma_wait3A_143 = arith.constant 1 : i32
      %dma_wait3A_144 = arith.constant 1 : i32
      %dma_wait3A_145 = arith.constant 0 : i32
      %dma_wait3A_146 = arith.constant 0 : i32
      %dma_wait3A_147 = tpu.memref_slice %arg8[%dma_wait3A_144, %dma_wait3A_145, %dma_wait3A_146] : memref<2x128x128xf32, #tpu.memory_space<vmem>> -> memref<1x128x128xf32, #tpu.memory_space<vmem>>
      %dma_wait3A_148 = tpu.memref_squeeze %dma_wait3A_147 : memref<1x128x128xf32, #tpu.memory_space<vmem>> -> memref<128x128xf32, #tpu.memory_space<vmem>>
      %dma_wait3A_149 = arith.constant 0 : i32
      %dma_wait3A_150 = tpu.memref_slice %arg6[%dma_wait3A_142, %dma_wait3A_143, %dma_wait3A_149] : memref<2x8x128xi32, #tpu.memory_space<vmem>> -> memref<1x1x128xi32, #tpu.memory_space<vmem>>
      %dma_wait3A_151 = tpu.memref_squeeze %dma_wait3A_150 : memref<1x1x128xi32, #tpu.memory_space<vmem>> -> memref<128xi32, #tpu.memory_space<vmem>>
      %dma_wait3A_152 = arith.constant 0 : i32
      %dma_wait3A_153 = arith.constant 0 : i32
      %dma_wait3A_154 = tpu.memref_slice %arg2[%dma_wait3A_152, %dma_wait3A_153] : memref<10240x128xf32, #tpu.memory_space<hbm>> -> memref<10240x128xf32, #tpu.memory_space<hbm>>
      tpu.wait_indirect_dma semaphore(%arg10 : memref<!tpu.dma_semaphore, #tpu.memory_space<semaphore_mem>>) src(%dma_wait3A_154 : memref<10240x128xf32, #tpu.memory_space<hbm>>) dst(%dma_wait3A_148 : memref<128x128xf32, #tpu.memory_space<vmem>>)
      %dma_start3A_155 = arith.constant 0 : i32
      %dma_start3A_156 = arith.constant 2 : i32
      %dma_start3A_157 = arith.constant 0 : i32
      %dma_start3A_158 = arith.constant 0 : i32
      %dma_start3A_159 = arith.constant 0 : i32
      %dma_start3A_160 = tpu.memref_slice %arg8[%dma_start3A_157, %dma_start3A_158, %dma_start3A_159] : memref<2x128x128xf32, #tpu.memory_space<vmem>> -> memref<1x128x128xf32, #tpu.memory_space<vmem>>
      %dma_start3A_161 = tpu.memref_squeeze %dma_start3A_160 : memref<1x128x128xf32, #tpu.memory_space<vmem>> -> memref<128x128xf32, #tpu.memory_space<vmem>>
      %dma_start3A_162 = arith.constant 0 : i32
      %dma_start3A_163 = tpu.memref_slice %arg6[%dma_start3A_155, %dma_start3A_156, %dma_start3A_162] : memref<2x8x128xi32, #tpu.memory_space<vmem>> -> memref<1x1x128xi32, #tpu.memory_space<vmem>>
      %dma_start3A_164 = tpu.memref_squeeze %dma_start3A_163 : memref<1x1x128xi32, #tpu.memory_space<vmem>> -> memref<128xi32, #tpu.memory_space<vmem>>
      %dma_start3A_165 = arith.constant 0 : i32
      %dma_start3A_166 = arith.constant 0 : i32
      %dma_start3A_167 = tpu.memref_slice %arg2[%dma_start3A_165, %dma_start3A_166] : memref<10240x128xf32, #tpu.memory_space<hbm>> -> memref<10240x128xf32, #tpu.memory_space<hbm>>
      tpu.enqueue_indirect_dma source(%dma_start3A_167 : memref<10240x128xf32, #tpu.memory_space<hbm>>) target(%dma_start3A_161 : memref<128x128xf32, #tpu.memory_space<vmem>>) offsets(%dma_start3A_164 : memref<128xi32, #tpu.memory_space<vmem>>) semaphore(%arg10 : memref<!tpu.dma_semaphore, #tpu.memory_space<semaphore_mem>>)
      %run_scoped3A_168 = arith.constant 1 : i32
      "tpu.region"() ({
        %run_scoped3A_597 = tpu.sem_alloc : memref<!tpu.dma_semaphore, #tpu.memory_space<semaphore_mem>>
        %dma_start3A_598 = arith.constant 0 : i32
        %dma_start3A_599 = arith.constant 0 : i32
        %dma_start3A_600 = tpu.memref_slice %arg8[%run_scoped3A_168, %dma_start3A_598, %dma_start3A_599] : memref<2x128x128xf32, #tpu.memory_space<vmem>> -> memref<1x128x128xf32, #tpu.memory_space<vmem>>
        %dma_start3A_601 = tpu.memref_squeeze %dma_start3A_600 : memref<1x128x128xf32, #tpu.memory_space<vmem>> -> memref<128x128xf32, #tpu.memory_space<vmem>>
        %dma_start3A_602 = arith.constant 0 : i32
        %dma_start3A_603 = tpu.memref_slice %arg7[%add3A_141, %dma_start3A_602] : memref<80x128xi32, #tpu.memory_space<vmem>> -> memref<1x128xi32, #tpu.memory_space<vmem>>
        %dma_start3A_604 = tpu.memref_squeeze %dma_start3A_603 : memref<1x128xi32, #tpu.memory_space<vmem>> -> memref<128xi32, #tpu.memory_space<vmem>>
        %dma_start3A_605 = arith.constant 0 : i32
        %dma_start3A_606 = arith.constant 0 : i32
        %dma_start3A_607 = tpu.memref_slice %arg9[%dma_start3A_605, %dma_start3A_606] : memref<10240x128xf32, #tpu.memory_space<vmem_shared>> -> memref<10240x128xf32, #tpu.memory_space<vmem_shared>>
        tpu.enqueue_indirect_dma source(%dma_start3A_601 : memref<128x128xf32, #tpu.memory_space<vmem>>) target(%dma_start3A_607 : memref<10240x128xf32, #tpu.memory_space<vmem_shared>>) offsets(%dma_start3A_604 : memref<128xi32, #tpu.memory_space<vmem>>) semaphore(%run_scoped3A_597 : memref<!tpu.dma_semaphore, #tpu.memory_space<semaphore_mem>>) {add = true}
        %dma_wait3A_608 = arith.constant 0 : i32
        %dma_wait3A_609 = arith.constant 0 : i32
        %dma_wait3A_610 = tpu.memref_slice %arg8[%run_scoped3A_168, %dma_wait3A_608, %dma_wait3A_609] : memref<2x128x128xf32, #tpu.memory_space<vmem>> -> memref<1x128x128xf32, #tpu.memory_space<vmem>>
        %dma_wait3A_611 = tpu.memref_squeeze %dma_wait3A_610 : memref<1x128x128xf32, #tpu.memory_space<vmem>> -> memref<128x128xf32, #tpu.memory_space<vmem>>
        %dma_wait3A_612 = arith.constant 0 : i32
        %dma_wait3A_613 = tpu.memref_slice %arg7[%add3A_141, %dma_wait3A_612] : memref<80x128xi32, #tpu.memory_space<vmem>> -> memref<1x128xi32, #tpu.memory_space<vmem>>
        %dma_wait3A_614 = tpu.memref_squeeze %dma_wait3A_613 : memref<1x128xi32, #tpu.memory_space<vmem>> -> memref<128xi32, #tpu.memory_space<vmem>>
        %dma_wait3A_615 = arith.constant 0 : i32
        %dma_wait3A_616 = arith.constant 0 : i32
        %dma_wait3A_617 = tpu.memref_slice %arg9[%dma_wait3A_615, %dma_wait3A_616] : memref<10240x128xf32, #tpu.memory_space<vmem_shared>> -> memref<10240x128xf32, #tpu.memory_space<vmem_shared>>
        tpu.wait_indirect_dma semaphore(%run_scoped3A_597 : memref<!tpu.dma_semaphore, #tpu.memory_space<semaphore_mem>>) src(%dma_wait3A_611 : memref<128x128xf32, #tpu.memory_space<vmem>>) dst(%dma_wait3A_617 : memref<10240x128xf32, #tpu.memory_space<vmem_shared>>)
        tpu.yield
      }) : () -> ()
      %mul3A_169 = arith.constant 8 : i32
      %mul3A_170 = arith.muli %add3A_107, %mul3A_169 : i32
      %add3A_171 = arith.constant 2 : i32
      %add3A_172 = arith.addi %mul3A_170, %add3A_171 : i32
      %dma_wait3A_173 = arith.constant 0 : i32
      %dma_wait3A_174 = arith.constant 2 : i32
      %dma_wait3A_175 = arith.constant 0 : i32
      %dma_wait3A_176 = arith.constant 0 : i32
      %dma_wait3A_177 = arith.constant 0 : i32
      %dma_wait3A_178 = tpu.memref_slice %arg8[%dma_wait3A_175, %dma_wait3A_176, %dma_wait3A_177] : memref<2x128x128xf32, #tpu.memory_space<vmem>> -> memref<1x128x128xf32, #tpu.memory_space<vmem>>
      %dma_wait3A_179 = tpu.memref_squeeze %dma_wait3A_178 : memref<1x128x128xf32, #tpu.memory_space<vmem>> -> memref<128x128xf32, #tpu.memory_space<vmem>>
      %dma_wait3A_180 = arith.constant 0 : i32
      %dma_wait3A_181 = tpu.memref_slice %arg6[%dma_wait3A_173, %dma_wait3A_174, %dma_wait3A_180] : memref<2x8x128xi32, #tpu.memory_space<vmem>> -> memref<1x1x128xi32, #tpu.memory_space<vmem>>
      %dma_wait3A_182 = tpu.memref_squeeze %dma_wait3A_181 : memref<1x1x128xi32, #tpu.memory_space<vmem>> -> memref<128xi32, #tpu.memory_space<vmem>>
      %dma_wait3A_183 = arith.constant 0 : i32
      %dma_wait3A_184 = arith.constant 0 : i32
      %dma_wait3A_185 = tpu.memref_slice %arg2[%dma_wait3A_183, %dma_wait3A_184] : memref<10240x128xf32, #tpu.memory_space<hbm>> -> memref<10240x128xf32, #tpu.memory_space<hbm>>
      tpu.wait_indirect_dma semaphore(%arg10 : memref<!tpu.dma_semaphore, #tpu.memory_space<semaphore_mem>>) src(%dma_wait3A_185 : memref<10240x128xf32, #tpu.memory_space<hbm>>) dst(%dma_wait3A_179 : memref<128x128xf32, #tpu.memory_space<vmem>>)
      %dma_start3A_186 = arith.constant 0 : i32
      %dma_start3A_187 = arith.constant 3 : i32
      %dma_start3A_188 = arith.constant 1 : i32
      %dma_start3A_189 = arith.constant 0 : i32
      %dma_start3A_190 = arith.constant 0 : i32
      %dma_start3A_191 = tpu.memref_slice %arg8[%dma_start3A_188, %dma_start3A_189, %dma_start3A_190] : memref<2x128x128xf32, #tpu.memory_space<vmem>> -> memref<1x128x128xf32, #tpu.memory_space<vmem>>
      %dma_start3A_192 = tpu.memref_squeeze %dma_start3A_191 : memref<1x128x128xf32, #tpu.memory_space<vmem>> -> memref<128x128xf32, #tpu.memory_space<vmem>>
      %dma_start3A_193 = arith.constant 0 : i32
      %dma_start3A_194 = tpu.memref_slice %arg6[%dma_start3A_186, %dma_start3A_187, %dma_start3A_193] : memref<2x8x128xi32, #tpu.memory_space<vmem>> -> memref<1x1x128xi32, #tpu.memory_space<vmem>>
      %dma_start3A_195 = tpu.memref_squeeze %dma_start3A_194 : memref<1x1x128xi32, #tpu.memory_space<vmem>> -> memref<128xi32, #tpu.memory_space<vmem>>
      %dma_start3A_196 = arith.constant 0 : i32
      %dma_start3A_197 = arith.constant 0 : i32
      %dma_start3A_198 = tpu.memref_slice %arg2[%dma_start3A_196, %dma_start3A_197] : memref<10240x128xf32, #tpu.memory_space<hbm>> -> memref<10240x128xf32, #tpu.memory_space<hbm>>
      tpu.enqueue_indirect_dma source(%dma_start3A_198 : memref<10240x128xf32, #tpu.memory_space<hbm>>) target(%dma_start3A_192 : memref<128x128xf32, #tpu.memory_space<vmem>>) offsets(%dma_start3A_195 : memref<128xi32, #tpu.memory_space<vmem>>) semaphore(%arg10 : memref<!tpu.dma_semaphore, #tpu.memory_space<semaphore_mem>>)
      %run_scoped3A_199 = arith.constant 0 : i32
      "tpu.region"() ({
        %run_scoped3A_597 = tpu.sem_alloc : memref<!tpu.dma_semaphore, #tpu.memory_space<semaphore_mem>>
        %dma_start3A_598 = arith.constant 0 : i32
        %dma_start3A_599 = arith.constant 0 : i32
        %dma_start3A_600 = tpu.memref_slice %arg8[%run_scoped3A_199, %dma_start3A_598, %dma_start3A_599] : memref<2x128x128xf32, #tpu.memory_space<vmem>> -> memref<1x128x128xf32, #tpu.memory_space<vmem>>
        %dma_start3A_601 = tpu.memref_squeeze %dma_start3A_600 : memref<1x128x128xf32, #tpu.memory_space<vmem>> -> memref<128x128xf32, #tpu.memory_space<vmem>>
        %dma_start3A_602 = arith.constant 0 : i32
        %dma_start3A_603 = tpu.memref_slice %arg7[%add3A_172, %dma_start3A_602] : memref<80x128xi32, #tpu.memory_space<vmem>> -> memref<1x128xi32, #tpu.memory_space<vmem>>
        %dma_start3A_604 = tpu.memref_squeeze %dma_start3A_603 : memref<1x128xi32, #tpu.memory_space<vmem>> -> memref<128xi32, #tpu.memory_space<vmem>>
        %dma_start3A_605 = arith.constant 0 : i32
        %dma_start3A_606 = arith.constant 0 : i32
        %dma_start3A_607 = tpu.memref_slice %arg9[%dma_start3A_605, %dma_start3A_606] : memref<10240x128xf32, #tpu.memory_space<vmem_shared>> -> memref<10240x128xf32, #tpu.memory_space<vmem_shared>>
        tpu.enqueue_indirect_dma source(%dma_start3A_601 : memref<128x128xf32, #tpu.memory_space<vmem>>) target(%dma_start3A_607 : memref<10240x128xf32, #tpu.memory_space<vmem_shared>>) offsets(%dma_start3A_604 : memref<128xi32, #tpu.memory_space<vmem>>) semaphore(%run_scoped3A_597 : memref<!tpu.dma_semaphore, #tpu.memory_space<semaphore_mem>>) {add = true}
        %dma_wait3A_608 = arith.constant 0 : i32
        %dma_wait3A_609 = arith.constant 0 : i32
        %dma_wait3A_610 = tpu.memref_slice %arg8[%run_scoped3A_199, %dma_wait3A_608, %dma_wait3A_609] : memref<2x128x128xf32, #tpu.memory_space<vmem>> -> memref<1x128x128xf32, #tpu.memory_space<vmem>>
        %dma_wait3A_611 = tpu.memref_squeeze %dma_wait3A_610 : memref<1x128x128xf32, #tpu.memory_space<vmem>> -> memref<128x128xf32, #tpu.memory_space<vmem>>
        %dma_wait3A_612 = arith.constant 0 : i32
        %dma_wait3A_613 = tpu.memref_slice %arg7[%add3A_172, %dma_wait3A_612] : memref<80x128xi32, #tpu.memory_space<vmem>> -> memref<1x128xi32, #tpu.memory_space<vmem>>
        %dma_wait3A_614 = tpu.memref_squeeze %dma_wait3A_613 : memref<1x128xi32, #tpu.memory_space<vmem>> -> memref<128xi32, #tpu.memory_space<vmem>>
        %dma_wait3A_615 = arith.constant 0 : i32
        %dma_wait3A_616 = arith.constant 0 : i32
        %dma_wait3A_617 = tpu.memref_slice %arg9[%dma_wait3A_615, %dma_wait3A_616] : memref<10240x128xf32, #tpu.memory_space<vmem_shared>> -> memref<10240x128xf32, #tpu.memory_space<vmem_shared>>
        tpu.wait_indirect_dma semaphore(%run_scoped3A_597 : memref<!tpu.dma_semaphore, #tpu.memory_space<semaphore_mem>>) src(%dma_wait3A_611 : memref<128x128xf32, #tpu.memory_space<vmem>>) dst(%dma_wait3A_617 : memref<10240x128xf32, #tpu.memory_space<vmem_shared>>)
        tpu.yield
      }) : () -> ()
      %mul3A_200 = arith.constant 8 : i32
      %mul3A_201 = arith.muli %add3A_107, %mul3A_200 : i32
      %add3A_202 = arith.constant 3 : i32
      %add3A_203 = arith.addi %mul3A_201, %add3A_202 : i32
      %dma_wait3A_204 = arith.constant 0 : i32
      %dma_wait3A_205 = arith.constant 3 : i32
      %dma_wait3A_206 = arith.constant 1 : i32
      %dma_wait3A_207 = arith.constant 0 : i32
      %dma_wait3A_208 = arith.constant 0 : i32
      %dma_wait3A_209 = tpu.memref_slice %arg8[%dma_wait3A_206, %dma_wait3A_207, %dma_wait3A_208] : memref<2x128x128xf32, #tpu.memory_space<vmem>> -> memref<1x128x128xf32, #tpu.memory_space<vmem>>
      %dma_wait3A_210 = tpu.memref_squeeze %dma_wait3A_209 : memref<1x128x128xf32, #tpu.memory_space<vmem>> -> memref<128x128xf32, #tpu.memory_space<vmem>>
      %dma_wait3A_211 = arith.constant 0 : i32
      %dma_wait3A_212 = tpu.memref_slice %arg6[%dma_wait3A_204, %dma_wait3A_205, %dma_wait3A_211] : memref<2x8x128xi32, #tpu.memory_space<vmem>> -> memref<1x1x128xi32, #tpu.memory_space<vmem>>
      %dma_wait3A_213 = tpu.memref_squeeze %dma_wait3A_212 : memref<1x1x128xi32, #tpu.memory_space<vmem>> -> memref<128xi32, #tpu.memory_space<vmem>>
      %dma_wait3A_214 = arith.constant 0 : i32
      %dma_wait3A_215 = arith.constant 0 : i32
      %dma_wait3A_216 = tpu.memref_slice %arg2[%dma_wait3A_214, %dma_wait3A_215] : memref<10240x128xf32, #tpu.memory_space<hbm>> -> memref<10240x128xf32, #tpu.memory_space<hbm>>
      tpu.wait_indirect_dma semaphore(%arg10 : memref<!tpu.dma_semaphore, #tpu.memory_space<semaphore_mem>>) src(%dma_wait3A_216 : memref<10240x128xf32, #tpu.memory_space<hbm>>) dst(%dma_wait3A_210 : memref<128x128xf32, #tpu.memory_space<vmem>>)
      %dma_start3A_217 = arith.constant 0 : i32
      %dma_start3A_218 = arith.constant 4 : i32
      %dma_start3A_219 = arith.constant 0 : i32
      %dma_start3A_220 = arith.constant 0 : i32
      %dma_start3A_221 = arith.constant 0 : i32
      %dma_start3A_222 = tpu.memref_slice %arg8[%dma_start3A_219, %dma_start3A_220, %dma_start3A_221] : memref<2x128x128xf32, #tpu.memory_space<vmem>> -> memref<1x128x128xf32, #tpu.memory_space<vmem>>
      %dma_start3A_223 = tpu.memref_squeeze %dma_start3A_222 : memref<1x128x128xf32, #tpu.memory_space<vmem>> -> memref<128x128xf32, #tpu.memory_space<vmem>>
      %dma_start3A_224 = arith.constant 0 : i32
      %dma_start3A_225 = tpu.memref_slice %arg6[%dma_start3A_217, %dma_start3A_218, %dma_start3A_224] : memref<2x8x128xi32, #tpu.memory_space<vmem>> -> memref<1x1x128xi32, #tpu.memory_space<vmem>>
      %dma_start3A_226 = tpu.memref_squeeze %dma_start3A_225 : memref<1x1x128xi32, #tpu.memory_space<vmem>> -> memref<128xi32, #tpu.memory_space<vmem>>
      %dma_start3A_227 = arith.constant 0 : i32
      %dma_start3A_228 = arith.constant 0 : i32
      %dma_start3A_229 = tpu.memref_slice %arg2[%dma_start3A_227, %dma_start3A_228] : memref<10240x128xf32, #tpu.memory_space<hbm>> -> memref<10240x128xf32, #tpu.memory_space<hbm>>
      tpu.enqueue_indirect_dma source(%dma_start3A_229 : memref<10240x128xf32, #tpu.memory_space<hbm>>) target(%dma_start3A_223 : memref<128x128xf32, #tpu.memory_space<vmem>>) offsets(%dma_start3A_226 : memref<128xi32, #tpu.memory_space<vmem>>) semaphore(%arg10 : memref<!tpu.dma_semaphore, #tpu.memory_space<semaphore_mem>>)
      %run_scoped3A_230 = arith.constant 1 : i32
      "tpu.region"() ({
        %run_scoped3A_597 = tpu.sem_alloc : memref<!tpu.dma_semaphore, #tpu.memory_space<semaphore_mem>>
        %dma_start3A_598 = arith.constant 0 : i32
        %dma_start3A_599 = arith.constant 0 : i32
        %dma_start3A_600 = tpu.memref_slice %arg8[%run_scoped3A_230, %dma_start3A_598, %dma_start3A_599] : memref<2x128x128xf32, #tpu.memory_space<vmem>> -> memref<1x128x128xf32, #tpu.memory_space<vmem>>
        %dma_start3A_601 = tpu.memref_squeeze %dma_start3A_600 : memref<1x128x128xf32, #tpu.memory_space<vmem>> -> memref<128x128xf32, #tpu.memory_space<vmem>>
        %dma_start3A_602 = arith.constant 0 : i32
        %dma_start3A_603 = tpu.memref_slice %arg7[%add3A_203, %dma_start3A_602] : memref<80x128xi32, #tpu.memory_space<vmem>> -> memref<1x128xi32, #tpu.memory_space<vmem>>
        %dma_start3A_604 = tpu.memref_squeeze %dma_start3A_603 : memref<1x128xi32, #tpu.memory_space<vmem>> -> memref<128xi32, #tpu.memory_space<vmem>>
        %dma_start3A_605 = arith.constant 0 : i32
        %dma_start3A_606 = arith.constant 0 : i32
        %dma_start3A_607 = tpu.memref_slice %arg9[%dma_start3A_605, %dma_start3A_606] : memref<10240x128xf32, #tpu.memory_space<vmem_shared>> -> memref<10240x128xf32, #tpu.memory_space<vmem_shared>>
        tpu.enqueue_indirect_dma source(%dma_start3A_601 : memref<128x128xf32, #tpu.memory_space<vmem>>) target(%dma_start3A_607 : memref<10240x128xf32, #tpu.memory_space<vmem_shared>>) offsets(%dma_start3A_604 : memref<128xi32, #tpu.memory_space<vmem>>) semaphore(%run_scoped3A_597 : memref<!tpu.dma_semaphore, #tpu.memory_space<semaphore_mem>>) {add = true}
        %dma_wait3A_608 = arith.constant 0 : i32
        %dma_wait3A_609 = arith.constant 0 : i32
        %dma_wait3A_610 = tpu.memref_slice %arg8[%run_scoped3A_230, %dma_wait3A_608, %dma_wait3A_609] : memref<2x128x128xf32, #tpu.memory_space<vmem>> -> memref<1x128x128xf32, #tpu.memory_space<vmem>>
        %dma_wait3A_611 = tpu.memref_squeeze %dma_wait3A_610 : memref<1x128x128xf32, #tpu.memory_space<vmem>> -> memref<128x128xf32, #tpu.memory_space<vmem>>
        %dma_wait3A_612 = arith.constant 0 : i32
        %dma_wait3A_613 = tpu.memref_slice %arg7[%add3A_203, %dma_wait3A_612] : memref<80x128xi32, #tpu.memory_space<vmem>> -> memref<1x128xi32, #tpu.memory_space<vmem>>
        %dma_wait3A_614 = tpu.memref_squeeze %dma_wait3A_613 : memref<1x128xi32, #tpu.memory_space<vmem>> -> memref<128xi32, #tpu.memory_space<vmem>>
        %dma_wait3A_615 = arith.constant 0 : i32
        %dma_wait3A_616 = arith.constant 0 : i32
        %dma_wait3A_617 = tpu.memref_slice %arg9[%dma_wait3A_615, %dma_wait3A_616] : memref<10240x128xf32, #tpu.memory_space<vmem_shared>> -> memref<10240x128xf32, #tpu.memory_space<vmem_shared>>
        tpu.wait_indirect_dma semaphore(%run_scoped3A_597 : memref<!tpu.dma_semaphore, #tpu.memory_space<semaphore_mem>>) src(%dma_wait3A_611 : memref<128x128xf32, #tpu.memory_space<vmem>>) dst(%dma_wait3A_617 : memref<10240x128xf32, #tpu.memory_space<vmem_shared>>)
        tpu.yield
      }) : () -> ()
      %mul3A_231 = arith.constant 8 : i32
      %mul3A_232 = arith.muli %add3A_107, %mul3A_231 : i32
      %add3A_233 = arith.constant 4 : i32
      %add3A_234 = arith.addi %mul3A_232, %add3A_233 : i32
      %dma_wait3A_235 = arith.constant 0 : i32
      %dma_wait3A_236 = arith.constant 4 : i32
      %dma_wait3A_237 = arith.constant 0 : i32
      %dma_wait3A_238 = arith.constant 0 : i32
      %dma_wait3A_239 = arith.constant 0 : i32
      %dma_wait3A_240 = tpu.memref_slice %arg8[%dma_wait3A_237, %dma_wait3A_238, %dma_wait3A_239] : memref<2x128x128xf32, #tpu.memory_space<vmem>> -> memref<1x128x128xf32, #tpu.memory_space<vmem>>
      %dma_wait3A_241 = tpu.memref_squeeze %dma_wait3A_240 : memref<1x128x128xf32, #tpu.memory_space<vmem>> -> memref<128x128xf32, #tpu.memory_space<vmem>>
      %dma_wait3A_242 = arith.constant 0 : i32
      %dma_wait3A_243 = tpu.memref_slice %arg6[%dma_wait3A_235, %dma_wait3A_236, %dma_wait3A_242] : memref<2x8x128xi32, #tpu.memory_space<vmem>> -> memref<1x1x128xi32, #tpu.memory_space<vmem>>
      %dma_wait3A_244 = tpu.memref_squeeze %dma_wait3A_243 : memref<1x1x128xi32, #tpu.memory_space<vmem>> -> memref<128xi32, #tpu.memory_space<vmem>>
      %dma_wait3A_245 = arith.constant 0 : i32
      %dma_wait3A_246 = arith.constant 0 : i32
      %dma_wait3A_247 = tpu.memref_slice %arg2[%dma_wait3A_245, %dma_wait3A_246] : memref<10240x128xf32, #tpu.memory_space<hbm>> -> memref<10240x128xf32, #tpu.memory_space<hbm>>
      tpu.wait_indirect_dma semaphore(%arg10 : memref<!tpu.dma_semaphore, #tpu.memory_space<semaphore_mem>>) src(%dma_wait3A_247 : memref<10240x128xf32, #tpu.memory_space<hbm>>) dst(%dma_wait3A_241 : memref<128x128xf32, #tpu.memory_space<vmem>>)
      %dma_start3A_248 = arith.constant 0 : i32
      %dma_start3A_249 = arith.constant 5 : i32
      %dma_start3A_250 = arith.constant 1 : i32
      %dma_start3A_251 = arith.constant 0 : i32
      %dma_start3A_252 = arith.constant 0 : i32
      %dma_start3A_253 = tpu.memref_slice %arg8[%dma_start3A_250, %dma_start3A_251, %dma_start3A_252] : memref<2x128x128xf32, #tpu.memory_space<vmem>> -> memref<1x128x128xf32, #tpu.memory_space<vmem>>
      %dma_start3A_254 = tpu.memref_squeeze %dma_start3A_253 : memref<1x128x128xf32, #tpu.memory_space<vmem>> -> memref<128x128xf32, #tpu.memory_space<vmem>>
      %dma_start3A_255 = arith.constant 0 : i32
      %dma_start3A_256 = tpu.memref_slice %arg6[%dma_start3A_248, %dma_start3A_249, %dma_start3A_255] : memref<2x8x128xi32, #tpu.memory_space<vmem>> -> memref<1x1x128xi32, #tpu.memory_space<vmem>>
      %dma_start3A_257 = tpu.memref_squeeze %dma_start3A_256 : memref<1x1x128xi32, #tpu.memory_space<vmem>> -> memref<128xi32, #tpu.memory_space<vmem>>
      %dma_start3A_258 = arith.constant 0 : i32
      %dma_start3A_259 = arith.constant 0 : i32
      %dma_start3A_260 = tpu.memref_slice %arg2[%dma_start3A_258, %dma_start3A_259] : memref<10240x128xf32, #tpu.memory_space<hbm>> -> memref<10240x128xf32, #tpu.memory_space<hbm>>
      tpu.enqueue_indirect_dma source(%dma_start3A_260 : memref<10240x128xf32, #tpu.memory_space<hbm>>) target(%dma_start3A_254 : memref<128x128xf32, #tpu.memory_space<vmem>>) offsets(%dma_start3A_257 : memref<128xi32, #tpu.memory_space<vmem>>) semaphore(%arg10 : memref<!tpu.dma_semaphore, #tpu.memory_space<semaphore_mem>>)
      %run_scoped3A_261 = arith.constant 0 : i32
      "tpu.region"() ({
        %run_scoped3A_597 = tpu.sem_alloc : memref<!tpu.dma_semaphore, #tpu.memory_space<semaphore_mem>>
        %dma_start3A_598 = arith.constant 0 : i32
        %dma_start3A_599 = arith.constant 0 : i32
        %dma_start3A_600 = tpu.memref_slice %arg8[%run_scoped3A_261, %dma_start3A_598, %dma_start3A_599] : memref<2x128x128xf32, #tpu.memory_space<vmem>> -> memref<1x128x128xf32, #tpu.memory_space<vmem>>
        %dma_start3A_601 = tpu.memref_squeeze %dma_start3A_600 : memref<1x128x128xf32, #tpu.memory_space<vmem>> -> memref<128x128xf32, #tpu.memory_space<vmem>>
        %dma_start3A_602 = arith.constant 0 : i32
        %dma_start3A_603 = tpu.memref_slice %arg7[%add3A_234, %dma_start3A_602] : memref<80x128xi32, #tpu.memory_space<vmem>> -> memref<1x128xi32, #tpu.memory_space<vmem>>
        %dma_start3A_604 = tpu.memref_squeeze %dma_start3A_603 : memref<1x128xi32, #tpu.memory_space<vmem>> -> memref<128xi32, #tpu.memory_space<vmem>>
        %dma_start3A_605 = arith.constant 0 : i32
        %dma_start3A_606 = arith.constant 0 : i32
        %dma_start3A_607 = tpu.memref_slice %arg9[%dma_start3A_605, %dma_start3A_606] : memref<10240x128xf32, #tpu.memory_space<vmem_shared>> -> memref<10240x128xf32, #tpu.memory_space<vmem_shared>>
        tpu.enqueue_indirect_dma source(%dma_start3A_601 : memref<128x128xf32, #tpu.memory_space<vmem>>) target(%dma_start3A_607 : memref<10240x128xf32, #tpu.memory_space<vmem_shared>>) offsets(%dma_start3A_604 : memref<128xi32, #tpu.memory_space<vmem>>) semaphore(%run_scoped3A_597 : memref<!tpu.dma_semaphore, #tpu.memory_space<semaphore_mem>>) {add = true}
        %dma_wait3A_608 = arith.constant 0 : i32
        %dma_wait3A_609 = arith.constant 0 : i32
        %dma_wait3A_610 = tpu.memref_slice %arg8[%run_scoped3A_261, %dma_wait3A_608, %dma_wait3A_609] : memref<2x128x128xf32, #tpu.memory_space<vmem>> -> memref<1x128x128xf32, #tpu.memory_space<vmem>>
        %dma_wait3A_611 = tpu.memref_squeeze %dma_wait3A_610 : memref<1x128x128xf32, #tpu.memory_space<vmem>> -> memref<128x128xf32, #tpu.memory_space<vmem>>
        %dma_wait3A_612 = arith.constant 0 : i32
        %dma_wait3A_613 = tpu.memref_slice %arg7[%add3A_234, %dma_wait3A_612] : memref<80x128xi32, #tpu.memory_space<vmem>> -> memref<1x128xi32, #tpu.memory_space<vmem>>
        %dma_wait3A_614 = tpu.memref_squeeze %dma_wait3A_613 : memref<1x128xi32, #tpu.memory_space<vmem>> -> memref<128xi32, #tpu.memory_space<vmem>>
        %dma_wait3A_615 = arith.constant 0 : i32
        %dma_wait3A_616 = arith.constant 0 : i32
        %dma_wait3A_617 = tpu.memref_slice %arg9[%dma_wait3A_615, %dma_wait3A_616] : memref<10240x128xf32, #tpu.memory_space<vmem_shared>> -> memref<10240x128xf32, #tpu.memory_space<vmem_shared>>
        tpu.wait_indirect_dma semaphore(%run_scoped3A_597 : memref<!tpu.dma_semaphore, #tpu.memory_space<semaphore_mem>>) src(%dma_wait3A_611 : memref<128x128xf32, #tpu.memory_space<vmem>>) dst(%dma_wait3A_617 : memref<10240x128xf32, #tpu.memory_space<vmem_shared>>)
        tpu.yield
      }) : () -> ()
      %mul3A_262 = arith.constant 8 : i32
      %mul3A_263 = arith.muli %add3A_107, %mul3A_262 : i32
      %add3A_264 = arith.constant 5 : i32
      %add3A_265 = arith.addi %mul3A_263, %add3A_264 : i32
      %dma_wait3A_266 = arith.constant 0 : i32
      %dma_wait3A_267 = arith.constant 5 : i32
      %dma_wait3A_268 = arith.constant 1 : i32
      %dma_wait3A_269 = arith.constant 0 : i32
      %dma_wait3A_270 = arith.constant 0 : i32
      %dma_wait3A_271 = tpu.memref_slice %arg8[%dma_wait3A_268, %dma_wait3A_269, %dma_wait3A_270] : memref<2x128x128xf32, #tpu.memory_space<vmem>> -> memref<1x128x128xf32, #tpu.memory_space<vmem>>
      %dma_wait3A_272 = tpu.memref_squeeze %dma_wait3A_271 : memref<1x128x128xf32, #tpu.memory_space<vmem>> -> memref<128x128xf32, #tpu.memory_space<vmem>>
      %dma_wait3A_273 = arith.constant 0 : i32
      %dma_wait3A_274 = tpu.memref_slice %arg6[%dma_wait3A_266, %dma_wait3A_267, %dma_wait3A_273] : memref<2x8x128xi32, #tpu.memory_space<vmem>> -> memref<1x1x128xi32, #tpu.memory_space<vmem>>
      %dma_wait3A_275 = tpu.memref_squeeze %dma_wait3A_274 : memref<1x1x128xi32, #tpu.memory_space<vmem>> -> memref<128xi32, #tpu.memory_space<vmem>>
      %dma_wait3A_276 = arith.constant 0 : i32
      %dma_wait3A_277 = arith.constant 0 : i32
      %dma_wait3A_278 = tpu.memref_slice %arg2[%dma_wait3A_276, %dma_wait3A_277] : memref<10240x128xf32, #tpu.memory_space<hbm>> -> memref<10240x128xf32, #tpu.memory_space<hbm>>
      tpu.wait_indirect_dma semaphore(%arg10 : memref<!tpu.dma_semaphore, #tpu.memory_space<semaphore_mem>>) src(%dma_wait3A_278 : memref<10240x128xf32, #tpu.memory_space<hbm>>) dst(%dma_wait3A_272 : memref<128x128xf32, #tpu.memory_space<vmem>>)
      %dma_start3A_279 = arith.constant 0 : i32
      %dma_start3A_280 = arith.constant 6 : i32
      %dma_start3A_281 = arith.constant 0 : i32
      %dma_start3A_282 = arith.constant 0 : i32
      %dma_start3A_283 = arith.constant 0 : i32
      %dma_start3A_284 = tpu.memref_slice %arg8[%dma_start3A_281, %dma_start3A_282, %dma_start3A_283] : memref<2x128x128xf32, #tpu.memory_space<vmem>> -> memref<1x128x128xf32, #tpu.memory_space<vmem>>
      %dma_start3A_285 = tpu.memref_squeeze %dma_start3A_284 : memref<1x128x128xf32, #tpu.memory_space<vmem>> -> memref<128x128xf32, #tpu.memory_space<vmem>>
      %dma_start3A_286 = arith.constant 0 : i32
      %dma_start3A_287 = tpu.memref_slice %arg6[%dma_start3A_279, %dma_start3A_280, %dma_start3A_286] : memref<2x8x128xi32, #tpu.memory_space<vmem>> -> memref<1x1x128xi32, #tpu.memory_space<vmem>>
      %dma_start3A_288 = tpu.memref_squeeze %dma_start3A_287 : memref<1x1x128xi32, #tpu.memory_space<vmem>> -> memref<128xi32, #tpu.memory_space<vmem>>
      %dma_start3A_289 = arith.constant 0 : i32
      %dma_start3A_290 = arith.constant 0 : i32
      %dma_start3A_291 = tpu.memref_slice %arg2[%dma_start3A_289, %dma_start3A_290] : memref<10240x128xf32, #tpu.memory_space<hbm>> -> memref<10240x128xf32, #tpu.memory_space<hbm>>
      tpu.enqueue_indirect_dma source(%dma_start3A_291 : memref<10240x128xf32, #tpu.memory_space<hbm>>) target(%dma_start3A_285 : memref<128x128xf32, #tpu.memory_space<vmem>>) offsets(%dma_start3A_288 : memref<128xi32, #tpu.memory_space<vmem>>) semaphore(%arg10 : memref<!tpu.dma_semaphore, #tpu.memory_space<semaphore_mem>>)
      %run_scoped3A_292 = arith.constant 1 : i32
      "tpu.region"() ({
        %run_scoped3A_597 = tpu.sem_alloc : memref<!tpu.dma_semaphore, #tpu.memory_space<semaphore_mem>>
        %dma_start3A_598 = arith.constant 0 : i32
        %dma_start3A_599 = arith.constant 0 : i32
        %dma_start3A_600 = tpu.memref_slice %arg8[%run_scoped3A_292, %dma_start3A_598, %dma_start3A_599] : memref<2x128x128xf32, #tpu.memory_space<vmem>> -> memref<1x128x128xf32, #tpu.memory_space<vmem>>
        %dma_start3A_601 = tpu.memref_squeeze %dma_start3A_600 : memref<1x128x128xf32, #tpu.memory_space<vmem>> -> memref<128x128xf32, #tpu.memory_space<vmem>>
        %dma_start3A_602 = arith.constant 0 : i32
        %dma_start3A_603 = tpu.memref_slice %arg7[%add3A_265, %dma_start3A_602] : memref<80x128xi32, #tpu.memory_space<vmem>> -> memref<1x128xi32, #tpu.memory_space<vmem>>
        %dma_start3A_604 = tpu.memref_squeeze %dma_start3A_603 : memref<1x128xi32, #tpu.memory_space<vmem>> -> memref<128xi32, #tpu.memory_space<vmem>>
        %dma_start3A_605 = arith.constant 0 : i32
        %dma_start3A_606 = arith.constant 0 : i32
        %dma_start3A_607 = tpu.memref_slice %arg9[%dma_start3A_605, %dma_start3A_606] : memref<10240x128xf32, #tpu.memory_space<vmem_shared>> -> memref<10240x128xf32, #tpu.memory_space<vmem_shared>>
        tpu.enqueue_indirect_dma source(%dma_start3A_601 : memref<128x128xf32, #tpu.memory_space<vmem>>) target(%dma_start3A_607 : memref<10240x128xf32, #tpu.memory_space<vmem_shared>>) offsets(%dma_start3A_604 : memref<128xi32, #tpu.memory_space<vmem>>) semaphore(%run_scoped3A_597 : memref<!tpu.dma_semaphore, #tpu.memory_space<semaphore_mem>>) {add = true}
        %dma_wait3A_608 = arith.constant 0 : i32
        %dma_wait3A_609 = arith.constant 0 : i32
        %dma_wait3A_610 = tpu.memref_slice %arg8[%run_scoped3A_292, %dma_wait3A_608, %dma_wait3A_609] : memref<2x128x128xf32, #tpu.memory_space<vmem>> -> memref<1x128x128xf32, #tpu.memory_space<vmem>>
        %dma_wait3A_611 = tpu.memref_squeeze %dma_wait3A_610 : memref<1x128x128xf32, #tpu.memory_space<vmem>> -> memref<128x128xf32, #tpu.memory_space<vmem>>
        %dma_wait3A_612 = arith.constant 0 : i32
        %dma_wait3A_613 = tpu.memref_slice %arg7[%add3A_265, %dma_wait3A_612] : memref<80x128xi32, #tpu.memory_space<vmem>> -> memref<1x128xi32, #tpu.memory_space<vmem>>
        %dma_wait3A_614 = tpu.memref_squeeze %dma_wait3A_613 : memref<1x128xi32, #tpu.memory_space<vmem>> -> memref<128xi32, #tpu.memory_space<vmem>>
        %dma_wait3A_615 = arith.constant 0 : i32
        %dma_wait3A_616 = arith.constant 0 : i32
        %dma_wait3A_617 = tpu.memref_slice %arg9[%dma_wait3A_615, %dma_wait3A_616] : memref<10240x128xf32, #tpu.memory_space<vmem_shared>> -> memref<10240x128xf32, #tpu.memory_space<vmem_shared>>
        tpu.wait_indirect_dma semaphore(%run_scoped3A_597 : memref<!tpu.dma_semaphore, #tpu.memory_space<semaphore_mem>>) src(%dma_wait3A_611 : memref<128x128xf32, #tpu.memory_space<vmem>>) dst(%dma_wait3A_617 : memref<10240x128xf32, #tpu.memory_space<vmem_shared>>)
        tpu.yield
      }) : () -> ()
      %mul3A_293 = arith.constant 8 : i32
      %mul3A_294 = arith.muli %add3A_107, %mul3A_293 : i32
      %add3A_295 = arith.constant 6 : i32
      %add3A_296 = arith.addi %mul3A_294, %add3A_295 : i32
      %dma_wait3A_297 = arith.constant 0 : i32
      %dma_wait3A_298 = arith.constant 6 : i32
      %dma_wait3A_299 = arith.constant 0 : i32
      %dma_wait3A_300 = arith.constant 0 : i32
      %dma_wait3A_301 = arith.constant 0 : i32
      %dma_wait3A_302 = tpu.memref_slice %arg8[%dma_wait3A_299, %dma_wait3A_300, %dma_wait3A_301] : memref<2x128x128xf32, #tpu.memory_space<vmem>> -> memref<1x128x128xf32, #tpu.memory_space<vmem>>
      %dma_wait3A_303 = tpu.memref_squeeze %dma_wait3A_302 : memref<1x128x128xf32, #tpu.memory_space<vmem>> -> memref<128x128xf32, #tpu.memory_space<vmem>>
      %dma_wait3A_304 = arith.constant 0 : i32
      %dma_wait3A_305 = tpu.memref_slice %arg6[%dma_wait3A_297, %dma_wait3A_298, %dma_wait3A_304] : memref<2x8x128xi32, #tpu.memory_space<vmem>> -> memref<1x1x128xi32, #tpu.memory_space<vmem>>
      %dma_wait3A_306 = tpu.memref_squeeze %dma_wait3A_305 : memref<1x1x128xi32, #tpu.memory_space<vmem>> -> memref<128xi32, #tpu.memory_space<vmem>>
      %dma_wait3A_307 = arith.constant 0 : i32
      %dma_wait3A_308 = arith.constant 0 : i32
      %dma_wait3A_309 = tpu.memref_slice %arg2[%dma_wait3A_307, %dma_wait3A_308] : memref<10240x128xf32, #tpu.memory_space<hbm>> -> memref<10240x128xf32, #tpu.memory_space<hbm>>
      tpu.wait_indirect_dma semaphore(%arg10 : memref<!tpu.dma_semaphore, #tpu.memory_space<semaphore_mem>>) src(%dma_wait3A_309 : memref<10240x128xf32, #tpu.memory_space<hbm>>) dst(%dma_wait3A_303 : memref<128x128xf32, #tpu.memory_space<vmem>>)
      %dma_start3A_310 = arith.constant 0 : i32
      %dma_start3A_311 = arith.constant 7 : i32
      %dma_start3A_312 = arith.constant 1 : i32
      %dma_start3A_313 = arith.constant 0 : i32
      %dma_start3A_314 = arith.constant 0 : i32
      %dma_start3A_315 = tpu.memref_slice %arg8[%dma_start3A_312, %dma_start3A_313, %dma_start3A_314] : memref<2x128x128xf32, #tpu.memory_space<vmem>> -> memref<1x128x128xf32, #tpu.memory_space<vmem>>
      %dma_start3A_316 = tpu.memref_squeeze %dma_start3A_315 : memref<1x128x128xf32, #tpu.memory_space<vmem>> -> memref<128x128xf32, #tpu.memory_space<vmem>>
      %dma_start3A_317 = arith.constant 0 : i32
      %dma_start3A_318 = tpu.memref_slice %arg6[%dma_start3A_310, %dma_start3A_311, %dma_start3A_317] : memref<2x8x128xi32, #tpu.memory_space<vmem>> -> memref<1x1x128xi32, #tpu.memory_space<vmem>>
      %dma_start3A_319 = tpu.memref_squeeze %dma_start3A_318 : memref<1x1x128xi32, #tpu.memory_space<vmem>> -> memref<128xi32, #tpu.memory_space<vmem>>
      %dma_start3A_320 = arith.constant 0 : i32
      %dma_start3A_321 = arith.constant 0 : i32
      %dma_start3A_322 = tpu.memref_slice %arg2[%dma_start3A_320, %dma_start3A_321] : memref<10240x128xf32, #tpu.memory_space<hbm>> -> memref<10240x128xf32, #tpu.memory_space<hbm>>
      tpu.enqueue_indirect_dma source(%dma_start3A_322 : memref<10240x128xf32, #tpu.memory_space<hbm>>) target(%dma_start3A_316 : memref<128x128xf32, #tpu.memory_space<vmem>>) offsets(%dma_start3A_319 : memref<128xi32, #tpu.memory_space<vmem>>) semaphore(%arg10 : memref<!tpu.dma_semaphore, #tpu.memory_space<semaphore_mem>>)
      %run_scoped3A_323 = arith.constant 0 : i32
      "tpu.region"() ({
        %run_scoped3A_597 = tpu.sem_alloc : memref<!tpu.dma_semaphore, #tpu.memory_space<semaphore_mem>>
        %dma_start3A_598 = arith.constant 0 : i32
        %dma_start3A_599 = arith.constant 0 : i32
        %dma_start3A_600 = tpu.memref_slice %arg8[%run_scoped3A_323, %dma_start3A_598, %dma_start3A_599] : memref<2x128x128xf32, #tpu.memory_space<vmem>> -> memref<1x128x128xf32, #tpu.memory_space<vmem>>
        %dma_start3A_601 = tpu.memref_squeeze %dma_start3A_600 : memref<1x128x128xf32, #tpu.memory_space<vmem>> -> memref<128x128xf32, #tpu.memory_space<vmem>>
        %dma_start3A_602 = arith.constant 0 : i32
        %dma_start3A_603 = tpu.memref_slice %arg7[%add3A_296, %dma_start3A_602] : memref<80x128xi32, #tpu.memory_space<vmem>> -> memref<1x128xi32, #tpu.memory_space<vmem>>
        %dma_start3A_604 = tpu.memref_squeeze %dma_start3A_603 : memref<1x128xi32, #tpu.memory_space<vmem>> -> memref<128xi32, #tpu.memory_space<vmem>>
        %dma_start3A_605 = arith.constant 0 : i32
        %dma_start3A_606 = arith.constant 0 : i32
        %dma_start3A_607 = tpu.memref_slice %arg9[%dma_start3A_605, %dma_start3A_606] : memref<10240x128xf32, #tpu.memory_space<vmem_shared>> -> memref<10240x128xf32, #tpu.memory_space<vmem_shared>>
        tpu.enqueue_indirect_dma source(%dma_start3A_601 : memref<128x128xf32, #tpu.memory_space<vmem>>) target(%dma_start3A_607 : memref<10240x128xf32, #tpu.memory_space<vmem_shared>>) offsets(%dma_start3A_604 : memref<128xi32, #tpu.memory_space<vmem>>) semaphore(%run_scoped3A_597 : memref<!tpu.dma_semaphore, #tpu.memory_space<semaphore_mem>>) {add = true}
        %dma_wait3A_608 = arith.constant 0 : i32
        %dma_wait3A_609 = arith.constant 0 : i32
        %dma_wait3A_610 = tpu.memref_slice %arg8[%run_scoped3A_323, %dma_wait3A_608, %dma_wait3A_609] : memref<2x128x128xf32, #tpu.memory_space<vmem>> -> memref<1x128x128xf32, #tpu.memory_space<vmem>>
        %dma_wait3A_611 = tpu.memref_squeeze %dma_wait3A_610 : memref<1x128x128xf32, #tpu.memory_space<vmem>> -> memref<128x128xf32, #tpu.memory_space<vmem>>
        %dma_wait3A_612 = arith.constant 0 : i32
        %dma_wait3A_613 = tpu.memref_slice %arg7[%add3A_296, %dma_wait3A_612] : memref<80x128xi32, #tpu.memory_space<vmem>> -> memref<1x128xi32, #tpu.memory_space<vmem>>
        %dma_wait3A_614 = tpu.memref_squeeze %dma_wait3A_613 : memref<1x128xi32, #tpu.memory_space<vmem>> -> memref<128xi32, #tpu.memory_space<vmem>>
        %dma_wait3A_615 = arith.constant 0 : i32
        %dma_wait3A_616 = arith.constant 0 : i32
        %dma_wait3A_617 = tpu.memref_slice %arg9[%dma_wait3A_615, %dma_wait3A_616] : memref<10240x128xf32, #tpu.memory_space<vmem_shared>> -> memref<10240x128xf32, #tpu.memory_space<vmem_shared>>
        tpu.wait_indirect_dma semaphore(%run_scoped3A_597 : memref<!tpu.dma_semaphore, #tpu.memory_space<semaphore_mem>>) src(%dma_wait3A_611 : memref<128x128xf32, #tpu.memory_space<vmem>>) dst(%dma_wait3A_617 : memref<10240x128xf32, #tpu.memory_space<vmem_shared>>)
        tpu.yield
      }) : () -> ()
      %mul3A_324 = arith.constant 8 : i32
      %mul3A_325 = arith.muli %add3A_107, %mul3A_324 : i32
      %add3A_326 = arith.constant 7 : i32
      %add3A_327 = arith.addi %mul3A_325, %add3A_326 : i32
      %dma_wait3A_328 = arith.constant 0 : i32
      %dma_wait3A_329 = arith.constant 7 : i32
      %dma_wait3A_330 = arith.constant 1 : i32
      %dma_wait3A_331 = arith.constant 0 : i32
      %dma_wait3A_332 = arith.constant 0 : i32
      %dma_wait3A_333 = tpu.memref_slice %arg8[%dma_wait3A_330, %dma_wait3A_331, %dma_wait3A_332] : memref<2x128x128xf32, #tpu.memory_space<vmem>> -> memref<1x128x128xf32, #tpu.memory_space<vmem>>
      %dma_wait3A_334 = tpu.memref_squeeze %dma_wait3A_333 : memref<1x128x128xf32, #tpu.memory_space<vmem>> -> memref<128x128xf32, #tpu.memory_space<vmem>>
      %dma_wait3A_335 = arith.constant 0 : i32
      %dma_wait3A_336 = tpu.memref_slice %arg6[%dma_wait3A_328, %dma_wait3A_329, %dma_wait3A_335] : memref<2x8x128xi32, #tpu.memory_space<vmem>> -> memref<1x1x128xi32, #tpu.memory_space<vmem>>
      %dma_wait3A_337 = tpu.memref_squeeze %dma_wait3A_336 : memref<1x1x128xi32, #tpu.memory_space<vmem>> -> memref<128xi32, #tpu.memory_space<vmem>>
      %dma_wait3A_338 = arith.constant 0 : i32
      %dma_wait3A_339 = arith.constant 0 : i32
      %dma_wait3A_340 = tpu.memref_slice %arg2[%dma_wait3A_338, %dma_wait3A_339] : memref<10240x128xf32, #tpu.memory_space<hbm>> -> memref<10240x128xf32, #tpu.memory_space<hbm>>
      tpu.wait_indirect_dma semaphore(%arg10 : memref<!tpu.dma_semaphore, #tpu.memory_space<semaphore_mem>>) src(%dma_wait3A_340 : memref<10240x128xf32, #tpu.memory_space<hbm>>) dst(%dma_wait3A_334 : memref<128x128xf32, #tpu.memory_space<vmem>>)
      %lt3A = arith.constant 9 : i32
      %lt3A_341 = arith.cmpi slt, %add3A_107, %lt3A : i32
      %convert_element_type3A = arith.extui %lt3A_341 : i1 to i32
      %cond3A = arith.constant 0 : i32
      %cond3A_342 = arith.cmpi ne, %convert_element_type3A, %cond3A : i32
      scf.if %cond3A_342 {
        %dma_wait3A_597 = arith.constant 0 : i32
        %dma_wait3A_598 = arith.constant 1 : i32
        %dma_wait3A_599 = arith.constant 0 : i32
        %dma_wait3A_600 = arith.constant 0 : i32
        %dma_wait3A_601 = tpu.memref_slice %arg6[%dma_wait3A_598, %dma_wait3A_599, %dma_wait3A_600] : memref<2x8x128xi32, #tpu.memory_space<vmem>> -> memref<1x8x128xi32, #tpu.memory_space<vmem>>
        %dma_wait3A_602 = tpu.memref_squeeze %dma_wait3A_601 : memref<1x8x128xi32, #tpu.memory_space<vmem>> -> memref<8x128xi32, #tpu.memory_space<vmem>>
        %dma_wait3A_603 = arith.constant 0 : i32
        %dma_wait3A_604 = arith.constant 0 : i32
        %dma_wait3A_605 = tpu.memref_slice %arg3[%add3A, %dma_wait3A_597, %dma_wait3A_603, %dma_wait3A_604] : memref<32x10x8x128xi32, #tpu.memory_space<hbm>> -> memref<1x1x8x128xi32, #tpu.memory_space<hbm>>
        %dma_wait3A_606 = tpu.memref_squeeze %dma_wait3A_605 : memref<1x1x8x128xi32, #tpu.memory_space<hbm>> -> memref<8x128xi32, #tpu.memory_space<hbm>>
        %dma_wait3A_607 = arith.constant 0 : i32
        %dma_wait3A_608 = arith.constant 0 : i32
        %dma_wait3A_609 = tpu.memref_slice %arg6[%dma_wait3A_598, %dma_wait3A_607, %dma_wait3A_608] : memref<2x8x128xi32, #tpu.memory_space<vmem>> -> memref<1x8x128xi32, #tpu.memory_space<vmem>>
        %dma_wait3A_610 = tpu.memref_squeeze %dma_wait3A_609 : memref<1x8x128xi32, #tpu.memory_space<vmem>> -> memref<8x128xi32, #tpu.memory_space<vmem>>
        %dma_wait3A_611 = arith.constant 0 : i32
        %dma_wait3A_612 = arith.constant 0 : i32
        %dma_wait3A_613 = tpu.memref_slice %arg3[%add3A, %dma_wait3A_597, %dma_wait3A_611, %dma_wait3A_612] : memref<32x10x8x128xi32, #tpu.memory_space<hbm>> -> memref<1x1x8x128xi32, #tpu.memory_space<hbm>>
        %dma_wait3A_614 = tpu.memref_squeeze %dma_wait3A_613 : memref<1x1x8x128xi32, #tpu.memory_space<hbm>> -> memref<8x128xi32, #tpu.memory_space<hbm>>
        tpu.wait_dma2 semaphore(%arg11 : memref<!tpu.dma_semaphore, #tpu.memory_space<semaphore_mem>>) src(%dma_wait3A_614 : memref<8x128xi32, #tpu.memory_space<hbm>>) dst(%dma_wait3A_610 : memref<8x128xi32, #tpu.memory_space<vmem>>)
        %dma_start3A_615 = arith.constant 1 : i32
        %dma_start3A_616 = arith.constant 0 : i32
        %dma_start3A_617 = arith.constant 0 : i32
        %dma_start3A_618 = arith.constant 0 : i32
        %dma_start3A_619 = arith.constant 0 : i32
        %dma_start3A_620 = tpu.memref_slice %arg8[%dma_start3A_617, %dma_start3A_618, %dma_start3A_619] : memref<2x128x128xf32, #tpu.memory_space<vmem>> -> memref<1x128x128xf32, #tpu.memory_space<vmem>>
        %dma_start3A_621 = tpu.memref_squeeze %dma_start3A_620 : memref<1x128x128xf32, #tpu.memory_space<vmem>> -> memref<128x128xf32, #tpu.memory_space<vmem>>
        %dma_start3A_622 = arith.constant 0 : i32
        %dma_start3A_623 = tpu.memref_slice %arg6[%dma_start3A_615, %dma_start3A_616, %dma_start3A_622] : memref<2x8x128xi32, #tpu.memory_space<vmem>> -> memref<1x1x128xi32, #tpu.memory_space<vmem>>
        %dma_start3A_624 = tpu.memref_squeeze %dma_start3A_623 : memref<1x1x128xi32, #tpu.memory_space<vmem>> -> memref<128xi32, #tpu.memory_space<vmem>>
        %dma_start3A_625 = arith.constant 0 : i32
        %dma_start3A_626 = arith.constant 0 : i32
        %dma_start3A_627 = tpu.memref_slice %arg2[%dma_start3A_625, %dma_start3A_626] : memref<10240x128xf32, #tpu.memory_space<hbm>> -> memref<10240x128xf32, #tpu.memory_space<hbm>>
        tpu.enqueue_indirect_dma source(%dma_start3A_627 : memref<10240x128xf32, #tpu.memory_space<hbm>>) target(%dma_start3A_621 : memref<128x128xf32, #tpu.memory_space<vmem>>) offsets(%dma_start3A_624 : memref<128xi32, #tpu.memory_space<vmem>>) semaphore(%arg10 : memref<!tpu.dma_semaphore, #tpu.memory_space<semaphore_mem>>)
      } else {
      }
      %lt3A_343 = arith.constant 8 : i32
      %lt3A_344 = arith.cmpi slt, %add3A_107, %lt3A_343 : i32
      %convert_element_type3A_345 = arith.extui %lt3A_344 : i1 to i32
      %cond3A_346 = arith.constant 0 : i32
      %cond3A_347 = arith.cmpi ne, %convert_element_type3A_345, %cond3A_346 : i32
      scf.if %cond3A_347 {
        %add3A_597 = arith.constant 2 : i32
        %add3A_598 = arith.addi %add3A_107, %add3A_597 : i32
        %dma_start3A_599 = arith.constant 0 : i32
        %dma_start3A_600 = arith.constant 0 : i32
        %dma_start3A_601 = arith.constant 0 : i32
        %dma_start3A_602 = tpu.memref_slice %arg6[%dma_start3A_599, %dma_start3A_600, %dma_start3A_601] : memref<2x8x128xi32, #tpu.memory_space<vmem>> -> memref<1x8x128xi32, #tpu.memory_space<vmem>>
        %dma_start3A_603 = tpu.memref_squeeze %dma_start3A_602 : memref<1x8x128xi32, #tpu.memory_space<vmem>> -> memref<8x128xi32, #tpu.memory_space<vmem>>
        %dma_start3A_604 = arith.constant 0 : i32
        %dma_start3A_605 = arith.constant 0 : i32
        %dma_start3A_606 = tpu.memref_slice %arg3[%add3A, %add3A_598, %dma_start3A_604, %dma_start3A_605] : memref<32x10x8x128xi32, #tpu.memory_space<hbm>> -> memref<1x1x8x128xi32, #tpu.memory_space<hbm>>
        %dma_start3A_607 = tpu.memref_squeeze %dma_start3A_606 : memref<1x1x8x128xi32, #tpu.memory_space<hbm>> -> memref<8x128xi32, #tpu.memory_space<hbm>>
        %dma_start3A_608 = arith.constant 0 : i32
        %dma_start3A_609 = arith.constant 0 : i32
        %dma_start3A_610 = tpu.memref_slice %arg6[%dma_start3A_599, %dma_start3A_608, %dma_start3A_609] : memref<2x8x128xi32, #tpu.memory_space<vmem>> -> memref<1x8x128xi32, #tpu.memory_space<vmem>>
        %dma_start3A_611 = tpu.memref_squeeze %dma_start3A_610 : memref<1x8x128xi32, #tpu.memory_space<vmem>> -> memref<8x128xi32, #tpu.memory_space<vmem>>
        %dma_start3A_612 = arith.constant 0 : i32
        %dma_start3A_613 = arith.constant 0 : i32
        %dma_start3A_614 = tpu.memref_slice %arg3[%add3A, %add3A_598, %dma_start3A_612, %dma_start3A_613] : memref<32x10x8x128xi32, #tpu.memory_space<hbm>> -> memref<1x1x8x128xi32, #tpu.memory_space<hbm>>
        %dma_start3A_615 = tpu.memref_squeeze %dma_start3A_614 : memref<1x1x8x128xi32, #tpu.memory_space<hbm>> -> memref<8x128xi32, #tpu.memory_space<hbm>>
        tpu.enqueue_dma source(%dma_start3A_615 : memref<8x128xi32, #tpu.memory_space<hbm>>) target(%dma_start3A_611 : memref<8x128xi32, #tpu.memory_space<vmem>>) target_semaphore(%arg11 : memref<!tpu.dma_semaphore, #tpu.memory_space<semaphore_mem>>)
      } else {
      }
      %run_scoped3A_348 = arith.constant 1 : i32
      "tpu.region"() ({
        %run_scoped3A_597 = tpu.sem_alloc : memref<!tpu.dma_semaphore, #tpu.memory_space<semaphore_mem>>
        %dma_start3A_598 = arith.constant 0 : i32
        %dma_start3A_599 = arith.constant 0 : i32
        %dma_start3A_600 = tpu.memref_slice %arg8[%run_scoped3A_348, %dma_start3A_598, %dma_start3A_599] : memref<2x128x128xf32, #tpu.memory_space<vmem>> -> memref<1x128x128xf32, #tpu.memory_space<vmem>>
        %dma_start3A_601 = tpu.memref_squeeze %dma_start3A_600 : memref<1x128x128xf32, #tpu.memory_space<vmem>> -> memref<128x128xf32, #tpu.memory_space<vmem>>
        %dma_start3A_602 = arith.constant 0 : i32
        %dma_start3A_603 = tpu.memref_slice %arg7[%add3A_327, %dma_start3A_602] : memref<80x128xi32, #tpu.memory_space<vmem>> -> memref<1x128xi32, #tpu.memory_space<vmem>>
        %dma_start3A_604 = tpu.memref_squeeze %dma_start3A_603 : memref<1x128xi32, #tpu.memory_space<vmem>> -> memref<128xi32, #tpu.memory_space<vmem>>
        %dma_start3A_605 = arith.constant 0 : i32
        %dma_start3A_606 = arith.constant 0 : i32
        %dma_start3A_607 = tpu.memref_slice %arg9[%dma_start3A_605, %dma_start3A_606] : memref<10240x128xf32, #tpu.memory_space<vmem_shared>> -> memref<10240x128xf32, #tpu.memory_space<vmem_shared>>
        tpu.enqueue_indirect_dma source(%dma_start3A_601 : memref<128x128xf32, #tpu.memory_space<vmem>>) target(%dma_start3A_607 : memref<10240x128xf32, #tpu.memory_space<vmem_shared>>) offsets(%dma_start3A_604 : memref<128xi32, #tpu.memory_space<vmem>>) semaphore(%run_scoped3A_597 : memref<!tpu.dma_semaphore, #tpu.memory_space<semaphore_mem>>) {add = true}
        %dma_wait3A_608 = arith.constant 0 : i32
        %dma_wait3A_609 = arith.constant 0 : i32
        %dma_wait3A_610 = tpu.memref_slice %arg8[%run_scoped3A_348, %dma_wait3A_608, %dma_wait3A_609] : memref<2x128x128xf32, #tpu.memory_space<vmem>> -> memref<1x128x128xf32, #tpu.memory_space<vmem>>
        %dma_wait3A_611 = tpu.memref_squeeze %dma_wait3A_610 : memref<1x128x128xf32, #tpu.memory_space<vmem>> -> memref<128x128xf32, #tpu.memory_space<vmem>>
        %dma_wait3A_612 = arith.constant 0 : i32
        %dma_wait3A_613 = tpu.memref_slice %arg7[%add3A_327, %dma_wait3A_612] : memref<80x128xi32, #tpu.memory_space<vmem>> -> memref<1x128xi32, #tpu.memory_space<vmem>>
        %dma_wait3A_614 = tpu.memref_squeeze %dma_wait3A_613 : memref<1x128xi32, #tpu.memory_space<vmem>> -> memref<128xi32, #tpu.memory_space<vmem>>
        %dma_wait3A_615 = arith.constant 0 : i32
        %dma_wait3A_616 = arith.constant 0 : i32
        %dma_wait3A_617 = tpu.memref_slice %arg9[%dma_wait3A_615, %dma_wait3A_616] : memref<10240x128xf32, #tpu.memory_space<vmem_shared>> -> memref<10240x128xf32, #tpu.memory_space<vmem_shared>>
        tpu.wait_indirect_dma semaphore(%run_scoped3A_597 : memref<!tpu.dma_semaphore, #tpu.memory_space<semaphore_mem>>) src(%dma_wait3A_611 : memref<128x128xf32, #tpu.memory_space<vmem>>) dst(%dma_wait3A_617 : memref<10240x128xf32, #tpu.memory_space<vmem_shared>>)
        tpu.yield
      }) : () -> ()
      %add3A_349 = arith.constant 1 : i32
      %add3A_350 = arith.addi %mul3A_105, %add3A_349 : i32
      %mul3A_351 = arith.constant 8 : i32
      %mul3A_352 = arith.muli %add3A_350, %mul3A_351 : i32
      %add3A_353 = arith.constant 0 : i32
      %add3A_354 = arith.addi %mul3A_352, %add3A_353 : i32
      %dma_wait3A_355 = arith.constant 1 : i32
      %dma_wait3A_356 = arith.constant 0 : i32
      %dma_wait3A_357 = arith.constant 0 : i32
      %dma_wait3A_358 = arith.constant 0 : i32
      %dma_wait3A_359 = arith.constant 0 : i32
      %dma_wait3A_360 = tpu.memref_slice %arg8[%dma_wait3A_357, %dma_wait3A_358, %dma_wait3A_359] : memref<2x128x128xf32, #tpu.memory_space<vmem>> -> memref<1x128x128xf32, #tpu.memory_space<vmem>>
      %dma_wait3A_361 = tpu.memref_squeeze %dma_wait3A_360 : memref<1x128x128xf32, #tpu.memory_space<vmem>> -> memref<128x128xf32, #tpu.memory_space<vmem>>
      %dma_wait3A_362 = arith.constant 0 : i32
      %dma_wait3A_363 = tpu.memref_slice %arg6[%dma_wait3A_355, %dma_wait3A_356, %dma_wait3A_362] : memref<2x8x128xi32, #tpu.memory_space<vmem>> -> memref<1x1x128xi32, #tpu.memory_space<vmem>>
      %dma_wait3A_364 = tpu.memref_squeeze %dma_wait3A_363 : memref<1x1x128xi32, #tpu.memory_space<vmem>> -> memref<128xi32, #tpu.memory_space<vmem>>
      %dma_wait3A_365 = arith.constant 0 : i32
      %dma_wait3A_366 = arith.constant 0 : i32
      %dma_wait3A_367 = tpu.memref_slice %arg2[%dma_wait3A_365, %dma_wait3A_366] : memref<10240x128xf32, #tpu.memory_space<hbm>> -> memref<10240x128xf32, #tpu.memory_space<hbm>>
      tpu.wait_indirect_dma semaphore(%arg10 : memref<!tpu.dma_semaphore, #tpu.memory_space<semaphore_mem>>) src(%dma_wait3A_367 : memref<10240x128xf32, #tpu.memory_space<hbm>>) dst(%dma_wait3A_361 : memref<128x128xf32, #tpu.memory_space<vmem>>)
      %dma_start3A_368 = arith.constant 1 : i32
      %dma_start3A_369 = arith.constant 1 : i32
      %dma_start3A_370 = arith.constant 1 : i32
      %dma_start3A_371 = arith.constant 0 : i32
      %dma_start3A_372 = arith.constant 0 : i32
      %dma_start3A_373 = tpu.memref_slice %arg8[%dma_start3A_370, %dma_start3A_371, %dma_start3A_372] : memref<2x128x128xf32, #tpu.memory_space<vmem>> -> memref<1x128x128xf32, #tpu.memory_space<vmem>>
      %dma_start3A_374 = tpu.memref_squeeze %dma_start3A_373 : memref<1x128x128xf32, #tpu.memory_space<vmem>> -> memref<128x128xf32, #tpu.memory_space<vmem>>
      %dma_start3A_375 = arith.constant 0 : i32
      %dma_start3A_376 = tpu.memref_slice %arg6[%dma_start3A_368, %dma_start3A_369, %dma_start3A_375] : memref<2x8x128xi32, #tpu.memory_space<vmem>> -> memref<1x1x128xi32, #tpu.memory_space<vmem>>
      %dma_start3A_377 = tpu.memref_squeeze %dma_start3A_376 : memref<1x1x128xi32, #tpu.memory_space<vmem>> -> memref<128xi32, #tpu.memory_space<vmem>>
      %dma_start3A_378 = arith.constant 0 : i32
      %dma_start3A_379 = arith.constant 0 : i32
      %dma_start3A_380 = tpu.memref_slice %arg2[%dma_start3A_378, %dma_start3A_379] : memref<10240x128xf32, #tpu.memory_space<hbm>> -> memref<10240x128xf32, #tpu.memory_space<hbm>>
      tpu.enqueue_indirect_dma source(%dma_start3A_380 : memref<10240x128xf32, #tpu.memory_space<hbm>>) target(%dma_start3A_374 : memref<128x128xf32, #tpu.memory_space<vmem>>) offsets(%dma_start3A_377 : memref<128xi32, #tpu.memory_space<vmem>>) semaphore(%arg10 : memref<!tpu.dma_semaphore, #tpu.memory_space<semaphore_mem>>)
      %run_scoped3A_381 = arith.constant 0 : i32
      "tpu.region"() ({
        %run_scoped3A_597 = tpu.sem_alloc : memref<!tpu.dma_semaphore, #tpu.memory_space<semaphore_mem>>
        %dma_start3A_598 = arith.constant 0 : i32
        %dma_start3A_599 = arith.constant 0 : i32
        %dma_start3A_600 = tpu.memref_slice %arg8[%run_scoped3A_381, %dma_start3A_598, %dma_start3A_599] : memref<2x128x128xf32, #tpu.memory_space<vmem>> -> memref<1x128x128xf32, #tpu.memory_space<vmem>>
        %dma_start3A_601 = tpu.memref_squeeze %dma_start3A_600 : memref<1x128x128xf32, #tpu.memory_space<vmem>> -> memref<128x128xf32, #tpu.memory_space<vmem>>
        %dma_start3A_602 = arith.constant 0 : i32
        %dma_start3A_603 = tpu.memref_slice %arg7[%add3A_354, %dma_start3A_602] : memref<80x128xi32, #tpu.memory_space<vmem>> -> memref<1x128xi32, #tpu.memory_space<vmem>>
        %dma_start3A_604 = tpu.memref_squeeze %dma_start3A_603 : memref<1x128xi32, #tpu.memory_space<vmem>> -> memref<128xi32, #tpu.memory_space<vmem>>
        %dma_start3A_605 = arith.constant 0 : i32
        %dma_start3A_606 = arith.constant 0 : i32
        %dma_start3A_607 = tpu.memref_slice %arg9[%dma_start3A_605, %dma_start3A_606] : memref<10240x128xf32, #tpu.memory_space<vmem_shared>> -> memref<10240x128xf32, #tpu.memory_space<vmem_shared>>
        tpu.enqueue_indirect_dma source(%dma_start3A_601 : memref<128x128xf32, #tpu.memory_space<vmem>>) target(%dma_start3A_607 : memref<10240x128xf32, #tpu.memory_space<vmem_shared>>) offsets(%dma_start3A_604 : memref<128xi32, #tpu.memory_space<vmem>>) semaphore(%run_scoped3A_597 : memref<!tpu.dma_semaphore, #tpu.memory_space<semaphore_mem>>) {add = true}
        %dma_wait3A_608 = arith.constant 0 : i32
        %dma_wait3A_609 = arith.constant 0 : i32
        %dma_wait3A_610 = tpu.memref_slice %arg8[%run_scoped3A_381, %dma_wait3A_608, %dma_wait3A_609] : memref<2x128x128xf32, #tpu.memory_space<vmem>> -> memref<1x128x128xf32, #tpu.memory_space<vmem>>
        %dma_wait3A_611 = tpu.memref_squeeze %dma_wait3A_610 : memref<1x128x128xf32, #tpu.memory_space<vmem>> -> memref<128x128xf32, #tpu.memory_space<vmem>>
        %dma_wait3A_612 = arith.constant 0 : i32
        %dma_wait3A_613 = tpu.memref_slice %arg7[%add3A_354, %dma_wait3A_612] : memref<80x128xi32, #tpu.memory_space<vmem>> -> memref<1x128xi32, #tpu.memory_space<vmem>>
        %dma_wait3A_614 = tpu.memref_squeeze %dma_wait3A_613 : memref<1x128xi32, #tpu.memory_space<vmem>> -> memref<128xi32, #tpu.memory_space<vmem>>
        %dma_wait3A_615 = arith.constant 0 : i32
        %dma_wait3A_616 = arith.constant 0 : i32
        %dma_wait3A_617 = tpu.memref_slice %arg9[%dma_wait3A_615, %dma_wait3A_616] : memref<10240x128xf32, #tpu.memory_space<vmem_shared>> -> memref<10240x128xf32, #tpu.memory_space<vmem_shared>>
        tpu.wait_indirect_dma semaphore(%run_scoped3A_597 : memref<!tpu.dma_semaphore, #tpu.memory_space<semaphore_mem>>) src(%dma_wait3A_611 : memref<128x128xf32, #tpu.memory_space<vmem>>) dst(%dma_wait3A_617 : memref<10240x128xf32, #tpu.memory_space<vmem_shared>>)
        tpu.yield
      }) : () -> ()
      %mul3A_382 = arith.constant 8 : i32
      %mul3A_383 = arith.muli %add3A_350, %mul3A_382 : i32
      %add3A_384 = arith.constant 1 : i32
      %add3A_385 = arith.addi %mul3A_383, %add3A_384 : i32
      %dma_wait3A_386 = arith.constant 1 : i32
      %dma_wait3A_387 = arith.constant 1 : i32
      %dma_wait3A_388 = arith.constant 1 : i32
      %dma_wait3A_389 = arith.constant 0 : i32
      %dma_wait3A_390 = arith.constant 0 : i32
      %dma_wait3A_391 = tpu.memref_slice %arg8[%dma_wait3A_388, %dma_wait3A_389, %dma_wait3A_390] : memref<2x128x128xf32, #tpu.memory_space<vmem>> -> memref<1x128x128xf32, #tpu.memory_space<vmem>>
      %dma_wait3A_392 = tpu.memref_squeeze %dma_wait3A_391 : memref<1x128x128xf32, #tpu.memory_space<vmem>> -> memref<128x128xf32, #tpu.memory_space<vmem>>
      %dma_wait3A_393 = arith.constant 0 : i32
      %dma_wait3A_394 = tpu.memref_slice %arg6[%dma_wait3A_386, %dma_wait3A_387, %dma_wait3A_393] : memref<2x8x128xi32, #tpu.memory_space<vmem>> -> memref<1x1x128xi32, #tpu.memory_space<vmem>>
      %dma_wait3A_395 = tpu.memref_squeeze %dma_wait3A_394 : memref<1x1x128xi32, #tpu.memory_space<vmem>> -> memref<128xi32, #tpu.memory_space<vmem>>
      %dma_wait3A_396 = arith.constant 0 : i32
      %dma_wait3A_397 = arith.constant 0 : i32
      %dma_wait3A_398 = tpu.memref_slice %arg2[%dma_wait3A_396, %dma_wait3A_397] : memref<10240x128xf32, #tpu.memory_space<hbm>> -> memref<10240x128xf32, #tpu.memory_space<hbm>>
      tpu.wait_indirect_dma semaphore(%arg10 : memref<!tpu.dma_semaphore, #tpu.memory_space<semaphore_mem>>) src(%dma_wait3A_398 : memref<10240x128xf32, #tpu.memory_space<hbm>>) dst(%dma_wait3A_392 : memref<128x128xf32, #tpu.memory_space<vmem>>)
      %dma_start3A_399 = arith.constant 1 : i32
      %dma_start3A_400 = arith.constant 2 : i32
      %dma_start3A_401 = arith.constant 0 : i32
      %dma_start3A_402 = arith.constant 0 : i32
      %dma_start3A_403 = arith.constant 0 : i32
      %dma_start3A_404 = tpu.memref_slice %arg8[%dma_start3A_401, %dma_start3A_402, %dma_start3A_403] : memref<2x128x128xf32, #tpu.memory_space<vmem>> -> memref<1x128x128xf32, #tpu.memory_space<vmem>>
      %dma_start3A_405 = tpu.memref_squeeze %dma_start3A_404 : memref<1x128x128xf32, #tpu.memory_space<vmem>> -> memref<128x128xf32, #tpu.memory_space<vmem>>
      %dma_start3A_406 = arith.constant 0 : i32
      %dma_start3A_407 = tpu.memref_slice %arg6[%dma_start3A_399, %dma_start3A_400, %dma_start3A_406] : memref<2x8x128xi32, #tpu.memory_space<vmem>> -> memref<1x1x128xi32, #tpu.memory_space<vmem>>
      %dma_start3A_408 = tpu.memref_squeeze %dma_start3A_407 : memref<1x1x128xi32, #tpu.memory_space<vmem>> -> memref<128xi32, #tpu.memory_space<vmem>>
      %dma_start3A_409 = arith.constant 0 : i32
      %dma_start3A_410 = arith.constant 0 : i32
      %dma_start3A_411 = tpu.memref_slice %arg2[%dma_start3A_409, %dma_start3A_410] : memref<10240x128xf32, #tpu.memory_space<hbm>> -> memref<10240x128xf32, #tpu.memory_space<hbm>>
      tpu.enqueue_indirect_dma source(%dma_start3A_411 : memref<10240x128xf32, #tpu.memory_space<hbm>>) target(%dma_start3A_405 : memref<128x128xf32, #tpu.memory_space<vmem>>) offsets(%dma_start3A_408 : memref<128xi32, #tpu.memory_space<vmem>>) semaphore(%arg10 : memref<!tpu.dma_semaphore, #tpu.memory_space<semaphore_mem>>)
      %run_scoped3A_412 = arith.constant 1 : i32
      "tpu.region"() ({
        %run_scoped3A_597 = tpu.sem_alloc : memref<!tpu.dma_semaphore, #tpu.memory_space<semaphore_mem>>
        %dma_start3A_598 = arith.constant 0 : i32
        %dma_start3A_599 = arith.constant 0 : i32
        %dma_start3A_600 = tpu.memref_slice %arg8[%run_scoped3A_412, %dma_start3A_598, %dma_start3A_599] : memref<2x128x128xf32, #tpu.memory_space<vmem>> -> memref<1x128x128xf32, #tpu.memory_space<vmem>>
        %dma_start3A_601 = tpu.memref_squeeze %dma_start3A_600 : memref<1x128x128xf32, #tpu.memory_space<vmem>> -> memref<128x128xf32, #tpu.memory_space<vmem>>
        %dma_start3A_602 = arith.constant 0 : i32
        %dma_start3A_603 = tpu.memref_slice %arg7[%add3A_385, %dma_start3A_602] : memref<80x128xi32, #tpu.memory_space<vmem>> -> memref<1x128xi32, #tpu.memory_space<vmem>>
        %dma_start3A_604 = tpu.memref_squeeze %dma_start3A_603 : memref<1x128xi32, #tpu.memory_space<vmem>> -> memref<128xi32, #tpu.memory_space<vmem>>
        %dma_start3A_605 = arith.constant 0 : i32
        %dma_start3A_606 = arith.constant 0 : i32
        %dma_start3A_607 = tpu.memref_slice %arg9[%dma_start3A_605, %dma_start3A_606] : memref<10240x128xf32, #tpu.memory_space<vmem_shared>> -> memref<10240x128xf32, #tpu.memory_space<vmem_shared>>
        tpu.enqueue_indirect_dma source(%dma_start3A_601 : memref<128x128xf32, #tpu.memory_space<vmem>>) target(%dma_start3A_607 : memref<10240x128xf32, #tpu.memory_space<vmem_shared>>) offsets(%dma_start3A_604 : memref<128xi32, #tpu.memory_space<vmem>>) semaphore(%run_scoped3A_597 : memref<!tpu.dma_semaphore, #tpu.memory_space<semaphore_mem>>) {add = true}
        %dma_wait3A_608 = arith.constant 0 : i32
        %dma_wait3A_609 = arith.constant 0 : i32
        %dma_wait3A_610 = tpu.memref_slice %arg8[%run_scoped3A_412, %dma_wait3A_608, %dma_wait3A_609] : memref<2x128x128xf32, #tpu.memory_space<vmem>> -> memref<1x128x128xf32, #tpu.memory_space<vmem>>
        %dma_wait3A_611 = tpu.memref_squeeze %dma_wait3A_610 : memref<1x128x128xf32, #tpu.memory_space<vmem>> -> memref<128x128xf32, #tpu.memory_space<vmem>>
        %dma_wait3A_612 = arith.constant 0 : i32
        %dma_wait3A_613 = tpu.memref_slice %arg7[%add3A_385, %dma_wait3A_612] : memref<80x128xi32, #tpu.memory_space<vmem>> -> memref<1x128xi32, #tpu.memory_space<vmem>>
        %dma_wait3A_614 = tpu.memref_squeeze %dma_wait3A_613 : memref<1x128xi32, #tpu.memory_space<vmem>> -> memref<128xi32, #tpu.memory_space<vmem>>
        %dma_wait3A_615 = arith.constant 0 : i32
        %dma_wait3A_616 = arith.constant 0 : i32
        %dma_wait3A_617 = tpu.memref_slice %arg9[%dma_wait3A_615, %dma_wait3A_616] : memref<10240x128xf32, #tpu.memory_space<vmem_shared>> -> memref<10240x128xf32, #tpu.memory_space<vmem_shared>>
        tpu.wait_indirect_dma semaphore(%run_scoped3A_597 : memref<!tpu.dma_semaphore, #tpu.memory_space<semaphore_mem>>) src(%dma_wait3A_611 : memref<128x128xf32, #tpu.memory_space<vmem>>) dst(%dma_wait3A_617 : memref<10240x128xf32, #tpu.memory_space<vmem_shared>>)
        tpu.yield
      }) : () -> ()
      %mul3A_413 = arith.constant 8 : i32
      %mul3A_414 = arith.muli %add3A_350, %mul3A_413 : i32
      %add3A_415 = arith.constant 2 : i32
      %add3A_416 = arith.addi %mul3A_414, %add3A_415 : i32
      %dma_wait3A_417 = arith.constant 1 : i32
      %dma_wait3A_418 = arith.constant 2 : i32
      %dma_wait3A_419 = arith.constant 0 : i32
      %dma_wait3A_420 = arith.constant 0 : i32
      %dma_wait3A_421 = arith.constant 0 : i32
      %dma_wait3A_422 = tpu.memref_slice %arg8[%dma_wait3A_419, %dma_wait3A_420, %dma_wait3A_421] : memref<2x128x128xf32, #tpu.memory_space<vmem>> -> memref<1x128x128xf32, #tpu.memory_space<vmem>>
      %dma_wait3A_423 = tpu.memref_squeeze %dma_wait3A_422 : memref<1x128x128xf32, #tpu.memory_space<vmem>> -> memref<128x128xf32, #tpu.memory_space<vmem>>
      %dma_wait3A_424 = arith.constant 0 : i32
      %dma_wait3A_425 = tpu.memref_slice %arg6[%dma_wait3A_417, %dma_wait3A_418, %dma_wait3A_424] : memref<2x8x128xi32, #tpu.memory_space<vmem>> -> memref<1x1x128xi32, #tpu.memory_space<vmem>>
      %dma_wait3A_426 = tpu.memref_squeeze %dma_wait3A_425 : memref<1x1x128xi32, #tpu.memory_space<vmem>> -> memref<128xi32, #tpu.memory_space<vmem>>
      %dma_wait3A_427 = arith.constant 0 : i32
      %dma_wait3A_428 = arith.constant 0 : i32
      %dma_wait3A_429 = tpu.memref_slice %arg2[%dma_wait3A_427, %dma_wait3A_428] : memref<10240x128xf32, #tpu.memory_space<hbm>> -> memref<10240x128xf32, #tpu.memory_space<hbm>>
      tpu.wait_indirect_dma semaphore(%arg10 : memref<!tpu.dma_semaphore, #tpu.memory_space<semaphore_mem>>) src(%dma_wait3A_429 : memref<10240x128xf32, #tpu.memory_space<hbm>>) dst(%dma_wait3A_423 : memref<128x128xf32, #tpu.memory_space<vmem>>)
      %dma_start3A_430 = arith.constant 1 : i32
      %dma_start3A_431 = arith.constant 3 : i32
      %dma_start3A_432 = arith.constant 1 : i32
      %dma_start3A_433 = arith.constant 0 : i32
      %dma_start3A_434 = arith.constant 0 : i32
      %dma_start3A_435 = tpu.memref_slice %arg8[%dma_start3A_432, %dma_start3A_433, %dma_start3A_434] : memref<2x128x128xf32, #tpu.memory_space<vmem>> -> memref<1x128x128xf32, #tpu.memory_space<vmem>>
      %dma_start3A_436 = tpu.memref_squeeze %dma_start3A_435 : memref<1x128x128xf32, #tpu.memory_space<vmem>> -> memref<128x128xf32, #tpu.memory_space<vmem>>
      %dma_start3A_437 = arith.constant 0 : i32
      %dma_start3A_438 = tpu.memref_slice %arg6[%dma_start3A_430, %dma_start3A_431, %dma_start3A_437] : memref<2x8x128xi32, #tpu.memory_space<vmem>> -> memref<1x1x128xi32, #tpu.memory_space<vmem>>
      %dma_start3A_439 = tpu.memref_squeeze %dma_start3A_438 : memref<1x1x128xi32, #tpu.memory_space<vmem>> -> memref<128xi32, #tpu.memory_space<vmem>>
      %dma_start3A_440 = arith.constant 0 : i32
      %dma_start3A_441 = arith.constant 0 : i32
      %dma_start3A_442 = tpu.memref_slice %arg2[%dma_start3A_440, %dma_start3A_441] : memref<10240x128xf32, #tpu.memory_space<hbm>> -> memref<10240x128xf32, #tpu.memory_space<hbm>>
      tpu.enqueue_indirect_dma source(%dma_start3A_442 : memref<10240x128xf32, #tpu.memory_space<hbm>>) target(%dma_start3A_436 : memref<128x128xf32, #tpu.memory_space<vmem>>) offsets(%dma_start3A_439 : memref<128xi32, #tpu.memory_space<vmem>>) semaphore(%arg10 : memref<!tpu.dma_semaphore, #tpu.memory_space<semaphore_mem>>)
      %run_scoped3A_443 = arith.constant 0 : i32
      "tpu.region"() ({
        %run_scoped3A_597 = tpu.sem_alloc : memref<!tpu.dma_semaphore, #tpu.memory_space<semaphore_mem>>
        %dma_start3A_598 = arith.constant 0 : i32
        %dma_start3A_599 = arith.constant 0 : i32
        %dma_start3A_600 = tpu.memref_slice %arg8[%run_scoped3A_443, %dma_start3A_598, %dma_start3A_599] : memref<2x128x128xf32, #tpu.memory_space<vmem>> -> memref<1x128x128xf32, #tpu.memory_space<vmem>>
        %dma_start3A_601 = tpu.memref_squeeze %dma_start3A_600 : memref<1x128x128xf32, #tpu.memory_space<vmem>> -> memref<128x128xf32, #tpu.memory_space<vmem>>
        %dma_start3A_602 = arith.constant 0 : i32
        %dma_start3A_603 = tpu.memref_slice %arg7[%add3A_416, %dma_start3A_602] : memref<80x128xi32, #tpu.memory_space<vmem>> -> memref<1x128xi32, #tpu.memory_space<vmem>>
        %dma_start3A_604 = tpu.memref_squeeze %dma_start3A_603 : memref<1x128xi32, #tpu.memory_space<vmem>> -> memref<128xi32, #tpu.memory_space<vmem>>
        %dma_start3A_605 = arith.constant 0 : i32
        %dma_start3A_606 = arith.constant 0 : i32
        %dma_start3A_607 = tpu.memref_slice %arg9[%dma_start3A_605, %dma_start3A_606] : memref<10240x128xf32, #tpu.memory_space<vmem_shared>> -> memref<10240x128xf32, #tpu.memory_space<vmem_shared>>
        tpu.enqueue_indirect_dma source(%dma_start3A_601 : memref<128x128xf32, #tpu.memory_space<vmem>>) target(%dma_start3A_607 : memref<10240x128xf32, #tpu.memory_space<vmem_shared>>) offsets(%dma_start3A_604 : memref<128xi32, #tpu.memory_space<vmem>>) semaphore(%run_scoped3A_597 : memref<!tpu.dma_semaphore, #tpu.memory_space<semaphore_mem>>) {add = true}
        %dma_wait3A_608 = arith.constant 0 : i32
        %dma_wait3A_609 = arith.constant 0 : i32
        %dma_wait3A_610 = tpu.memref_slice %arg8[%run_scoped3A_443, %dma_wait3A_608, %dma_wait3A_609] : memref<2x128x128xf32, #tpu.memory_space<vmem>> -> memref<1x128x128xf32, #tpu.memory_space<vmem>>
        %dma_wait3A_611 = tpu.memref_squeeze %dma_wait3A_610 : memref<1x128x128xf32, #tpu.memory_space<vmem>> -> memref<128x128xf32, #tpu.memory_space<vmem>>
        %dma_wait3A_612 = arith.constant 0 : i32
        %dma_wait3A_613 = tpu.memref_slice %arg7[%add3A_416, %dma_wait3A_612] : memref<80x128xi32, #tpu.memory_space<vmem>> -> memref<1x128xi32, #tpu.memory_space<vmem>>
        %dma_wait3A_614 = tpu.memref_squeeze %dma_wait3A_613 : memref<1x128xi32, #tpu.memory_space<vmem>> -> memref<128xi32, #tpu.memory_space<vmem>>
        %dma_wait3A_615 = arith.constant 0 : i32
        %dma_wait3A_616 = arith.constant 0 : i32
        %dma_wait3A_617 = tpu.memref_slice %arg9[%dma_wait3A_615, %dma_wait3A_616] : memref<10240x128xf32, #tpu.memory_space<vmem_shared>> -> memref<10240x128xf32, #tpu.memory_space<vmem_shared>>
        tpu.wait_indirect_dma semaphore(%run_scoped3A_597 : memref<!tpu.dma_semaphore, #tpu.memory_space<semaphore_mem>>) src(%dma_wait3A_611 : memref<128x128xf32, #tpu.memory_space<vmem>>) dst(%dma_wait3A_617 : memref<10240x128xf32, #tpu.memory_space<vmem_shared>>)
        tpu.yield
      }) : () -> ()
      %mul3A_444 = arith.constant 8 : i32
      %mul3A_445 = arith.muli %add3A_350, %mul3A_444 : i32
      %add3A_446 = arith.constant 3 : i32
      %add3A_447 = arith.addi %mul3A_445, %add3A_446 : i32
      %dma_wait3A_448 = arith.constant 1 : i32
      %dma_wait3A_449 = arith.constant 3 : i32
      %dma_wait3A_450 = arith.constant 1 : i32
      %dma_wait3A_451 = arith.constant 0 : i32
      %dma_wait3A_452 = arith.constant 0 : i32
      %dma_wait3A_453 = tpu.memref_slice %arg8[%dma_wait3A_450, %dma_wait3A_451, %dma_wait3A_452] : memref<2x128x128xf32, #tpu.memory_space<vmem>> -> memref<1x128x128xf32, #tpu.memory_space<vmem>>
      %dma_wait3A_454 = tpu.memref_squeeze %dma_wait3A_453 : memref<1x128x128xf32, #tpu.memory_space<vmem>> -> memref<128x128xf32, #tpu.memory_space<vmem>>
      %dma_wait3A_455 = arith.constant 0 : i32
      %dma_wait3A_456 = tpu.memref_slice %arg6[%dma_wait3A_448, %dma_wait3A_449, %dma_wait3A_455] : memref<2x8x128xi32, #tpu.memory_space<vmem>> -> memref<1x1x128xi32, #tpu.memory_space<vmem>>
      %dma_wait3A_457 = tpu.memref_squeeze %dma_wait3A_456 : memref<1x1x128xi32, #tpu.memory_space<vmem>> -> memref<128xi32, #tpu.memory_space<vmem>>
      %dma_wait3A_458 = arith.constant 0 : i32
      %dma_wait3A_459 = arith.constant 0 : i32
      %dma_wait3A_460 = tpu.memref_slice %arg2[%dma_wait3A_458, %dma_wait3A_459] : memref<10240x128xf32, #tpu.memory_space<hbm>> -> memref<10240x128xf32, #tpu.memory_space<hbm>>
      tpu.wait_indirect_dma semaphore(%arg10 : memref<!tpu.dma_semaphore, #tpu.memory_space<semaphore_mem>>) src(%dma_wait3A_460 : memref<10240x128xf32, #tpu.memory_space<hbm>>) dst(%dma_wait3A_454 : memref<128x128xf32, #tpu.memory_space<vmem>>)
      %dma_start3A_461 = arith.constant 1 : i32
      %dma_start3A_462 = arith.constant 4 : i32
      %dma_start3A_463 = arith.constant 0 : i32
      %dma_start3A_464 = arith.constant 0 : i32
      %dma_start3A_465 = arith.constant 0 : i32
      %dma_start3A_466 = tpu.memref_slice %arg8[%dma_start3A_463, %dma_start3A_464, %dma_start3A_465] : memref<2x128x128xf32, #tpu.memory_space<vmem>> -> memref<1x128x128xf32, #tpu.memory_space<vmem>>
      %dma_start3A_467 = tpu.memref_squeeze %dma_start3A_466 : memref<1x128x128xf32, #tpu.memory_space<vmem>> -> memref<128x128xf32, #tpu.memory_space<vmem>>
      %dma_start3A_468 = arith.constant 0 : i32
      %dma_start3A_469 = tpu.memref_slice %arg6[%dma_start3A_461, %dma_start3A_462, %dma_start3A_468] : memref<2x8x128xi32, #tpu.memory_space<vmem>> -> memref<1x1x128xi32, #tpu.memory_space<vmem>>
      %dma_start3A_470 = tpu.memref_squeeze %dma_start3A_469 : memref<1x1x128xi32, #tpu.memory_space<vmem>> -> memref<128xi32, #tpu.memory_space<vmem>>
      %dma_start3A_471 = arith.constant 0 : i32
      %dma_start3A_472 = arith.constant 0 : i32
      %dma_start3A_473 = tpu.memref_slice %arg2[%dma_start3A_471, %dma_start3A_472] : memref<10240x128xf32, #tpu.memory_space<hbm>> -> memref<10240x128xf32, #tpu.memory_space<hbm>>
      tpu.enqueue_indirect_dma source(%dma_start3A_473 : memref<10240x128xf32, #tpu.memory_space<hbm>>) target(%dma_start3A_467 : memref<128x128xf32, #tpu.memory_space<vmem>>) offsets(%dma_start3A_470 : memref<128xi32, #tpu.memory_space<vmem>>) semaphore(%arg10 : memref<!tpu.dma_semaphore, #tpu.memory_space<semaphore_mem>>)
      %run_scoped3A_474 = arith.constant 1 : i32
      "tpu.region"() ({
        %run_scoped3A_597 = tpu.sem_alloc : memref<!tpu.dma_semaphore, #tpu.memory_space<semaphore_mem>>
        %dma_start3A_598 = arith.constant 0 : i32
        %dma_start3A_599 = arith.constant 0 : i32
        %dma_start3A_600 = tpu.memref_slice %arg8[%run_scoped3A_474, %dma_start3A_598, %dma_start3A_599] : memref<2x128x128xf32, #tpu.memory_space<vmem>> -> memref<1x128x128xf32, #tpu.memory_space<vmem>>
        %dma_start3A_601 = tpu.memref_squeeze %dma_start3A_600 : memref<1x128x128xf32, #tpu.memory_space<vmem>> -> memref<128x128xf32, #tpu.memory_space<vmem>>
        %dma_start3A_602 = arith.constant 0 : i32
        %dma_start3A_603 = tpu.memref_slice %arg7[%add3A_447, %dma_start3A_602] : memref<80x128xi32, #tpu.memory_space<vmem>> -> memref<1x128xi32, #tpu.memory_space<vmem>>
        %dma_start3A_604 = tpu.memref_squeeze %dma_start3A_603 : memref<1x128xi32, #tpu.memory_space<vmem>> -> memref<128xi32, #tpu.memory_space<vmem>>
        %dma_start3A_605 = arith.constant 0 : i32
        %dma_start3A_606 = arith.constant 0 : i32
        %dma_start3A_607 = tpu.memref_slice %arg9[%dma_start3A_605, %dma_start3A_606] : memref<10240x128xf32, #tpu.memory_space<vmem_shared>> -> memref<10240x128xf32, #tpu.memory_space<vmem_shared>>
        tpu.enqueue_indirect_dma source(%dma_start3A_601 : memref<128x128xf32, #tpu.memory_space<vmem>>) target(%dma_start3A_607 : memref<10240x128xf32, #tpu.memory_space<vmem_shared>>) offsets(%dma_start3A_604 : memref<128xi32, #tpu.memory_space<vmem>>) semaphore(%run_scoped3A_597 : memref<!tpu.dma_semaphore, #tpu.memory_space<semaphore_mem>>) {add = true}
        %dma_wait3A_608 = arith.constant 0 : i32
        %dma_wait3A_609 = arith.constant 0 : i32
        %dma_wait3A_610 = tpu.memref_slice %arg8[%run_scoped3A_474, %dma_wait3A_608, %dma_wait3A_609] : memref<2x128x128xf32, #tpu.memory_space<vmem>> -> memref<1x128x128xf32, #tpu.memory_space<vmem>>
        %dma_wait3A_611 = tpu.memref_squeeze %dma_wait3A_610 : memref<1x128x128xf32, #tpu.memory_space<vmem>> -> memref<128x128xf32, #tpu.memory_space<vmem>>
        %dma_wait3A_612 = arith.constant 0 : i32
        %dma_wait3A_613 = tpu.memref_slice %arg7[%add3A_447, %dma_wait3A_612] : memref<80x128xi32, #tpu.memory_space<vmem>> -> memref<1x128xi32, #tpu.memory_space<vmem>>
        %dma_wait3A_614 = tpu.memref_squeeze %dma_wait3A_613 : memref<1x128xi32, #tpu.memory_space<vmem>> -> memref<128xi32, #tpu.memory_space<vmem>>
        %dma_wait3A_615 = arith.constant 0 : i32
        %dma_wait3A_616 = arith.constant 0 : i32
        %dma_wait3A_617 = tpu.memref_slice %arg9[%dma_wait3A_615, %dma_wait3A_616] : memref<10240x128xf32, #tpu.memory_space<vmem_shared>> -> memref<10240x128xf32, #tpu.memory_space<vmem_shared>>
        tpu.wait_indirect_dma semaphore(%run_scoped3A_597 : memref<!tpu.dma_semaphore, #tpu.memory_space<semaphore_mem>>) src(%dma_wait3A_611 : memref<128x128xf32, #tpu.memory_space<vmem>>) dst(%dma_wait3A_617 : memref<10240x128xf32, #tpu.memory_space<vmem_shared>>)
        tpu.yield
      }) : () -> ()
      %mul3A_475 = arith.constant 8 : i32
      %mul3A_476 = arith.muli %add3A_350, %mul3A_475 : i32
      %add3A_477 = arith.constant 4 : i32
      %add3A_478 = arith.addi %mul3A_476, %add3A_477 : i32
      %dma_wait3A_479 = arith.constant 1 : i32
      %dma_wait3A_480 = arith.constant 4 : i32
      %dma_wait3A_481 = arith.constant 0 : i32
      %dma_wait3A_482 = arith.constant 0 : i32
      %dma_wait3A_483 = arith.constant 0 : i32
      %dma_wait3A_484 = tpu.memref_slice %arg8[%dma_wait3A_481, %dma_wait3A_482, %dma_wait3A_483] : memref<2x128x128xf32, #tpu.memory_space<vmem>> -> memref<1x128x128xf32, #tpu.memory_space<vmem>>
      %dma_wait3A_485 = tpu.memref_squeeze %dma_wait3A_484 : memref<1x128x128xf32, #tpu.memory_space<vmem>> -> memref<128x128xf32, #tpu.memory_space<vmem>>
      %dma_wait3A_486 = arith.constant 0 : i32
      %dma_wait3A_487 = tpu.memref_slice %arg6[%dma_wait3A_479, %dma_wait3A_480, %dma_wait3A_486] : memref<2x8x128xi32, #tpu.memory_space<vmem>> -> memref<1x1x128xi32, #tpu.memory_space<vmem>>
      %dma_wait3A_488 = tpu.memref_squeeze %dma_wait3A_487 : memref<1x1x128xi32, #tpu.memory_space<vmem>> -> memref<128xi32, #tpu.memory_space<vmem>>
      %dma_wait3A_489 = arith.constant 0 : i32
      %dma_wait3A_490 = arith.constant 0 : i32
      %dma_wait3A_491 = tpu.memref_slice %arg2[%dma_wait3A_489, %dma_wait3A_490] : memref<10240x128xf32, #tpu.memory_space<hbm>> -> memref<10240x128xf32, #tpu.memory_space<hbm>>
      tpu.wait_indirect_dma semaphore(%arg10 : memref<!tpu.dma_semaphore, #tpu.memory_space<semaphore_mem>>) src(%dma_wait3A_491 : memref<10240x128xf32, #tpu.memory_space<hbm>>) dst(%dma_wait3A_485 : memref<128x128xf32, #tpu.memory_space<vmem>>)
      %dma_start3A_492 = arith.constant 1 : i32
      %dma_start3A_493 = arith.constant 5 : i32
      %dma_start3A_494 = arith.constant 1 : i32
      %dma_start3A_495 = arith.constant 0 : i32
      %dma_start3A_496 = arith.constant 0 : i32
      %dma_start3A_497 = tpu.memref_slice %arg8[%dma_start3A_494, %dma_start3A_495, %dma_start3A_496] : memref<2x128x128xf32, #tpu.memory_space<vmem>> -> memref<1x128x128xf32, #tpu.memory_space<vmem>>
      %dma_start3A_498 = tpu.memref_squeeze %dma_start3A_497 : memref<1x128x128xf32, #tpu.memory_space<vmem>> -> memref<128x128xf32, #tpu.memory_space<vmem>>
      %dma_start3A_499 = arith.constant 0 : i32
      %dma_start3A_500 = tpu.memref_slice %arg6[%dma_start3A_492, %dma_start3A_493, %dma_start3A_499] : memref<2x8x128xi32, #tpu.memory_space<vmem>> -> memref<1x1x128xi32, #tpu.memory_space<vmem>>
      %dma_start3A_501 = tpu.memref_squeeze %dma_start3A_500 : memref<1x1x128xi32, #tpu.memory_space<vmem>> -> memref<128xi32, #tpu.memory_space<vmem>>
      %dma_start3A_502 = arith.constant 0 : i32
      %dma_start3A_503 = arith.constant 0 : i32
      %dma_start3A_504 = tpu.memref_slice %arg2[%dma_start3A_502, %dma_start3A_503] : memref<10240x128xf32, #tpu.memory_space<hbm>> -> memref<10240x128xf32, #tpu.memory_space<hbm>>
      tpu.enqueue_indirect_dma source(%dma_start3A_504 : memref<10240x128xf32, #tpu.memory_space<hbm>>) target(%dma_start3A_498 : memref<128x128xf32, #tpu.memory_space<vmem>>) offsets(%dma_start3A_501 : memref<128xi32, #tpu.memory_space<vmem>>) semaphore(%arg10 : memref<!tpu.dma_semaphore, #tpu.memory_space<semaphore_mem>>)
      %run_scoped3A_505 = arith.constant 0 : i32
      "tpu.region"() ({
        %run_scoped3A_597 = tpu.sem_alloc : memref<!tpu.dma_semaphore, #tpu.memory_space<semaphore_mem>>
        %dma_start3A_598 = arith.constant 0 : i32
        %dma_start3A_599 = arith.constant 0 : i32
        %dma_start3A_600 = tpu.memref_slice %arg8[%run_scoped3A_505, %dma_start3A_598, %dma_start3A_599] : memref<2x128x128xf32, #tpu.memory_space<vmem>> -> memref<1x128x128xf32, #tpu.memory_space<vmem>>
        %dma_start3A_601 = tpu.memref_squeeze %dma_start3A_600 : memref<1x128x128xf32, #tpu.memory_space<vmem>> -> memref<128x128xf32, #tpu.memory_space<vmem>>
        %dma_start3A_602 = arith.constant 0 : i32
        %dma_start3A_603 = tpu.memref_slice %arg7[%add3A_478, %dma_start3A_602] : memref<80x128xi32, #tpu.memory_space<vmem>> -> memref<1x128xi32, #tpu.memory_space<vmem>>
        %dma_start3A_604 = tpu.memref_squeeze %dma_start3A_603 : memref<1x128xi32, #tpu.memory_space<vmem>> -> memref<128xi32, #tpu.memory_space<vmem>>
        %dma_start3A_605 = arith.constant 0 : i32
        %dma_start3A_606 = arith.constant 0 : i32
        %dma_start3A_607 = tpu.memref_slice %arg9[%dma_start3A_605, %dma_start3A_606] : memref<10240x128xf32, #tpu.memory_space<vmem_shared>> -> memref<10240x128xf32, #tpu.memory_space<vmem_shared>>
        tpu.enqueue_indirect_dma source(%dma_start3A_601 : memref<128x128xf32, #tpu.memory_space<vmem>>) target(%dma_start3A_607 : memref<10240x128xf32, #tpu.memory_space<vmem_shared>>) offsets(%dma_start3A_604 : memref<128xi32, #tpu.memory_space<vmem>>) semaphore(%run_scoped3A_597 : memref<!tpu.dma_semaphore, #tpu.memory_space<semaphore_mem>>) {add = true}
        %dma_wait3A_608 = arith.constant 0 : i32
        %dma_wait3A_609 = arith.constant 0 : i32
        %dma_wait3A_610 = tpu.memref_slice %arg8[%run_scoped3A_505, %dma_wait3A_608, %dma_wait3A_609] : memref<2x128x128xf32, #tpu.memory_space<vmem>> -> memref<1x128x128xf32, #tpu.memory_space<vmem>>
        %dma_wait3A_611 = tpu.memref_squeeze %dma_wait3A_610 : memref<1x128x128xf32, #tpu.memory_space<vmem>> -> memref<128x128xf32, #tpu.memory_space<vmem>>
        %dma_wait3A_612 = arith.constant 0 : i32
        %dma_wait3A_613 = tpu.memref_slice %arg7[%add3A_478, %dma_wait3A_612] : memref<80x128xi32, #tpu.memory_space<vmem>> -> memref<1x128xi32, #tpu.memory_space<vmem>>
        %dma_wait3A_614 = tpu.memref_squeeze %dma_wait3A_613 : memref<1x128xi32, #tpu.memory_space<vmem>> -> memref<128xi32, #tpu.memory_space<vmem>>
        %dma_wait3A_615 = arith.constant 0 : i32
        %dma_wait3A_616 = arith.constant 0 : i32
        %dma_wait3A_617 = tpu.memref_slice %arg9[%dma_wait3A_615, %dma_wait3A_616] : memref<10240x128xf32, #tpu.memory_space<vmem_shared>> -> memref<10240x128xf32, #tpu.memory_space<vmem_shared>>
        tpu.wait_indirect_dma semaphore(%run_scoped3A_597 : memref<!tpu.dma_semaphore, #tpu.memory_space<semaphore_mem>>) src(%dma_wait3A_611 : memref<128x128xf32, #tpu.memory_space<vmem>>) dst(%dma_wait3A_617 : memref<10240x128xf32, #tpu.memory_space<vmem_shared>>)
        tpu.yield
      }) : () -> ()
      %mul3A_506 = arith.constant 8 : i32
      %mul3A_507 = arith.muli %add3A_350, %mul3A_506 : i32
      %add3A_508 = arith.constant 5 : i32
      %add3A_509 = arith.addi %mul3A_507, %add3A_508 : i32
      %dma_wait3A_510 = arith.constant 1 : i32
      %dma_wait3A_511 = arith.constant 5 : i32
      %dma_wait3A_512 = arith.constant 1 : i32
      %dma_wait3A_513 = arith.constant 0 : i32
      %dma_wait3A_514 = arith.constant 0 : i32
      %dma_wait3A_515 = tpu.memref_slice %arg8[%dma_wait3A_512, %dma_wait3A_513, %dma_wait3A_514] : memref<2x128x128xf32, #tpu.memory_space<vmem>> -> memref<1x128x128xf32, #tpu.memory_space<vmem>>
      %dma_wait3A_516 = tpu.memref_squeeze %dma_wait3A_515 : memref<1x128x128xf32, #tpu.memory_space<vmem>> -> memref<128x128xf32, #tpu.memory_space<vmem>>
      %dma_wait3A_517 = arith.constant 0 : i32
      %dma_wait3A_518 = tpu.memref_slice %arg6[%dma_wait3A_510, %dma_wait3A_511, %dma_wait3A_517] : memref<2x8x128xi32, #tpu.memory_space<vmem>> -> memref<1x1x128xi32, #tpu.memory_space<vmem>>
      %dma_wait3A_519 = tpu.memref_squeeze %dma_wait3A_518 : memref<1x1x128xi32, #tpu.memory_space<vmem>> -> memref<128xi32, #tpu.memory_space<vmem>>
      %dma_wait3A_520 = arith.constant 0 : i32
      %dma_wait3A_521 = arith.constant 0 : i32
      %dma_wait3A_522 = tpu.memref_slice %arg2[%dma_wait3A_520, %dma_wait3A_521] : memref<10240x128xf32, #tpu.memory_space<hbm>> -> memref<10240x128xf32, #tpu.memory_space<hbm>>
      tpu.wait_indirect_dma semaphore(%arg10 : memref<!tpu.dma_semaphore, #tpu.memory_space<semaphore_mem>>) src(%dma_wait3A_522 : memref<10240x128xf32, #tpu.memory_space<hbm>>) dst(%dma_wait3A_516 : memref<128x128xf32, #tpu.memory_space<vmem>>)
      %dma_start3A_523 = arith.constant 1 : i32
      %dma_start3A_524 = arith.constant 6 : i32
      %dma_start3A_525 = arith.constant 0 : i32
      %dma_start3A_526 = arith.constant 0 : i32
      %dma_start3A_527 = arith.constant 0 : i32
      %dma_start3A_528 = tpu.memref_slice %arg8[%dma_start3A_525, %dma_start3A_526, %dma_start3A_527] : memref<2x128x128xf32, #tpu.memory_space<vmem>> -> memref<1x128x128xf32, #tpu.memory_space<vmem>>
      %dma_start3A_529 = tpu.memref_squeeze %dma_start3A_528 : memref<1x128x128xf32, #tpu.memory_space<vmem>> -> memref<128x128xf32, #tpu.memory_space<vmem>>
      %dma_start3A_530 = arith.constant 0 : i32
      %dma_start3A_531 = tpu.memref_slice %arg6[%dma_start3A_523, %dma_start3A_524, %dma_start3A_530] : memref<2x8x128xi32, #tpu.memory_space<vmem>> -> memref<1x1x128xi32, #tpu.memory_space<vmem>>
      %dma_start3A_532 = tpu.memref_squeeze %dma_start3A_531 : memref<1x1x128xi32, #tpu.memory_space<vmem>> -> memref<128xi32, #tpu.memory_space<vmem>>
      %dma_start3A_533 = arith.constant 0 : i32
      %dma_start3A_534 = arith.constant 0 : i32
      %dma_start3A_535 = tpu.memref_slice %arg2[%dma_start3A_533, %dma_start3A_534] : memref<10240x128xf32, #tpu.memory_space<hbm>> -> memref<10240x128xf32, #tpu.memory_space<hbm>>
      tpu.enqueue_indirect_dma source(%dma_start3A_535 : memref<10240x128xf32, #tpu.memory_space<hbm>>) target(%dma_start3A_529 : memref<128x128xf32, #tpu.memory_space<vmem>>) offsets(%dma_start3A_532 : memref<128xi32, #tpu.memory_space<vmem>>) semaphore(%arg10 : memref<!tpu.dma_semaphore, #tpu.memory_space<semaphore_mem>>)
      %run_scoped3A_536 = arith.constant 1 : i32
      "tpu.region"() ({
        %run_scoped3A_597 = tpu.sem_alloc : memref<!tpu.dma_semaphore, #tpu.memory_space<semaphore_mem>>
        %dma_start3A_598 = arith.constant 0 : i32
        %dma_start3A_599 = arith.constant 0 : i32
        %dma_start3A_600 = tpu.memref_slice %arg8[%run_scoped3A_536, %dma_start3A_598, %dma_start3A_599] : memref<2x128x128xf32, #tpu.memory_space<vmem>> -> memref<1x128x128xf32, #tpu.memory_space<vmem>>
        %dma_start3A_601 = tpu.memref_squeeze %dma_start3A_600 : memref<1x128x128xf32, #tpu.memory_space<vmem>> -> memref<128x128xf32, #tpu.memory_space<vmem>>
        %dma_start3A_602 = arith.constant 0 : i32
        %dma_start3A_603 = tpu.memref_slice %arg7[%add3A_509, %dma_start3A_602] : memref<80x128xi32, #tpu.memory_space<vmem>> -> memref<1x128xi32, #tpu.memory_space<vmem>>
        %dma_start3A_604 = tpu.memref_squeeze %dma_start3A_603 : memref<1x128xi32, #tpu.memory_space<vmem>> -> memref<128xi32, #tpu.memory_space<vmem>>
        %dma_start3A_605 = arith.constant 0 : i32
        %dma_start3A_606 = arith.constant 0 : i32
        %dma_start3A_607 = tpu.memref_slice %arg9[%dma_start3A_605, %dma_start3A_606] : memref<10240x128xf32, #tpu.memory_space<vmem_shared>> -> memref<10240x128xf32, #tpu.memory_space<vmem_shared>>
        tpu.enqueue_indirect_dma source(%dma_start3A_601 : memref<128x128xf32, #tpu.memory_space<vmem>>) target(%dma_start3A_607 : memref<10240x128xf32, #tpu.memory_space<vmem_shared>>) offsets(%dma_start3A_604 : memref<128xi32, #tpu.memory_space<vmem>>) semaphore(%run_scoped3A_597 : memref<!tpu.dma_semaphore, #tpu.memory_space<semaphore_mem>>) {add = true}
        %dma_wait3A_608 = arith.constant 0 : i32
        %dma_wait3A_609 = arith.constant 0 : i32
        %dma_wait3A_610 = tpu.memref_slice %arg8[%run_scoped3A_536, %dma_wait3A_608, %dma_wait3A_609] : memref<2x128x128xf32, #tpu.memory_space<vmem>> -> memref<1x128x128xf32, #tpu.memory_space<vmem>>
        %dma_wait3A_611 = tpu.memref_squeeze %dma_wait3A_610 : memref<1x128x128xf32, #tpu.memory_space<vmem>> -> memref<128x128xf32, #tpu.memory_space<vmem>>
        %dma_wait3A_612 = arith.constant 0 : i32
        %dma_wait3A_613 = tpu.memref_slice %arg7[%add3A_509, %dma_wait3A_612] : memref<80x128xi32, #tpu.memory_space<vmem>> -> memref<1x128xi32, #tpu.memory_space<vmem>>
        %dma_wait3A_614 = tpu.memref_squeeze %dma_wait3A_613 : memref<1x128xi32, #tpu.memory_space<vmem>> -> memref<128xi32, #tpu.memory_space<vmem>>
        %dma_wait3A_615 = arith.constant 0 : i32
        %dma_wait3A_616 = arith.constant 0 : i32
        %dma_wait3A_617 = tpu.memref_slice %arg9[%dma_wait3A_615, %dma_wait3A_616] : memref<10240x128xf32, #tpu.memory_space<vmem_shared>> -> memref<10240x128xf32, #tpu.memory_space<vmem_shared>>
        tpu.wait_indirect_dma semaphore(%run_scoped3A_597 : memref<!tpu.dma_semaphore, #tpu.memory_space<semaphore_mem>>) src(%dma_wait3A_611 : memref<128x128xf32, #tpu.memory_space<vmem>>) dst(%dma_wait3A_617 : memref<10240x128xf32, #tpu.memory_space<vmem_shared>>)
        tpu.yield
      }) : () -> ()
      %mul3A_537 = arith.constant 8 : i32
      %mul3A_538 = arith.muli %add3A_350, %mul3A_537 : i32
      %add3A_539 = arith.constant 6 : i32
      %add3A_540 = arith.addi %mul3A_538, %add3A_539 : i32
      %dma_wait3A_541 = arith.constant 1 : i32
      %dma_wait3A_542 = arith.constant 6 : i32
      %dma_wait3A_543 = arith.constant 0 : i32
      %dma_wait3A_544 = arith.constant 0 : i32
      %dma_wait3A_545 = arith.constant 0 : i32
      %dma_wait3A_546 = tpu.memref_slice %arg8[%dma_wait3A_543, %dma_wait3A_544, %dma_wait3A_545] : memref<2x128x128xf32, #tpu.memory_space<vmem>> -> memref<1x128x128xf32, #tpu.memory_space<vmem>>
      %dma_wait3A_547 = tpu.memref_squeeze %dma_wait3A_546 : memref<1x128x128xf32, #tpu.memory_space<vmem>> -> memref<128x128xf32, #tpu.memory_space<vmem>>
      %dma_wait3A_548 = arith.constant 0 : i32
      %dma_wait3A_549 = tpu.memref_slice %arg6[%dma_wait3A_541, %dma_wait3A_542, %dma_wait3A_548] : memref<2x8x128xi32, #tpu.memory_space<vmem>> -> memref<1x1x128xi32, #tpu.memory_space<vmem>>
      %dma_wait3A_550 = tpu.memref_squeeze %dma_wait3A_549 : memref<1x1x128xi32, #tpu.memory_space<vmem>> -> memref<128xi32, #tpu.memory_space<vmem>>
      %dma_wait3A_551 = arith.constant 0 : i32
      %dma_wait3A_552 = arith.constant 0 : i32
      %dma_wait3A_553 = tpu.memref_slice %arg2[%dma_wait3A_551, %dma_wait3A_552] : memref<10240x128xf32, #tpu.memory_space<hbm>> -> memref<10240x128xf32, #tpu.memory_space<hbm>>
      tpu.wait_indirect_dma semaphore(%arg10 : memref<!tpu.dma_semaphore, #tpu.memory_space<semaphore_mem>>) src(%dma_wait3A_553 : memref<10240x128xf32, #tpu.memory_space<hbm>>) dst(%dma_wait3A_547 : memref<128x128xf32, #tpu.memory_space<vmem>>)
      %dma_start3A_554 = arith.constant 1 : i32
      %dma_start3A_555 = arith.constant 7 : i32
      %dma_start3A_556 = arith.constant 1 : i32
      %dma_start3A_557 = arith.constant 0 : i32
      %dma_start3A_558 = arith.constant 0 : i32
      %dma_start3A_559 = tpu.memref_slice %arg8[%dma_start3A_556, %dma_start3A_557, %dma_start3A_558] : memref<2x128x128xf32, #tpu.memory_space<vmem>> -> memref<1x128x128xf32, #tpu.memory_space<vmem>>
      %dma_start3A_560 = tpu.memref_squeeze %dma_start3A_559 : memref<1x128x128xf32, #tpu.memory_space<vmem>> -> memref<128x128xf32, #tpu.memory_space<vmem>>
      %dma_start3A_561 = arith.constant 0 : i32
      %dma_start3A_562 = tpu.memref_slice %arg6[%dma_start3A_554, %dma_start3A_555, %dma_start3A_561] : memref<2x8x128xi32, #tpu.memory_space<vmem>> -> memref<1x1x128xi32, #tpu.memory_space<vmem>>
      %dma_start3A_563 = tpu.memref_squeeze %dma_start3A_562 : memref<1x1x128xi32, #tpu.memory_space<vmem>> -> memref<128xi32, #tpu.memory_space<vmem>>
      %dma_start3A_564 = arith.constant 0 : i32
      %dma_start3A_565 = arith.constant 0 : i32
      %dma_start3A_566 = tpu.memref_slice %arg2[%dma_start3A_564, %dma_start3A_565] : memref<10240x128xf32, #tpu.memory_space<hbm>> -> memref<10240x128xf32, #tpu.memory_space<hbm>>
      tpu.enqueue_indirect_dma source(%dma_start3A_566 : memref<10240x128xf32, #tpu.memory_space<hbm>>) target(%dma_start3A_560 : memref<128x128xf32, #tpu.memory_space<vmem>>) offsets(%dma_start3A_563 : memref<128xi32, #tpu.memory_space<vmem>>) semaphore(%arg10 : memref<!tpu.dma_semaphore, #tpu.memory_space<semaphore_mem>>)
      %run_scoped3A_567 = arith.constant 0 : i32
      "tpu.region"() ({
        %run_scoped3A_597 = tpu.sem_alloc : memref<!tpu.dma_semaphore, #tpu.memory_space<semaphore_mem>>
        %dma_start3A_598 = arith.constant 0 : i32
        %dma_start3A_599 = arith.constant 0 : i32
        %dma_start3A_600 = tpu.memref_slice %arg8[%run_scoped3A_567, %dma_start3A_598, %dma_start3A_599] : memref<2x128x128xf32, #tpu.memory_space<vmem>> -> memref<1x128x128xf32, #tpu.memory_space<vmem>>
        %dma_start3A_601 = tpu.memref_squeeze %dma_start3A_600 : memref<1x128x128xf32, #tpu.memory_space<vmem>> -> memref<128x128xf32, #tpu.memory_space<vmem>>
        %dma_start3A_602 = arith.constant 0 : i32
        %dma_start3A_603 = tpu.memref_slice %arg7[%add3A_540, %dma_start3A_602] : memref<80x128xi32, #tpu.memory_space<vmem>> -> memref<1x128xi32, #tpu.memory_space<vmem>>
        %dma_start3A_604 = tpu.memref_squeeze %dma_start3A_603 : memref<1x128xi32, #tpu.memory_space<vmem>> -> memref<128xi32, #tpu.memory_space<vmem>>
        %dma_start3A_605 = arith.constant 0 : i32
        %dma_start3A_606 = arith.constant 0 : i32
        %dma_start3A_607 = tpu.memref_slice %arg9[%dma_start3A_605, %dma_start3A_606] : memref<10240x128xf32, #tpu.memory_space<vmem_shared>> -> memref<10240x128xf32, #tpu.memory_space<vmem_shared>>
        tpu.enqueue_indirect_dma source(%dma_start3A_601 : memref<128x128xf32, #tpu.memory_space<vmem>>) target(%dma_start3A_607 : memref<10240x128xf32, #tpu.memory_space<vmem_shared>>) offsets(%dma_start3A_604 : memref<128xi32, #tpu.memory_space<vmem>>) semaphore(%run_scoped3A_597 : memref<!tpu.dma_semaphore, #tpu.memory_space<semaphore_mem>>) {add = true}
        %dma_wait3A_608 = arith.constant 0 : i32
        %dma_wait3A_609 = arith.constant 0 : i32
        %dma_wait3A_610 = tpu.memref_slice %arg8[%run_scoped3A_567, %dma_wait3A_608, %dma_wait3A_609] : memref<2x128x128xf32, #tpu.memory_space<vmem>> -> memref<1x128x128xf32, #tpu.memory_space<vmem>>
        %dma_wait3A_611 = tpu.memref_squeeze %dma_wait3A_610 : memref<1x128x128xf32, #tpu.memory_space<vmem>> -> memref<128x128xf32, #tpu.memory_space<vmem>>
        %dma_wait3A_612 = arith.constant 0 : i32
        %dma_wait3A_613 = tpu.memref_slice %arg7[%add3A_540, %dma_wait3A_612] : memref<80x128xi32, #tpu.memory_space<vmem>> -> memref<1x128xi32, #tpu.memory_space<vmem>>
        %dma_wait3A_614 = tpu.memref_squeeze %dma_wait3A_613 : memref<1x128xi32, #tpu.memory_space<vmem>> -> memref<128xi32, #tpu.memory_space<vmem>>
        %dma_wait3A_615 = arith.constant 0 : i32
        %dma_wait3A_616 = arith.constant 0 : i32
        %dma_wait3A_617 = tpu.memref_slice %arg9[%dma_wait3A_615, %dma_wait3A_616] : memref<10240x128xf32, #tpu.memory_space<vmem_shared>> -> memref<10240x128xf32, #tpu.memory_space<vmem_shared>>
        tpu.wait_indirect_dma semaphore(%run_scoped3A_597 : memref<!tpu.dma_semaphore, #tpu.memory_space<semaphore_mem>>) src(%dma_wait3A_611 : memref<128x128xf32, #tpu.memory_space<vmem>>) dst(%dma_wait3A_617 : memref<10240x128xf32, #tpu.memory_space<vmem_shared>>)
        tpu.yield
      }) : () -> ()
      %mul3A_568 = arith.constant 8 : i32
      %mul3A_569 = arith.muli %add3A_350, %mul3A_568 : i32
      %add3A_570 = arith.constant 7 : i32
      %add3A_571 = arith.addi %mul3A_569, %add3A_570 : i32
      %dma_wait3A_572 = arith.constant 1 : i32
      %dma_wait3A_573 = arith.constant 7 : i32
      %dma_wait3A_574 = arith.constant 1 : i32
      %dma_wait3A_575 = arith.constant 0 : i32
      %dma_wait3A_576 = arith.constant 0 : i32
      %dma_wait3A_577 = tpu.memref_slice %arg8[%dma_wait3A_574, %dma_wait3A_575, %dma_wait3A_576] : memref<2x128x128xf32, #tpu.memory_space<vmem>> -> memref<1x128x128xf32, #tpu.memory_space<vmem>>
      %dma_wait3A_578 = tpu.memref_squeeze %dma_wait3A_577 : memref<1x128x128xf32, #tpu.memory_space<vmem>> -> memref<128x128xf32, #tpu.memory_space<vmem>>
      %dma_wait3A_579 = arith.constant 0 : i32
      %dma_wait3A_580 = tpu.memref_slice %arg6[%dma_wait3A_572, %dma_wait3A_573, %dma_wait3A_579] : memref<2x8x128xi32, #tpu.memory_space<vmem>> -> memref<1x1x128xi32, #tpu.memory_space<vmem>>
      %dma_wait3A_581 = tpu.memref_squeeze %dma_wait3A_580 : memref<1x1x128xi32, #tpu.memory_space<vmem>> -> memref<128xi32, #tpu.memory_space<vmem>>
      %dma_wait3A_582 = arith.constant 0 : i32
      %dma_wait3A_583 = arith.constant 0 : i32
      %dma_wait3A_584 = tpu.memref_slice %arg2[%dma_wait3A_582, %dma_wait3A_583] : memref<10240x128xf32, #tpu.memory_space<hbm>> -> memref<10240x128xf32, #tpu.memory_space<hbm>>
      tpu.wait_indirect_dma semaphore(%arg10 : memref<!tpu.dma_semaphore, #tpu.memory_space<semaphore_mem>>) src(%dma_wait3A_584 : memref<10240x128xf32, #tpu.memory_space<hbm>>) dst(%dma_wait3A_578 : memref<128x128xf32, #tpu.memory_space<vmem>>)
      %lt3A_585 = arith.constant 9 : i32
      %lt3A_586 = arith.cmpi slt, %add3A_350, %lt3A_585 : i32
      %convert_element_type3A_587 = arith.extui %lt3A_586 : i1 to i32
      %cond3A_588 = arith.constant 0 : i32
      %cond3A_589 = arith.cmpi ne, %convert_element_type3A_587, %cond3A_588 : i32
      scf.if %cond3A_589 {
        %dma_wait3A_597 = arith.constant 0 : i32
        %dma_wait3A_598 = arith.constant 0 : i32
        %dma_wait3A_599 = arith.constant 0 : i32
        %dma_wait3A_600 = arith.constant 0 : i32
        %dma_wait3A_601 = tpu.memref_slice %arg6[%dma_wait3A_598, %dma_wait3A_599, %dma_wait3A_600] : memref<2x8x128xi32, #tpu.memory_space<vmem>> -> memref<1x8x128xi32, #tpu.memory_space<vmem>>
        %dma_wait3A_602 = tpu.memref_squeeze %dma_wait3A_601 : memref<1x8x128xi32, #tpu.memory_space<vmem>> -> memref<8x128xi32, #tpu.memory_space<vmem>>
        %dma_wait3A_603 = arith.constant 0 : i32
        %dma_wait3A_604 = arith.constant 0 : i32
        %dma_wait3A_605 = tpu.memref_slice %arg3[%add3A, %dma_wait3A_597, %dma_wait3A_603, %dma_wait3A_604] : memref<32x10x8x128xi32, #tpu.memory_space<hbm>> -> memref<1x1x8x128xi32, #tpu.memory_space<hbm>>
        %dma_wait3A_606 = tpu.memref_squeeze %dma_wait3A_605 : memref<1x1x8x128xi32, #tpu.memory_space<hbm>> -> memref<8x128xi32, #tpu.memory_space<hbm>>
        %dma_wait3A_607 = arith.constant 0 : i32
        %dma_wait3A_608 = arith.constant 0 : i32
        %dma_wait3A_609 = tpu.memref_slice %arg6[%dma_wait3A_598, %dma_wait3A_607, %dma_wait3A_608] : memref<2x8x128xi32, #tpu.memory_space<vmem>> -> memref<1x8x128xi32, #tpu.memory_space<vmem>>
        %dma_wait3A_610 = tpu.memref_squeeze %dma_wait3A_609 : memref<1x8x128xi32, #tpu.memory_space<vmem>> -> memref<8x128xi32, #tpu.memory_space<vmem>>
        %dma_wait3A_611 = arith.constant 0 : i32
        %dma_wait3A_612 = arith.constant 0 : i32
        %dma_wait3A_613 = tpu.memref_slice %arg3[%add3A, %dma_wait3A_597, %dma_wait3A_611, %dma_wait3A_612] : memref<32x10x8x128xi32, #tpu.memory_space<hbm>> -> memref<1x1x8x128xi32, #tpu.memory_space<hbm>>
        %dma_wait3A_614 = tpu.memref_squeeze %dma_wait3A_613 : memref<1x1x8x128xi32, #tpu.memory_space<hbm>> -> memref<8x128xi32, #tpu.memory_space<hbm>>
        tpu.wait_dma2 semaphore(%arg11 : memref<!tpu.dma_semaphore, #tpu.memory_space<semaphore_mem>>) src(%dma_wait3A_614 : memref<8x128xi32, #tpu.memory_space<hbm>>) dst(%dma_wait3A_610 : memref<8x128xi32, #tpu.memory_space<vmem>>)
        %dma_start3A_615 = arith.constant 0 : i32
        %dma_start3A_616 = arith.constant 0 : i32
        %dma_start3A_617 = arith.constant 0 : i32
        %dma_start3A_618 = arith.constant 0 : i32
        %dma_start3A_619 = arith.constant 0 : i32
        %dma_start3A_620 = tpu.memref_slice %arg8[%dma_start3A_617, %dma_start3A_618, %dma_start3A_619] : memref<2x128x128xf32, #tpu.memory_space<vmem>> -> memref<1x128x128xf32, #tpu.memory_space<vmem>>
        %dma_start3A_621 = tpu.memref_squeeze %dma_start3A_620 : memref<1x128x128xf32, #tpu.memory_space<vmem>> -> memref<128x128xf32, #tpu.memory_space<vmem>>
        %dma_start3A_622 = arith.constant 0 : i32
        %dma_start3A_623 = tpu.memref_slice %arg6[%dma_start3A_615, %dma_start3A_616, %dma_start3A_622] : memref<2x8x128xi32, #tpu.memory_space<vmem>> -> memref<1x1x128xi32, #tpu.memory_space<vmem>>
        %dma_start3A_624 = tpu.memref_squeeze %dma_start3A_623 : memref<1x1x128xi32, #tpu.memory_space<vmem>> -> memref<128xi32, #tpu.memory_space<vmem>>
        %dma_start3A_625 = arith.constant 0 : i32
        %dma_start3A_626 = arith.constant 0 : i32
        %dma_start3A_627 = tpu.memref_slice %arg2[%dma_start3A_625, %dma_start3A_626] : memref<10240x128xf32, #tpu.memory_space<hbm>> -> memref<10240x128xf32, #tpu.memory_space<hbm>>
        tpu.enqueue_indirect_dma source(%dma_start3A_627 : memref<10240x128xf32, #tpu.memory_space<hbm>>) target(%dma_start3A_621 : memref<128x128xf32, #tpu.memory_space<vmem>>) offsets(%dma_start3A_624 : memref<128xi32, #tpu.memory_space<vmem>>) semaphore(%arg10 : memref<!tpu.dma_semaphore, #tpu.memory_space<semaphore_mem>>)
      } else {
      }
      %lt3A_590 = arith.constant 8 : i32
      %lt3A_591 = arith.cmpi slt, %add3A_350, %lt3A_590 : i32
      %convert_element_type3A_592 = arith.extui %lt3A_591 : i1 to i32
      %cond3A_593 = arith.constant 0 : i32
      %cond3A_594 = arith.cmpi ne, %convert_element_type3A_592, %cond3A_593 : i32
      scf.if %cond3A_594 {
        %add3A_597 = arith.constant 2 : i32
        %add3A_598 = arith.addi %add3A_350, %add3A_597 : i32
        %dma_start3A_599 = arith.constant 1 : i32
        %dma_start3A_600 = arith.constant 0 : i32
        %dma_start3A_601 = arith.constant 0 : i32
        %dma_start3A_602 = tpu.memref_slice %arg6[%dma_start3A_599, %dma_start3A_600, %dma_start3A_601] : memref<2x8x128xi32, #tpu.memory_space<vmem>> -> memref<1x8x128xi32, #tpu.memory_space<vmem>>
        %dma_start3A_603 = tpu.memref_squeeze %dma_start3A_602 : memref<1x8x128xi32, #tpu.memory_space<vmem>> -> memref<8x128xi32, #tpu.memory_space<vmem>>
        %dma_start3A_604 = arith.constant 0 : i32
        %dma_start3A_605 = arith.constant 0 : i32
        %dma_start3A_606 = tpu.memref_slice %arg3[%add3A, %add3A_598, %dma_start3A_604, %dma_start3A_605] : memref<32x10x8x128xi32, #tpu.memory_space<hbm>> -> memref<1x1x8x128xi32, #tpu.memory_space<hbm>>
        %dma_start3A_607 = tpu.memref_squeeze %dma_start3A_606 : memref<1x1x8x128xi32, #tpu.memory_space<hbm>> -> memref<8x128xi32, #tpu.memory_space<hbm>>
        %dma_start3A_608 = arith.constant 0 : i32
        %dma_start3A_609 = arith.constant 0 : i32
        %dma_start3A_610 = tpu.memref_slice %arg6[%dma_start3A_599, %dma_start3A_608, %dma_start3A_609] : memref<2x8x128xi32, #tpu.memory_space<vmem>> -> memref<1x8x128xi32, #tpu.memory_space<vmem>>
        %dma_start3A_611 = tpu.memref_squeeze %dma_start3A_610 : memref<1x8x128xi32, #tpu.memory_space<vmem>> -> memref<8x128xi32, #tpu.memory_space<vmem>>
        %dma_start3A_612 = arith.constant 0 : i32
        %dma_start3A_613 = arith.constant 0 : i32
        %dma_start3A_614 = tpu.memref_slice %arg3[%add3A, %add3A_598, %dma_start3A_612, %dma_start3A_613] : memref<32x10x8x128xi32, #tpu.memory_space<hbm>> -> memref<1x1x8x128xi32, #tpu.memory_space<hbm>>
        %dma_start3A_615 = tpu.memref_squeeze %dma_start3A_614 : memref<1x1x8x128xi32, #tpu.memory_space<hbm>> -> memref<8x128xi32, #tpu.memory_space<hbm>>
        tpu.enqueue_dma source(%dma_start3A_615 : memref<8x128xi32, #tpu.memory_space<hbm>>) target(%dma_start3A_611 : memref<8x128xi32, #tpu.memory_space<vmem>>) target_semaphore(%arg11 : memref<!tpu.dma_semaphore, #tpu.memory_space<semaphore_mem>>)
      } else {
      }
      %run_scoped3A_595 = arith.constant 1 : i32
      "tpu.region"() ({
        %run_scoped3A_597 = tpu.sem_alloc : memref<!tpu.dma_semaphore, #tpu.memory_space<semaphore_mem>>
        %dma_start3A_598 = arith.constant 0 : i32
        %dma_start3A_599 = arith.constant 0 : i32
        %dma_start3A_600 = tpu.memref_slice %arg8[%run_scoped3A_595, %dma_start3A_598, %dma_start3A_599] : memref<2x128x128xf32, #tpu.memory_space<vmem>> -> memref<1x128x128xf32, #tpu.memory_space<vmem>>
        %dma_start3A_601 = tpu.memref_squeeze %dma_start3A_600 : memref<1x128x128xf32, #tpu.memory_space<vmem>> -> memref<128x128xf32, #tpu.memory_space<vmem>>
        %dma_start3A_602 = arith.constant 0 : i32
        %dma_start3A_603 = tpu.memref_slice %arg7[%add3A_571, %dma_start3A_602] : memref<80x128xi32, #tpu.memory_space<vmem>> -> memref<1x128xi32, #tpu.memory_space<vmem>>
        %dma_start3A_604 = tpu.memref_squeeze %dma_start3A_603 : memref<1x128xi32, #tpu.memory_space<vmem>> -> memref<128xi32, #tpu.memory_space<vmem>>
        %dma_start3A_605 = arith.constant 0 : i32
        %dma_start3A_606 = arith.constant 0 : i32
        %dma_start3A_607 = tpu.memref_slice %arg9[%dma_start3A_605, %dma_start3A_606] : memref<10240x128xf32, #tpu.memory_space<vmem_shared>> -> memref<10240x128xf32, #tpu.memory_space<vmem_shared>>
        tpu.enqueue_indirect_dma source(%dma_start3A_601 : memref<128x128xf32, #tpu.memory_space<vmem>>) target(%dma_start3A_607 : memref<10240x128xf32, #tpu.memory_space<vmem_shared>>) offsets(%dma_start3A_604 : memref<128xi32, #tpu.memory_space<vmem>>) semaphore(%run_scoped3A_597 : memref<!tpu.dma_semaphore, #tpu.memory_space<semaphore_mem>>) {add = true}
        %dma_wait3A_608 = arith.constant 0 : i32
        %dma_wait3A_609 = arith.constant 0 : i32
        %dma_wait3A_610 = tpu.memref_slice %arg8[%run_scoped3A_595, %dma_wait3A_608, %dma_wait3A_609] : memref<2x128x128xf32, #tpu.memory_space<vmem>> -> memref<1x128x128xf32, #tpu.memory_space<vmem>>
        %dma_wait3A_611 = tpu.memref_squeeze %dma_wait3A_610 : memref<1x128x128xf32, #tpu.memory_space<vmem>> -> memref<128x128xf32, #tpu.memory_space<vmem>>
        %dma_wait3A_612 = arith.constant 0 : i32
        %dma_wait3A_613 = tpu.memref_slice %arg7[%add3A_571, %dma_wait3A_612] : memref<80x128xi32, #tpu.memory_space<vmem>> -> memref<1x128xi32, #tpu.memory_space<vmem>>
        %dma_wait3A_614 = tpu.memref_squeeze %dma_wait3A_613 : memref<1x128xi32, #tpu.memory_space<vmem>> -> memref<128xi32, #tpu.memory_space<vmem>>
        %dma_wait3A_615 = arith.constant 0 : i32
        %dma_wait3A_616 = arith.constant 0 : i32
        %dma_wait3A_617 = tpu.memref_slice %arg9[%dma_wait3A_615, %dma_wait3A_616] : memref<10240x128xf32, #tpu.memory_space<vmem_shared>> -> memref<10240x128xf32, #tpu.memory_space<vmem_shared>>
        tpu.wait_indirect_dma semaphore(%run_scoped3A_597 : memref<!tpu.dma_semaphore, #tpu.memory_space<semaphore_mem>>) src(%dma_wait3A_611 : memref<128x128xf32, #tpu.memory_space<vmem>>) dst(%dma_wait3A_617 : memref<10240x128xf32, #tpu.memory_space<vmem_shared>>)
        tpu.yield
      }) : () -> ()
      %scan3A_596 = arith.constant 0 : i32
      scf.yield %scan3A_596 : i32
    }
    %scan3A_70 = arith.constant 5 : i32
    %barrier3A_71 = arith.constant 0 : index
    tpu.barrier barrier_id(%barrier3A_71)
    %mul3A_72 = arith.constant 640 : i32
    %mul3A_73 = arith.muli %arg1, %mul3A_72 : i32
    %add3A_74 = arith.constant 0 : i32
    %add3A_75 = arith.addi %mul3A_73, %add3A_74 : i32
    %run_scoped3A_76 = arith.constant 0 : i32
    "tpu.region"() ({
      %run_scoped3A_102 = tpu.sem_alloc : memref<!tpu.dma_semaphore, #tpu.memory_space<semaphore_mem>>
      %dma_start3A_103 = arith.constant 0 : i32
      %dma_start3A_104 = arith.constant 0 : i32
      %dma_start3A_105 = tpu.memref_slice %arg8[%run_scoped3A_76, %dma_start3A_103, %dma_start3A_104] : memref<2x128x128xf32, #tpu.memory_space<vmem>> -> memref<1x128x128xf32, #tpu.memory_space<vmem>>
      %dma_start3A_106 = tpu.memref_squeeze %dma_start3A_105 : memref<1x128x128xf32, #tpu.memory_space<vmem>> -> memref<128x128xf32, #tpu.memory_space<vmem>>
      %dma_start3A_107 = arith.constant 0 : i32
      %dma_start3A_108 = tpu.memref_slice %arg9[%add3A_75, %dma_start3A_107] : memref<10240x128xf32, #tpu.memory_space<vmem_shared>> -> memref<128x128xf32, #tpu.memory_space<vmem_shared>>
      %dma_start3A_109 = arith.constant 0 : i32
      %dma_start3A_110 = arith.constant 0 : i32
      %dma_start3A_111 = tpu.memref_slice %arg8[%run_scoped3A_76, %dma_start3A_109, %dma_start3A_110] : memref<2x128x128xf32, #tpu.memory_space<vmem>> -> memref<1x128x128xf32, #tpu.memory_space<vmem>>
      %dma_start3A_112 = tpu.memref_squeeze %dma_start3A_111 : memref<1x128x128xf32, #tpu.memory_space<vmem>> -> memref<128x128xf32, #tpu.memory_space<vmem>>
      %dma_start3A_113 = arith.constant 0 : i32
      %dma_start3A_114 = tpu.memref_slice %arg9[%add3A_75, %dma_start3A_113] : memref<10240x128xf32, #tpu.memory_space<vmem_shared>> -> memref<128x128xf32, #tpu.memory_space<vmem_shared>>
      tpu.enqueue_dma source(%dma_start3A_114 : memref<128x128xf32, #tpu.memory_space<vmem_shared>>) target(%dma_start3A_112 : memref<128x128xf32, #tpu.memory_space<vmem>>) target_semaphore(%run_scoped3A_102 : memref<!tpu.dma_semaphore, #tpu.memory_space<semaphore_mem>>)
      %dma_wait3A = arith.constant 0 : i32
      %dma_wait3A_115 = arith.constant 0 : i32
      %dma_wait3A_116 = tpu.memref_slice %arg8[%run_scoped3A_76, %dma_wait3A, %dma_wait3A_115] : memref<2x128x128xf32, #tpu.memory_space<vmem>> -> memref<1x128x128xf32, #tpu.memory_space<vmem>>
      %dma_wait3A_117 = tpu.memref_squeeze %dma_wait3A_116 : memref<1x128x128xf32, #tpu.memory_space<vmem>> -> memref<128x128xf32, #tpu.memory_space<vmem>>
      %dma_wait3A_118 = arith.constant 0 : i32
      %dma_wait3A_119 = tpu.memref_slice %arg9[%add3A_75, %dma_wait3A_118] : memref<10240x128xf32, #tpu.memory_space<vmem_shared>> -> memref<128x128xf32, #tpu.memory_space<vmem_shared>>
      %dma_wait3A_120 = arith.constant 0 : i32
      %dma_wait3A_121 = arith.constant 0 : i32
      %dma_wait3A_122 = tpu.memref_slice %arg8[%run_scoped3A_76, %dma_wait3A_120, %dma_wait3A_121] : memref<2x128x128xf32, #tpu.memory_space<vmem>> -> memref<1x128x128xf32, #tpu.memory_space<vmem>>
      %dma_wait3A_123 = tpu.memref_squeeze %dma_wait3A_122 : memref<1x128x128xf32, #tpu.memory_space<vmem>> -> memref<128x128xf32, #tpu.memory_space<vmem>>
      %dma_wait3A_124 = arith.constant 0 : i32
      %dma_wait3A_125 = tpu.memref_slice %arg9[%add3A_75, %dma_wait3A_124] : memref<10240x128xf32, #tpu.memory_space<vmem_shared>> -> memref<128x128xf32, #tpu.memory_space<vmem_shared>>
      tpu.wait_dma2 semaphore(%run_scoped3A_102 : memref<!tpu.dma_semaphore, #tpu.memory_space<semaphore_mem>>) src(%dma_wait3A_125 : memref<128x128xf32, #tpu.memory_space<vmem_shared>>) dst(%dma_wait3A_123 : memref<128x128xf32, #tpu.memory_space<vmem>>)
      tpu.yield
    }) : () -> ()
    %run_scoped3A_77 = arith.constant 0 : i32
    "tpu.region"() ({
      %run_scoped3A_102 = tpu.sem_alloc : memref<!tpu.dma_semaphore, #tpu.memory_space<semaphore_mem>>
      %dma_start3A_103 = arith.constant 0 : i32
      %dma_start3A_104 = arith.constant 0 : i32
      %dma_start3A_105 = tpu.memref_slice %arg8[%run_scoped3A_77, %dma_start3A_103, %dma_start3A_104] : memref<2x128x128xf32, #tpu.memory_space<vmem>> -> memref<1x128x128xf32, #tpu.memory_space<vmem>>
      %dma_start3A_106 = tpu.memref_squeeze %dma_start3A_105 : memref<1x128x128xf32, #tpu.memory_space<vmem>> -> memref<128x128xf32, #tpu.memory_space<vmem>>
      %dma_start3A_107 = arith.constant 0 : i32
      %dma_start3A_108 = tpu.memref_slice %arg5[%arg0, %add3A_75, %dma_start3A_107] : memref<2x10240x128xf32, #tpu.memory_space<hbm>> -> memref<1x128x128xf32, #tpu.memory_space<hbm>>
      %dma_start3A_109 = tpu.memref_squeeze %dma_start3A_108 : memref<1x128x128xf32, #tpu.memory_space<hbm>> -> memref<128x128xf32, #tpu.memory_space<hbm>>
      %dma_start3A_110 = arith.constant 0 : i32
      %dma_start3A_111 = tpu.memref_slice %arg5[%arg0, %add3A_75, %dma_start3A_110] : memref<2x10240x128xf32, #tpu.memory_space<hbm>> -> memref<1x128x128xf32, #tpu.memory_space<hbm>>
      %dma_start3A_112 = tpu.memref_squeeze %dma_start3A_111 : memref<1x128x128xf32, #tpu.memory_space<hbm>> -> memref<128x128xf32, #tpu.memory_space<hbm>>
      %dma_start3A_113 = arith.constant 0 : i32
      %dma_start3A_114 = arith.constant 0 : i32
      %dma_start3A_115 = tpu.memref_slice %arg8[%run_scoped3A_77, %dma_start3A_113, %dma_start3A_114] : memref<2x128x128xf32, #tpu.memory_space<vmem>> -> memref<1x128x128xf32, #tpu.memory_space<vmem>>
      %dma_start3A_116 = tpu.memref_squeeze %dma_start3A_115 : memref<1x128x128xf32, #tpu.memory_space<vmem>> -> memref<128x128xf32, #tpu.memory_space<vmem>>
      tpu.enqueue_dma source(%dma_start3A_116 : memref<128x128xf32, #tpu.memory_space<vmem>>) target(%dma_start3A_112 : memref<128x128xf32, #tpu.memory_space<hbm>>) target_semaphore(%run_scoped3A_102 : memref<!tpu.dma_semaphore, #tpu.memory_space<semaphore_mem>>)
      %dma_wait3A = arith.constant 0 : i32
      %dma_wait3A_117 = arith.constant 0 : i32
      %dma_wait3A_118 = tpu.memref_slice %arg8[%run_scoped3A_77, %dma_wait3A, %dma_wait3A_117] : memref<2x128x128xf32, #tpu.memory_space<vmem>> -> memref<1x128x128xf32, #tpu.memory_space<vmem>>
      %dma_wait3A_119 = tpu.memref_squeeze %dma_wait3A_118 : memref<1x128x128xf32, #tpu.memory_space<vmem>> -> memref<128x128xf32, #tpu.memory_space<vmem>>
      %dma_wait3A_120 = arith.constant 0 : i32
      %dma_wait3A_121 = tpu.memref_slice %arg5[%arg0, %add3A_75, %dma_wait3A_120] : memref<2x10240x128xf32, #tpu.memory_space<hbm>> -> memref<1x128x128xf32, #tpu.memory_space<hbm>>
      %dma_wait3A_122 = tpu.memref_squeeze %dma_wait3A_121 : memref<1x128x128xf32, #tpu.memory_space<hbm>> -> memref<128x128xf32, #tpu.memory_space<hbm>>
      %dma_wait3A_123 = arith.constant 0 : i32
      %dma_wait3A_124 = tpu.memref_slice %arg5[%arg0, %add3A_75, %dma_wait3A_123] : memref<2x10240x128xf32, #tpu.memory_space<hbm>> -> memref<1x128x128xf32, #tpu.memory_space<hbm>>
      %dma_wait3A_125 = tpu.memref_squeeze %dma_wait3A_124 : memref<1x128x128xf32, #tpu.memory_space<hbm>> -> memref<128x128xf32, #tpu.memory_space<hbm>>
      %dma_wait3A_126 = arith.constant 0 : i32
      %dma_wait3A_127 = arith.constant 0 : i32
      %dma_wait3A_128 = tpu.memref_slice %arg8[%run_scoped3A_77, %dma_wait3A_126, %dma_wait3A_127] : memref<2x128x128xf32, #tpu.memory_space<vmem>> -> memref<1x128x128xf32, #tpu.memory_space<vmem>>
      %dma_wait3A_129 = tpu.memref_squeeze %dma_wait3A_128 : memref<1x128x128xf32, #tpu.memory_space<vmem>> -> memref<128x128xf32, #tpu.memory_space<vmem>>
      tpu.wait_dma2 semaphore(%run_scoped3A_102 : memref<!tpu.dma_semaphore, #tpu.memory_space<semaphore_mem>>) src(%dma_wait3A_129 : memref<128x128xf32, #tpu.memory_space<vmem>>) dst(%dma_wait3A_125 : memref<128x128xf32, #tpu.memory_space<hbm>>)
      tpu.yield
    }) : () -> ()
    %mul3A_78 = arith.constant 640 : i32
    %mul3A_79 = arith.muli %arg1, %mul3A_78 : i32
    %add3A_80 = arith.constant 128 : i32
    %add3A_81 = arith.addi %mul3A_79, %add3A_80 : i32
    %run_scoped3A_82 = arith.constant 0 : i32
    "tpu.region"() ({
      %run_scoped3A_102 = tpu.sem_alloc : memref<!tpu.dma_semaphore, #tpu.memory_space<semaphore_mem>>
      %dma_start3A_103 = arith.constant 0 : i32
      %dma_start3A_104 = arith.constant 0 : i32
      %dma_start3A_105 = tpu.memref_slice %arg8[%run_scoped3A_82, %dma_start3A_103, %dma_start3A_104] : memref<2x128x128xf32, #tpu.memory_space<vmem>> -> memref<1x128x128xf32, #tpu.memory_space<vmem>>
      %dma_start3A_106 = tpu.memref_squeeze %dma_start3A_105 : memref<1x128x128xf32, #tpu.memory_space<vmem>> -> memref<128x128xf32, #tpu.memory_space<vmem>>
      %dma_start3A_107 = arith.constant 0 : i32
      %dma_start3A_108 = tpu.memref_slice %arg9[%add3A_81, %dma_start3A_107] : memref<10240x128xf32, #tpu.memory_space<vmem_shared>> -> memref<128x128xf32, #tpu.memory_space<vmem_shared>>
      %dma_start3A_109 = arith.constant 0 : i32
      %dma_start3A_110 = arith.constant 0 : i32
      %dma_start3A_111 = tpu.memref_slice %arg8[%run_scoped3A_82, %dma_start3A_109, %dma_start3A_110] : memref<2x128x128xf32, #tpu.memory_space<vmem>> -> memref<1x128x128xf32, #tpu.memory_space<vmem>>
      %dma_start3A_112 = tpu.memref_squeeze %dma_start3A_111 : memref<1x128x128xf32, #tpu.memory_space<vmem>> -> memref<128x128xf32, #tpu.memory_space<vmem>>
      %dma_start3A_113 = arith.constant 0 : i32
      %dma_start3A_114 = tpu.memref_slice %arg9[%add3A_81, %dma_start3A_113] : memref<10240x128xf32, #tpu.memory_space<vmem_shared>> -> memref<128x128xf32, #tpu.memory_space<vmem_shared>>
      tpu.enqueue_dma source(%dma_start3A_114 : memref<128x128xf32, #tpu.memory_space<vmem_shared>>) target(%dma_start3A_112 : memref<128x128xf32, #tpu.memory_space<vmem>>) target_semaphore(%run_scoped3A_102 : memref<!tpu.dma_semaphore, #tpu.memory_space<semaphore_mem>>)
      %dma_wait3A = arith.constant 0 : i32
      %dma_wait3A_115 = arith.constant 0 : i32
      %dma_wait3A_116 = tpu.memref_slice %arg8[%run_scoped3A_82, %dma_wait3A, %dma_wait3A_115] : memref<2x128x128xf32, #tpu.memory_space<vmem>> -> memref<1x128x128xf32, #tpu.memory_space<vmem>>
      %dma_wait3A_117 = tpu.memref_squeeze %dma_wait3A_116 : memref<1x128x128xf32, #tpu.memory_space<vmem>> -> memref<128x128xf32, #tpu.memory_space<vmem>>
      %dma_wait3A_118 = arith.constant 0 : i32
      %dma_wait3A_119 = tpu.memref_slice %arg9[%add3A_81, %dma_wait3A_118] : memref<10240x128xf32, #tpu.memory_space<vmem_shared>> -> memref<128x128xf32, #tpu.memory_space<vmem_shared>>
      %dma_wait3A_120 = arith.constant 0 : i32
      %dma_wait3A_121 = arith.constant 0 : i32
      %dma_wait3A_122 = tpu.memref_slice %arg8[%run_scoped3A_82, %dma_wait3A_120, %dma_wait3A_121] : memref<2x128x128xf32, #tpu.memory_space<vmem>> -> memref<1x128x128xf32, #tpu.memory_space<vmem>>
      %dma_wait3A_123 = tpu.memref_squeeze %dma_wait3A_122 : memref<1x128x128xf32, #tpu.memory_space<vmem>> -> memref<128x128xf32, #tpu.memory_space<vmem>>
      %dma_wait3A_124 = arith.constant 0 : i32
      %dma_wait3A_125 = tpu.memref_slice %arg9[%add3A_81, %dma_wait3A_124] : memref<10240x128xf32, #tpu.memory_space<vmem_shared>> -> memref<128x128xf32, #tpu.memory_space<vmem_shared>>
      tpu.wait_dma2 semaphore(%run_scoped3A_102 : memref<!tpu.dma_semaphore, #tpu.memory_space<semaphore_mem>>) src(%dma_wait3A_125 : memref<128x128xf32, #tpu.memory_space<vmem_shared>>) dst(%dma_wait3A_123 : memref<128x128xf32, #tpu.memory_space<vmem>>)
      tpu.yield
    }) : () -> ()
    %run_scoped3A_83 = arith.constant 0 : i32
    "tpu.region"() ({
      %run_scoped3A_102 = tpu.sem_alloc : memref<!tpu.dma_semaphore, #tpu.memory_space<semaphore_mem>>
      %dma_start3A_103 = arith.constant 0 : i32
      %dma_start3A_104 = arith.constant 0 : i32
      %dma_start3A_105 = tpu.memref_slice %arg8[%run_scoped3A_83, %dma_start3A_103, %dma_start3A_104] : memref<2x128x128xf32, #tpu.memory_space<vmem>> -> memref<1x128x128xf32, #tpu.memory_space<vmem>>
      %dma_start3A_106 = tpu.memref_squeeze %dma_start3A_105 : memref<1x128x128xf32, #tpu.memory_space<vmem>> -> memref<128x128xf32, #tpu.memory_space<vmem>>
      %dma_start3A_107 = arith.constant 0 : i32
      %dma_start3A_108 = tpu.memref_slice %arg5[%arg0, %add3A_81, %dma_start3A_107] : memref<2x10240x128xf32, #tpu.memory_space<hbm>> -> memref<1x128x128xf32, #tpu.memory_space<hbm>>
      %dma_start3A_109 = tpu.memref_squeeze %dma_start3A_108 : memref<1x128x128xf32, #tpu.memory_space<hbm>> -> memref<128x128xf32, #tpu.memory_space<hbm>>
      %dma_start3A_110 = arith.constant 0 : i32
      %dma_start3A_111 = tpu.memref_slice %arg5[%arg0, %add3A_81, %dma_start3A_110] : memref<2x10240x128xf32, #tpu.memory_space<hbm>> -> memref<1x128x128xf32, #tpu.memory_space<hbm>>
      %dma_start3A_112 = tpu.memref_squeeze %dma_start3A_111 : memref<1x128x128xf32, #tpu.memory_space<hbm>> -> memref<128x128xf32, #tpu.memory_space<hbm>>
      %dma_start3A_113 = arith.constant 0 : i32
      %dma_start3A_114 = arith.constant 0 : i32
      %dma_start3A_115 = tpu.memref_slice %arg8[%run_scoped3A_83, %dma_start3A_113, %dma_start3A_114] : memref<2x128x128xf32, #tpu.memory_space<vmem>> -> memref<1x128x128xf32, #tpu.memory_space<vmem>>
      %dma_start3A_116 = tpu.memref_squeeze %dma_start3A_115 : memref<1x128x128xf32, #tpu.memory_space<vmem>> -> memref<128x128xf32, #tpu.memory_space<vmem>>
      tpu.enqueue_dma source(%dma_start3A_116 : memref<128x128xf32, #tpu.memory_space<vmem>>) target(%dma_start3A_112 : memref<128x128xf32, #tpu.memory_space<hbm>>) target_semaphore(%run_scoped3A_102 : memref<!tpu.dma_semaphore, #tpu.memory_space<semaphore_mem>>)
      %dma_wait3A = arith.constant 0 : i32
      %dma_wait3A_117 = arith.constant 0 : i32
      %dma_wait3A_118 = tpu.memref_slice %arg8[%run_scoped3A_83, %dma_wait3A, %dma_wait3A_117] : memref<2x128x128xf32, #tpu.memory_space<vmem>> -> memref<1x128x128xf32, #tpu.memory_space<vmem>>
      %dma_wait3A_119 = tpu.memref_squeeze %dma_wait3A_118 : memref<1x128x128xf32, #tpu.memory_space<vmem>> -> memref<128x128xf32, #tpu.memory_space<vmem>>
      %dma_wait3A_120 = arith.constant 0 : i32
      %dma_wait3A_121 = tpu.memref_slice %arg5[%arg0, %add3A_81, %dma_wait3A_120] : memref<2x10240x128xf32, #tpu.memory_space<hbm>> -> memref<1x128x128xf32, #tpu.memory_space<hbm>>
      %dma_wait3A_122 = tpu.memref_squeeze %dma_wait3A_121 : memref<1x128x128xf32, #tpu.memory_space<hbm>> -> memref<128x128xf32, #tpu.memory_space<hbm>>
      %dma_wait3A_123 = arith.constant 0 : i32
      %dma_wait3A_124 = tpu.memref_slice %arg5[%arg0, %add3A_81, %dma_wait3A_123] : memref<2x10240x128xf32, #tpu.memory_space<hbm>> -> memref<1x128x128xf32, #tpu.memory_space<hbm>>
      %dma_wait3A_125 = tpu.memref_squeeze %dma_wait3A_124 : memref<1x128x128xf32, #tpu.memory_space<hbm>> -> memref<128x128xf32, #tpu.memory_space<hbm>>
      %dma_wait3A_126 = arith.constant 0 : i32
      %dma_wait3A_127 = arith.constant 0 : i32
      %dma_wait3A_128 = tpu.memref_slice %arg8[%run_scoped3A_83, %dma_wait3A_126, %dma_wait3A_127] : memref<2x128x128xf32, #tpu.memory_space<vmem>> -> memref<1x128x128xf32, #tpu.memory_space<vmem>>
      %dma_wait3A_129 = tpu.memref_squeeze %dma_wait3A_128 : memref<1x128x128xf32, #tpu.memory_space<vmem>> -> memref<128x128xf32, #tpu.memory_space<vmem>>
      tpu.wait_dma2 semaphore(%run_scoped3A_102 : memref<!tpu.dma_semaphore, #tpu.memory_space<semaphore_mem>>) src(%dma_wait3A_129 : memref<128x128xf32, #tpu.memory_space<vmem>>) dst(%dma_wait3A_125 : memref<128x128xf32, #tpu.memory_space<hbm>>)
      tpu.yield
    }) : () -> ()
    %mul3A_84 = arith.constant 640 : i32
    %mul3A_85 = arith.muli %arg1, %mul3A_84 : i32
    %add3A_86 = arith.constant 256 : i32
    %add3A_87 = arith.addi %mul3A_85, %add3A_86 : i32
    %run_scoped3A_88 = arith.constant 0 : i32
    "tpu.region"() ({
      %run_scoped3A_102 = tpu.sem_alloc : memref<!tpu.dma_semaphore, #tpu.memory_space<semaphore_mem>>
      %dma_start3A_103 = arith.constant 0 : i32
      %dma_start3A_104 = arith.constant 0 : i32
      %dma_start3A_105 = tpu.memref_slice %arg8[%run_scoped3A_88, %dma_start3A_103, %dma_start3A_104] : memref<2x128x128xf32, #tpu.memory_space<vmem>> -> memref<1x128x128xf32, #tpu.memory_space<vmem>>
      %dma_start3A_106 = tpu.memref_squeeze %dma_start3A_105 : memref<1x128x128xf32, #tpu.memory_space<vmem>> -> memref<128x128xf32, #tpu.memory_space<vmem>>
      %dma_start3A_107 = arith.constant 0 : i32
      %dma_start3A_108 = tpu.memref_slice %arg9[%add3A_87, %dma_start3A_107] : memref<10240x128xf32, #tpu.memory_space<vmem_shared>> -> memref<128x128xf32, #tpu.memory_space<vmem_shared>>
      %dma_start3A_109 = arith.constant 0 : i32
      %dma_start3A_110 = arith.constant 0 : i32
      %dma_start3A_111 = tpu.memref_slice %arg8[%run_scoped3A_88, %dma_start3A_109, %dma_start3A_110] : memref<2x128x128xf32, #tpu.memory_space<vmem>> -> memref<1x128x128xf32, #tpu.memory_space<vmem>>
      %dma_start3A_112 = tpu.memref_squeeze %dma_start3A_111 : memref<1x128x128xf32, #tpu.memory_space<vmem>> -> memref<128x128xf32, #tpu.memory_space<vmem>>
      %dma_start3A_113 = arith.constant 0 : i32
      %dma_start3A_114 = tpu.memref_slice %arg9[%add3A_87, %dma_start3A_113] : memref<10240x128xf32, #tpu.memory_space<vmem_shared>> -> memref<128x128xf32, #tpu.memory_space<vmem_shared>>
      tpu.enqueue_dma source(%dma_start3A_114 : memref<128x128xf32, #tpu.memory_space<vmem_shared>>) target(%dma_start3A_112 : memref<128x128xf32, #tpu.memory_space<vmem>>) target_semaphore(%run_scoped3A_102 : memref<!tpu.dma_semaphore, #tpu.memory_space<semaphore_mem>>)
      %dma_wait3A = arith.constant 0 : i32
      %dma_wait3A_115 = arith.constant 0 : i32
      %dma_wait3A_116 = tpu.memref_slice %arg8[%run_scoped3A_88, %dma_wait3A, %dma_wait3A_115] : memref<2x128x128xf32, #tpu.memory_space<vmem>> -> memref<1x128x128xf32, #tpu.memory_space<vmem>>
      %dma_wait3A_117 = tpu.memref_squeeze %dma_wait3A_116 : memref<1x128x128xf32, #tpu.memory_space<vmem>> -> memref<128x128xf32, #tpu.memory_space<vmem>>
      %dma_wait3A_118 = arith.constant 0 : i32
      %dma_wait3A_119 = tpu.memref_slice %arg9[%add3A_87, %dma_wait3A_118] : memref<10240x128xf32, #tpu.memory_space<vmem_shared>> -> memref<128x128xf32, #tpu.memory_space<vmem_shared>>
      %dma_wait3A_120 = arith.constant 0 : i32
      %dma_wait3A_121 = arith.constant 0 : i32
      %dma_wait3A_122 = tpu.memref_slice %arg8[%run_scoped3A_88, %dma_wait3A_120, %dma_wait3A_121] : memref<2x128x128xf32, #tpu.memory_space<vmem>> -> memref<1x128x128xf32, #tpu.memory_space<vmem>>
      %dma_wait3A_123 = tpu.memref_squeeze %dma_wait3A_122 : memref<1x128x128xf32, #tpu.memory_space<vmem>> -> memref<128x128xf32, #tpu.memory_space<vmem>>
      %dma_wait3A_124 = arith.constant 0 : i32
      %dma_wait3A_125 = tpu.memref_slice %arg9[%add3A_87, %dma_wait3A_124] : memref<10240x128xf32, #tpu.memory_space<vmem_shared>> -> memref<128x128xf32, #tpu.memory_space<vmem_shared>>
      tpu.wait_dma2 semaphore(%run_scoped3A_102 : memref<!tpu.dma_semaphore, #tpu.memory_space<semaphore_mem>>) src(%dma_wait3A_125 : memref<128x128xf32, #tpu.memory_space<vmem_shared>>) dst(%dma_wait3A_123 : memref<128x128xf32, #tpu.memory_space<vmem>>)
      tpu.yield
    }) : () -> ()
    %run_scoped3A_89 = arith.constant 0 : i32
    "tpu.region"() ({
      %run_scoped3A_102 = tpu.sem_alloc : memref<!tpu.dma_semaphore, #tpu.memory_space<semaphore_mem>>
      %dma_start3A_103 = arith.constant 0 : i32
      %dma_start3A_104 = arith.constant 0 : i32
      %dma_start3A_105 = tpu.memref_slice %arg8[%run_scoped3A_89, %dma_start3A_103, %dma_start3A_104] : memref<2x128x128xf32, #tpu.memory_space<vmem>> -> memref<1x128x128xf32, #tpu.memory_space<vmem>>
      %dma_start3A_106 = tpu.memref_squeeze %dma_start3A_105 : memref<1x128x128xf32, #tpu.memory_space<vmem>> -> memref<128x128xf32, #tpu.memory_space<vmem>>
      %dma_start3A_107 = arith.constant 0 : i32
      %dma_start3A_108 = tpu.memref_slice %arg5[%arg0, %add3A_87, %dma_start3A_107] : memref<2x10240x128xf32, #tpu.memory_space<hbm>> -> memref<1x128x128xf32, #tpu.memory_space<hbm>>
      %dma_start3A_109 = tpu.memref_squeeze %dma_start3A_108 : memref<1x128x128xf32, #tpu.memory_space<hbm>> -> memref<128x128xf32, #tpu.memory_space<hbm>>
      %dma_start3A_110 = arith.constant 0 : i32
      %dma_start3A_111 = tpu.memref_slice %arg5[%arg0, %add3A_87, %dma_start3A_110] : memref<2x10240x128xf32, #tpu.memory_space<hbm>> -> memref<1x128x128xf32, #tpu.memory_space<hbm>>
      %dma_start3A_112 = tpu.memref_squeeze %dma_start3A_111 : memref<1x128x128xf32, #tpu.memory_space<hbm>> -> memref<128x128xf32, #tpu.memory_space<hbm>>
      %dma_start3A_113 = arith.constant 0 : i32
      %dma_start3A_114 = arith.constant 0 : i32
      %dma_start3A_115 = tpu.memref_slice %arg8[%run_scoped3A_89, %dma_start3A_113, %dma_start3A_114] : memref<2x128x128xf32, #tpu.memory_space<vmem>> -> memref<1x128x128xf32, #tpu.memory_space<vmem>>
      %dma_start3A_116 = tpu.memref_squeeze %dma_start3A_115 : memref<1x128x128xf32, #tpu.memory_space<vmem>> -> memref<128x128xf32, #tpu.memory_space<vmem>>
      tpu.enqueue_dma source(%dma_start3A_116 : memref<128x128xf32, #tpu.memory_space<vmem>>) target(%dma_start3A_112 : memref<128x128xf32, #tpu.memory_space<hbm>>) target_semaphore(%run_scoped3A_102 : memref<!tpu.dma_semaphore, #tpu.memory_space<semaphore_mem>>)
      %dma_wait3A = arith.constant 0 : i32
      %dma_wait3A_117 = arith.constant 0 : i32
      %dma_wait3A_118 = tpu.memref_slice %arg8[%run_scoped3A_89, %dma_wait3A, %dma_wait3A_117] : memref<2x128x128xf32, #tpu.memory_space<vmem>> -> memref<1x128x128xf32, #tpu.memory_space<vmem>>
      %dma_wait3A_119 = tpu.memref_squeeze %dma_wait3A_118 : memref<1x128x128xf32, #tpu.memory_space<vmem>> -> memref<128x128xf32, #tpu.memory_space<vmem>>
      %dma_wait3A_120 = arith.constant 0 : i32
      %dma_wait3A_121 = tpu.memref_slice %arg5[%arg0, %add3A_87, %dma_wait3A_120] : memref<2x10240x128xf32, #tpu.memory_space<hbm>> -> memref<1x128x128xf32, #tpu.memory_space<hbm>>
      %dma_wait3A_122 = tpu.memref_squeeze %dma_wait3A_121 : memref<1x128x128xf32, #tpu.memory_space<hbm>> -> memref<128x128xf32, #tpu.memory_space<hbm>>
      %dma_wait3A_123 = arith.constant 0 : i32
      %dma_wait3A_124 = tpu.memref_slice %arg5[%arg0, %add3A_87, %dma_wait3A_123] : memref<2x10240x128xf32, #tpu.memory_space<hbm>> -> memref<1x128x128xf32, #tpu.memory_space<hbm>>
      %dma_wait3A_125 = tpu.memref_squeeze %dma_wait3A_124 : memref<1x128x128xf32, #tpu.memory_space<hbm>> -> memref<128x128xf32, #tpu.memory_space<hbm>>
      %dma_wait3A_126 = arith.constant 0 : i32
      %dma_wait3A_127 = arith.constant 0 : i32
      %dma_wait3A_128 = tpu.memref_slice %arg8[%run_scoped3A_89, %dma_wait3A_126, %dma_wait3A_127] : memref<2x128x128xf32, #tpu.memory_space<vmem>> -> memref<1x128x128xf32, #tpu.memory_space<vmem>>
      %dma_wait3A_129 = tpu.memref_squeeze %dma_wait3A_128 : memref<1x128x128xf32, #tpu.memory_space<vmem>> -> memref<128x128xf32, #tpu.memory_space<vmem>>
      tpu.wait_dma2 semaphore(%run_scoped3A_102 : memref<!tpu.dma_semaphore, #tpu.memory_space<semaphore_mem>>) src(%dma_wait3A_129 : memref<128x128xf32, #tpu.memory_space<vmem>>) dst(%dma_wait3A_125 : memref<128x128xf32, #tpu.memory_space<hbm>>)
      tpu.yield
    }) : () -> ()
    %mul3A_90 = arith.constant 640 : i32
    %mul3A_91 = arith.muli %arg1, %mul3A_90 : i32
    %add3A_92 = arith.constant 384 : i32
    %add3A_93 = arith.addi %mul3A_91, %add3A_92 : i32
    %run_scoped3A_94 = arith.constant 0 : i32
    "tpu.region"() ({
      %run_scoped3A_102 = tpu.sem_alloc : memref<!tpu.dma_semaphore, #tpu.memory_space<semaphore_mem>>
      %dma_start3A_103 = arith.constant 0 : i32
      %dma_start3A_104 = arith.constant 0 : i32
      %dma_start3A_105 = tpu.memref_slice %arg8[%run_scoped3A_94, %dma_start3A_103, %dma_start3A_104] : memref<2x128x128xf32, #tpu.memory_space<vmem>> -> memref<1x128x128xf32, #tpu.memory_space<vmem>>
      %dma_start3A_106 = tpu.memref_squeeze %dma_start3A_105 : memref<1x128x128xf32, #tpu.memory_space<vmem>> -> memref<128x128xf32, #tpu.memory_space<vmem>>
      %dma_start3A_107 = arith.constant 0 : i32
      %dma_start3A_108 = tpu.memref_slice %arg9[%add3A_93, %dma_start3A_107] : memref<10240x128xf32, #tpu.memory_space<vmem_shared>> -> memref<128x128xf32, #tpu.memory_space<vmem_shared>>
      %dma_start3A_109 = arith.constant 0 : i32
      %dma_start3A_110 = arith.constant 0 : i32
      %dma_start3A_111 = tpu.memref_slice %arg8[%run_scoped3A_94, %dma_start3A_109, %dma_start3A_110] : memref<2x128x128xf32, #tpu.memory_space<vmem>> -> memref<1x128x128xf32, #tpu.memory_space<vmem>>
      %dma_start3A_112 = tpu.memref_squeeze %dma_start3A_111 : memref<1x128x128xf32, #tpu.memory_space<vmem>> -> memref<128x128xf32, #tpu.memory_space<vmem>>
      %dma_start3A_113 = arith.constant 0 : i32
      %dma_start3A_114 = tpu.memref_slice %arg9[%add3A_93, %dma_start3A_113] : memref<10240x128xf32, #tpu.memory_space<vmem_shared>> -> memref<128x128xf32, #tpu.memory_space<vmem_shared>>
      tpu.enqueue_dma source(%dma_start3A_114 : memref<128x128xf32, #tpu.memory_space<vmem_shared>>) target(%dma_start3A_112 : memref<128x128xf32, #tpu.memory_space<vmem>>) target_semaphore(%run_scoped3A_102 : memref<!tpu.dma_semaphore, #tpu.memory_space<semaphore_mem>>)
      %dma_wait3A = arith.constant 0 : i32
      %dma_wait3A_115 = arith.constant 0 : i32
      %dma_wait3A_116 = tpu.memref_slice %arg8[%run_scoped3A_94, %dma_wait3A, %dma_wait3A_115] : memref<2x128x128xf32, #tpu.memory_space<vmem>> -> memref<1x128x128xf32, #tpu.memory_space<vmem>>
      %dma_wait3A_117 = tpu.memref_squeeze %dma_wait3A_116 : memref<1x128x128xf32, #tpu.memory_space<vmem>> -> memref<128x128xf32, #tpu.memory_space<vmem>>
      %dma_wait3A_118 = arith.constant 0 : i32
      %dma_wait3A_119 = tpu.memref_slice %arg9[%add3A_93, %dma_wait3A_118] : memref<10240x128xf32, #tpu.memory_space<vmem_shared>> -> memref<128x128xf32, #tpu.memory_space<vmem_shared>>
      %dma_wait3A_120 = arith.constant 0 : i32
      %dma_wait3A_121 = arith.constant 0 : i32
      %dma_wait3A_122 = tpu.memref_slice %arg8[%run_scoped3A_94, %dma_wait3A_120, %dma_wait3A_121] : memref<2x128x128xf32, #tpu.memory_space<vmem>> -> memref<1x128x128xf32, #tpu.memory_space<vmem>>
      %dma_wait3A_123 = tpu.memref_squeeze %dma_wait3A_122 : memref<1x128x128xf32, #tpu.memory_space<vmem>> -> memref<128x128xf32, #tpu.memory_space<vmem>>
      %dma_wait3A_124 = arith.constant 0 : i32
      %dma_wait3A_125 = tpu.memref_slice %arg9[%add3A_93, %dma_wait3A_124] : memref<10240x128xf32, #tpu.memory_space<vmem_shared>> -> memref<128x128xf32, #tpu.memory_space<vmem_shared>>
      tpu.wait_dma2 semaphore(%run_scoped3A_102 : memref<!tpu.dma_semaphore, #tpu.memory_space<semaphore_mem>>) src(%dma_wait3A_125 : memref<128x128xf32, #tpu.memory_space<vmem_shared>>) dst(%dma_wait3A_123 : memref<128x128xf32, #tpu.memory_space<vmem>>)
      tpu.yield
    }) : () -> ()
    %run_scoped3A_95 = arith.constant 0 : i32
    "tpu.region"() ({
      %run_scoped3A_102 = tpu.sem_alloc : memref<!tpu.dma_semaphore, #tpu.memory_space<semaphore_mem>>
      %dma_start3A_103 = arith.constant 0 : i32
      %dma_start3A_104 = arith.constant 0 : i32
      %dma_start3A_105 = tpu.memref_slice %arg8[%run_scoped3A_95, %dma_start3A_103, %dma_start3A_104] : memref<2x128x128xf32, #tpu.memory_space<vmem>> -> memref<1x128x128xf32, #tpu.memory_space<vmem>>
      %dma_start3A_106 = tpu.memref_squeeze %dma_start3A_105 : memref<1x128x128xf32, #tpu.memory_space<vmem>> -> memref<128x128xf32, #tpu.memory_space<vmem>>
      %dma_start3A_107 = arith.constant 0 : i32
      %dma_start3A_108 = tpu.memref_slice %arg5[%arg0, %add3A_93, %dma_start3A_107] : memref<2x10240x128xf32, #tpu.memory_space<hbm>> -> memref<1x128x128xf32, #tpu.memory_space<hbm>>
      %dma_start3A_109 = tpu.memref_squeeze %dma_start3A_108 : memref<1x128x128xf32, #tpu.memory_space<hbm>> -> memref<128x128xf32, #tpu.memory_space<hbm>>
      %dma_start3A_110 = arith.constant 0 : i32
      %dma_start3A_111 = tpu.memref_slice %arg5[%arg0, %add3A_93, %dma_start3A_110] : memref<2x10240x128xf32, #tpu.memory_space<hbm>> -> memref<1x128x128xf32, #tpu.memory_space<hbm>>
      %dma_start3A_112 = tpu.memref_squeeze %dma_start3A_111 : memref<1x128x128xf32, #tpu.memory_space<hbm>> -> memref<128x128xf32, #tpu.memory_space<hbm>>
      %dma_start3A_113 = arith.constant 0 : i32
      %dma_start3A_114 = arith.constant 0 : i32
      %dma_start3A_115 = tpu.memref_slice %arg8[%run_scoped3A_95, %dma_start3A_113, %dma_start3A_114] : memref<2x128x128xf32, #tpu.memory_space<vmem>> -> memref<1x128x128xf32, #tpu.memory_space<vmem>>
      %dma_start3A_116 = tpu.memref_squeeze %dma_start3A_115 : memref<1x128x128xf32, #tpu.memory_space<vmem>> -> memref<128x128xf32, #tpu.memory_space<vmem>>
      tpu.enqueue_dma source(%dma_start3A_116 : memref<128x128xf32, #tpu.memory_space<vmem>>) target(%dma_start3A_112 : memref<128x128xf32, #tpu.memory_space<hbm>>) target_semaphore(%run_scoped3A_102 : memref<!tpu.dma_semaphore, #tpu.memory_space<semaphore_mem>>)
      %dma_wait3A = arith.constant 0 : i32
      %dma_wait3A_117 = arith.constant 0 : i32
      %dma_wait3A_118 = tpu.memref_slice %arg8[%run_scoped3A_95, %dma_wait3A, %dma_wait3A_117] : memref<2x128x128xf32, #tpu.memory_space<vmem>> -> memref<1x128x128xf32, #tpu.memory_space<vmem>>
      %dma_wait3A_119 = tpu.memref_squeeze %dma_wait3A_118 : memref<1x128x128xf32, #tpu.memory_space<vmem>> -> memref<128x128xf32, #tpu.memory_space<vmem>>
      %dma_wait3A_120 = arith.constant 0 : i32
      %dma_wait3A_121 = tpu.memref_slice %arg5[%arg0, %add3A_93, %dma_wait3A_120] : memref<2x10240x128xf32, #tpu.memory_space<hbm>> -> memref<1x128x128xf32, #tpu.memory_space<hbm>>
      %dma_wait3A_122 = tpu.memref_squeeze %dma_wait3A_121 : memref<1x128x128xf32, #tpu.memory_space<hbm>> -> memref<128x128xf32, #tpu.memory_space<hbm>>
      %dma_wait3A_123 = arith.constant 0 : i32
      %dma_wait3A_124 = tpu.memref_slice %arg5[%arg0, %add3A_93, %dma_wait3A_123] : memref<2x10240x128xf32, #tpu.memory_space<hbm>> -> memref<1x128x128xf32, #tpu.memory_space<hbm>>
      %dma_wait3A_125 = tpu.memref_squeeze %dma_wait3A_124 : memref<1x128x128xf32, #tpu.memory_space<hbm>> -> memref<128x128xf32, #tpu.memory_space<hbm>>
      %dma_wait3A_126 = arith.constant 0 : i32
      %dma_wait3A_127 = arith.constant 0 : i32
      %dma_wait3A_128 = tpu.memref_slice %arg8[%run_scoped3A_95, %dma_wait3A_126, %dma_wait3A_127] : memref<2x128x128xf32, #tpu.memory_space<vmem>> -> memref<1x128x128xf32, #tpu.memory_space<vmem>>
      %dma_wait3A_129 = tpu.memref_squeeze %dma_wait3A_128 : memref<1x128x128xf32, #tpu.memory_space<vmem>> -> memref<128x128xf32, #tpu.memory_space<vmem>>
      tpu.wait_dma2 semaphore(%run_scoped3A_102 : memref<!tpu.dma_semaphore, #tpu.memory_space<semaphore_mem>>) src(%dma_wait3A_129 : memref<128x128xf32, #tpu.memory_space<vmem>>) dst(%dma_wait3A_125 : memref<128x128xf32, #tpu.memory_space<hbm>>)
      tpu.yield
    }) : () -> ()
    %mul3A_96 = arith.constant 640 : i32
    %mul3A_97 = arith.muli %arg1, %mul3A_96 : i32
    %add3A_98 = arith.constant 512 : i32
    %add3A_99 = arith.addi %mul3A_97, %add3A_98 : i32
    %run_scoped3A_100 = arith.constant 0 : i32
    "tpu.region"() ({
      %run_scoped3A_102 = tpu.sem_alloc : memref<!tpu.dma_semaphore, #tpu.memory_space<semaphore_mem>>
      %dma_start3A_103 = arith.constant 0 : i32
      %dma_start3A_104 = arith.constant 0 : i32
      %dma_start3A_105 = tpu.memref_slice %arg8[%run_scoped3A_100, %dma_start3A_103, %dma_start3A_104] : memref<2x128x128xf32, #tpu.memory_space<vmem>> -> memref<1x128x128xf32, #tpu.memory_space<vmem>>
      %dma_start3A_106 = tpu.memref_squeeze %dma_start3A_105 : memref<1x128x128xf32, #tpu.memory_space<vmem>> -> memref<128x128xf32, #tpu.memory_space<vmem>>
      %dma_start3A_107 = arith.constant 0 : i32
      %dma_start3A_108 = tpu.memref_slice %arg9[%add3A_99, %dma_start3A_107] : memref<10240x128xf32, #tpu.memory_space<vmem_shared>> -> memref<128x128xf32, #tpu.memory_space<vmem_shared>>
      %dma_start3A_109 = arith.constant 0 : i32
      %dma_start3A_110 = arith.constant 0 : i32
      %dma_start3A_111 = tpu.memref_slice %arg8[%run_scoped3A_100, %dma_start3A_109, %dma_start3A_110] : memref<2x128x128xf32, #tpu.memory_space<vmem>> -> memref<1x128x128xf32, #tpu.memory_space<vmem>>
      %dma_start3A_112 = tpu.memref_squeeze %dma_start3A_111 : memref<1x128x128xf32, #tpu.memory_space<vmem>> -> memref<128x128xf32, #tpu.memory_space<vmem>>
      %dma_start3A_113 = arith.constant 0 : i32
      %dma_start3A_114 = tpu.memref_slice %arg9[%add3A_99, %dma_start3A_113] : memref<10240x128xf32, #tpu.memory_space<vmem_shared>> -> memref<128x128xf32, #tpu.memory_space<vmem_shared>>
      tpu.enqueue_dma source(%dma_start3A_114 : memref<128x128xf32, #tpu.memory_space<vmem_shared>>) target(%dma_start3A_112 : memref<128x128xf32, #tpu.memory_space<vmem>>) target_semaphore(%run_scoped3A_102 : memref<!tpu.dma_semaphore, #tpu.memory_space<semaphore_mem>>)
      %dma_wait3A = arith.constant 0 : i32
      %dma_wait3A_115 = arith.constant 0 : i32
      %dma_wait3A_116 = tpu.memref_slice %arg8[%run_scoped3A_100, %dma_wait3A, %dma_wait3A_115] : memref<2x128x128xf32, #tpu.memory_space<vmem>> -> memref<1x128x128xf32, #tpu.memory_space<vmem>>
      %dma_wait3A_117 = tpu.memref_squeeze %dma_wait3A_116 : memref<1x128x128xf32, #tpu.memory_space<vmem>> -> memref<128x128xf32, #tpu.memory_space<vmem>>
      %dma_wait3A_118 = arith.constant 0 : i32
      %dma_wait3A_119 = tpu.memref_slice %arg9[%add3A_99, %dma_wait3A_118] : memref<10240x128xf32, #tpu.memory_space<vmem_shared>> -> memref<128x128xf32, #tpu.memory_space<vmem_shared>>
      %dma_wait3A_120 = arith.constant 0 : i32
      %dma_wait3A_121 = arith.constant 0 : i32
      %dma_wait3A_122 = tpu.memref_slice %arg8[%run_scoped3A_100, %dma_wait3A_120, %dma_wait3A_121] : memref<2x128x128xf32, #tpu.memory_space<vmem>> -> memref<1x128x128xf32, #tpu.memory_space<vmem>>
      %dma_wait3A_123 = tpu.memref_squeeze %dma_wait3A_122 : memref<1x128x128xf32, #tpu.memory_space<vmem>> -> memref<128x128xf32, #tpu.memory_space<vmem>>
      %dma_wait3A_124 = arith.constant 0 : i32
      %dma_wait3A_125 = tpu.memref_slice %arg9[%add3A_99, %dma_wait3A_124] : memref<10240x128xf32, #tpu.memory_space<vmem_shared>> -> memref<128x128xf32, #tpu.memory_space<vmem_shared>>
      tpu.wait_dma2 semaphore(%run_scoped3A_102 : memref<!tpu.dma_semaphore, #tpu.memory_space<semaphore_mem>>) src(%dma_wait3A_125 : memref<128x128xf32, #tpu.memory_space<vmem_shared>>) dst(%dma_wait3A_123 : memref<128x128xf32, #tpu.memory_space<vmem>>)
      tpu.yield
    }) : () -> ()
    %run_scoped3A_101 = arith.constant 0 : i32
    "tpu.region"() ({
      %run_scoped3A_102 = tpu.sem_alloc : memref<!tpu.dma_semaphore, #tpu.memory_space<semaphore_mem>>
      %dma_start3A_103 = arith.constant 0 : i32
      %dma_start3A_104 = arith.constant 0 : i32
      %dma_start3A_105 = tpu.memref_slice %arg8[%run_scoped3A_101, %dma_start3A_103, %dma_start3A_104] : memref<2x128x128xf32, #tpu.memory_space<vmem>> -> memref<1x128x128xf32, #tpu.memory_space<vmem>>
      %dma_start3A_106 = tpu.memref_squeeze %dma_start3A_105 : memref<1x128x128xf32, #tpu.memory_space<vmem>> -> memref<128x128xf32, #tpu.memory_space<vmem>>
      %dma_start3A_107 = arith.constant 0 : i32
      %dma_start3A_108 = tpu.memref_slice %arg5[%arg0, %add3A_99, %dma_start3A_107] : memref<2x10240x128xf32, #tpu.memory_space<hbm>> -> memref<1x128x128xf32, #tpu.memory_space<hbm>>
      %dma_start3A_109 = tpu.memref_squeeze %dma_start3A_108 : memref<1x128x128xf32, #tpu.memory_space<hbm>> -> memref<128x128xf32, #tpu.memory_space<hbm>>
      %dma_start3A_110 = arith.constant 0 : i32
      %dma_start3A_111 = tpu.memref_slice %arg5[%arg0, %add3A_99, %dma_start3A_110] : memref<2x10240x128xf32, #tpu.memory_space<hbm>> -> memref<1x128x128xf32, #tpu.memory_space<hbm>>
      %dma_start3A_112 = tpu.memref_squeeze %dma_start3A_111 : memref<1x128x128xf32, #tpu.memory_space<hbm>> -> memref<128x128xf32, #tpu.memory_space<hbm>>
      %dma_start3A_113 = arith.constant 0 : i32
      %dma_start3A_114 = arith.constant 0 : i32
      %dma_start3A_115 = tpu.memref_slice %arg8[%run_scoped3A_101, %dma_start3A_113, %dma_start3A_114] : memref<2x128x128xf32, #tpu.memory_space<vmem>> -> memref<1x128x128xf32, #tpu.memory_space<vmem>>
      %dma_start3A_116 = tpu.memref_squeeze %dma_start3A_115 : memref<1x128x128xf32, #tpu.memory_space<vmem>> -> memref<128x128xf32, #tpu.memory_space<vmem>>
      tpu.enqueue_dma source(%dma_start3A_116 : memref<128x128xf32, #tpu.memory_space<vmem>>) target(%dma_start3A_112 : memref<128x128xf32, #tpu.memory_space<hbm>>) target_semaphore(%run_scoped3A_102 : memref<!tpu.dma_semaphore, #tpu.memory_space<semaphore_mem>>)
      %dma_wait3A = arith.constant 0 : i32
      %dma_wait3A_117 = arith.constant 0 : i32
      %dma_wait3A_118 = tpu.memref_slice %arg8[%run_scoped3A_101, %dma_wait3A, %dma_wait3A_117] : memref<2x128x128xf32, #tpu.memory_space<vmem>> -> memref<1x128x128xf32, #tpu.memory_space<vmem>>
      %dma_wait3A_119 = tpu.memref_squeeze %dma_wait3A_118 : memref<1x128x128xf32, #tpu.memory_space<vmem>> -> memref<128x128xf32, #tpu.memory_space<vmem>>
      %dma_wait3A_120 = arith.constant 0 : i32
      %dma_wait3A_121 = tpu.memref_slice %arg5[%arg0, %add3A_99, %dma_wait3A_120] : memref<2x10240x128xf32, #tpu.memory_space<hbm>> -> memref<1x128x128xf32, #tpu.memory_space<hbm>>
      %dma_wait3A_122 = tpu.memref_squeeze %dma_wait3A_121 : memref<1x128x128xf32, #tpu.memory_space<hbm>> -> memref<128x128xf32, #tpu.memory_space<hbm>>
      %dma_wait3A_123 = arith.constant 0 : i32
      %dma_wait3A_124 = tpu.memref_slice %arg5[%arg0, %add3A_99, %dma_wait3A_123] : memref<2x10240x128xf32, #tpu.memory_space<hbm>> -> memref<1x128x128xf32, #tpu.memory_space<hbm>>
      %dma_wait3A_125 = tpu.memref_squeeze %dma_wait3A_124 : memref<1x128x128xf32, #tpu.memory_space<hbm>> -> memref<128x128xf32, #tpu.memory_space<hbm>>
      %dma_wait3A_126 = arith.constant 0 : i32
      %dma_wait3A_127 = arith.constant 0 : i32
      %dma_wait3A_128 = tpu.memref_slice %arg8[%run_scoped3A_101, %dma_wait3A_126, %dma_wait3A_127] : memref<2x128x128xf32, #tpu.memory_space<vmem>> -> memref<1x128x128xf32, #tpu.memory_space<vmem>>
      %dma_wait3A_129 = tpu.memref_squeeze %dma_wait3A_128 : memref<1x128x128xf32, #tpu.memory_space<vmem>> -> memref<128x128xf32, #tpu.memory_space<vmem>>
      tpu.wait_dma2 semaphore(%run_scoped3A_102 : memref<!tpu.dma_semaphore, #tpu.memory_space<semaphore_mem>>) src(%dma_wait3A_129 : memref<128x128xf32, #tpu.memory_space<vmem>>) dst(%dma_wait3A_125 : memref<128x128xf32, #tpu.memory_space<hbm>>)
      tpu.yield
    }) : () -> ()
    return
  }
}

module attributes {stable_mosaic.version = 14 : i64} {
  func.func @_tc_first(%arg0: memref<10240x128xf32, #tpu.memory_space<vmem>>, %arg1: memref<128x128xf32, #tpu.memory_space<vmem>>, %arg2: memref<32x10240xf32, #tpu.memory_space<vmem>>, %arg3: memref<10240x128xf32, #tpu.memory_space<vmem>>) attributes {dimension_semantics = [], scalar_prefetch = 0 : i64, scratch_operands = 0 : i64, tpu.core_type = #tpu.core_type<tc>} {
    %get3A = arith.constant 0 : index
    %get3A_0 = arith.constant 0 : index
    %get3A_1 = vector.load %arg2[%get3A, %get3A_0] : memref<32x10240xf32, #tpu.memory_space<vmem>>, vector<32x10240xf32>
    %broadcast_in_dim3A = arith.constant 1.000000e+00 : f32
    %broadcast_in_dim3A_2 = vector.broadcast %broadcast_in_dim3A : f32 to vector<32x1xf32>
    %dot_general3A = arith.constant dense<0.000000e+00> : vector<10240x1xf32>
    %dot_general3A_3 = tpu.matmul %get3A_1, %broadcast_in_dim3A_2, %dot_general3A {dimension_numbers = #tpu.dot_dimension_numbers<[0], [0], [1], [1], [0, 1, 1, 1], [], []>, transpose_lhs_hint = false} : vector<32x10240xf32>, vector<32x1xf32>, vector<10240x1xf32> -> vector<10240x1xf32>
    %add3A = arith.constant 1.000000e+00 : f32
    %add3A_4 = vector.broadcast %add3A : f32 to vector<10240x1xf32>
    %add3A_5 = arith.addf %dot_general3A_3, %add3A_4 : vector<10240x1xf32>
    %rsqrt3A = math.rsqrt %add3A_5 : vector<10240x1xf32>
    %get3A_6 = arith.constant 0 : index
    %get3A_7 = arith.constant 0 : index
    %get3A_8 = vector.load %arg0[%get3A_6, %get3A_7] : memref<10240x128xf32, #tpu.memory_space<vmem>>, vector<10240x128xf32>
    %get3A_9 = arith.constant 0 : index
    %get3A_10 = arith.constant 0 : index
    %get3A_11 = vector.load %arg1[%get3A_9, %get3A_10] : memref<128x128xf32, #tpu.memory_space<vmem>>, vector<128x128xf32>
    %dot_general3A_12 = arith.constant dense<0.000000e+00> : vector<10240x128xf32>
    %dot_general3A_13 = tpu.matmul %get3A_8, %get3A_11, %dot_general3A_12 {dimension_numbers = #tpu.dot_dimension_numbers<[1], [0], [0], [1], [0, 0, 1, 1], [], []>, transpose_lhs_hint = false} : vector<10240x128xf32>, vector<128x128xf32>, vector<10240x128xf32> -> vector<10240x128xf32>
    %mul3A = vector.broadcast %rsqrt3A : vector<10240x1xf32> to vector<10240x128xf32>
    %mul3A_14 = arith.mulf %mul3A, %dot_general3A_13 : vector<10240x128xf32>
    %swap3A = arith.constant 0 : index
    %swap3A_15 = arith.constant 0 : index
    %swap3A_16 = vector.load %arg3[%swap3A, %swap3A_15] : memref<10240x128xf32, #tpu.memory_space<vmem>>, vector<10240x128xf32>
    tpu.vector_store %arg3[%swap3A, %swap3A_15], %mul3A_14 {strides = array<i32>} : memref<10240x128xf32, #tpu.memory_space<vmem>>, vector<10240x128xf32>,
    return
  }
}

module attributes {stable_mosaic.version = 14 : i64} {
  func.func @_tc_mid(%arg0: memref<2x10240x128xf32, #tpu.memory_space<vmem>>, %arg1: memref<10240x128xf32, #tpu.memory_space<vmem>>, %arg2: memref<32x10240xf32, #tpu.memory_space<vmem>>, %arg3: memref<128x128xf32, #tpu.memory_space<vmem>>, %arg4: memref<1x128xf32, #tpu.memory_space<vmem>>, %arg5: memref<10240x128xf32, #tpu.memory_space<vmem>>) attributes {dimension_semantics = [], scalar_prefetch = 0 : i64, scratch_operands = 0 : i64, tpu.core_type = #tpu.core_type<tc>} {
    %get3A = arith.constant 0 : index
    %get3A_0 = arith.constant 0 : index
    %get3A_1 = vector.load %arg2[%get3A, %get3A_0] : memref<32x10240xf32, #tpu.memory_space<vmem>>, vector<32x10240xf32>
    %broadcast_in_dim3A = arith.constant 1.000000e+00 : f32
    %broadcast_in_dim3A_2 = vector.broadcast %broadcast_in_dim3A : f32 to vector<32x1xf32>
    %dot_general3A = arith.constant dense<0.000000e+00> : vector<10240x1xf32>
    %dot_general3A_3 = tpu.matmul %get3A_1, %broadcast_in_dim3A_2, %dot_general3A {dimension_numbers = #tpu.dot_dimension_numbers<[0], [0], [1], [1], [0, 1, 1, 1], [], []>, transpose_lhs_hint = false} : vector<32x10240xf32>, vector<32x1xf32>, vector<10240x1xf32> -> vector<10240x1xf32>
    %add3A = arith.constant 1.000000e+00 : f32
    %add3A_4 = vector.broadcast %add3A : f32 to vector<10240x1xf32>
    %add3A_5 = arith.addf %dot_general3A_3, %add3A_4 : vector<10240x1xf32>
    %rsqrt3A = math.rsqrt %add3A_5 : vector<10240x1xf32>
    %get3A_6 = arith.constant 0 : index
    %get3A_7 = arith.constant 0 : index
    %get3A_8 = arith.constant 0 : index
    %get3A_9 = vector.load %arg0[%get3A_6, %get3A_7, %get3A_8] : memref<2x10240x128xf32, #tpu.memory_space<vmem>>, vector<1x10240x128xf32>
    %get3A_10 = vector.shape_cast %get3A_9 : vector<1x10240x128xf32> to vector<10240x128xf32>
    %get3A_11 = arith.constant 1 : index
    %get3A_12 = arith.constant 0 : index
    %get3A_13 = arith.constant 0 : index
    %get3A_14 = vector.load %arg0[%get3A_11, %get3A_12, %get3A_13] : memref<2x10240x128xf32, #tpu.memory_space<vmem>>, vector<1x10240x128xf32>
    %get3A_15 = vector.shape_cast %get3A_14 : vector<1x10240x128xf32> to vector<10240x128xf32>
    %add3A_16 = arith.addf %get3A_10, %get3A_15 : vector<10240x128xf32>
    %get3A_17 = arith.constant 0 : index
    %get3A_18 = arith.constant 0 : index
    %get3A_19 = vector.load %arg1[%get3A_17, %get3A_18] : memref<10240x128xf32, #tpu.memory_space<vmem>>, vector<10240x128xf32>
    %add3A_20 = arith.addf %add3A_16, %get3A_19 : vector<10240x128xf32>
    %mul3A = vector.broadcast %rsqrt3A : vector<10240x1xf32> to vector<10240x128xf32>
    %mul3A_21 = arith.mulf %mul3A, %add3A_20 : vector<10240x128xf32>
    %get3A_22 = arith.constant 0 : index
    %get3A_23 = arith.constant 0 : index
    %get3A_24 = vector.load %arg4[%get3A_22, %get3A_23] : memref<1x128xf32, #tpu.memory_space<vmem>>, vector<1x128xf32>
    %add3A_25 = vector.broadcast %get3A_24 : vector<1x128xf32> to vector<10240x128xf32>
    %add3A_26 = arith.addf %mul3A_21, %add3A_25 : vector<10240x128xf32>
    %max3A = arith.constant 0.000000e+00 : f32
    %max3A_27 = vector.broadcast %max3A : f32 to vector<10240x128xf32>
    %max3A_28 = arith.maximumf %add3A_26, %max3A_27 : vector<10240x128xf32>
    %get3A_29 = arith.constant 0 : index
    %get3A_30 = arith.constant 0 : index
    %get3A_31 = vector.load %arg3[%get3A_29, %get3A_30] : memref<128x128xf32, #tpu.memory_space<vmem>>, vector<128x128xf32>
    %dot_general3A_32 = arith.constant dense<0.000000e+00> : vector<10240x128xf32>
    %dot_general3A_33 = tpu.matmul %max3A_28, %get3A_31, %dot_general3A_32 {dimension_numbers = #tpu.dot_dimension_numbers<[1], [0], [0], [1], [0, 0, 1, 1], [], []>, transpose_lhs_hint = false} : vector<10240x128xf32>, vector<128x128xf32>, vector<10240x128xf32> -> vector<10240x128xf32>
    %mul3A_34 = vector.broadcast %rsqrt3A : vector<10240x1xf32> to vector<10240x128xf32>
    %mul3A_35 = arith.mulf %mul3A_34, %dot_general3A_33 : vector<10240x128xf32>
    %swap3A = arith.constant 0 : index
    %swap3A_36 = arith.constant 0 : index
    %swap3A_37 = vector.load %arg5[%swap3A, %swap3A_36] : memref<10240x128xf32, #tpu.memory_space<vmem>>, vector<10240x128xf32>
    tpu.vector_store %arg5[%swap3A, %swap3A_36], %mul3A_35 {strides = array<i32>} : memref<10240x128xf32, #tpu.memory_space<vmem>>, vector<10240x128xf32>,
    return
  }
}

module attributes {stable_mosaic.version = 14 : i64} {
  func.func @_tc_last(%arg0: memref<2x10240x128xf32, #tpu.memory_space<vmem>>, %arg1: memref<10240x128xf32, #tpu.memory_space<vmem>>, %arg2: memref<32x10240xf32, #tpu.memory_space<vmem>>, %arg3: memref<1x128xf32, #tpu.memory_space<vmem>>, %arg4: memref<10240x128xf32, #tpu.memory_space<vmem>>) attributes {dimension_semantics = [], scalar_prefetch = 0 : i64, scratch_operands = 0 : i64, tpu.core_type = #tpu.core_type<tc>} {
    %get3A = arith.constant 0 : index
    %get3A_0 = arith.constant 0 : index
    %get3A_1 = vector.load %arg2[%get3A, %get3A_0] : memref<32x10240xf32, #tpu.memory_space<vmem>>, vector<32x10240xf32>
    %broadcast_in_dim3A = arith.constant 1.000000e+00 : f32
    %broadcast_in_dim3A_2 = vector.broadcast %broadcast_in_dim3A : f32 to vector<32x1xf32>
    %dot_general3A = arith.constant dense<0.000000e+00> : vector<10240x1xf32>
    %dot_general3A_3 = tpu.matmul %get3A_1, %broadcast_in_dim3A_2, %dot_general3A {dimension_numbers = #tpu.dot_dimension_numbers<[0], [0], [1], [1], [0, 1, 1, 1], [], []>, transpose_lhs_hint = false} : vector<32x10240xf32>, vector<32x1xf32>, vector<10240x1xf32> -> vector<10240x1xf32>
    %add3A = arith.constant 1.000000e+00 : f32
    %add3A_4 = vector.broadcast %add3A : f32 to vector<10240x1xf32>
    %add3A_5 = arith.addf %dot_general3A_3, %add3A_4 : vector<10240x1xf32>
    %rsqrt3A = math.rsqrt %add3A_5 : vector<10240x1xf32>
    %get3A_6 = arith.constant 0 : index
    %get3A_7 = arith.constant 0 : index
    %get3A_8 = arith.constant 0 : index
    %get3A_9 = vector.load %arg0[%get3A_6, %get3A_7, %get3A_8] : memref<2x10240x128xf32, #tpu.memory_space<vmem>>, vector<1x10240x128xf32>
    %get3A_10 = vector.shape_cast %get3A_9 : vector<1x10240x128xf32> to vector<10240x128xf32>
    %get3A_11 = arith.constant 1 : index
    %get3A_12 = arith.constant 0 : index
    %get3A_13 = arith.constant 0 : index
    %get3A_14 = vector.load %arg0[%get3A_11, %get3A_12, %get3A_13] : memref<2x10240x128xf32, #tpu.memory_space<vmem>>, vector<1x10240x128xf32>
    %get3A_15 = vector.shape_cast %get3A_14 : vector<1x10240x128xf32> to vector<10240x128xf32>
    %add3A_16 = arith.addf %get3A_10, %get3A_15 : vector<10240x128xf32>
    %get3A_17 = arith.constant 0 : index
    %get3A_18 = arith.constant 0 : index
    %get3A_19 = vector.load %arg1[%get3A_17, %get3A_18] : memref<10240x128xf32, #tpu.memory_space<vmem>>, vector<10240x128xf32>
    %add3A_20 = arith.addf %add3A_16, %get3A_19 : vector<10240x128xf32>
    %mul3A = vector.broadcast %rsqrt3A : vector<10240x1xf32> to vector<10240x128xf32>
    %mul3A_21 = arith.mulf %mul3A, %add3A_20 : vector<10240x128xf32>
    %get3A_22 = arith.constant 0 : index
    %get3A_23 = arith.constant 0 : index
    %get3A_24 = vector.load %arg3[%get3A_22, %get3A_23] : memref<1x128xf32, #tpu.memory_space<vmem>>, vector<1x128xf32>
    %add3A_25 = vector.broadcast %get3A_24 : vector<1x128xf32> to vector<10240x128xf32>
    %add3A_26 = arith.addf %mul3A_21, %add3A_25 : vector<10240x128xf32>
    %swap3A = arith.constant 0 : index
    %swap3A_27 = arith.constant 0 : index
    %swap3A_28 = vector.load %arg4[%swap3A, %swap3A_27] : memref<10240x128xf32, #tpu.memory_space<vmem>>, vector<10240x128xf32>
    tpu.vector_store %arg4[%swap3A, %swap3A_27], %add3A_26 {strides = array<i32>} : memref<10240x128xf32, #tpu.memory_space<vmem>>, vector<10240x128xf32>,
    return
  }
}

</mosaic_0001>

<sc_bundles>
// kernel: kernel.11.cloned.1.call-start
scs
__scs_entry_jumppad:
0x0: {  	(pc) =	sbr.rel $0x88, $3  }
0x1: {  	(tag) =	ssettag $0x0;
	lr =	simm.s32 $0x1  }
0x2: {  	[smem:$0x3F9B] =	sst lr;
	_ =	strace $0xD0000000  }
0x3: {  	_ = 	snop  }
0x4: {  	_ = 	snop  }
0x5: {  	_ = 	snop  }
0x6: {  	_ = 	snop  }
0x7: {  	_ = 	snop  }
__scs_overlays_trampoline_lowered:
0x8: {  	[smem:$0x3FAA] =	sst s0  }
0x9: {  	[smem:$0x3FAB] =	sst s1  }
0xa: {  	[smem:$0x3FAC] =	sst s2  }
0xb: {  	[smem:$0x3FAD] =	sst s3  }
0xc: {  	[smem:$0x3FAE] =	sst s4  }
0xd: {  	[smem:$0x3FAF] =	sst s5  }
0xe: {  	[smem:$0x3FB0] =	sst s6  }
0xf: {  	[smem:$0x3FB1] =	sst s7  }
0x10: {  	[smem:$0x3FB2] =	sst s8  }
0x11: {  	[smem:$0x3FB3] =	sst s9;
	s0 =	simm.s32 @!p0 $0x0  }
0x12: {  	s1 =	sld [smem:$0x3F99];
	s0 =	simm.s32 @p0 $0x1  }
0x13: {  	[smem:$0x3FB4] =	sst s0;
	s0 =	simm.s32 @!p1 $0x0  }
0x14: {  	s2 =	sld [smem:$0x3F98];
	s0 =	simm.s32 @p1 $0x1  }
0x15: {  	[smem:$0x3FB5] =	sst s0;
	s0 =	simm.s32 @!p2 $0x0  }
0x16: {  	s3 =	sld [smem:$0x3FDB];
	s0 =	simm.s32 @p2 $0x1  }
0x17: {  	s4 =	simm.s32 $0x1BF5;
	[smem:$0x3FB7] =	sst s0  }
0x18: {  	s0 =	sld [smem:$0x3F9A];
	_ =	swait.ge [sflag:s4], $0x0  }
0x19: {  	s7 =	sld [smem:$0x3F9B]  }
0x1a: {  	s8 =	sadd.s32 $0xFFFFE003, lr  }
0x1b: {  	s9 =	sadd.s32 $0xFFFFFEF7, lr;
	s5 =	simm.s32 $0xFFFFFFFF;
	p2 =	slt.u32 s8, $0xFFFFF086  }
0x1c: {  	p1 =	slt.u32 s9, $0xF7A;
	s5 =	simm.s32 @!p2 $0x0  }
0x1d: {  	s5 =	simm.s32 @p1 $0x1;
	p0 =	seq.s32 s7, s2  }
0x1e: {  	s7 =	smul.u32 @!p0 $0xF7A, s2;
	p2 =	seq.s32 @!p0 s5, $0x0  }
0x1f: {  	s9 =	smul.u32 $0xF7A, s1;
	s8 =	simm.s32 @!p0 $0x1BF5;
	p2 =	por !p2, p0  }
0x20: {  	[sflag:s8] =	ssyncset.s32 @!p0 $0xFFFFF086;
	s6 =	sadd.s32 @!p0 s3, s7;
	s7 =	simm.s32 @!p0 $0x108  }
0x21: {  	s3 =	sadd.s32 s3, s9;
	s6 =	sadd.s32 @!p0 $0x88, s6;
	s7 =	simm.s32 @p2 $0x1082  }
0x22: {  	[simem:s7], [sflag:s8] =	dma.local @!p0 [hbm:s6], $0xF7A  }
0x23: {  	s9 =	sor.u32 $0xD0000000, s2;
	s6 =	simm.s32 $0x108;
	_ =	swait.ge @!p0 [sflag:s8], $0x0  }
0x24: {  	s3 =	sadd.s32 $0x88, s3;
	s6 =	simm.s32 @!p1 $0x1082;
	[sflag:s4] =	ssyncset.s32 $0xFFFFF086  }
0x25: {  	[simem:s6], [sflag:s4] =	dma.local [hbm:s3], $0xF7A  }
0x26: {  	[smem:$0x3F9B] =	sst s1;
	(tag) =	ssettag s2;
	_ =	strace s9  }
0x27: {  	s1 =	sld [smem:$0x3FAB]  }
0x28: {  	s2 =	sld [smem:$0x3FAC]  }
0x29: {  	s4 =	sld [smem:$0x3FAE]  }
0x2a: {  	p0 =	seq.s32 s5, $0x0;
	s5 =	sld [smem:$0x3FAF]  }
0x2b: {  	s6 =	sld [smem:$0x3FB0]  }
0x2c: {  	s7 =	sld [smem:$0x3FB1]  }
0x2d: {  	s3 =	simm.s32 $0x108;
	s8 =	sld [smem:$0x3FB2]  }
0x2e: {  	s3 =	simm.s32 @!p0 $0x1082;
	s9 =	sld [smem:$0x3FB3]  }
0x2f: {  	lr =	sadd.s32 s0, s3;
	s0 =	sld [smem:$0x3FAA]  }
0x30: {  	s3 =	sld [smem:$0x3FAD]  }
0x31: {  	[smem:$0x3FB6] =	sst s10  }
0x32: {  	s10 =	sld [smem:$0x3FB4];
	_ =	sdelay $0x3  }
0x33: {  	p0 =	seq.s32 s10, $0x1;
	s10 =	sld [smem:$0x3FB6];
	_ =	sdelay $0x3  }
0x34: {  	[smem:$0x3FB6] =	sst s10  }
0x35: {  	s10 =	sld [smem:$0x3FB5];
	_ =	sdelay $0x3  }
0x36: {  	p1 =	seq.s32 s10, $0x1;
	s10 =	sld [smem:$0x3FB6];
	_ =	sdelay $0x3  }
0x37: {  	[smem:$0x3FB6] =	sst s10  }
0x38: {  	s10 =	sld [smem:$0x3FB7]  }
0x39: {  	_ = 	snop;
	(pc) =	sbr.ind lr, $3  }
0x3a: {  	_ = 	snop  }
0x3b: {  	_ = 	snop  }
0x3c: {  	p2 =	seq.s32 s10, $0x1;
	s10 =	sld [smem:$0x3FB6]  }
0x3d: {  	_ =	shalt  }
0x3e: {  	_ =	shalt  }
0x3f: {  	_ =	shalt  }
0x40: {  	_ =	shalt  }
0x41: {  	_ =	shalt  }
0x42: {  	_ =	shalt  }
0x43: {  	_ =	shalt  }
0x44: {  	_ =	shalt  }
0x45: {  	_ =	shalt  }
0x46: {  	_ =	shalt  }
0x47: {  	_ =	shalt  }
0x48: {  	_ =	shalt  }
0x49: {  	_ =	shalt  }
0x4a: {  	_ =	shalt  }
0x4b: {  	_ =	shalt  }
0x4c: {  	_ =	shalt  }
0x4d: {  	_ =	shalt  }
0x4e: {  	_ =	shalt  }
0x4f: {  	_ =	shalt  }
0x50: {  	_ =	shalt  }
0x51: {  	_ =	shalt  }
0x52: {  	_ =	shalt  }
0x53: {  	_ =	shalt  }
0x54: {  	_ =	shalt  }
0x55: {  	_ =	shalt  }
0x56: {  	_ =	shalt  }
0x57: {  	_ =	shalt  }
0x58: {  	_ =	shalt  }
0x59: {  	_ =	shalt  }
0x5a: {  	_ =	shalt  }
0x5b: {  	_ =	shalt  }
0x5c: {  	_ =	shalt  }
0x5d: {  	_ =	shalt  }
0x5e: {  	_ =	shalt  }
0x5f: {  	_ =	shalt  }
0x60: {  	_ =	shalt  }
0x61: {  	_ =	shalt  }
0x62: {  	_ =	shalt  }
0x63: {  	_ =	shalt  }
0x64: {  	_ =	shalt  }
0x65: {  	_ =	shalt  }
0x66: {  	_ =	shalt  }
0x67: {  	_ =	shalt  }
0x68: {  	_ =	shalt  }
0x69: {  	_ =	shalt  }
0x6a: {  	_ =	shalt  }
0x6b: {  	_ =	shalt  }
0x6c: {  	_ =	shalt  }
0x6d: {  	_ =	shalt  }
0x6e: {  	_ =	shalt  }
0x6f: {  	_ =	shalt  }
0x70: {  	_ =	shalt  }
0x71: {  	_ =	shalt  }
0x72: {  	_ =	shalt  }
0x73: {  	_ =	shalt  }
0x74: {  	_ =	shalt  }
0x75: {  	_ =	shalt  }
0x76: {  	_ =	shalt  }
0x77: {  	_ =	shalt  }
0x78: {  	_ =	shalt  }
0x79: {  	_ =	shalt  }
0x7a: {  	_ =	shalt  }
0x7b: {  	_ =	shalt  }
0x7c: {  	_ =	shalt  }
0x7d: {  	_ =	shalt  }
0x7e: {  	_ =	shalt  }
0x7f: {  	_ =	shalt  }
0x80: {  	_ =	shalt  }
0x81: {  	_ =	shalt  }
0x82: {  	_ =	shalt  }
0x83: {  	_ =	shalt  }
0x84: {  	_ =	shalt  }
0x85: {  	_ =	shalt  }
0x86: {  	_ =	shalt  }
0x87: {  	_ =	shalt  }
.Lfunc_end0:
.L_simem_size_0:
called_computation.1_lowered:
.L_overlay_start_0:
0x88: {  	s2 =	sld [smem:$0x3FD9]  }
0x89: {  	s3 =	sld [smem:$0x3FFE];
	_ =	sdelay $0x1  }
0x8a: {  	s1 =	srdreg.scid  }
0x8b: {  	s0 =	sand.u32 $0x1, s1  }
0x8c: {  	s17 =	sshll.u32 s0, $0xA;
	s2 =	sadd.s32 s3, s2  }
0x8d: {  	s2 =	sadd.s32 s2, s17  }
0x8e: {  	[smem:$0x3FC2] =	sst s2  }
0x8f: {  	_ = 	snop  }
0x90: {  	s2 =	sld [smem:$0x3FD0];
	(tm) =	ssettm $0x1  }
0x91: {  	s18 =	sld [smem:$0x3FFB];
	_ =	sdelay $0x3  }
0x92: {  	_ =	strace s18  }
0x93: {  	s3 =	sld [smem:$0x3FFC];
	_ =	sdelay $0x3  }
0x94: {  	_ =	strace s3  }
0x95: {  	s3 =	sld [smem:$0x3FFD];
	_ =	sdelay $0x3  }
0x96: {  	_ =	strace s3  }
0x97: {  	_ =	strace $0x8FFFFFFF  }
0x98: {  	s19 =	sld [smem:$0x3FDB];
	_ =	sdelay $0x1  }
0x99: {  	s4 =	simm.s32 $_scs_section_size  }
0x9a: {  	s5 =	simm.s32 $_size__tile_overlayer_lowered;
	s6 =	simm.s32 $_tile_overlayer_lowered  }
0x9b: {  	s22 =	simm.s32 $0x1BFF;
	s21 =	sshll.u32 s6, $0x1;
	s3 =	sadd.s32 s4, s19  }
0x9c: {  	s7 =	simm.s32 $0x0;
	s20 =	sshll.u32 s5, $0x1;
	s5 =	sadd.s32 s21, s3  }
0x9d: {  	[timem:s7], [sflag:s22] =	dma.local [hbm:s5], s20  }
0x9e: {  	_ =	swait.ge [sflag:s22], s20  }
0x9f: {  	s4 =	ssub.s32 $0x0, s20;
	[sflag:s22] =	ssyncset.done $0x0  }
0xa0: {  	[sflag:s22] =	ssyncadd.s32 s4;
	_ =	sdelay $0x1  }
0xa1: {  	s23 =	simm.s32 $0x1B8B  }
0xa2: {  	_ =	swait.ge [sflag:s23], $0x1  }
0xa3: {  	[sflag:s23] =	ssyncset.done $0x0  }
0xa4: {  	s25 =	simm.s32 $0x1B8E;
	s24 =	sld [smem:$0x3FFE];
	[sflag:s23] =	ssyncadd.s32 $0xFFFFFFFF  }
0xa5: {  	s26 =	simm.s32 $execute0_lowered;
	[smem:$0x3FD2] =	sst s25  }
0xa6: {  	s5 =	sshll.u32 s26, $0x1;
	_ =	strace $0x80000049;
	[dreg:$0x1] =	wrdreg $0xFFFFFFFF  }
0xa7: {  	s28 =	simm.s32 $_size_execute0_lowered;
	s3 =	sadd.s32 s3, s5;
	[dreg:$0x0] =	wrdreg $0x0  }
0xa8: {  	s5 =	sshll.u32 s28, $0x1;
	[dreg:$0x2] =	wrdreg s3  }
0xa9: {  	[dreg:$0x3] =	wrdreg s5  }
0xaa: {  	[dreg:$0x4] =	wrdreg $0xC0  }
0xab: {  	_ =	task [dreg:s7], $0x5FFFF  }
0xac: {  	[dreg:$0x1] =	wrdreg $0xFFFFFFFF  }
0xad: {  	[dreg:$0x0] =	wrdreg $0x60  }
0xae: {  	[dreg:$0x2] =	wrdreg s24  }
0xaf: {  	[dreg:$0x3] =	wrdreg s2  }
0xb0: {  	[dreg:$0x4] =	wrdreg $0xB0000  }
0xb1: {  	[dreg:$0x5] =	wrdreg $0x9  }
0xb2: {  	_ =	task.clear_ibuf [dreg:s7], $0x6FFFF;
	_ =	strace $0x90000049  }
0xb3: {  	s29 =	simm.s32 $0x9;
	_ =	strace $0x8000004B  }
0xb4: {  	_ =	swait.ge [sflag:s29], $0x1  }
0xb5: {  	[sflag:s29] =	ssyncadd.s32 $0xFFFFFFFF  }
0xb6: {  	_ =	strace $0x9000004B  }
0xb7: {  	_ =	sfence  }
0xb8: {  	s30 =	sld [smem:$0x0];
	_ =	sdelay $0x2  }
0xb9: {  	s31 =	sshll.u32 s1, $0xD;
	s1 =	sshrl.u32 s1, $0x2  }
0xba: {  	s3 =	sand.u32 $0x4000, s31;
	s1 =	sadd.s32 s1, s30  }
0xbb: {  	s0 =	sor.u32 s3, s0;
	s1 =	sshll.u32 s1, $0x11  }
0xbc: {  	s0 =	sor.u32 s1, s0  }
0xbd: {  	s0 =	sadd.s32 $0x8F2B, s0  }
0xbe: {  	[sflag:s0] =	ssyncadd.remote.s32 $0x1  }
0xbf: {  	_ =	sfence.sel $0xFFFF  }
0xc0: {  	[dreg:$0x0] =	wrdreg $0xFFFFFFFF;
	(pc) =	sbr.abs _section_cstart, $3  }
0xc1: {  	[dreg:$0x1] =	wrdreg $0xFFFFFFFF  }
0xc2: {  	_ =	task.clear_ibuf [dreg:s7], $0x2FFFF;
	_ =	strace $0x9FFFFFFF  }
0xc3: {  	(tm) =	ssettm $0x7FFFFFFF  }
tec
execute0_lowered:
.L_overlay_start_1:
0x0: {  	(tag) =	ssettag $0x1  }
0x1: {  	s0 =	rddreg [dreg:$0x0]  }
0x2: {  	s2 =	rddreg [dreg:$0x1];
	s1 =	srdreg.scid  }
0x3: {  	s20 =	stileid.u32;
	s3 =	rddreg [dreg:$0x2];
	s4 =	simm.s32 $0x0  }
0x4: {  	s28 =	simm.s32 $0x1;
	s29 =	simm.s32 $0x7000;
	s22 =	smul.u32 $0x50000, s20  }
0x5: {  	s30 =	simm.s32 $0x2;
	s1 =	sand.u32 $0x1, s1;
	s13 =	smul.u32 $0x14000, s20  }
0x6: {  	s5 =	sshll.u32 s20, $0x1;
	[smem:$0x7FF] =	sst s4;
	s18 =	smul.u32 $0x140000, s1  }
0x7: {  	s5 =	sor.u32 s1, s5;
	s7 =	ssub.s32 $0x2, s1;
	s1 =	smul.u32 $0x2800, s1  }
0x8: {  	s31 =	simm.s32 $0x0;
	_ =	strace $0x8000004A;
	s6 =	smul.u32 $0x2800, s5  }
0x9: {  	s5 =	sadd.s32 $0xCA00, s0;
	s8 =	sshrl.u32 s7, $0x1;
	s15 =	sadd.s32 $0x4000, s13  }
0xa: {  	s16 =	sadd.s32 $0x8000, s13;
	s17 =	sadd.s32 $0xC000, s13;
	s19 =	sadd.s32 $0x10000, s13  }
0xb: {  	s14 =	ssub.s32 s7, s8;
	s7 =	sadd.s32 s15, s3;
	s8 =	sadd.s32 s16, s3  }
0xc: {  	s9 =	sadd.s32 s17, s3;
	s10 =	sadd.s32 s19, s3;
	s13 =	sadd.s32 s13, s18  }
0xd: {  	s25 =	sadd.s32 s18, s15;
	s26 =	sadd.s32 s18, s16;
	s15 =	sadd.s32 s18, s17  }
0xe: {  	s16 =	smul.u32 $0x5000, s20;
	s20 =	simm.s32 $0x480;
	s11 =	sshrl.u32 s6, $0x3  }
0xf: {  	s17 =	sshrl.u32 s26, $0x3;
	s26 =	simm.s32 $0x200;
	[dreg:$0xa] =	wrdreg s20  }
0x10: {  	s21 =	sshrl.u32 s15, $0x3;
	s15 =	simm.s32 $0x280;
	[dreg:$0x6] =	wrdreg s26  }
0x11: {  	s12 =	sadd.s32 s11, s0;
	[dreg:$0x7] =	wrdreg s15;
	s26 =	simm.s32 $0x780  }
0x12: {  	s0 =	sadd.s32 $0x34A00, s0;
	s12 =	sadd.s32 $0x2A00, s12;
	[dreg:$0x10] =	wrdreg s26  }
0x13: {  	s6 =	sshrl.u32 s22, $0x2;
	s22 =	sadd.s32 s0, s21;
	[dreg:$0x11] =	wrdreg s12  }
0x14: {  	s23 =	sshrl.u32 s13, $0x3;
	s21 =	simm.s32 $0x500;
	[dreg:$0x16] =	wrdreg s22  }
0x15: {  	s12 =	sadd.s32 s2, s11;
	s11 =	sadd.s32 s0, s23;
	[dreg:$0xb] =	wrdreg s21  }
0x16: {  	s6 =	sadd.s32 s6, s3;
	s23 =	simm.s32 $0x100;
	[dreg:$0x13] =	wrdreg s11  }
0x17: {  	s1 =	sadd.s32 s1, s16;
	s22 =	simm.s32 $0x580;
	[dreg:$0x4] =	wrdreg s23  }
0x18: {  	s26 =	simm.s32 $0x400;
	s24 =	sadd.s32 $0x80, s12;
	[dreg:$0xc] =	wrdreg s22  }
0x19: {  	s11 =	sshrl.u32 s25, $0x3;
	s25 =	simm.s32 $0x180;
	[dreg:$0x12] =	wrdreg s24  }
0x1a: {  	s21 =	sadd.s32 $0x800, s1;
	s23 =	simm.s32 $0x600;
	[dreg:$0x5] =	wrdreg s25  }
0x1b: {  	s22 =	simm.s32 $0x3000;
	s11 =	sadd.s32 s0, s11;
	[dreg:$0xd] =	wrdreg s23  }
0x1c: {  	s24 =	sadd.s32 s18, s19;
	s18 =	simm.s32 $0x380;
	[dreg:$0x14] =	wrdreg s11  }
0x1d: {  	s19 =	smax.u32 s14, $0x1;
	s25 =	simm.s32 $0x700;
	[dreg:$0x9] =	wrdreg s18  }
0x1e: {  	s23 =	simm.s32 $0x3;
	s11 =	sadd.s32 s0, s17;
	[dreg:$0xf] =	wrdreg s25  }
0x1f: {  	s13 =	sshrl.u32 s24, $0x3;
	s17 =	simm.s32 $0x300;
	[dreg:$0x15] =	wrdreg s11  }
0x20: {  	s24 =	simm.s32 $0x680;
	[dreg:$0x8] =	wrdreg s17;
	s11 =	sadd.s32 $0xC00, s1  }
0x21: {  	s0 =	sadd.s32 s0, s13;
	[dreg:$0xe] =	wrdreg s24;
	s11 =	sshrl.u32 s11, $0x3  }
0x22: {  	v0 =	vimm.f32 $0.0e+00;
	s25 =	simm.s32 $0x80;
	[dreg:$0x17] =	wrdreg s0;
	s11 =	sadd.s32 s11, s2  }
.LBB2_1:
0x23: {  	s0 =	sand.u32 $0xFE00, s4  }
0x24: {  	s1 =	sand.u32 $0x70, s4;
	s13 =	sshrl.u32 s0, $0x2  }
0x25: {  	s0 =	simm.s32 $0x40;
	s13 =	sor.u32 s1, s13;
	s1 =	simm.s32 $0x0  }
.LBB2_2:
0x26: {  	p0 =	sne.s32 s0, $0xFFC0  }
0x27: {  	[tilespmem:s13+$0x3000] =	vst v0;
	s1 =	sadd.s32 $0x10, s1;
	s13 =	smov.u32 s0;
	s0 =	sadd.s32 $0x40, s0  }
.Ltmp0:
0x28: {  	(pc) =	sbr.rel @p0 .LBB2_2-.Ltmp0, $4  }
0x29: {  	_ = 	snop  }
0x2a: {  	s13 =	sand.u32 $0xFE00, s13  }
0x2b: {  	s14 =	sand.u32 $0x70, s1;
	s13 =	sshrl.u32 s13, $0x2  }
0x2c: {  	s13 =	sor.u32 s14, s13  }
0x2d: {  	[tilespmem:s13+$0x3000] =	vst v0  }
0x2e: {  	[spmem:s6] =	stream.linear.scatter [tilespmem:s22], [sflag:$0x3], $0x4000, $0x38;
	[tilespmem:$0x1F000] =	vst v63  }
0x2f: {  	_ =	swait.ge [sflag:s23], $0x4000  }
0x30: {  	[sflag:s23] =	ssyncset.done $0x0  }
0x31: {  	[sflag:s23] =	ssyncadd.s32 $0xFFFFC000  }
0x32: {  	[spmem:s7] =	stream.linear.scatter [tilespmem:s22], [sflag:$0x3], $0x4000, $0x38;
	[tilespmem:$0x1F000] =	vst v63  }
0x33: {  	_ =	swait.ge [sflag:s23], $0x4000  }
0x34: {  	[sflag:s23] =	ssyncset.done $0x0  }
0x35: {  	[sflag:s23] =	ssyncadd.s32 $0xFFFFC000  }
0x36: {  	[spmem:s8] =	stream.linear.scatter [tilespmem:s22], [sflag:$0x3], $0x4000, $0x38;
	[tilespmem:$0x1F000] =	vst v63  }
0x37: {  	_ =	swait.ge [sflag:s23], $0x4000  }
0x38: {  	[sflag:s23] =	ssyncset.done $0x0  }
0x39: {  	[sflag:s23] =	ssyncadd.s32 $0xFFFFC000  }
0x3a: {  	[spmem:s9] =	stream.linear.scatter [tilespmem:s22], [sflag:$0x3], $0x4000, $0x38;
	[tilespmem:$0x1F000] =	vst v63  }
0x3b: {  	_ =	swait.ge [sflag:s23], $0x4000  }
0x3c: {  	[sflag:s23] =	ssyncset.done $0x0  }
0x3d: {  	[sflag:s23] =	ssyncadd.s32 $0xFFFFC000  }
0x3e: {  	[spmem:s10] =	stream.linear.scatter [tilespmem:s22], [sflag:$0x3], $0x4000, $0x38;
	[tilespmem:$0x1F000] =	vst v63  }
0x3f: {  	_ =	swait.ge [sflag:s23], $0x4000  }
0x40: {  	[sflag:s23] =	ssyncset.done $0x0  }
0x41: {  	[sflag:s23] =	ssyncadd.s32 $0xFFFFC000  }
0x42: {  	[bflag:$0x0] =	sbarrier.arrive $0xFFFF  }
0x43: {  	s0 =	simm.s32 $0x0;
	s16 =	simm.s32 $0x800;
	s1 =	rddreg [dreg:$0x11]  }
0x44: {  	[tilespmem:s16], [sflag:$0x3] =	stream.linear.gather [hbm4b:s1+s0], $0x2800, $0x38;
	[tilespmem:$0x1F000] =	vst v63  }
0x45: {  	_ =	swait.ge [sflag:s23], $0x2800  }
0x46: {  	[sflag:s23] =	ssyncset.done $0x0  }
0x47: {  	[sflag:s23] =	ssyncadd.s32 $0xFFFFD800  }
0x48: {  	[tilespmem:s0], [sflag:$0x3] =	stream.linear.gather [hbm4b:s12+s0], $0x400, $0x38;
	[tilespmem:$0x1F000] =	vst v63  }
0x49: {  	_ =	swait.ge [sflag:s23], $0x400  }
0x4a: {  	[sflag:s23] =	ssyncset.done $0x0  }
0x4b: {  	[sflag:s23] =	ssyncadd.s32 $0xFFFFFC00  }
0x4c: {  	[tilespmem:s22], [sflag:$0x1] =	stream.indirect.gather [hbm4b:s5+s25], $0x80, s0, s25, $0xb8;
	[tilespmem:$0x1F000] =	vst v63  }
0x4d: {  	s17 =	rddreg [dreg:$0x12]  }
0x4e: {  	[tilespmem:s26], [sflag:$0x2] =	stream.linear.gather [hbm4b:s17+s0], $0x400, $0x38;
	[tilespmem:$0x1F000] =	vst v63  }
0x4f: {  	_ =	swait.ge [sflag:s28], $0x4000  }
0x50: {  	[sflag:s28] =	ssyncset.done $0x0  }
0x51: {  	[sflag:s28] =	ssyncadd.s32 $0xFFFFC000  }
0x52: {  	[tilespmem:s29], [sflag:$0x1] =	stream.indirect.gather [hbm4b:s5+s25], $0x80, s25, s25, $0xb8;
	[tilespmem:$0x1F000] =	vst v63  }
0x53: {  	s18 =	simm.s32 $0x800  }
0x54: {  	[spmem:s3] =	stream.indirect.scatter.add.f32 [tilespmem:s22], [sflag:$0x3], $0x80, s18, s25, $0xb8;
	[tilespmem:$0x1F000] =	vst v63  }
0x55: {  	_ =	swait.ge [sflag:s23], $0x4000  }
0x56: {  	[sflag:s23] =	ssyncset.done $0x0  }
0x57: {  	[sflag:s23] =	ssyncadd.s32 $0xFFFFC000  }
0x58: {  	_ =	swait.ge [sflag:s28], $0x4000  }
0x59: {  	[sflag:s28] =	ssyncset.done $0x0  }
0x5a: {  	s20 =	rddreg [dreg:$0x4];
	[sflag:s28] =	ssyncadd.s32 $0xFFFFC000  }
0x5b: {  	[tilespmem:s22], [sflag:$0x1] =	stream.indirect.gather [hbm4b:s5+s25], $0x80, s20, s25, $0xb8;
	[tilespmem:$0x1F000] =	vst v63  }
0x5c: {  	s24 =	simm.s32 $0x880  }
0x5d: {  	[spmem:s3] =	stream.indirect.scatter.add.f32 [tilespmem:s29], [sflag:$0x3], $0x80, s24, s25, $0xb8;
	[tilespmem:$0x1F000] =	vst v63  }
0x5e: {  	_ =	swait.ge [sflag:s23], $0x4000  }
0x5f: {  	[sflag:s23] =	ssyncset.done $0x0  }
0x60: {  	[sflag:s23] =	ssyncadd.s32 $0xFFFFC000  }
0x61: {  	_ =	swait.ge [sflag:s28], $0x4000  }
0x62: {  	[sflag:s28] =	ssyncset.done $0x0  }
0x63: {  	s1 =	rddreg [dreg:$0x5];
	[sflag:s28] =	ssyncadd.s32 $0xFFFFC000  }
0x64: {  	[tilespmem:s29], [sflag:$0x1] =	stream.indirect.gather [hbm4b:s5+s25], $0x80, s1, s25, $0xb8;
	[tilespmem:$0x1F000] =	vst v63  }
0x65: {  	s13 =	simm.s32 $0x900  }
0x66: {  	[spmem:s3] =	stream.indirect.scatter.add.f32 [tilespmem:s22], [sflag:$0x3], $0x80, s13, s25, $0xb8;
	[tilespmem:$0x1F000] =	vst v63  }
0x67: {  	_ =	swait.ge [sflag:s23], $0x4000  }
0x68: {  	[sflag:s23] =	ssyncset.done $0x0  }
0x69: {  	[sflag:s23] =	ssyncadd.s32 $0xFFFFC000  }
0x6a: {  	_ =	swait.ge [sflag:s28], $0x4000  }
0x6b: {  	[sflag:s28] =	ssyncset.done $0x0  }
0x6c: {  	s14 =	rddreg [dreg:$0x6];
	[sflag:s28] =	ssyncadd.s32 $0xFFFFC000  }
0x6d: {  	[tilespmem:s22], [sflag:$0x1] =	stream.indirect.gather [hbm4b:s5+s25], $0x80, s14, s25, $0xb8;
	[tilespmem:$0x1F000] =	vst v63  }
0x6e: {  	s15 =	simm.s32 $0x980  }
0x6f: {  	[spmem:s3] =	stream.indirect.scatter.add.f32 [tilespmem:s29], [sflag:$0x3], $0x80, s15, s25, $0xb8;
	[tilespmem:$0x1F000] =	vst v63  }
0x70: {  	_ =	swait.ge [sflag:s23], $0x4000  }
0x71: {  	[sflag:s23] =	ssyncset.done $0x0  }
0x72: {  	[sflag:s23] =	ssyncadd.s32 $0xFFFFC000  }
0x73: {  	_ =	swait.ge [sflag:s28], $0x4000  }
0x74: {  	[sflag:s28] =	ssyncset.done $0x0  }
0x75: {  	s16 =	rddreg [dreg:$0x7];
	[sflag:s28] =	ssyncadd.s32 $0xFFFFC000  }
0x76: {  	[tilespmem:s29], [sflag:$0x1] =	stream.indirect.gather [hbm4b:s5+s25], $0x80, s16, s25, $0xb8;
	[tilespmem:$0x1F000] =	vst v63  }
0x77: {  	s17 =	simm.s32 $0xA00  }
0x78: {  	[spmem:s3] =	stream.indirect.scatter.add.f32 [tilespmem:s22], [sflag:$0x3], $0x80, s17, s25, $0xb8;
	[tilespmem:$0x1F000] =	vst v63  }
0x79: {  	_ =	swait.ge [sflag:s23], $0x4000  }
0x7a: {  	[sflag:s23] =	ssyncset.done $0x0  }
0x7b: {  	[sflag:s23] =	ssyncadd.s32 $0xFFFFC000  }
0x7c: {  	_ =	swait.ge [sflag:s28], $0x4000  }
0x7d: {  	[sflag:s28] =	ssyncset.done $0x0  }
0x7e: {  	s18 =	rddreg [dreg:$0x8];
	[sflag:s28] =	ssyncadd.s32 $0xFFFFC000  }
0x7f: {  	[tilespmem:s22], [sflag:$0x1] =	stream.indirect.gather [hbm4b:s5+s25], $0x80, s18, s25, $0xb8;
	[tilespmem:$0x1F000] =	vst v63  }
0x80: {  	s20 =	simm.s32 $0xA80  }
0x81: {  	[spmem:s3] =	stream.indirect.scatter.add.f32 [tilespmem:s29], [sflag:$0x3], $0x80, s20, s25, $0xb8;
	[tilespmem:$0x1F000] =	vst v63  }
0x82: {  	_ =	swait.ge [sflag:s23], $0x4000  }
0x83: {  	[sflag:s23] =	ssyncset.done $0x0  }
0x84: {  	[sflag:s23] =	ssyncadd.s32 $0xFFFFC000  }
0x85: {  	_ =	swait.ge [sflag:s28], $0x4000  }
0x86: {  	[sflag:s28] =	ssyncset.done $0x0  }
0x87: {  	s24 =	rddreg [dreg:$0x9];
	[sflag:s28] =	ssyncadd.s32 $0xFFFFC000  }
0x88: {  	[tilespmem:s29], [sflag:$0x1] =	stream.indirect.gather [hbm4b:s5+s25], $0x80, s24, s25, $0xb8;
	[tilespmem:$0x1F000] =	vst v63  }
0x89: {  	s1 =	simm.s32 $0xB00  }
0x8a: {  	[spmem:s3] =	stream.indirect.scatter.add.f32 [tilespmem:s22], [sflag:$0x3], $0x80, s1, s25, $0xb8;
	[tilespmem:$0x1F000] =	vst v63  }
0x8b: {  	_ =	swait.ge [sflag:s23], $0x4000  }
0x8c: {  	[sflag:s23] =	ssyncset.done $0x0  }
0x8d: {  	[sflag:s23] =	ssyncadd.s32 $0xFFFFC000  }
0x8e: {  	_ =	swait.ge [sflag:s28], $0x4000  }
0x8f: {  	[sflag:s28] =	ssyncset.done $0x0  }
0x90: {  	[sflag:s28] =	ssyncadd.s32 $0xFFFFC000  }
0x91: {  	_ =	swait.ge [sflag:s30], $0x400  }
0x92: {  	p0 =	por $0x0, $0x0;
	[sflag:s30] =	ssyncset.done $0x0  }
0x93: {  	s1 =	sshrl.u32 @!p0 s21, $0x3;
	[sflag:s30] =	ssyncadd.s32 $0xFFFFFC00  }
0x94: {  	[tilespmem:s22], [sflag:$0x1] =	stream.indirect.gather [hbm4b:s5+s25], $0x80, s26, s25, $0xb8;
	[tilespmem:$0x1F000] =	vst v63  }
0x95: {  	s0 =	simm.s32 @!p0 $0x0;
	s1 =	sadd.s32 @!p0 s2, s1  }
0x96: {  	[tilespmem:s0], [sflag:$0x2] =	stream.linear.gather @!p0 [hbm4b:s1+s0], $0x400, $0x38;
	[tilespmem:$0x1F000] =	vst v63  }
0x97: {  	s13 =	simm.s32 $0xB80  }
0x98: {  	[spmem:s3] =	stream.indirect.scatter.add.f32 [tilespmem:s29], [sflag:$0x3], $0x80, s13, s25, $0xb8;
	[tilespmem:$0x1F000] =	vst v63  }
0x99: {  	_ =	swait.ge [sflag:s23], $0x4000  }
0x9a: {  	[sflag:s23] =	ssyncset.done $0x0  }
0x9b: {  	[sflag:s23] =	ssyncadd.s32 $0xFFFFC000  }
0x9c: {  	_ =	swait.ge [sflag:s28], $0x4000  }
0x9d: {  	[sflag:s28] =	ssyncset.done $0x0  }
0x9e: {  	s14 =	rddreg [dreg:$0xa];
	[sflag:s28] =	ssyncadd.s32 $0xFFFFC000  }
0x9f: {  	[tilespmem:s29], [sflag:$0x1] =	stream.indirect.gather [hbm4b:s5+s25], $0x80, s14, s25, $0xb8;
	[tilespmem:$0x1F000] =	vst v63  }
0xa0: {  	s15 =	simm.s32 $0xC00  }
0xa1: {  	[spmem:s3] =	stream.indirect.scatter.add.f32 [tilespmem:s22], [sflag:$0x3], $0x80, s15, s25, $0xb8;
	[tilespmem:$0x1F000] =	vst v63  }
0xa2: {  	_ =	swait.ge [sflag:s23], $0x4000  }
0xa3: {  	[sflag:s23] =	ssyncset.done $0x0  }
0xa4: {  	[sflag:s23] =	ssyncadd.s32 $0xFFFFC000  }
0xa5: {  	_ =	swait.ge [sflag:s28], $0x4000  }
0xa6: {  	[sflag:s28] =	ssyncset.done $0x0  }
0xa7: {  	s16 =	rddreg [dreg:$0xb];
	[sflag:s28] =	ssyncadd.s32 $0xFFFFC000  }
0xa8: {  	[tilespmem:s22], [sflag:$0x1] =	stream.indirect.gather [hbm4b:s5+s25], $0x80, s16, s25, $0xb8;
	[tilespmem:$0x1F000] =	vst v63  }
0xa9: {  	s17 =	simm.s32 $0xC80  }
0xaa: {  	[spmem:s3] =	stream.indirect.scatter.add.f32 [tilespmem:s29], [sflag:$0x3], $0x80, s17, s25, $0xb8;
	[tilespmem:$0x1F000] =	vst v63  }
0xab: {  	_ =	swait.ge [sflag:s23], $0x4000  }
0xac: {  	[sflag:s23] =	ssyncset.done $0x0  }
0xad: {  	[sflag:s23] =	ssyncadd.s32 $0xFFFFC000  }
0xae: {  	_ =	swait.ge [sflag:s28], $0x4000  }
0xaf: {  	[sflag:s28] =	ssyncset.done $0x0  }
0xb0: {  	s18 =	rddreg [dreg:$0xc];
	[sflag:s28] =	ssyncadd.s32 $0xFFFFC000  }
0xb1: {  	[tilespmem:s29], [sflag:$0x1] =	stream.indirect.gather [hbm4b:s5+s25], $0x80, s18, s25, $0xb8;
	[tilespmem:$0x1F000] =	vst v63  }
0xb2: {  	s20 =	simm.s32 $0xD00  }
0xb3: {  	[spmem:s3] =	stream.indirect.scatter.add.f32 [tilespmem:s22], [sflag:$0x3], $0x80, s20, s25, $0xb8;
	[tilespmem:$0x1F000] =	vst v63  }
0xb4: {  	_ =	swait.ge [sflag:s23], $0x4000  }
0xb5: {  	[sflag:s23] =	ssyncset.done $0x0  }
0xb6: {  	[sflag:s23] =	ssyncadd.s32 $0xFFFFC000  }
0xb7: {  	_ =	swait.ge [sflag:s28], $0x4000  }
0xb8: {  	[sflag:s28] =	ssyncset.done $0x0  }
0xb9: {  	s24 =	rddreg [dreg:$0xd];
	[sflag:s28] =	ssyncadd.s32 $0xFFFFC000  }
0xba: {  	[tilespmem:s22], [sflag:$0x1] =	stream.indirect.gather [hbm4b:s5+s25], $0x80, s24, s25, $0xb8;
	[tilespmem:$0x1F000] =	vst v63  }
0xbb: {  	s13 =	simm.s32 $0xD80  }
0xbc: {  	[spmem:s3] =	stream.indirect.scatter.add.f32 [tilespmem:s29], [sflag:$0x3], $0x80, s13, s25, $0xb8;
	[tilespmem:$0x1F000] =	vst v63  }
0xbd: {  	_ =	swait.ge [sflag:s23], $0x4000  }
0xbe: {  	[sflag:s23] =	ssyncset.done $0x0  }
0xbf: {  	[sflag:s23] =	ssyncadd.s32 $0xFFFFC000  }
0xc0: {  	_ =	swait.ge [sflag:s28], $0x4000  }
0xc1: {  	[sflag:s28] =	ssyncset.done $0x0  }
0xc2: {  	s14 =	rddreg [dreg:$0xe];
	[sflag:s28] =	ssyncadd.s32 $0xFFFFC000  }
0xc3: {  	[tilespmem:s29], [sflag:$0x1] =	stream.indirect.gather [hbm4b:s5+s25], $0x80, s14, s25, $0xb8;
	[tilespmem:$0x1F000] =	vst v63  }
0xc4: {  	s15 =	simm.s32 $0xE00  }
0xc5: {  	[spmem:s3] =	stream.indirect.scatter.add.f32 [tilespmem:s22], [sflag:$0x3], $0x80, s15, s25, $0xb8;
	[tilespmem:$0x1F000] =	vst v63  }
0xc6: {  	_ =	swait.ge [sflag:s23], $0x4000  }
0xc7: {  	[sflag:s23] =	ssyncset.done $0x0  }
0xc8: {  	[sflag:s23] =	ssyncadd.s32 $0xFFFFC000  }
0xc9: {  	_ =	swait.ge [sflag:s28], $0x4000  }
0xca: {  	[sflag:s28] =	ssyncset.done $0x0  }
0xcb: {  	s16 =	rddreg [dreg:$0xf];
	[sflag:s28] =	ssyncadd.s32 $0xFFFFC000  }
0xcc: {  	[tilespmem:s22], [sflag:$0x1] =	stream.indirect.gather [hbm4b:s5+s25], $0x80, s16, s25, $0xb8;
	[tilespmem:$0x1F000] =	vst v63  }
0xcd: {  	s17 =	simm.s32 $0xE80  }
0xce: {  	[spmem:s3] =	stream.indirect.scatter.add.f32 [tilespmem:s29], [sflag:$0x3], $0x80, s17, s25, $0xb8;
	[tilespmem:$0x1F000] =	vst v63  }
0xcf: {  	_ =	swait.ge [sflag:s23], $0x4000  }
0xd0: {  	[sflag:s23] =	ssyncset.done $0x0  }
0xd1: {  	[sflag:s23] =	ssyncadd.s32 $0xFFFFC000  }
0xd2: {  	_ =	swait.ge [sflag:s28], $0x4000  }
0xd3: {  	[sflag:s28] =	ssyncset.done $0x0  }
0xd4: {  	s18 =	rddreg [dreg:$0x10];
	[sflag:s28] =	ssyncadd.s32 $0xFFFFC000  }
0xd5: {  	[tilespmem:s29], [sflag:$0x1] =	stream.indirect.gather [hbm4b:s5+s25], $0x80, s18, s25, $0xb8;
	[tilespmem:$0x1F000] =	vst v63  }
0xd6: {  	s20 =	simm.s32 $0xF00  }
0xd7: {  	[spmem:s3] =	stream.indirect.scatter.add.f32 [tilespmem:s22], [sflag:$0x3], $0x80, s20, s25, $0xb8;
	[tilespmem:$0x1F000] =	vst v63  }
0xd8: {  	_ =	swait.ge [sflag:s23], $0x4000  }
0xd9: {  	[sflag:s23] =	ssyncset.done $0x0  }
0xda: {  	[sflag:s23] =	ssyncadd.s32 $0xFFFFC000  }
0xdb: {  	_ =	swait.ge [sflag:s28], $0x4000  }
0xdc: {  	p1 =	por $0x0, $0x0;
	[sflag:s28] =	ssyncset.done $0x0  }
0xdd: {  	s1 =	simm.s32 @!p1 $0x2;
	[sflag:s28] =	ssyncadd.s32 $0xFFFFC000  }
0xde: {  	_ =	swait.ge @!p1 [sflag:s1], $0x400  }
0xdf: {  	s13 =	simm.s32 @!p1 $0x3000;
	[sflag:s1] =	ssyncset.done @!p1 $0x0  }
0xe0: {  	s14 =	simm.s32 @!p1 $0x80;
	[sflag:s1] =	ssyncadd.s32 @!p1 $0xFFFFFC00;
	s1 =	simm.s32 @!p1 $0x0  }
0xe1: {  	[tilespmem:s13], [sflag:$0x1] =	stream.indirect.gather @!p1 [hbm4b:s5+s14], $0x80, s1, s14, $0xb8;
	[tilespmem:$0x1F000] =	vst v63  }
0xe2: {  	s1 =	simm.s32 @!p0 $0x400  }
0xe3: {  	[tilespmem:s1], [sflag:$0x2] =	stream.linear.gather @!p0 [hbm4b:s11+s0], $0x400, $0x38;
	[tilespmem:$0x1F000] =	vst v63  }
0xe4: {  	s24 =	simm.s32 $0xF80;
	s20 =	smov.u32 s11;
	s1 =	simm.s32 $0x2000  }
0xe5: {  	[spmem:s3] =	stream.indirect.scatter.add.f32 [tilespmem:s29], [sflag:$0x3], $0x80, s24, s25, $0xb8;
	[tilespmem:$0x1F000] =	vst v63  }
0xe6: {  	s0 =	sadd.s32 $0x800, s21;
	s24 =	simm.s32 $0x3;
	_ =	swait.ge [sflag:s23], $0x4000  }
.LBB2_4:
0xe7: {  	[sflag:s23] =	ssyncset.done $0x0  }
0xe8: {  	[sflag:s23] =	ssyncadd.s32 $0xFFFFC000  }
0xe9: {  	_ =	swait.ge [sflag:s28], $0x4000  }
0xea: {  	s14 =	smov.u32 s1;
	[sflag:s28] =	ssyncset.done $0x0  }
0xeb: {  	s13 =	sshra.s32 s14, $0x2;
	[sflag:s28] =	ssyncadd.s32 $0xFFFFC000  }
0xec: {  	[tilespmem:s29], [sflag:$0x1] =	stream.indirect.gather [hbm4b:s5+s25], $0x80, s25, s25, $0xb8;
	[tilespmem:$0x1F000] =	vst v63  }
0xed: {  	s15 =	sadd.s32 $0x800, s13  }
0xee: {  	[spmem:s3] =	stream.indirect.scatter.add.f32 [tilespmem:s22], [sflag:$0x3], $0x80, s15, s25, $0xb8;
	[tilespmem:$0x1F000] =	vst v63  }
0xef: {  	_ =	swait.ge [sflag:s23], $0x4000  }
0xf0: {  	[sflag:s23] =	ssyncset.done $0x0  }
0xf1: {  	[sflag:s23] =	ssyncadd.s32 $0xFFFFC000  }
0xf2: {  	_ =	swait.ge [sflag:s28], $0x4000  }
0xf3: {  	[sflag:s28] =	ssyncset.done $0x0  }
0xf4: {  	s17 =	rddreg [dreg:$0x4];
	[sflag:s28] =	ssyncadd.s32 $0xFFFFC000  }
0xf5: {  	[tilespmem:s22], [sflag:$0x1] =	stream.indirect.gather [hbm4b:s5+s25], $0x80, s17, s25, $0xb8;
	[tilespmem:$0x1F000] =	vst v63  }
0xf6: {  	s18 =	sadd.s32 $0x880, s13  }
0xf7: {  	[spmem:s3] =	stream.indirect.scatter.add.f32 [tilespmem:s29], [sflag:$0x3], $0x80, s18, s25, $0xb8;
	[tilespmem:$0x1F000] =	vst v63  }
0xf8: {  	_ =	swait.ge [sflag:s23], $0x4000  }
0xf9: {  	[sflag:s23] =	ssyncset.done $0x0  }
0xfa: {  	[sflag:s23] =	ssyncadd.s32 $0xFFFFC000  }
0xfb: {  	_ =	swait.ge [sflag:s28], $0x4000  }
0xfc: {  	[sflag:s28] =	ssyncset.done $0x0  }
0xfd: {  	s16 =	rddreg [dreg:$0x5];
	[sflag:s28] =	ssyncadd.s32 $0xFFFFC000  }
0xfe: {  	[tilespmem:s29], [sflag:$0x1] =	stream.indirect.gather [hbm4b:s5+s25], $0x80, s16, s25, $0xb8;
	[tilespmem:$0x1F000] =	vst v63  }
0xff: {  	s17 =	sadd.s32 $0x900, s13  }
0x100: {  	[spmem:s3] =	stream.indirect.scatter.add.f32 [tilespmem:s22], [sflag:$0x3], $0x80, s17, s25, $0xb8;
	[tilespmem:$0x1F000] =	vst v63  }
0x101: {  	_ =	swait.ge [sflag:s23], $0x4000  }
0x102: {  	[sflag:s23] =	ssyncset.done $0x0  }
0x103: {  	[sflag:s23] =	ssyncadd.s32 $0xFFFFC000  }
0x104: {  	_ =	swait.ge [sflag:s28], $0x4000  }
0x105: {  	[sflag:s28] =	ssyncset.done $0x0  }
0x106: {  	s18 =	rddreg [dreg:$0x6];
	[sflag:s28] =	ssyncadd.s32 $0xFFFFC000  }
0x107: {  	[tilespmem:s22], [sflag:$0x1] =	stream.indirect.gather [hbm4b:s5+s25], $0x80, s18, s25, $0xb8;
	[tilespmem:$0x1F000] =	vst v63  }
0x108: {  	s16 =	sadd.s32 $0x980, s13  }
0x109: {  	[spmem:s3] =	stream.indirect.scatter.add.f32 [tilespmem:s29], [sflag:$0x3], $0x80, s16, s25, $0xb8;
	[tilespmem:$0x1F000] =	vst v63  }
0x10a: {  	_ =	swait.ge [sflag:s23], $0x4000  }
0x10b: {  	[sflag:s23] =	ssyncset.done $0x0  }
0x10c: {  	[sflag:s23] =	ssyncadd.s32 $0xFFFFC000  }
0x10d: {  	_ =	swait.ge [sflag:s28], $0x4000  }
0x10e: {  	[sflag:s28] =	ssyncset.done $0x0  }
0x10f: {  	s17 =	rddreg [dreg:$0x7];
	[sflag:s28] =	ssyncadd.s32 $0xFFFFC000  }
0x110: {  	[tilespmem:s29], [sflag:$0x1] =	stream.indirect.gather [hbm4b:s5+s25], $0x80, s17, s25, $0xb8;
	[tilespmem:$0x1F000] =	vst v63  }
0x111: {  	s18 =	sadd.s32 $0xA00, s13  }
0x112: {  	[spmem:s3] =	stream.indirect.scatter.add.f32 [tilespmem:s22], [sflag:$0x3], $0x80, s18, s25, $0xb8;
	[tilespmem:$0x1F000] =	vst v63  }
0x113: {  	_ =	swait.ge [sflag:s23], $0x4000  }
0x114: {  	[sflag:s23] =	ssyncset.done $0x0  }
0x115: {  	[sflag:s23] =	ssyncadd.s32 $0xFFFFC000  }
0x116: {  	_ =	swait.ge [sflag:s28], $0x4000  }
0x117: {  	[sflag:s28] =	ssyncset.done $0x0  }
0x118: {  	s16 =	rddreg [dreg:$0x8];
	[sflag:s28] =	ssyncadd.s32 $0xFFFFC000  }
0x119: {  	[tilespmem:s22], [sflag:$0x1] =	stream.indirect.gather [hbm4b:s5+s25], $0x80, s16, s25, $0xb8;
	[tilespmem:$0x1F000] =	vst v63  }
0x11a: {  	s17 =	sadd.s32 $0xA80, s13  }
0x11b: {  	[spmem:s3] =	stream.indirect.scatter.add.f32 [tilespmem:s29], [sflag:$0x3], $0x80, s17, s25, $0xb8;
	[tilespmem:$0x1F000] =	vst v63  }
0x11c: {  	_ =	swait.ge [sflag:s23], $0x4000  }
0x11d: {  	[sflag:s23] =	ssyncset.done $0x0  }
0x11e: {  	[sflag:s23] =	ssyncadd.s32 $0xFFFFC000  }
0x11f: {  	_ =	swait.ge [sflag:s28], $0x4000  }
0x120: {  	[sflag:s28] =	ssyncset.done $0x0  }
0x121: {  	s18 =	rddreg [dreg:$0x9];
	[sflag:s28] =	ssyncadd.s32 $0xFFFFC000  }
0x122: {  	[tilespmem:s29], [sflag:$0x1] =	stream.indirect.gather [hbm4b:s5+s25], $0x80, s18, s25, $0xb8;
	[tilespmem:$0x1F000] =	vst v63  }
0x123: {  	s16 =	sadd.s32 $0xB00, s13  }
0x124: {  	[spmem:s3] =	stream.indirect.scatter.add.f32 [tilespmem:s22], [sflag:$0x3], $0x80, s16, s25, $0xb8;
	[tilespmem:$0x1F000] =	vst v63  }
0x125: {  	_ =	swait.ge [sflag:s23], $0x4000  }
0x126: {  	[sflag:s23] =	ssyncset.done $0x0  }
0x127: {  	[sflag:s23] =	ssyncadd.s32 $0xFFFFC000  }
0x128: {  	_ =	swait.ge [sflag:s28], $0x4000  }
0x129: {  	[sflag:s28] =	ssyncset.done $0x0  }
0x12a: {  	[sflag:s28] =	ssyncadd.s32 $0xFFFFC000  }
0x12b: {  	_ =	swait.ge [sflag:s30], $0x400  }
0x12c: {  	p1 =	seq.s32 s14, $0x8000;
	[sflag:s30] =	ssyncset.done $0x0  }
0x12d: {  	s15 =	sshrl.u32 @!p1 s0, $0x3;
	[sflag:s30] =	ssyncadd.s32 $0xFFFFFC00  }
0x12e: {  	[tilespmem:s22], [sflag:$0x1] =	stream.indirect.gather [hbm4b:s5+s25], $0x80, s26, s25, $0xb8;
	[tilespmem:$0x1F000] =	vst v63  }
0x12f: {  	s14 =	simm.s32 @!p1 $0x0;
	s15 =	sadd.s32 @!p1 s2, s15  }
0x130: {  	[tilespmem:s14], [sflag:$0x2] =	stream.linear.gather @!p1 [hbm4b:s15+s14], $0x400, $0x38;
	[tilespmem:$0x1F000] =	vst v63  }
0x131: {  	s16 =	sadd.s32 $0xB80, s13  }
0x132: {  	[spmem:s3] =	stream.indirect.scatter.add.f32 [tilespmem:s29], [sflag:$0x3], $0x80, s16, s25, $0xb8;
	[tilespmem:$0x1F000] =	vst v63  }
0x133: {  	_ =	swait.ge [sflag:s23], $0x4000  }
0x134: {  	[sflag:s23] =	ssyncset.done $0x0  }
0x135: {  	[sflag:s23] =	ssyncadd.s32 $0xFFFFC000  }
0x136: {  	_ =	swait.ge [sflag:s28], $0x4000  }
0x137: {  	[sflag:s28] =	ssyncset.done $0x0  }
0x138: {  	s17 =	rddreg [dreg:$0xa];
	[sflag:s28] =	ssyncadd.s32 $0xFFFFC000  }
0x139: {  	[tilespmem:s29], [sflag:$0x1] =	stream.indirect.gather [hbm4b:s5+s25], $0x80, s17, s25, $0xb8;
	[tilespmem:$0x1F000] =	vst v63  }
0x13a: {  	s18 =	sadd.s32 $0xC00, s13  }
0x13b: {  	[spmem:s3] =	stream.indirect.scatter.add.f32 [tilespmem:s22], [sflag:$0x3], $0x80, s18, s25, $0xb8;
	[tilespmem:$0x1F000] =	vst v63  }
0x13c: {  	_ =	swait.ge [sflag:s23], $0x4000  }
0x13d: {  	[sflag:s23] =	ssyncset.done $0x0  }
0x13e: {  	[sflag:s23] =	ssyncadd.s32 $0xFFFFC000  }
0x13f: {  	_ =	swait.ge [sflag:s28], $0x4000  }
0x140: {  	[sflag:s28] =	ssyncset.done $0x0  }
0x141: {  	s17 =	rddreg [dreg:$0xb];
	[sflag:s28] =	ssyncadd.s32 $0xFFFFC000  }
0x142: {  	[tilespmem:s22], [sflag:$0x1] =	stream.indirect.gather [hbm4b:s5+s25], $0x80, s17, s25, $0xb8;
	[tilespmem:$0x1F000] =	vst v63  }
0x143: {  	s18 =	sadd.s32 $0xC80, s13  }
0x144: {  	[spmem:s3] =	stream.indirect.scatter.add.f32 [tilespmem:s29], [sflag:$0x3], $0x80, s18, s25, $0xb8;
	[tilespmem:$0x1F000] =	vst v63  }
0x145: {  	_ =	swait.ge [sflag:s23], $0x4000  }
0x146: {  	[sflag:s23] =	ssyncset.done $0x0  }
0x147: {  	[sflag:s23] =	ssyncadd.s32 $0xFFFFC000  }
0x148: {  	_ =	swait.ge [sflag:s28], $0x4000  }
0x149: {  	[sflag:s28] =	ssyncset.done $0x0  }
0x14a: {  	s17 =	rddreg [dreg:$0xc];
	[sflag:s28] =	ssyncadd.s32 $0xFFFFC000  }
0x14b: {  	[tilespmem:s29], [sflag:$0x1] =	stream.indirect.gather [hbm4b:s5+s25], $0x80, s17, s25, $0xb8;
	[tilespmem:$0x1F000] =	vst v63  }
0x14c: {  	s18 =	sadd.s32 $0xD00, s13  }
0x14d: {  	[spmem:s3] =	stream.indirect.scatter.add.f32 [tilespmem:s22], [sflag:$0x3], $0x80, s18, s25, $0xb8;
	[tilespmem:$0x1F000] =	vst v63  }
0x14e: {  	_ =	swait.ge [sflag:s23], $0x4000  }
0x14f: {  	[sflag:s23] =	ssyncset.done $0x0  }
0x150: {  	[sflag:s23] =	ssyncadd.s32 $0xFFFFC000  }
0x151: {  	_ =	swait.ge [sflag:s28], $0x4000  }
0x152: {  	[sflag:s28] =	ssyncset.done $0x0  }
0x153: {  	s17 =	rddreg [dreg:$0xd];
	[sflag:s28] =	ssyncadd.s32 $0xFFFFC000  }
0x154: {  	[tilespmem:s22], [sflag:$0x1] =	stream.indirect.gather [hbm4b:s5+s25], $0x80, s17, s25, $0xb8;
	[tilespmem:$0x1F000] =	vst v63  }
0x155: {  	s18 =	sadd.s32 $0xD80, s13  }
0x156: {  	[spmem:s3] =	stream.indirect.scatter.add.f32 [tilespmem:s29], [sflag:$0x3], $0x80, s18, s25, $0xb8;
	[tilespmem:$0x1F000] =	vst v63  }
0x157: {  	_ =	swait.ge [sflag:s23], $0x4000  }
0x158: {  	[sflag:s23] =	ssyncset.done $0x0  }
0x159: {  	[sflag:s23] =	ssyncadd.s32 $0xFFFFC000  }
0x15a: {  	_ =	swait.ge [sflag:s28], $0x4000  }
0x15b: {  	[sflag:s28] =	ssyncset.done $0x0  }
0x15c: {  	s17 =	rddreg [dreg:$0xe];
	[sflag:s28] =	ssyncadd.s32 $0xFFFFC000  }
0x15d: {  	[tilespmem:s29], [sflag:$0x1] =	stream.indirect.gather [hbm4b:s5+s25], $0x80, s17, s25, $0xb8;
	[tilespmem:$0x1F000] =	vst v63  }
0x15e: {  	s18 =	sadd.s32 $0xE00, s13  }
0x15f: {  	[spmem:s3] =	stream.indirect.scatter.add.f32 [tilespmem:s22], [sflag:$0x3], $0x80, s18, s25, $0xb8;
	[tilespmem:$0x1F000] =	vst v63  }
0x160: {  	_ =	swait.ge [sflag:s23], $0x4000  }
0x161: {  	[sflag:s23] =	ssyncset.done $0x0  }
0x162: {  	[sflag:s23] =	ssyncadd.s32 $0xFFFFC000  }
0x163: {  	_ =	swait.ge [sflag:s28], $0x4000  }
0x164: {  	[sflag:s28] =	ssyncset.done $0x0  }
0x165: {  	s17 =	rddreg [dreg:$0xf];
	[sflag:s28] =	ssyncadd.s32 $0xFFFFC000  }
0x166: {  	[tilespmem:s22], [sflag:$0x1] =	stream.indirect.gather [hbm4b:s5+s25], $0x80, s17, s25, $0xb8;
	[tilespmem:$0x1F000] =	vst v63  }
0x167: {  	s18 =	sadd.s32 $0xE80, s13  }
0x168: {  	[spmem:s3] =	stream.indirect.scatter.add.f32 [tilespmem:s29], [sflag:$0x3], $0x80, s18, s25, $0xb8;
	[tilespmem:$0x1F000] =	vst v63  }
0x169: {  	_ =	swait.ge [sflag:s23], $0x4000  }
0x16a: {  	[sflag:s23] =	ssyncset.done $0x0  }
0x16b: {  	[sflag:s23] =	ssyncadd.s32 $0xFFFFC000  }
0x16c: {  	_ =	swait.ge [sflag:s28], $0x4000  }
0x16d: {  	[sflag:s28] =	ssyncset.done $0x0  }
0x16e: {  	s17 =	rddreg [dreg:$0x10];
	[sflag:s28] =	ssyncadd.s32 $0xFFFFC000  }
0x16f: {  	[tilespmem:s29], [sflag:$0x1] =	stream.indirect.gather [hbm4b:s5+s25], $0x80, s17, s25, $0xb8;
	[tilespmem:$0x1F000] =	vst v63  }
0x170: {  	s18 =	sadd.s32 $0xF00, s13  }
0x171: {  	[spmem:s3] =	stream.indirect.scatter.add.f32 [tilespmem:s22], [sflag:$0x3], $0x80, s18, s25, $0xb8;
	[tilespmem:$0x1F000] =	vst v63  }
0x172: {  	_ =	swait.ge [sflag:s23], $0x4000  }
0x173: {  	[sflag:s23] =	ssyncset.done $0x0  }
0x174: {  	[sflag:s23] =	ssyncadd.s32 $0xFFFFC000  }
0x175: {  	_ =	swait.ge [sflag:s28], $0x4000  }
0x176: {  	p2 =	sgt.u32 s24, $0x8;
	[sflag:s28] =	ssyncset.done $0x0  }
0x177: {  	s15 =	simm.s32 @!p2 $0x2;
	[sflag:s28] =	ssyncadd.s32 $0xFFFFC000  }
0x178: {  	s1 =	sadd.s32 $0x2000, s1;
	_ =	swait.ge @!p2 [sflag:s15], $0x400  }
0x179: {  	p0 =	sne.s32 s1, $0xA000;
	s16 =	simm.s32 @!p2 $0x3000;
	[sflag:s15] =	ssyncset.done @!p2 $0x0  }
0x17a: {  	s17 =	simm.s32 @!p2 $0x80;
	s18 =	simm.s32 @!p2 $0x0;
	[sflag:s15] =	ssyncadd.s32 @!p2 $0xFFFFFC00  }
0x17b: {  	[tilespmem:s16], [sflag:$0x1] =	stream.indirect.gather @!p2 [hbm4b:s5+s17], $0x80, s18, s17, $0xb8;
	[tilespmem:$0x1F000] =	vst v63  }
.Ltmp1:
0x17c: {  	s20 =	sadd.s32 $0x100, s20;
	s15 =	simm.s32 @!p1 $0x400;
	(pc) =	sbr.rel @p0 .LBB2_4-.Ltmp1, $4  }
0x17d: {  	[tilespmem:s15], [sflag:$0x2] =	stream.linear.gather @!p1 [hbm4b:s20+s14], $0x400, $0x38;
	[tilespmem:$0x1F000] =	vst v63  }
0x17e: {  	s13 =	sadd.s32 $0xF80, s13  }
0x17f: {  	[spmem:s3] =	stream.indirect.scatter.add.f32 [tilespmem:s29], [sflag:$0x3], $0x80, s13, s25, $0xb8;
	[tilespmem:$0x1F000] =	vst v63  }
0x180: {  	s24 =	sadd.s32 $0x2, s24;
	s0 =	sadd.s32 $0x800, s0;
	_ =	swait.ge [sflag:s23], $0x4000  }
0x181: {  	[sflag:s23] =	ssyncset.done $0x0  }
0x182: {  	[sflag:s23] =	ssyncadd.s32 $0xFFFFC000  }
0x183: {  	[bflag:$0x0] =	sbarrier.arrive $0xFFFF  }
0x184: {  	[tilespmem:s22], [sflag:$0x3] =	stream.linear.gather [spmem:s6], $0x4000, $0x38;
	[tilespmem:$0x1F000] =	vst v63  }
0x185: {  	_ =	swait.ge [sflag:s23], $0x4000  }
0x186: {  	[sflag:s23] =	ssyncset.done $0x0  }
0x187: {  	s0 =	rddreg [dreg:$0x13];
	[sflag:s23] =	ssyncadd.s32 $0xFFFFC000  }
0x188: {  	[hbm4b:s0+s4] =	stream.linear.scatter [tilespmem:s22], [sflag:$0x3], $0x4000, $0x38;
	[tilespmem:$0x1F000] =	vst v63  }
0x189: {  	_ =	swait.ge [sflag:s23], $0x4000  }
0x18a: {  	[sflag:s23] =	ssyncset.done $0x0  }
0x18b: {  	[sflag:s23] =	ssyncadd.s32 $0xFFFFC000  }
0x18c: {  	[tilespmem:s22], [sflag:$0x3] =	stream.linear.gather [spmem:s7], $0x4000, $0x38;
	[tilespmem:$0x1F000] =	vst v63  }
0x18d: {  	_ =	swait.ge [sflag:s23], $0x4000  }
0x18e: {  	[sflag:s23] =	ssyncset.done $0x0  }
0x18f: {  	s17 =	rddreg [dreg:$0x14];
	[sflag:s23] =	ssyncadd.s32 $0xFFFFC000  }
0x190: {  	[hbm4b:s17+s4] =	stream.linear.scatter [tilespmem:s22], [sflag:$0x3], $0x4000, $0x38;
	[tilespmem:$0x1F000] =	vst v63  }
0x191: {  	_ =	swait.ge [sflag:s23], $0x4000  }
0x192: {  	[sflag:s23] =	ssyncset.done $0x0  }
0x193: {  	[sflag:s23] =	ssyncadd.s32 $0xFFFFC000  }
0x194: {  	[tilespmem:s22], [sflag:$0x3] =	stream.linear.gather [spmem:s8], $0x4000, $0x38;
	[tilespmem:$0x1F000] =	vst v63  }
0x195: {  	_ =	swait.ge [sflag:s23], $0x4000  }
0x196: {  	[sflag:s23] =	ssyncset.done $0x0  }
0x197: {  	s18 =	rddreg [dreg:$0x15];
	[sflag:s23] =	ssyncadd.s32 $0xFFFFC000  }
0x198: {  	[hbm4b:s18+s4] =	stream.linear.scatter [tilespmem:s22], [sflag:$0x3], $0x4000, $0x38;
	[tilespmem:$0x1F000] =	vst v63  }
0x199: {  	_ =	swait.ge [sflag:s23], $0x4000  }
0x19a: {  	[sflag:s23] =	ssyncset.done $0x0  }
0x19b: {  	[sflag:s23] =	ssyncadd.s32 $0xFFFFC000  }
0x19c: {  	[tilespmem:s22], [sflag:$0x3] =	stream.linear.gather [spmem:s9], $0x4000, $0x38;
	[tilespmem:$0x1F000] =	vst v63  }
0x19d: {  	_ =	swait.ge [sflag:s23], $0x4000  }
0x19e: {  	[sflag:s23] =	ssyncset.done $0x0  }
0x19f: {  	s20 =	rddreg [dreg:$0x16];
	[sflag:s23] =	ssyncadd.s32 $0xFFFFC000  }
0x1a0: {  	[hbm4b:s20+s4] =	stream.linear.scatter [tilespmem:s22], [sflag:$0x3], $0x4000, $0x38;
	[tilespmem:$0x1F000] =	vst v63  }
0x1a1: {  	_ =	swait.ge [sflag:s23], $0x4000  }
0x1a2: {  	[sflag:s23] =	ssyncset.done $0x0  }
0x1a3: {  	[sflag:s23] =	ssyncadd.s32 $0xFFFFC000  }
0x1a4: {  	[tilespmem:s22], [sflag:$0x3] =	stream.linear.gather [spmem:s10], $0x4000, $0x38;
	[tilespmem:$0x1F000] =	vst v63  }
0x1a5: {  	s31 =	sadd.s32 $0x1, s31;
	_ =	swait.ge [sflag:s23], $0x4000  }
0x1a6: {  	p0 =	sne.s32 s31, s19;
	[sflag:s23] =	ssyncset.done $0x0  }
.Ltmp2:
0x1a7: {  	s24 =	rddreg [dreg:$0x17];
	[sflag:s23] =	ssyncadd.s32 $0xFFFFC000;
	(pc) =	sbr.rel @p0 .LBB2_1-.Ltmp2, $4  }
0x1a8: {  	[hbm4b:s24+s4] =	stream.linear.scatter [tilespmem:s22], [sflag:$0x3], $0x4000, $0x38;
	[tilespmem:$0x1F000] =	vst v63  }
0x1a9: {  	_ =	swait.ge [sflag:s23], $0x4000  }
0x1aa: {  	[sflag:s23] =	ssyncset.done $0x0  }
0x1ab: {  	[sflag:s23] =	ssyncadd.s32 $0xFFFFC000  }
0x1ac: {  	_ =	sfence.sel $0x180000  }
0x1ad: {  	[bflag:$0x0] =	sbarrier.arrive $0xFFFF  }
0x1ae: {  	_ =	strace $0x9000004A  }
0x1af: {  	s0 =	stileid.u32;
	[bflag:$0x2] =	sbarrier.arrive $0xFFFF  }
0x1b0: {  	p0 =	sne.s32 s0, $0x0;
	s0 =	rddreg [dreg:$0x3]  }
0x1b1: {  	s0 =	sadd.s32 @!p0 $0x100000, s0  }
0x1b2: {  	[sflag:s0] =	ssyncadd.tile.s32 @!p0 $0x1;
	_ =	shalt  }
.Lfunc_end2:
_tile_overlayer_lowered:
.L_overlay_start_2:
0x1b3: {  	(tag) =	ssettag $0x2  }
0x1b4: {  	s0 =	rddreg [dreg:$0x0];
	s2 =	stileid.u32  }
0x1b5: {  	s1 =	rddreg [dreg:$0x1];
	p0 =	sne.s32 s2, $0x0  }
0x1b6: {  	s3 =	rddreg [dreg:$0x2];
	[bflag:$0x3] =	sbarrier.arrive $0xFFFF;
	s2 =	simm.s32 @!p0 $0x1C03  }
0x1b7: {  	[timem:s3], [sflag:s2] =	dma.local @!p0 [hbm:s0], s1  }
0x1b8: {  	s0 =	simm.s32 @!p0 $0x3  }
0x1b9: {  	_ =	swait.ge @!p0 [sflag:s0], s1  }
0x1ba: {  	s1 =	ssub.s32 @!p0 $0x0, s1;
	[sflag:s0] =	ssyncset.done @!p0 $0x0  }
0x1bb: {  	[sflag:s0] =	ssyncadd.s32 @!p0 s1  }
0x1bc: {  	[bflag:$0x3] =	sbarrier.arrive $0xFFFF  }
0x1bd: {  	_ =	shalt  }

// kernel: kernel.14.cloned.1.call-start
scs
__scs_entry_jumppad:
0x0: {  	(pc) =	sbr.rel $0x88, $3  }
0x1: {  	(tag) =	ssettag $0x0;
	lr =	simm.s32 $0x1  }
0x2: {  	[smem:$0x3F9B] =	sst lr;
	_ =	strace $0xD0000000  }
0x3: {  	_ = 	snop  }
0x4: {  	_ = 	snop  }
0x5: {  	_ = 	snop  }
0x6: {  	_ = 	snop  }
0x7: {  	_ = 	snop  }
__scs_overlays_trampoline_lowered:
0x8: {  	[smem:$0x3FAA] =	sst s0  }
0x9: {  	[smem:$0x3FAB] =	sst s1  }
0xa: {  	[smem:$0x3FAC] =	sst s2  }
0xb: {  	[smem:$0x3FAD] =	sst s3  }
0xc: {  	[smem:$0x3FAE] =	sst s4  }
0xd: {  	[smem:$0x3FAF] =	sst s5  }
0xe: {  	[smem:$0x3FB0] =	sst s6  }
0xf: {  	[smem:$0x3FB1] =	sst s7  }
0x10: {  	[smem:$0x3FB2] =	sst s8  }
0x11: {  	[smem:$0x3FB3] =	sst s9;
	s0 =	simm.s32 @!p0 $0x0  }
0x12: {  	s1 =	sld [smem:$0x3F99];
	s0 =	simm.s32 @p0 $0x1  }
0x13: {  	[smem:$0x3FB4] =	sst s0;
	s0 =	simm.s32 @!p1 $0x0  }
0x14: {  	s2 =	sld [smem:$0x3F98];
	s0 =	simm.s32 @p1 $0x1  }
0x15: {  	[smem:$0x3FB5] =	sst s0;
	s0 =	simm.s32 @!p2 $0x0  }
0x16: {  	s3 =	sld [smem:$0x3FDB];
	s0 =	simm.s32 @p2 $0x1  }
0x17: {  	s4 =	simm.s32 $0x1BF5;
	[smem:$0x3FB7] =	sst s0  }
0x18: {  	s0 =	sld [smem:$0x3F9A];
	_ =	swait.ge [sflag:s4], $0x0  }
0x19: {  	s7 =	sld [smem:$0x3F9B]  }
0x1a: {  	s8 =	sadd.s32 $0xFFFFE003, lr  }
0x1b: {  	s9 =	sadd.s32 $0xFFFFFEF7, lr;
	s5 =	simm.s32 $0xFFFFFFFF;
	p2 =	slt.u32 s8, $0xFFFFF086  }
0x1c: {  	p1 =	slt.u32 s9, $0xF7A;
	s5 =	simm.s32 @!p2 $0x0  }
0x1d: {  	s5 =	simm.s32 @p1 $0x1;
	p0 =	seq.s32 s7, s2  }
0x1e: {  	s7 =	smul.u32 @!p0 $0xF7A, s2;
	p2 =	seq.s32 @!p0 s5, $0x0  }
0x1f: {  	s9 =	smul.u32 $0xF7A, s1;
	s8 =	simm.s32 @!p0 $0x1BF5;
	p2 =	por !p2, p0  }
0x20: {  	[sflag:s8] =	ssyncset.s32 @!p0 $0xFFFFF086;
	s6 =	sadd.s32 @!p0 s3, s7;
	s7 =	simm.s32 @!p0 $0x108  }
0x21: {  	s3 =	sadd.s32 s3, s9;
	s6 =	sadd.s32 @!p0 $0x88, s6;
	s7 =	simm.s32 @p2 $0x1082  }
0x22: {  	[simem:s7], [sflag:s8] =	dma.local @!p0 [hbm:s6], $0xF7A  }
0x23: {  	s9 =	sor.u32 $0xD0000000, s2;
	s6 =	simm.s32 $0x108;
	_ =	swait.ge @!p0 [sflag:s8], $0x0  }
0x24: {  	s3 =	sadd.s32 $0x88, s3;
	s6 =	simm.s32 @!p1 $0x1082;
	[sflag:s4] =	ssyncset.s32 $0xFFFFF086  }
0x25: {  	[simem:s6], [sflag:s4] =	dma.local [hbm:s3], $0xF7A  }
0x26: {  	[smem:$0x3F9B] =	sst s1;
	(tag) =	ssettag s2;
	_ =	strace s9  }
0x27: {  	s1 =	sld [smem:$0x3FAB]  }
0x28: {  	s2 =	sld [smem:$0x3FAC]  }
0x29: {  	s4 =	sld [smem:$0x3FAE]  }
0x2a: {  	p0 =	seq.s32 s5, $0x0;
	s5 =	sld [smem:$0x3FAF]  }
0x2b: {  	s6 =	sld [smem:$0x3FB0]  }
0x2c: {  	s7 =	sld [smem:$0x3FB1]  }
0x2d: {  	s3 =	simm.s32 $0x108;
	s8 =	sld [smem:$0x3FB2]  }
0x2e: {  	s3 =	simm.s32 @!p0 $0x1082;
	s9 =	sld [smem:$0x3FB3]  }
0x2f: {  	lr =	sadd.s32 s0, s3;
	s0 =	sld [smem:$0x3FAA]  }
0x30: {  	s3 =	sld [smem:$0x3FAD]  }
0x31: {  	[smem:$0x3FB6] =	sst s10  }
0x32: {  	s10 =	sld [smem:$0x3FB4];
	_ =	sdelay $0x3  }
0x33: {  	p0 =	seq.s32 s10, $0x1;
	s10 =	sld [smem:$0x3FB6];
	_ =	sdelay $0x3  }
0x34: {  	[smem:$0x3FB6] =	sst s10  }
0x35: {  	s10 =	sld [smem:$0x3FB5];
	_ =	sdelay $0x3  }
0x36: {  	p1 =	seq.s32 s10, $0x1;
	s10 =	sld [smem:$0x3FB6];
	_ =	sdelay $0x3  }
0x37: {  	[smem:$0x3FB6] =	sst s10  }
0x38: {  	s10 =	sld [smem:$0x3FB7]  }
0x39: {  	_ = 	snop;
	(pc) =	sbr.ind lr, $3  }
0x3a: {  	_ = 	snop  }
0x3b: {  	_ = 	snop  }
0x3c: {  	p2 =	seq.s32 s10, $0x1;
	s10 =	sld [smem:$0x3FB6]  }
0x3d: {  	_ =	shalt  }
0x3e: {  	_ =	shalt  }
0x3f: {  	_ =	shalt  }
0x40: {  	_ =	shalt  }
0x41: {  	_ =	shalt  }
0x42: {  	_ =	shalt  }
0x43: {  	_ =	shalt  }
0x44: {  	_ =	shalt  }
0x45: {  	_ =	shalt  }
0x46: {  	_ =	shalt  }
0x47: {  	_ =	shalt  }
0x48: {  	_ =	shalt  }
0x49: {  	_ =	shalt  }
0x4a: {  	_ =	shalt  }
0x4b: {  	_ =	shalt  }
0x4c: {  	_ =	shalt  }
0x4d: {  	_ =	shalt  }
0x4e: {  	_ =	shalt  }
0x4f: {  	_ =	shalt  }
0x50: {  	_ =	shalt  }
0x51: {  	_ =	shalt  }
0x52: {  	_ =	shalt  }
0x53: {  	_ =	shalt  }
0x54: {  	_ =	shalt  }
0x55: {  	_ =	shalt  }
0x56: {  	_ =	shalt  }
0x57: {  	_ =	shalt  }
0x58: {  	_ =	shalt  }
0x59: {  	_ =	shalt  }
0x5a: {  	_ =	shalt  }
0x5b: {  	_ =	shalt  }
0x5c: {  	_ =	shalt  }
0x5d: {  	_ =	shalt  }
0x5e: {  	_ =	shalt  }
0x5f: {  	_ =	shalt  }
0x60: {  	_ =	shalt  }
0x61: {  	_ =	shalt  }
0x62: {  	_ =	shalt  }
0x63: {  	_ =	shalt  }
0x64: {  	_ =	shalt  }
0x65: {  	_ =	shalt  }
0x66: {  	_ =	shalt  }
0x67: {  	_ =	shalt  }
0x68: {  	_ =	shalt  }
0x69: {  	_ =	shalt  }
0x6a: {  	_ =	shalt  }
0x6b: {  	_ =	shalt  }
0x6c: {  	_ =	shalt  }
0x6d: {  	_ =	shalt  }
0x6e: {  	_ =	shalt  }
0x6f: {  	_ =	shalt  }
0x70: {  	_ =	shalt  }
0x71: {  	_ =	shalt  }
0x72: {  	_ =	shalt  }
0x73: {  	_ =	shalt  }
0x74: {  	_ =	shalt  }
0x75: {  	_ =	shalt  }
0x76: {  	_ =	shalt  }
0x77: {  	_ =	shalt  }
0x78: {  	_ =	shalt  }
0x79: {  	_ =	shalt  }
0x7a: {  	_ =	shalt  }
0x7b: {  	_ =	shalt  }
0x7c: {  	_ =	shalt  }
0x7d: {  	_ =	shalt  }
0x7e: {  	_ =	shalt  }
0x7f: {  	_ =	shalt  }
0x80: {  	_ =	shalt  }
0x81: {  	_ =	shalt  }
0x82: {  	_ =	shalt  }
0x83: {  	_ =	shalt  }
0x84: {  	_ =	shalt  }
0x85: {  	_ =	shalt  }
0x86: {  	_ =	shalt  }
0x87: {  	_ =	shalt  }
.Lfunc_end0:
.L_simem_size_0:
called_computation.2_lowered:
.L_overlay_start_0:
0x88: {  	s2 =	sld [smem:$0x3FD9]  }
0x89: {  	s3 =	sld [smem:$0x3FFE];
	_ =	sdelay $0x1  }
0x8a: {  	s1 =	srdreg.scid  }
0x8b: {  	s0 =	sand.u32 $0x1, s1  }
0x8c: {  	s17 =	sshll.u32 s0, $0xA;
	s2 =	sadd.s32 s3, s2  }
0x8d: {  	s2 =	sadd.s32 s2, s17  }
0x8e: {  	[smem:$0x3FC2] =	sst s2  }
0x8f: {  	_ = 	snop  }
0x90: {  	s2 =	sld [smem:$0x3FD0];
	(tm) =	ssettm $0x1  }
0x91: {  	s18 =	sld [smem:$0x3FFB];
	_ =	sdelay $0x3  }
0x92: {  	_ =	strace s18  }
0x93: {  	s3 =	sld [smem:$0x3FFC];
	_ =	sdelay $0x3  }
0x94: {  	_ =	strace s3  }
0x95: {  	s3 =	sld [smem:$0x3FFD];
	_ =	sdelay $0x3  }
0x96: {  	_ =	strace s3  }
0x97: {  	_ =	strace $0x8FFFFFFF  }
0x98: {  	s19 =	sld [smem:$0x3FDB];
	_ =	sdelay $0x1  }
0x99: {  	s4 =	simm.s32 $_scs_section_size  }
0x9a: {  	s5 =	simm.s32 $_size__tile_overlayer_lowered;
	s6 =	simm.s32 $_tile_overlayer_lowered  }
0x9b: {  	s22 =	simm.s32 $0x1BFF;
	s21 =	sshll.u32 s6, $0x1;
	s3 =	sadd.s32 s4, s19  }
0x9c: {  	s7 =	simm.s32 $0x0;
	s20 =	sshll.u32 s5, $0x1;
	s5 =	sadd.s32 s21, s3  }
0x9d: {  	[timem:s7], [sflag:s22] =	dma.local [hbm:s5], s20  }
0x9e: {  	_ =	swait.ge [sflag:s22], s20  }
0x9f: {  	s4 =	ssub.s32 $0x0, s20;
	[sflag:s22] =	ssyncset.done $0x0  }
0xa0: {  	[sflag:s22] =	ssyncadd.s32 s4;
	_ =	sdelay $0x1  }
0xa1: {  	s23 =	simm.s32 $0x1B8B  }
0xa2: {  	_ =	swait.ge [sflag:s23], $0x1  }
0xa3: {  	[sflag:s23] =	ssyncset.done $0x0  }
0xa4: {  	s25 =	simm.s32 $0x1B8E;
	s24 =	sld [smem:$0x3FFE];
	[sflag:s23] =	ssyncadd.s32 $0xFFFFFFFF  }
0xa5: {  	s26 =	simm.s32 $execute0_lowered;
	[smem:$0x3FD2] =	sst s25  }
0xa6: {  	s5 =	sshll.u32 s26, $0x1;
	_ =	strace $0x8000004C;
	[dreg:$0x1] =	wrdreg $0xFFFFFFFF  }
0xa7: {  	s28 =	simm.s32 $_size_execute0_lowered;
	s3 =	sadd.s32 s3, s5;
	[dreg:$0x0] =	wrdreg $0x0  }
0xa8: {  	s5 =	sshll.u32 s28, $0x1;
	[dreg:$0x2] =	wrdreg s3  }
0xa9: {  	[dreg:$0x3] =	wrdreg s5  }
0xaa: {  	[dreg:$0x4] =	wrdreg $0xC0  }
0xab: {  	_ =	task [dreg:s7], $0x5FFFF  }
0xac: {  	[dreg:$0x1] =	wrdreg $0xFFFFFFFF  }
0xad: {  	[dreg:$0x0] =	wrdreg $0x60  }
0xae: {  	[dreg:$0x2] =	wrdreg s24  }
0xaf: {  	[dreg:$0x3] =	wrdreg s2  }
0xb0: {  	[dreg:$0x4] =	wrdreg $0xB0000  }
0xb1: {  	[dreg:$0x5] =	wrdreg $0x9  }
0xb2: {  	_ =	task.clear_ibuf [dreg:s7], $0x6FFFF;
	_ =	strace $0x9000004C  }
0xb3: {  	s29 =	simm.s32 $0x9;
	_ =	strace $0x8000004E  }
0xb4: {  	_ =	swait.ge [sflag:s29], $0x1  }
0xb5: {  	[sflag:s29] =	ssyncadd.s32 $0xFFFFFFFF  }
0xb6: {  	_ =	strace $0x9000004E  }
0xb7: {  	_ =	sfence  }
0xb8: {  	s30 =	sld [smem:$0x0];
	_ =	sdelay $0x2  }
0xb9: {  	s31 =	sshll.u32 s1, $0xD;
	s1 =	sshrl.u32 s1, $0x2  }
0xba: {  	s3 =	sand.u32 $0x4000, s31;
	s1 =	sadd.s32 s1, s30  }
0xbb: {  	s0 =	sor.u32 s3, s0;
	s1 =	sshll.u32 s1, $0x11  }
0xbc: {  	s0 =	sor.u32 s1, s0  }
0xbd: {  	s0 =	sadd.s32 $0x8F2B, s0  }
0xbe: {  	[sflag:s0] =	ssyncadd.remote.s32 $0x1  }
0xbf: {  	_ =	sfence.sel $0xFFFF  }
0xc0: {  	[dreg:$0x0] =	wrdreg $0xFFFFFFFF;
	(pc) =	sbr.abs _section_cstart, $3  }
0xc1: {  	[dreg:$0x1] =	wrdreg $0xFFFFFFFF  }
0xc2: {  	_ =	task.clear_ibuf [dreg:s7], $0x2FFFF;
	_ =	strace $0x9FFFFFFF  }
0xc3: {  	(tm) =	ssettm $0x7FFFFFFF  }
tec
execute0_lowered:
.L_overlay_start_1:
0x0: {  	(tag) =	ssettag $0x1  }
0x1: {  	s0 =	rddreg [dreg:$0x0]  }
0x2: {  	s2 =	rddreg [dreg:$0x1];
	s1 =	srdreg.scid  }
0x3: {  	s20 =	stileid.u32;
	s3 =	rddreg [dreg:$0x2];
	s4 =	simm.s32 $0x0  }
0x4: {  	s28 =	simm.s32 $0x1;
	s29 =	simm.s32 $0x7000;
	s22 =	smul.u32 $0x50000, s20  }
0x5: {  	s30 =	simm.s32 $0x2;
	s1 =	sand.u32 $0x1, s1;
	s13 =	smul.u32 $0x14000, s20  }
0x6: {  	s5 =	sshll.u32 s20, $0x1;
	[smem:$0x7FF] =	sst s4;
	s18 =	smul.u32 $0x140000, s1  }
0x7: {  	s5 =	sor.u32 s1, s5;
	s7 =	ssub.s32 $0x2, s1;
	s1 =	smul.u32 $0x2800, s1  }
0x8: {  	s31 =	simm.s32 $0x0;
	_ =	strace $0x8000004D;
	s6 =	smul.u32 $0x2800, s5  }
0x9: {  	s5 =	sadd.s32 $0xCA00, s0;
	s8 =	sshrl.u32 s7, $0x1;
	s15 =	sadd.s32 $0x4000, s13  }
0xa: {  	s16 =	sadd.s32 $0x8000, s13;
	s17 =	sadd.s32 $0xC000, s13;
	s19 =	sadd.s32 $0x10000, s13  }
0xb: {  	s14 =	ssub.s32 s7, s8;
	s7 =	sadd.s32 s15, s3;
	s8 =	sadd.s32 s16, s3  }
0xc: {  	s9 =	sadd.s32 s17, s3;
	s10 =	sadd.s32 s19, s3;
	s13 =	sadd.s32 s13, s18  }
0xd: {  	s25 =	sadd.s32 s18, s15;
	s26 =	sadd.s32 s18, s16;
	s15 =	sadd.s32 s18, s17  }
0xe: {  	s16 =	smul.u32 $0x5000, s20;
	s20 =	simm.s32 $0x480;
	s11 =	sshrl.u32 s6, $0x3  }
0xf: {  	s17 =	sshrl.u32 s26, $0x3;
	s26 =	simm.s32 $0x200;
	[dreg:$0xa] =	wrdreg s20  }
0x10: {  	s21 =	sshrl.u32 s15, $0x3;
	s15 =	simm.s32 $0x280;
	[dreg:$0x6] =	wrdreg s26  }
0x11: {  	s12 =	sadd.s32 s11, s0;
	[dreg:$0x7] =	wrdreg s15;
	s26 =	simm.s32 $0x780  }
0x12: {  	s0 =	sadd.s32 $0x34A00, s0;
	s12 =	sadd.s32 $0x2A00, s12;
	[dreg:$0x10] =	wrdreg s26  }
0x13: {  	s6 =	sshrl.u32 s22, $0x2;
	s22 =	sadd.s32 s0, s21;
	[dreg:$0x11] =	wrdreg s12  }
0x14: {  	s23 =	sshrl.u32 s13, $0x3;
	s21 =	simm.s32 $0x500;
	[dreg:$0x16] =	wrdreg s22  }
0x15: {  	s12 =	sadd.s32 s2, s11;
	s11 =	sadd.s32 s0, s23;
	[dreg:$0xb] =	wrdreg s21  }
0x16: {  	s6 =	sadd.s32 s6, s3;
	s23 =	simm.s32 $0x100;
	[dreg:$0x13] =	wrdreg s11  }
0x17: {  	s1 =	sadd.s32 s1, s16;
	s22 =	simm.s32 $0x580;
	[dreg:$0x4] =	wrdreg s23  }
0x18: {  	s26 =	simm.s32 $0x400;
	s24 =	sadd.s32 $0x80, s12;
	[dreg:$0xc] =	wrdreg s22  }
0x19: {  	s11 =	sshrl.u32 s25, $0x3;
	s25 =	simm.s32 $0x180;
	[dreg:$0x12] =	wrdreg s24  }
0x1a: {  	s21 =	sadd.s32 $0x800, s1;
	s23 =	simm.s32 $0x600;
	[dreg:$0x5] =	wrdreg s25  }
0x1b: {  	s22 =	simm.s32 $0x3000;
	s11 =	sadd.s32 s0, s11;
	[dreg:$0xd] =	wrdreg s23  }
0x1c: {  	s24 =	sadd.s32 s18, s19;
	s18 =	simm.s32 $0x380;
	[dreg:$0x14] =	wrdreg s11  }
0x1d: {  	s19 =	smax.u32 s14, $0x1;
	s25 =	simm.s32 $0x700;
	[dreg:$0x9] =	wrdreg s18  }
0x1e: {  	s23 =	simm.s32 $0x3;
	s11 =	sadd.s32 s0, s17;
	[dreg:$0xf] =	wrdreg s25  }
0x1f: {  	s13 =	sshrl.u32 s24, $0x3;
	s17 =	simm.s32 $0x300;
	[dreg:$0x15] =	wrdreg s11  }
0x20: {  	s24 =	simm.s32 $0x680;
	[dreg:$0x8] =	wrdreg s17;
	s11 =	sadd.s32 $0xC00, s1  }
0x21: {  	s0 =	sadd.s32 s0, s13;
	[dreg:$0xe] =	wrdreg s24;
	s11 =	sshrl.u32 s11, $0x3  }
0x22: {  	v0 =	vimm.f32 $0.0e+00;
	s25 =	simm.s32 $0x80;
	[dreg:$0x17] =	wrdreg s0;
	s11 =	sadd.s32 s11, s2  }
.LBB2_1:
0x23: {  	s0 =	sand.u32 $0xFE00, s4  }
0x24: {  	s1 =	sand.u32 $0x70, s4;
	s13 =	sshrl.u32 s0, $0x2  }
0x25: {  	s0 =	simm.s32 $0x40;
	s13 =	sor.u32 s1, s13;
	s1 =	simm.s32 $0x0  }
.LBB2_2:
0x26: {  	p0 =	sne.s32 s0, $0xFFC0  }
0x27: {  	[tilespmem:s13+$0x3000] =	vst v0;
	s1 =	sadd.s32 $0x10, s1;
	s13 =	smov.u32 s0;
	s0 =	sadd.s32 $0x40, s0  }
.Ltmp0:
0x28: {  	(pc) =	sbr.rel @p0 .LBB2_2-.Ltmp0, $4  }
0x29: {  	_ = 	snop  }
0x2a: {  	s13 =	sand.u32 $0xFE00, s13  }
0x2b: {  	s14 =	sand.u32 $0x70, s1;
	s13 =	sshrl.u32 s13, $0x2  }
0x2c: {  	s13 =	sor.u32 s14, s13  }
0x2d: {  	[tilespmem:s13+$0x3000] =	vst v0  }
0x2e: {  	[spmem:s6] =	stream.linear.scatter [tilespmem:s22], [sflag:$0x3], $0x4000, $0x38;
	[tilespmem:$0x1F000] =	vst v63  }
0x2f: {  	_ =	swait.ge [sflag:s23], $0x4000  }
0x30: {  	[sflag:s23] =	ssyncset.done $0x0  }
0x31: {  	[sflag:s23] =	ssyncadd.s32 $0xFFFFC000  }
0x32: {  	[spmem:s7] =	stream.linear.scatter [tilespmem:s22], [sflag:$0x3], $0x4000, $0x38;
	[tilespmem:$0x1F000] =	vst v63  }
0x33: {  	_ =	swait.ge [sflag:s23], $0x4000  }
0x34: {  	[sflag:s23] =	ssyncset.done $0x0  }
0x35: {  	[sflag:s23] =	ssyncadd.s32 $0xFFFFC000  }
0x36: {  	[spmem:s8] =	stream.linear.scatter [tilespmem:s22], [sflag:$0x3], $0x4000, $0x38;
	[tilespmem:$0x1F000] =	vst v63  }
0x37: {  	_ =	swait.ge [sflag:s23], $0x4000  }
0x38: {  	[sflag:s23] =	ssyncset.done $0x0  }
0x39: {  	[sflag:s23] =	ssyncadd.s32 $0xFFFFC000  }
0x3a: {  	[spmem:s9] =	stream.linear.scatter [tilespmem:s22], [sflag:$0x3], $0x4000, $0x38;
	[tilespmem:$0x1F000] =	vst v63  }
0x3b: {  	_ =	swait.ge [sflag:s23], $0x4000  }
0x3c: {  	[sflag:s23] =	ssyncset.done $0x0  }
0x3d: {  	[sflag:s23] =	ssyncadd.s32 $0xFFFFC000  }
0x3e: {  	[spmem:s10] =	stream.linear.scatter [tilespmem:s22], [sflag:$0x3], $0x4000, $0x38;
	[tilespmem:$0x1F000] =	vst v63  }
0x3f: {  	_ =	swait.ge [sflag:s23], $0x4000  }
0x40: {  	[sflag:s23] =	ssyncset.done $0x0  }
0x41: {  	[sflag:s23] =	ssyncadd.s32 $0xFFFFC000  }
0x42: {  	[bflag:$0x0] =	sbarrier.arrive $0xFFFF  }
0x43: {  	s0 =	simm.s32 $0x0;
	s16 =	simm.s32 $0x800;
	s1 =	rddreg [dreg:$0x11]  }
0x44: {  	[tilespmem:s16], [sflag:$0x3] =	stream.linear.gather [hbm4b:s1+s0], $0x2800, $0x38;
	[tilespmem:$0x1F000] =	vst v63  }
0x45: {  	_ =	swait.ge [sflag:s23], $0x2800  }
0x46: {  	[sflag:s23] =	ssyncset.done $0x0  }
0x47: {  	[sflag:s23] =	ssyncadd.s32 $0xFFFFD800  }
0x48: {  	[tilespmem:s0], [sflag:$0x3] =	stream.linear.gather [hbm4b:s12+s0], $0x400, $0x38;
	[tilespmem:$0x1F000] =	vst v63  }
0x49: {  	_ =	swait.ge [sflag:s23], $0x400  }
0x4a: {  	[sflag:s23] =	ssyncset.done $0x0  }
0x4b: {  	[sflag:s23] =	ssyncadd.s32 $0xFFFFFC00  }
0x4c: {  	[tilespmem:s22], [sflag:$0x1] =	stream.indirect.gather [hbm4b:s5+s25], $0x80, s0, s25, $0xb8;
	[tilespmem:$0x1F000] =	vst v63  }
0x4d: {  	s17 =	rddreg [dreg:$0x12]  }
0x4e: {  	[tilespmem:s26], [sflag:$0x2] =	stream.linear.gather [hbm4b:s17+s0], $0x400, $0x38;
	[tilespmem:$0x1F000] =	vst v63  }
0x4f: {  	_ =	swait.ge [sflag:s28], $0x4000  }
0x50: {  	[sflag:s28] =	ssyncset.done $0x0  }
0x51: {  	[sflag:s28] =	ssyncadd.s32 $0xFFFFC000  }
0x52: {  	[tilespmem:s29], [sflag:$0x1] =	stream.indirect.gather [hbm4b:s5+s25], $0x80, s25, s25, $0xb8;
	[tilespmem:$0x1F000] =	vst v63  }
0x53: {  	s18 =	simm.s32 $0x800  }
0x54: {  	[spmem:s3] =	stream.indirect.scatter.add.f32 [tilespmem:s22], [sflag:$0x3], $0x80, s18, s25, $0xb8;
	[tilespmem:$0x1F000] =	vst v63  }
0x55: {  	_ =	swait.ge [sflag:s23], $0x4000  }
0x56: {  	[sflag:s23] =	ssyncset.done $0x0  }
0x57: {  	[sflag:s23] =	ssyncadd.s32 $0xFFFFC000  }
0x58: {  	_ =	swait.ge [sflag:s28], $0x4000  }
0x59: {  	[sflag:s28] =	ssyncset.done $0x0  }
0x5a: {  	s20 =	rddreg [dreg:$0x4];
	[sflag:s28] =	ssyncadd.s32 $0xFFFFC000  }
0x5b: {  	[tilespmem:s22], [sflag:$0x1] =	stream.indirect.gather [hbm4b:s5+s25], $0x80, s20, s25, $0xb8;
	[tilespmem:$0x1F000] =	vst v63  }
0x5c: {  	s24 =	simm.s32 $0x880  }
0x5d: {  	[spmem:s3] =	stream.indirect.scatter.add.f32 [tilespmem:s29], [sflag:$0x3], $0x80, s24, s25, $0xb8;
	[tilespmem:$0x1F000] =	vst v63  }
0x5e: {  	_ =	swait.ge [sflag:s23], $0x4000  }
0x5f: {  	[sflag:s23] =	ssyncset.done $0x0  }
0x60: {  	[sflag:s23] =	ssyncadd.s32 $0xFFFFC000  }
0x61: {  	_ =	swait.ge [sflag:s28], $0x4000  }
0x62: {  	[sflag:s28] =	ssyncset.done $0x0  }
0x63: {  	s1 =	rddreg [dreg:$0x5];
	[sflag:s28] =	ssyncadd.s32 $0xFFFFC000  }
0x64: {  	[tilespmem:s29], [sflag:$0x1] =	stream.indirect.gather [hbm4b:s5+s25], $0x80, s1, s25, $0xb8;
	[tilespmem:$0x1F000] =	vst v63  }
0x65: {  	s13 =	simm.s32 $0x900  }
0x66: {  	[spmem:s3] =	stream.indirect.scatter.add.f32 [tilespmem:s22], [sflag:$0x3], $0x80, s13, s25, $0xb8;
	[tilespmem:$0x1F000] =	vst v63  }
0x67: {  	_ =	swait.ge [sflag:s23], $0x4000  }
0x68: {  	[sflag:s23] =	ssyncset.done $0x0  }
0x69: {  	[sflag:s23] =	ssyncadd.s32 $0xFFFFC000  }
0x6a: {  	_ =	swait.ge [sflag:s28], $0x4000  }
0x6b: {  	[sflag:s28] =	ssyncset.done $0x0  }
0x6c: {  	s14 =	rddreg [dreg:$0x6];
	[sflag:s28] =	ssyncadd.s32 $0xFFFFC000  }
0x6d: {  	[tilespmem:s22], [sflag:$0x1] =	stream.indirect.gather [hbm4b:s5+s25], $0x80, s14, s25, $0xb8;
	[tilespmem:$0x1F000] =	vst v63  }
0x6e: {  	s15 =	simm.s32 $0x980  }
0x6f: {  	[spmem:s3] =	stream.indirect.scatter.add.f32 [tilespmem:s29], [sflag:$0x3], $0x80, s15, s25, $0xb8;
	[tilespmem:$0x1F000] =	vst v63  }
0x70: {  	_ =	swait.ge [sflag:s23], $0x4000  }
0x71: {  	[sflag:s23] =	ssyncset.done $0x0  }
0x72: {  	[sflag:s23] =	ssyncadd.s32 $0xFFFFC000  }
0x73: {  	_ =	swait.ge [sflag:s28], $0x4000  }
0x74: {  	[sflag:s28] =	ssyncset.done $0x0  }
0x75: {  	s16 =	rddreg [dreg:$0x7];
	[sflag:s28] =	ssyncadd.s32 $0xFFFFC000  }
0x76: {  	[tilespmem:s29], [sflag:$0x1] =	stream.indirect.gather [hbm4b:s5+s25], $0x80, s16, s25, $0xb8;
	[tilespmem:$0x1F000] =	vst v63  }
0x77: {  	s17 =	simm.s32 $0xA00  }
0x78: {  	[spmem:s3] =	stream.indirect.scatter.add.f32 [tilespmem:s22], [sflag:$0x3], $0x80, s17, s25, $0xb8;
	[tilespmem:$0x1F000] =	vst v63  }
0x79: {  	_ =	swait.ge [sflag:s23], $0x4000  }
0x7a: {  	[sflag:s23] =	ssyncset.done $0x0  }
0x7b: {  	[sflag:s23] =	ssyncadd.s32 $0xFFFFC000  }
0x7c: {  	_ =	swait.ge [sflag:s28], $0x4000  }
0x7d: {  	[sflag:s28] =	ssyncset.done $0x0  }
0x7e: {  	s18 =	rddreg [dreg:$0x8];
	[sflag:s28] =	ssyncadd.s32 $0xFFFFC000  }
0x7f: {  	[tilespmem:s22], [sflag:$0x1] =	stream.indirect.gather [hbm4b:s5+s25], $0x80, s18, s25, $0xb8;
	[tilespmem:$0x1F000] =	vst v63  }
0x80: {  	s20 =	simm.s32 $0xA80  }
0x81: {  	[spmem:s3] =	stream.indirect.scatter.add.f32 [tilespmem:s29], [sflag:$0x3], $0x80, s20, s25, $0xb8;
	[tilespmem:$0x1F000] =	vst v63  }
0x82: {  	_ =	swait.ge [sflag:s23], $0x4000  }
0x83: {  	[sflag:s23] =	ssyncset.done $0x0  }
0x84: {  	[sflag:s23] =	ssyncadd.s32 $0xFFFFC000  }
0x85: {  	_ =	swait.ge [sflag:s28], $0x4000  }
0x86: {  	[sflag:s28] =	ssyncset.done $0x0  }
0x87: {  	s24 =	rddreg [dreg:$0x9];
	[sflag:s28] =	ssyncadd.s32 $0xFFFFC000  }
0x88: {  	[tilespmem:s29], [sflag:$0x1] =	stream.indirect.gather [hbm4b:s5+s25], $0x80, s24, s25, $0xb8;
	[tilespmem:$0x1F000] =	vst v63  }
0x89: {  	s1 =	simm.s32 $0xB00  }
0x8a: {  	[spmem:s3] =	stream.indirect.scatter.add.f32 [tilespmem:s22], [sflag:$0x3], $0x80, s1, s25, $0xb8;
	[tilespmem:$0x1F000] =	vst v63  }
0x8b: {  	_ =	swait.ge [sflag:s23], $0x4000  }
0x8c: {  	[sflag:s23] =	ssyncset.done $0x0  }
0x8d: {  	[sflag:s23] =	ssyncadd.s32 $0xFFFFC000  }
0x8e: {  	_ =	swait.ge [sflag:s28], $0x4000  }
0x8f: {  	[sflag:s28] =	ssyncset.done $0x0  }
0x90: {  	[sflag:s28] =	ssyncadd.s32 $0xFFFFC000  }
0x91: {  	_ =	swait.ge [sflag:s30], $0x400  }
0x92: {  	p0 =	por $0x0, $0x0;
	[sflag:s30] =	ssyncset.done $0x0  }
0x93: {  	s1 =	sshrl.u32 @!p0 s21, $0x3;
	[sflag:s30] =	ssyncadd.s32 $0xFFFFFC00  }
0x94: {  	[tilespmem:s22], [sflag:$0x1] =	stream.indirect.gather [hbm4b:s5+s25], $0x80, s26, s25, $0xb8;
	[tilespmem:$0x1F000] =	vst v63  }
0x95: {  	s0 =	simm.s32 @!p0 $0x0;
	s1 =	sadd.s32 @!p0 s2, s1  }
0x96: {  	[tilespmem:s0], [sflag:$0x2] =	stream.linear.gather @!p0 [hbm4b:s1+s0], $0x400, $0x38;
	[tilespmem:$0x1F000] =	vst v63  }
0x97: {  	s13 =	simm.s32 $0xB80  }
0x98: {  	[spmem:s3] =	stream.indirect.scatter.add.f32 [tilespmem:s29], [sflag:$0x3], $0x80, s13, s25, $0xb8;
	[tilespmem:$0x1F000] =	vst v63  }
0x99: {  	_ =	swait.ge [sflag:s23], $0x4000  }
0x9a: {  	[sflag:s23] =	ssyncset.done $0x0  }
0x9b: {  	[sflag:s23] =	ssyncadd.s32 $0xFFFFC000  }
0x9c: {  	_ =	swait.ge [sflag:s28], $0x4000  }
0x9d: {  	[sflag:s28] =	ssyncset.done $0x0  }
0x9e: {  	s14 =	rddreg [dreg:$0xa];
	[sflag:s28] =	ssyncadd.s32 $0xFFFFC000  }
0x9f: {  	[tilespmem:s29], [sflag:$0x1] =	stream.indirect.gather [hbm4b:s5+s25], $0x80, s14, s25, $0xb8;
	[tilespmem:$0x1F000] =	vst v63  }
0xa0: {  	s15 =	simm.s32 $0xC00  }
0xa1: {  	[spmem:s3] =	stream.indirect.scatter.add.f32 [tilespmem:s22], [sflag:$0x3], $0x80, s15, s25, $0xb8;
	[tilespmem:$0x1F000] =	vst v63  }
0xa2: {  	_ =	swait.ge [sflag:s23], $0x4000  }
0xa3: {  	[sflag:s23] =	ssyncset.done $0x0  }
0xa4: {  	[sflag:s23] =	ssyncadd.s32 $0xFFFFC000  }
0xa5: {  	_ =	swait.ge [sflag:s28], $0x4000  }
0xa6: {  	[sflag:s28] =	ssyncset.done $0x0  }
0xa7: {  	s16 =	rddreg [dreg:$0xb];
	[sflag:s28] =	ssyncadd.s32 $0xFFFFC000  }
0xa8: {  	[tilespmem:s22], [sflag:$0x1] =	stream.indirect.gather [hbm4b:s5+s25], $0x80, s16, s25, $0xb8;
	[tilespmem:$0x1F000] =	vst v63  }
0xa9: {  	s17 =	simm.s32 $0xC80  }
0xaa: {  	[spmem:s3] =	stream.indirect.scatter.add.f32 [tilespmem:s29], [sflag:$0x3], $0x80, s17, s25, $0xb8;
	[tilespmem:$0x1F000] =	vst v63  }
0xab: {  	_ =	swait.ge [sflag:s23], $0x4000  }
0xac: {  	[sflag:s23] =	ssyncset.done $0x0  }
0xad: {  	[sflag:s23] =	ssyncadd.s32 $0xFFFFC000  }
0xae: {  	_ =	swait.ge [sflag:s28], $0x4000  }
0xaf: {  	[sflag:s28] =	ssyncset.done $0x0  }
0xb0: {  	s18 =	rddreg [dreg:$0xc];
	[sflag:s28] =	ssyncadd.s32 $0xFFFFC000  }
0xb1: {  	[tilespmem:s29], [sflag:$0x1] =	stream.indirect.gather [hbm4b:s5+s25], $0x80, s18, s25, $0xb8;
	[tilespmem:$0x1F000] =	vst v63  }
0xb2: {  	s20 =	simm.s32 $0xD00  }
0xb3: {  	[spmem:s3] =	stream.indirect.scatter.add.f32 [tilespmem:s22], [sflag:$0x3], $0x80, s20, s25, $0xb8;
	[tilespmem:$0x1F000] =	vst v63  }
0xb4: {  	_ =	swait.ge [sflag:s23], $0x4000  }
0xb5: {  	[sflag:s23] =	ssyncset.done $0x0  }
0xb6: {  	[sflag:s23] =	ssyncadd.s32 $0xFFFFC000  }
0xb7: {  	_ =	swait.ge [sflag:s28], $0x4000  }
0xb8: {  	[sflag:s28] =	ssyncset.done $0x0  }
0xb9: {  	s24 =	rddreg [dreg:$0xd];
	[sflag:s28] =	ssyncadd.s32 $0xFFFFC000  }
0xba: {  	[tilespmem:s22], [sflag:$0x1] =	stream.indirect.gather [hbm4b:s5+s25], $0x80, s24, s25, $0xb8;
	[tilespmem:$0x1F000] =	vst v63  }
0xbb: {  	s13 =	simm.s32 $0xD80  }
0xbc: {  	[spmem:s3] =	stream.indirect.scatter.add.f32 [tilespmem:s29], [sflag:$0x3], $0x80, s13, s25, $0xb8;
	[tilespmem:$0x1F000] =	vst v63  }
0xbd: {  	_ =	swait.ge [sflag:s23], $0x4000  }
0xbe: {  	[sflag:s23] =	ssyncset.done $0x0  }
0xbf: {  	[sflag:s23] =	ssyncadd.s32 $0xFFFFC000  }
0xc0: {  	_ =	swait.ge [sflag:s28], $0x4000  }
0xc1: {  	[sflag:s28] =	ssyncset.done $0x0  }
0xc2: {  	s14 =	rddreg [dreg:$0xe];
	[sflag:s28] =	ssyncadd.s32 $0xFFFFC000  }
0xc3: {  	[tilespmem:s29], [sflag:$0x1] =	stream.indirect.gather [hbm4b:s5+s25], $0x80, s14, s25, $0xb8;
	[tilespmem:$0x1F000] =	vst v63  }
0xc4: {  	s15 =	simm.s32 $0xE00  }
0xc5: {  	[spmem:s3] =	stream.indirect.scatter.add.f32 [tilespmem:s22], [sflag:$0x3], $0x80, s15, s25, $0xb8;
	[tilespmem:$0x1F000] =	vst v63  }
0xc6: {  	_ =	swait.ge [sflag:s23], $0x4000  }
0xc7: {  	[sflag:s23] =	ssyncset.done $0x0  }
0xc8: {  	[sflag:s23] =	ssyncadd.s32 $0xFFFFC000  }
0xc9: {  	_ =	swait.ge [sflag:s28], $0x4000  }
0xca: {  	[sflag:s28] =	ssyncset.done $0x0  }
0xcb: {  	s16 =	rddreg [dreg:$0xf];
	[sflag:s28] =	ssyncadd.s32 $0xFFFFC000  }
0xcc: {  	[tilespmem:s22], [sflag:$0x1] =	stream.indirect.gather [hbm4b:s5+s25], $0x80, s16, s25, $0xb8;
	[tilespmem:$0x1F000] =	vst v63  }
0xcd: {  	s17 =	simm.s32 $0xE80  }
0xce: {  	[spmem:s3] =	stream.indirect.scatter.add.f32 [tilespmem:s29], [sflag:$0x3], $0x80, s17, s25, $0xb8;
	[tilespmem:$0x1F000] =	vst v63  }
0xcf: {  	_ =	swait.ge [sflag:s23], $0x4000  }
0xd0: {  	[sflag:s23] =	ssyncset.done $0x0  }
0xd1: {  	[sflag:s23] =	ssyncadd.s32 $0xFFFFC000  }
0xd2: {  	_ =	swait.ge [sflag:s28], $0x4000  }
0xd3: {  	[sflag:s28] =	ssyncset.done $0x0  }
0xd4: {  	s18 =	rddreg [dreg:$0x10];
	[sflag:s28] =	ssyncadd.s32 $0xFFFFC000  }
0xd5: {  	[tilespmem:s29], [sflag:$0x1] =	stream.indirect.gather [hbm4b:s5+s25], $0x80, s18, s25, $0xb8;
	[tilespmem:$0x1F000] =	vst v63  }
0xd6: {  	s20 =	simm.s32 $0xF00  }
0xd7: {  	[spmem:s3] =	stream.indirect.scatter.add.f32 [tilespmem:s22], [sflag:$0x3], $0x80, s20, s25, $0xb8;
	[tilespmem:$0x1F000] =	vst v63  }
0xd8: {  	_ =	swait.ge [sflag:s23], $0x4000  }
0xd9: {  	[sflag:s23] =	ssyncset.done $0x0  }
0xda: {  	[sflag:s23] =	ssyncadd.s32 $0xFFFFC000  }
0xdb: {  	_ =	swait.ge [sflag:s28], $0x4000  }
0xdc: {  	p1 =	por $0x0, $0x0;
	[sflag:s28] =	ssyncset.done $0x0  }
0xdd: {  	s1 =	simm.s32 @!p1 $0x2;
	[sflag:s28] =	ssyncadd.s32 $0xFFFFC000  }
0xde: {  	_ =	swait.ge @!p1 [sflag:s1], $0x400  }
0xdf: {  	s13 =	simm.s32 @!p1 $0x3000;
	[sflag:s1] =	ssyncset.done @!p1 $0x0  }
0xe0: {  	s14 =	simm.s32 @!p1 $0x80;
	[sflag:s1] =	ssyncadd.s32 @!p1 $0xFFFFFC00;
	s1 =	simm.s32 @!p1 $0x0  }
0xe1: {  	[tilespmem:s13], [sflag:$0x1] =	stream.indirect.gather @!p1 [hbm4b:s5+s14], $0x80, s1, s14, $0xb8;
	[tilespmem:$0x1F000] =	vst v63  }
0xe2: {  	s1 =	simm.s32 @!p0 $0x400  }
0xe3: {  	[tilespmem:s1], [sflag:$0x2] =	stream.linear.gather @!p0 [hbm4b:s11+s0], $0x400, $0x38;
	[tilespmem:$0x1F000] =	vst v63  }
0xe4: {  	s24 =	simm.s32 $0xF80;
	s20 =	smov.u32 s11;
	s1 =	simm.s32 $0x2000  }
0xe5: {  	[spmem:s3] =	stream.indirect.scatter.add.f32 [tilespmem:s29], [sflag:$0x3], $0x80, s24, s25, $0xb8;
	[tilespmem:$0x1F000] =	vst v63  }
0xe6: {  	s0 =	sadd.s32 $0x800, s21;
	s24 =	simm.s32 $0x3;
	_ =	swait.ge [sflag:s23], $0x4000  }
.LBB2_4:
0xe7: {  	[sflag:s23] =	ssyncset.done $0x0  }
0xe8: {  	[sflag:s23] =	ssyncadd.s32 $0xFFFFC000  }
0xe9: {  	_ =	swait.ge [sflag:s28], $0x4000  }
0xea: {  	s14 =	smov.u32 s1;
	[sflag:s28] =	ssyncset.done $0x0  }
0xeb: {  	s13 =	sshra.s32 s14, $0x2;
	[sflag:s28] =	ssyncadd.s32 $0xFFFFC000  }
0xec: {  	[tilespmem:s29], [sflag:$0x1] =	stream.indirect.gather [hbm4b:s5+s25], $0x80, s25, s25, $0xb8;
	[tilespmem:$0x1F000] =	vst v63  }
0xed: {  	s15 =	sadd.s32 $0x800, s13  }
0xee: {  	[spmem:s3] =	stream.indirect.scatter.add.f32 [tilespmem:s22], [sflag:$0x3], $0x80, s15, s25, $0xb8;
	[tilespmem:$0x1F000] =	vst v63  }
0xef: {  	_ =	swait.ge [sflag:s23], $0x4000  }
0xf0: {  	[sflag:s23] =	ssyncset.done $0x0  }
0xf1: {  	[sflag:s23] =	ssyncadd.s32 $0xFFFFC000  }
0xf2: {  	_ =	swait.ge [sflag:s28], $0x4000  }
0xf3: {  	[sflag:s28] =	ssyncset.done $0x0  }
0xf4: {  	s17 =	rddreg [dreg:$0x4];
	[sflag:s28] =	ssyncadd.s32 $0xFFFFC000  }
0xf5: {  	[tilespmem:s22], [sflag:$0x1] =	stream.indirect.gather [hbm4b:s5+s25], $0x80, s17, s25, $0xb8;
	[tilespmem:$0x1F000] =	vst v63  }
0xf6: {  	s18 =	sadd.s32 $0x880, s13  }
0xf7: {  	[spmem:s3] =	stream.indirect.scatter.add.f32 [tilespmem:s29], [sflag:$0x3], $0x80, s18, s25, $0xb8;
	[tilespmem:$0x1F000] =	vst v63  }
0xf8: {  	_ =	swait.ge [sflag:s23], $0x4000  }
0xf9: {  	[sflag:s23] =	ssyncset.done $0x0  }
0xfa: {  	[sflag:s23] =	ssyncadd.s32 $0xFFFFC000  }
0xfb: {  	_ =	swait.ge [sflag:s28], $0x4000  }
0xfc: {  	[sflag:s28] =	ssyncset.done $0x0  }
0xfd: {  	s16 =	rddreg [dreg:$0x5];
	[sflag:s28] =	ssyncadd.s32 $0xFFFFC000  }
0xfe: {  	[tilespmem:s29], [sflag:$0x1] =	stream.indirect.gather [hbm4b:s5+s25], $0x80, s16, s25, $0xb8;
	[tilespmem:$0x1F000] =	vst v63  }
0xff: {  	s17 =	sadd.s32 $0x900, s13  }
0x100: {  	[spmem:s3] =	stream.indirect.scatter.add.f32 [tilespmem:s22], [sflag:$0x3], $0x80, s17, s25, $0xb8;
	[tilespmem:$0x1F000] =	vst v63  }
0x101: {  	_ =	swait.ge [sflag:s23], $0x4000  }
0x102: {  	[sflag:s23] =	ssyncset.done $0x0  }
0x103: {  	[sflag:s23] =	ssyncadd.s32 $0xFFFFC000  }
0x104: {  	_ =	swait.ge [sflag:s28], $0x4000  }
0x105: {  	[sflag:s28] =	ssyncset.done $0x0  }
0x106: {  	s18 =	rddreg [dreg:$0x6];
	[sflag:s28] =	ssyncadd.s32 $0xFFFFC000  }
0x107: {  	[tilespmem:s22], [sflag:$0x1] =	stream.indirect.gather [hbm4b:s5+s25], $0x80, s18, s25, $0xb8;
	[tilespmem:$0x1F000] =	vst v63  }
0x108: {  	s16 =	sadd.s32 $0x980, s13  }
0x109: {  	[spmem:s3] =	stream.indirect.scatter.add.f32 [tilespmem:s29], [sflag:$0x3], $0x80, s16, s25, $0xb8;
	[tilespmem:$0x1F000] =	vst v63  }
0x10a: {  	_ =	swait.ge [sflag:s23], $0x4000  }
0x10b: {  	[sflag:s23] =	ssyncset.done $0x0  }
0x10c: {  	[sflag:s23] =	ssyncadd.s32 $0xFFFFC000  }
0x10d: {  	_ =	swait.ge [sflag:s28], $0x4000  }
0x10e: {  	[sflag:s28] =	ssyncset.done $0x0  }
0x10f: {  	s17 =	rddreg [dreg:$0x7];
	[sflag:s28] =	ssyncadd.s32 $0xFFFFC000  }
0x110: {  	[tilespmem:s29], [sflag:$0x1] =	stream.indirect.gather [hbm4b:s5+s25], $0x80, s17, s25, $0xb8;
	[tilespmem:$0x1F000] =	vst v63  }
0x111: {  	s18 =	sadd.s32 $0xA00, s13  }
0x112: {  	[spmem:s3] =	stream.indirect.scatter.add.f32 [tilespmem:s22], [sflag:$0x3], $0x80, s18, s25, $0xb8;
	[tilespmem:$0x1F000] =	vst v63  }
0x113: {  	_ =	swait.ge [sflag:s23], $0x4000  }
0x114: {  	[sflag:s23] =	ssyncset.done $0x0  }
0x115: {  	[sflag:s23] =	ssyncadd.s32 $0xFFFFC000  }
0x116: {  	_ =	swait.ge [sflag:s28], $0x4000  }
0x117: {  	[sflag:s28] =	ssyncset.done $0x0  }
0x118: {  	s16 =	rddreg [dreg:$0x8];
	[sflag:s28] =	ssyncadd.s32 $0xFFFFC000  }
0x119: {  	[tilespmem:s22], [sflag:$0x1] =	stream.indirect.gather [hbm4b:s5+s25], $0x80, s16, s25, $0xb8;
	[tilespmem:$0x1F000] =	vst v63  }
0x11a: {  	s17 =	sadd.s32 $0xA80, s13  }
0x11b: {  	[spmem:s3] =	stream.indirect.scatter.add.f32 [tilespmem:s29], [sflag:$0x3], $0x80, s17, s25, $0xb8;
	[tilespmem:$0x1F000] =	vst v63  }
0x11c: {  	_ =	swait.ge [sflag:s23], $0x4000  }
0x11d: {  	[sflag:s23] =	ssyncset.done $0x0  }
0x11e: {  	[sflag:s23] =	ssyncadd.s32 $0xFFFFC000  }
0x11f: {  	_ =	swait.ge [sflag:s28], $0x4000  }
0x120: {  	[sflag:s28] =	ssyncset.done $0x0  }
0x121: {  	s18 =	rddreg [dreg:$0x9];
	[sflag:s28] =	ssyncadd.s32 $0xFFFFC000  }
0x122: {  	[tilespmem:s29], [sflag:$0x1] =	stream.indirect.gather [hbm4b:s5+s25], $0x80, s18, s25, $0xb8;
	[tilespmem:$0x1F000] =	vst v63  }
0x123: {  	s16 =	sadd.s32 $0xB00, s13  }
0x124: {  	[spmem:s3] =	stream.indirect.scatter.add.f32 [tilespmem:s22], [sflag:$0x3], $0x80, s16, s25, $0xb8;
	[tilespmem:$0x1F000] =	vst v63  }
0x125: {  	_ =	swait.ge [sflag:s23], $0x4000  }
0x126: {  	[sflag:s23] =	ssyncset.done $0x0  }
0x127: {  	[sflag:s23] =	ssyncadd.s32 $0xFFFFC000  }
0x128: {  	_ =	swait.ge [sflag:s28], $0x4000  }
0x129: {  	[sflag:s28] =	ssyncset.done $0x0  }
0x12a: {  	[sflag:s28] =	ssyncadd.s32 $0xFFFFC000  }
0x12b: {  	_ =	swait.ge [sflag:s30], $0x400  }
0x12c: {  	p1 =	seq.s32 s14, $0x8000;
	[sflag:s30] =	ssyncset.done $0x0  }
0x12d: {  	s15 =	sshrl.u32 @!p1 s0, $0x3;
	[sflag:s30] =	ssyncadd.s32 $0xFFFFFC00  }
0x12e: {  	[tilespmem:s22], [sflag:$0x1] =	stream.indirect.gather [hbm4b:s5+s25], $0x80, s26, s25, $0xb8;
	[tilespmem:$0x1F000] =	vst v63  }
0x12f: {  	s14 =	simm.s32 @!p1 $0x0;
	s15 =	sadd.s32 @!p1 s2, s15  }
0x130: {  	[tilespmem:s14], [sflag:$0x2] =	stream.linear.gather @!p1 [hbm4b:s15+s14], $0x400, $0x38;
	[tilespmem:$0x1F000] =	vst v63  }
0x131: {  	s16 =	sadd.s32 $0xB80, s13  }
0x132: {  	[spmem:s3] =	stream.indirect.scatter.add.f32 [tilespmem:s29], [sflag:$0x3], $0x80, s16, s25, $0xb8;
	[tilespmem:$0x1F000] =	vst v63  }
0x133: {  	_ =	swait.ge [sflag:s23], $0x4000  }
0x134: {  	[sflag:s23] =	ssyncset.done $0x0  }
0x135: {  	[sflag:s23] =	ssyncadd.s32 $0xFFFFC000  }
0x136: {  	_ =	swait.ge [sflag:s28], $0x4000  }
0x137: {  	[sflag:s28] =	ssyncset.done $0x0  }
0x138: {  	s17 =	rddreg [dreg:$0xa];
	[sflag:s28] =	ssyncadd.s32 $0xFFFFC000  }
0x139: {  	[tilespmem:s29], [sflag:$0x1] =	stream.indirect.gather [hbm4b:s5+s25], $0x80, s17, s25, $0xb8;
	[tilespmem:$0x1F000] =	vst v63  }
0x13a: {  	s18 =	sadd.s32 $0xC00, s13  }
0x13b: {  	[spmem:s3] =	stream.indirect.scatter.add.f32 [tilespmem:s22], [sflag:$0x3], $0x80, s18, s25, $0xb8;
	[tilespmem:$0x1F000] =	vst v63  }
0x13c: {  	_ =	swait.ge [sflag:s23], $0x4000  }
0x13d: {  	[sflag:s23] =	ssyncset.done $0x0  }
0x13e: {  	[sflag:s23] =	ssyncadd.s32 $0xFFFFC000  }
0x13f: {  	_ =	swait.ge [sflag:s28], $0x4000  }
0x140: {  	[sflag:s28] =	ssyncset.done $0x0  }
0x141: {  	s17 =	rddreg [dreg:$0xb];
	[sflag:s28] =	ssyncadd.s32 $0xFFFFC000  }
0x142: {  	[tilespmem:s22], [sflag:$0x1] =	stream.indirect.gather [hbm4b:s5+s25], $0x80, s17, s25, $0xb8;
	[tilespmem:$0x1F000] =	vst v63  }
0x143: {  	s18 =	sadd.s32 $0xC80, s13  }
0x144: {  	[spmem:s3] =	stream.indirect.scatter.add.f32 [tilespmem:s29], [sflag:$0x3], $0x80, s18, s25, $0xb8;
	[tilespmem:$0x1F000] =	vst v63  }
0x145: {  	_ =	swait.ge [sflag:s23], $0x4000  }
0x146: {  	[sflag:s23] =	ssyncset.done $0x0  }
0x147: {  	[sflag:s23] =	ssyncadd.s32 $0xFFFFC000  }
0x148: {  	_ =	swait.ge [sflag:s28], $0x4000  }
0x149: {  	[sflag:s28] =	ssyncset.done $0x0  }
0x14a: {  	s17 =	rddreg [dreg:$0xc];
	[sflag:s28] =	ssyncadd.s32 $0xFFFFC000  }
0x14b: {  	[tilespmem:s29], [sflag:$0x1] =	stream.indirect.gather [hbm4b:s5+s25], $0x80, s17, s25, $0xb8;
	[tilespmem:$0x1F000] =	vst v63  }
0x14c: {  	s18 =	sadd.s32 $0xD00, s13  }
0x14d: {  	[spmem:s3] =	stream.indirect.scatter.add.f32 [tilespmem:s22], [sflag:$0x3], $0x80, s18, s25, $0xb8;
	[tilespmem:$0x1F000] =	vst v63  }
0x14e: {  	_ =	swait.ge [sflag:s23], $0x4000  }
0x14f: {  	[sflag:s23] =	ssyncset.done $0x0  }
0x150: {  	[sflag:s23] =	ssyncadd.s32 $0xFFFFC000  }
0x151: {  	_ =	swait.ge [sflag:s28], $0x4000  }
0x152: {  	[sflag:s28] =	ssyncset.done $0x0  }
0x153: {  	s17 =	rddreg [dreg:$0xd];
	[sflag:s28] =	ssyncadd.s32 $0xFFFFC000  }
0x154: {  	[tilespmem:s22], [sflag:$0x1] =	stream.indirect.gather [hbm4b:s5+s25], $0x80, s17, s25, $0xb8;
	[tilespmem:$0x1F000] =	vst v63  }
0x155: {  	s18 =	sadd.s32 $0xD80, s13  }
0x156: {  	[spmem:s3] =	stream.indirect.scatter.add.f32 [tilespmem:s29], [sflag:$0x3], $0x80, s18, s25, $0xb8;
	[tilespmem:$0x1F000] =	vst v63  }
0x157: {  	_ =	swait.ge [sflag:s23], $0x4000  }
0x158: {  	[sflag:s23] =	ssyncset.done $0x0  }
0x159: {  	[sflag:s23] =	ssyncadd.s32 $0xFFFFC000  }
0x15a: {  	_ =	swait.ge [sflag:s28], $0x4000  }
0x15b: {  	[sflag:s28] =	ssyncset.done $0x0  }
0x15c: {  	s17 =	rddreg [dreg:$0xe];
	[sflag:s28] =	ssyncadd.s32 $0xFFFFC000  }
0x15d: {  	[tilespmem:s29], [sflag:$0x1] =	stream.indirect.gather [hbm4b:s5+s25], $0x80, s17, s25, $0xb8;
	[tilespmem:$0x1F000] =	vst v63  }
0x15e: {  	s18 =	sadd.s32 $0xE00, s13  }
0x15f: {  	[spmem:s3] =	stream.indirect.scatter.add.f32 [tilespmem:s22], [sflag:$0x3], $0x80, s18, s25, $0xb8;
	[tilespmem:$0x1F000] =	vst v63  }
0x160: {  	_ =	swait.ge [sflag:s23], $0x4000  }
0x161: {  	[sflag:s23] =	ssyncset.done $0x0  }
0x162: {  	[sflag:s23] =	ssyncadd.s32 $0xFFFFC000  }
0x163: {  	_ =	swait.ge [sflag:s28], $0x4000  }
0x164: {  	[sflag:s28] =	ssyncset.done $0x0  }
0x165: {  	s17 =	rddreg [dreg:$0xf];
	[sflag:s28] =	ssyncadd.s32 $0xFFFFC000  }
0x166: {  	[tilespmem:s22], [sflag:$0x1] =	stream.indirect.gather [hbm4b:s5+s25], $0x80, s17, s25, $0xb8;
	[tilespmem:$0x1F000] =	vst v63  }
0x167: {  	s18 =	sadd.s32 $0xE80, s13  }
0x168: {  	[spmem:s3] =	stream.indirect.scatter.add.f32 [tilespmem:s29], [sflag:$0x3], $0x80, s18, s25, $0xb8;
	[tilespmem:$0x1F000] =	vst v63  }
0x169: {  	_ =	swait.ge [sflag:s23], $0x4000  }
0x16a: {  	[sflag:s23] =	ssyncset.done $0x0  }
0x16b: {  	[sflag:s23] =	ssyncadd.s32 $0xFFFFC000  }
0x16c: {  	_ =	swait.ge [sflag:s28], $0x4000  }
0x16d: {  	[sflag:s28] =	ssyncset.done $0x0  }
0x16e: {  	s17 =	rddreg [dreg:$0x10];
	[sflag:s28] =	ssyncadd.s32 $0xFFFFC000  }
0x16f: {  	[tilespmem:s29], [sflag:$0x1] =	stream.indirect.gather [hbm4b:s5+s25], $0x80, s17, s25, $0xb8;
	[tilespmem:$0x1F000] =	vst v63  }
0x170: {  	s18 =	sadd.s32 $0xF00, s13  }
0x171: {  	[spmem:s3] =	stream.indirect.scatter.add.f32 [tilespmem:s22], [sflag:$0x3], $0x80, s18, s25, $0xb8;
	[tilespmem:$0x1F000] =	vst v63  }
0x172: {  	_ =	swait.ge [sflag:s23], $0x4000  }
0x173: {  	[sflag:s23] =	ssyncset.done $0x0  }
0x174: {  	[sflag:s23] =	ssyncadd.s32 $0xFFFFC000  }
0x175: {  	_ =	swait.ge [sflag:s28], $0x4000  }
0x176: {  	p2 =	sgt.u32 s24, $0x8;
	[sflag:s28] =	ssyncset.done $0x0  }
0x177: {  	s15 =	simm.s32 @!p2 $0x2;
	[sflag:s28] =	ssyncadd.s32 $0xFFFFC000  }
0x178: {  	s1 =	sadd.s32 $0x2000, s1;
	_ =	swait.ge @!p2 [sflag:s15], $0x400  }
0x179: {  	p0 =	sne.s32 s1, $0xA000;
	s16 =	simm.s32 @!p2 $0x3000;
	[sflag:s15] =	ssyncset.done @!p2 $0x0  }
0x17a: {  	s17 =	simm.s32 @!p2 $0x80;
	s18 =	simm.s32 @!p2 $0x0;
	[sflag:s15] =	ssyncadd.s32 @!p2 $0xFFFFFC00  }
0x17b: {  	[tilespmem:s16], [sflag:$0x1] =	stream.indirect.gather @!p2 [hbm4b:s5+s17], $0x80, s18, s17, $0xb8;
	[tilespmem:$0x1F000] =	vst v63  }
.Ltmp1:
0x17c: {  	s20 =	sadd.s32 $0x100, s20;
	s15 =	simm.s32 @!p1 $0x400;
	(pc) =	sbr.rel @p0 .LBB2_4-.Ltmp1, $4  }
0x17d: {  	[tilespmem:s15], [sflag:$0x2] =	stream.linear.gather @!p1 [hbm4b:s20+s14], $0x400, $0x38;
	[tilespmem:$0x1F000] =	vst v63  }
0x17e: {  	s13 =	sadd.s32 $0xF80, s13  }
0x17f: {  	[spmem:s3] =	stream.indirect.scatter.add.f32 [tilespmem:s29], [sflag:$0x3], $0x80, s13, s25, $0xb8;
	[tilespmem:$0x1F000] =	vst v63  }
0x180: {  	s24 =	sadd.s32 $0x2, s24;
	s0 =	sadd.s32 $0x800, s0;
	_ =	swait.ge [sflag:s23], $0x4000  }
0x181: {  	[sflag:s23] =	ssyncset.done $0x0  }
0x182: {  	[sflag:s23] =	ssyncadd.s32 $0xFFFFC000  }
0x183: {  	[bflag:$0x0] =	sbarrier.arrive $0xFFFF  }
0x184: {  	[tilespmem:s22], [sflag:$0x3] =	stream.linear.gather [spmem:s6], $0x4000, $0x38;
	[tilespmem:$0x1F000] =	vst v63  }
0x185: {  	_ =	swait.ge [sflag:s23], $0x4000  }
0x186: {  	[sflag:s23] =	ssyncset.done $0x0  }
0x187: {  	s0 =	rddreg [dreg:$0x13];
	[sflag:s23] =	ssyncadd.s32 $0xFFFFC000  }
0x188: {  	[hbm4b:s0+s4] =	stream.linear.scatter [tilespmem:s22], [sflag:$0x3], $0x4000, $0x38;
	[tilespmem:$0x1F000] =	vst v63  }
0x189: {  	_ =	swait.ge [sflag:s23], $0x4000  }
0x18a: {  	[sflag:s23] =	ssyncset.done $0x0  }
0x18b: {  	[sflag:s23] =	ssyncadd.s32 $0xFFFFC000  }
0x18c: {  	[tilespmem:s22], [sflag:$0x3] =	stream.linear.gather [spmem:s7], $0x4000, $0x38;
	[tilespmem:$0x1F000] =	vst v63  }
0x18d: {  	_ =	swait.ge [sflag:s23], $0x4000  }
0x18e: {  	[sflag:s23] =	ssyncset.done $0x0  }
0x18f: {  	s17 =	rddreg [dreg:$0x14];
	[sflag:s23] =	ssyncadd.s32 $0xFFFFC000  }
0x190: {  	[hbm4b:s17+s4] =	stream.linear.scatter [tilespmem:s22], [sflag:$0x3], $0x4000, $0x38;
	[tilespmem:$0x1F000] =	vst v63  }
0x191: {  	_ =	swait.ge [sflag:s23], $0x4000  }
0x192: {  	[sflag:s23] =	ssyncset.done $0x0  }
0x193: {  	[sflag:s23] =	ssyncadd.s32 $0xFFFFC000  }
0x194: {  	[tilespmem:s22], [sflag:$0x3] =	stream.linear.gather [spmem:s8], $0x4000, $0x38;
	[tilespmem:$0x1F000] =	vst v63  }
0x195: {  	_ =	swait.ge [sflag:s23], $0x4000  }
0x196: {  	[sflag:s23] =	ssyncset.done $0x0  }
0x197: {  	s18 =	rddreg [dreg:$0x15];
	[sflag:s23] =	ssyncadd.s32 $0xFFFFC000  }
0x198: {  	[hbm4b:s18+s4] =	stream.linear.scatter [tilespmem:s22], [sflag:$0x3], $0x4000, $0x38;
	[tilespmem:$0x1F000] =	vst v63  }
0x199: {  	_ =	swait.ge [sflag:s23], $0x4000  }
0x19a: {  	[sflag:s23] =	ssyncset.done $0x0  }
0x19b: {  	[sflag:s23] =	ssyncadd.s32 $0xFFFFC000  }
0x19c: {  	[tilespmem:s22], [sflag:$0x3] =	stream.linear.gather [spmem:s9], $0x4000, $0x38;
	[tilespmem:$0x1F000] =	vst v63  }
0x19d: {  	_ =	swait.ge [sflag:s23], $0x4000  }
0x19e: {  	[sflag:s23] =	ssyncset.done $0x0  }
0x19f: {  	s20 =	rddreg [dreg:$0x16];
	[sflag:s23] =	ssyncadd.s32 $0xFFFFC000  }
0x1a0: {  	[hbm4b:s20+s4] =	stream.linear.scatter [tilespmem:s22], [sflag:$0x3], $0x4000, $0x38;
	[tilespmem:$0x1F000] =	vst v63  }
0x1a1: {  	_ =	swait.ge [sflag:s23], $0x4000  }
0x1a2: {  	[sflag:s23] =	ssyncset.done $0x0  }
0x1a3: {  	[sflag:s23] =	ssyncadd.s32 $0xFFFFC000  }
0x1a4: {  	[tilespmem:s22], [sflag:$0x3] =	stream.linear.gather [spmem:s10], $0x4000, $0x38;
	[tilespmem:$0x1F000] =	vst v63  }
0x1a5: {  	s31 =	sadd.s32 $0x1, s31;
	_ =	swait.ge [sflag:s23], $0x4000  }
0x1a6: {  	p0 =	sne.s32 s31, s19;
	[sflag:s23] =	ssyncset.done $0x0  }
.Ltmp2:
0x1a7: {  	s24 =	rddreg [dreg:$0x17];
	[sflag:s23] =	ssyncadd.s32 $0xFFFFC000;
	(pc) =	sbr.rel @p0 .LBB2_1-.Ltmp2, $4  }
0x1a8: {  	[hbm4b:s24+s4] =	stream.linear.scatter [tilespmem:s22], [sflag:$0x3], $0x4000, $0x38;
	[tilespmem:$0x1F000] =	vst v63  }
0x1a9: {  	_ =	swait.ge [sflag:s23], $0x4000  }
0x1aa: {  	[sflag:s23] =	ssyncset.done $0x0  }
0x1ab: {  	[sflag:s23] =	ssyncadd.s32 $0xFFFFC000  }
0x1ac: {  	_ =	sfence.sel $0x180000  }
0x1ad: {  	[bflag:$0x0] =	sbarrier.arrive $0xFFFF  }
0x1ae: {  	_ =	strace $0x9000004D  }
0x1af: {  	s0 =	stileid.u32;
	[bflag:$0x2] =	sbarrier.arrive $0xFFFF  }
0x1b0: {  	p0 =	sne.s32 s0, $0x0;
	s0 =	rddreg [dreg:$0x3]  }
0x1b1: {  	s0 =	sadd.s32 @!p0 $0x100000, s0  }
0x1b2: {  	[sflag:s0] =	ssyncadd.tile.s32 @!p0 $0x1;
	_ =	shalt  }
.Lfunc_end2:
_tile_overlayer_lowered:
.L_overlay_start_2:
0x1b3: {  	(tag) =	ssettag $0x2  }
0x1b4: {  	s0 =	rddreg [dreg:$0x0];
	s2 =	stileid.u32  }
0x1b5: {  	s1 =	rddreg [dreg:$0x1];
	p0 =	sne.s32 s2, $0x0  }
0x1b6: {  	s3 =	rddreg [dreg:$0x2];
	[bflag:$0x3] =	sbarrier.arrive $0xFFFF;
	s2 =	simm.s32 @!p0 $0x1C03  }
0x1b7: {  	[timem:s3], [sflag:s2] =	dma.local @!p0 [hbm:s0], s1  }
0x1b8: {  	s0 =	simm.s32 @!p0 $0x3  }
0x1b9: {  	_ =	swait.ge @!p0 [sflag:s0], s1  }
0x1ba: {  	s1 =	ssub.s32 @!p0 $0x0, s1;
	[sflag:s0] =	ssyncset.done @!p0 $0x0  }
0x1bb: {  	[sflag:s0] =	ssyncadd.s32 @!p0 s1  }
0x1bc: {  	[bflag:$0x3] =	sbarrier.arrive $0xFFFF  }
0x1bd: {  	_ =	shalt  }

// kernel: kernel.8.cloned.1.call-start
scs
__scs_entry_jumppad:
0x0: {  	(pc) =	sbr.rel $0x88, $3  }
0x1: {  	(tag) =	ssettag $0x0;
	lr =	simm.s32 $0x1  }
0x2: {  	[smem:$0x3F9B] =	sst lr;
	_ =	strace $0xD0000000  }
0x3: {  	_ = 	snop  }
0x4: {  	_ = 	snop  }
0x5: {  	_ = 	snop  }
0x6: {  	_ = 	snop  }
0x7: {  	_ = 	snop  }
__scs_overlays_trampoline_lowered:
0x8: {  	[smem:$0x3FAA] =	sst s0  }
0x9: {  	[smem:$0x3FAB] =	sst s1  }
0xa: {  	[smem:$0x3FAC] =	sst s2  }
0xb: {  	[smem:$0x3FAD] =	sst s3  }
0xc: {  	[smem:$0x3FAE] =	sst s4  }
0xd: {  	[smem:$0x3FAF] =	sst s5  }
0xe: {  	[smem:$0x3FB0] =	sst s6  }
0xf: {  	[smem:$0x3FB1] =	sst s7  }
0x10: {  	[smem:$0x3FB2] =	sst s8  }
0x11: {  	[smem:$0x3FB3] =	sst s9;
	s0 =	simm.s32 @!p0 $0x0  }
0x12: {  	s1 =	sld [smem:$0x3F99];
	s0 =	simm.s32 @p0 $0x1  }
0x13: {  	[smem:$0x3FB4] =	sst s0;
	s0 =	simm.s32 @!p1 $0x0  }
0x14: {  	s2 =	sld [smem:$0x3F98];
	s0 =	simm.s32 @p1 $0x1  }
0x15: {  	[smem:$0x3FB5] =	sst s0;
	s0 =	simm.s32 @!p2 $0x0  }
0x16: {  	s3 =	sld [smem:$0x3FDB];
	s0 =	simm.s32 @p2 $0x1  }
0x17: {  	s4 =	simm.s32 $0x1BF5;
	[smem:$0x3FB7] =	sst s0  }
0x18: {  	s0 =	sld [smem:$0x3F9A];
	_ =	swait.ge [sflag:s4], $0x0  }
0x19: {  	s7 =	sld [smem:$0x3F9B]  }
0x1a: {  	s8 =	sadd.s32 $0xFFFFE003, lr  }
0x1b: {  	s9 =	sadd.s32 $0xFFFFFEF7, lr;
	s5 =	simm.s32 $0xFFFFFFFF;
	p2 =	slt.u32 s8, $0xFFFFF086  }
0x1c: {  	p1 =	slt.u32 s9, $0xF7A;
	s5 =	simm.s32 @!p2 $0x0  }
0x1d: {  	s5 =	simm.s32 @p1 $0x1;
	p0 =	seq.s32 s7, s2  }
0x1e: {  	s7 =	smul.u32 @!p0 $0xF7A, s2;
	p2 =	seq.s32 @!p0 s5, $0x0  }
0x1f: {  	s9 =	smul.u32 $0xF7A, s1;
	s8 =	simm.s32 @!p0 $0x1BF5;
	p2 =	por !p2, p0  }
0x20: {  	[sflag:s8] =	ssyncset.s32 @!p0 $0xFFFFF086;
	s6 =	sadd.s32 @!p0 s3, s7;
	s7 =	simm.s32 @!p0 $0x108  }
0x21: {  	s3 =	sadd.s32 s3, s9;
	s6 =	sadd.s32 @!p0 $0x88, s6;
	s7 =	simm.s32 @p2 $0x1082  }
0x22: {  	[simem:s7], [sflag:s8] =	dma.local @!p0 [hbm:s6], $0xF7A  }
0x23: {  	s9 =	sor.u32 $0xD0000000, s2;
	s6 =	simm.s32 $0x108;
	_ =	swait.ge @!p0 [sflag:s8], $0x0  }
0x24: {  	s3 =	sadd.s32 $0x88, s3;
	s6 =	simm.s32 @!p1 $0x1082;
	[sflag:s4] =	ssyncset.s32 $0xFFFFF086  }
0x25: {  	[simem:s6], [sflag:s4] =	dma.local [hbm:s3], $0xF7A  }
0x26: {  	[smem:$0x3F9B] =	sst s1;
	(tag) =	ssettag s2;
	_ =	strace s9  }
0x27: {  	s1 =	sld [smem:$0x3FAB]  }
0x28: {  	s2 =	sld [smem:$0x3FAC]  }
0x29: {  	s4 =	sld [smem:$0x3FAE]  }
0x2a: {  	p0 =	seq.s32 s5, $0x0;
	s5 =	sld [smem:$0x3FAF]  }
0x2b: {  	s6 =	sld [smem:$0x3FB0]  }
0x2c: {  	s7 =	sld [smem:$0x3FB1]  }
0x2d: {  	s3 =	simm.s32 $0x108;
	s8 =	sld [smem:$0x3FB2]  }
0x2e: {  	s3 =	simm.s32 @!p0 $0x1082;
	s9 =	sld [smem:$0x3FB3]  }
0x2f: {  	lr =	sadd.s32 s0, s3;
	s0 =	sld [smem:$0x3FAA]  }
0x30: {  	s3 =	sld [smem:$0x3FAD]  }
0x31: {  	[smem:$0x3FB6] =	sst s10  }
0x32: {  	s10 =	sld [smem:$0x3FB4];
	_ =	sdelay $0x3  }
0x33: {  	p0 =	seq.s32 s10, $0x1;
	s10 =	sld [smem:$0x3FB6];
	_ =	sdelay $0x3  }
0x34: {  	[smem:$0x3FB6] =	sst s10  }
0x35: {  	s10 =	sld [smem:$0x3FB5];
	_ =	sdelay $0x3  }
0x36: {  	p1 =	seq.s32 s10, $0x1;
	s10 =	sld [smem:$0x3FB6];
	_ =	sdelay $0x3  }
0x37: {  	[smem:$0x3FB6] =	sst s10  }
0x38: {  	s10 =	sld [smem:$0x3FB7]  }
0x39: {  	_ = 	snop;
	(pc) =	sbr.ind lr, $3  }
0x3a: {  	_ = 	snop  }
0x3b: {  	_ = 	snop  }
0x3c: {  	p2 =	seq.s32 s10, $0x1;
	s10 =	sld [smem:$0x3FB6]  }
0x3d: {  	_ =	shalt  }
0x3e: {  	_ =	shalt  }
0x3f: {  	_ =	shalt  }
0x40: {  	_ =	shalt  }
0x41: {  	_ =	shalt  }
0x42: {  	_ =	shalt  }
0x43: {  	_ =	shalt  }
0x44: {  	_ =	shalt  }
0x45: {  	_ =	shalt  }
0x46: {  	_ =	shalt  }
0x47: {  	_ =	shalt  }
0x48: {  	_ =	shalt  }
0x49: {  	_ =	shalt  }
0x4a: {  	_ =	shalt  }
0x4b: {  	_ =	shalt  }
0x4c: {  	_ =	shalt  }
0x4d: {  	_ =	shalt  }
0x4e: {  	_ =	shalt  }
0x4f: {  	_ =	shalt  }
0x50: {  	_ =	shalt  }
0x51: {  	_ =	shalt  }
0x52: {  	_ =	shalt  }
0x53: {  	_ =	shalt  }
0x54: {  	_ =	shalt  }
0x55: {  	_ =	shalt  }
0x56: {  	_ =	shalt  }
0x57: {  	_ =	shalt  }
0x58: {  	_ =	shalt  }
0x59: {  	_ =	shalt  }
0x5a: {  	_ =	shalt  }
0x5b: {  	_ =	shalt  }
0x5c: {  	_ =	shalt  }
0x5d: {  	_ =	shalt  }
0x5e: {  	_ =	shalt  }
0x5f: {  	_ =	shalt  }
0x60: {  	_ =	shalt  }
0x61: {  	_ =	shalt  }
0x62: {  	_ =	shalt  }
0x63: {  	_ =	shalt  }
0x64: {  	_ =	shalt  }
0x65: {  	_ =	shalt  }
0x66: {  	_ =	shalt  }
0x67: {  	_ =	shalt  }
0x68: {  	_ =	shalt  }
0x69: {  	_ =	shalt  }
0x6a: {  	_ =	shalt  }
0x6b: {  	_ =	shalt  }
0x6c: {  	_ =	shalt  }
0x6d: {  	_ =	shalt  }
0x6e: {  	_ =	shalt  }
0x6f: {  	_ =	shalt  }
0x70: {  	_ =	shalt  }
0x71: {  	_ =	shalt  }
0x72: {  	_ =	shalt  }
0x73: {  	_ =	shalt  }
0x74: {  	_ =	shalt  }
0x75: {  	_ =	shalt  }
0x76: {  	_ =	shalt  }
0x77: {  	_ =	shalt  }
0x78: {  	_ =	shalt  }
0x79: {  	_ =	shalt  }
0x7a: {  	_ =	shalt  }
0x7b: {  	_ =	shalt  }
0x7c: {  	_ =	shalt  }
0x7d: {  	_ =	shalt  }
0x7e: {  	_ =	shalt  }
0x7f: {  	_ =	shalt  }
0x80: {  	_ =	shalt  }
0x81: {  	_ =	shalt  }
0x82: {  	_ =	shalt  }
0x83: {  	_ =	shalt  }
0x84: {  	_ =	shalt  }
0x85: {  	_ =	shalt  }
0x86: {  	_ =	shalt  }
0x87: {  	_ =	shalt  }
.Lfunc_end0:
.L_simem_size_0:
called_computation_lowered:
.L_overlay_start_0:
0x88: {  	s2 =	sld [smem:$0x3FD9]  }
0x89: {  	s3 =	sld [smem:$0x3FFE];
	_ =	sdelay $0x1  }
0x8a: {  	s1 =	srdreg.scid  }
0x8b: {  	s0 =	sand.u32 $0x1, s1  }
0x8c: {  	s16 =	sshll.u32 s0, $0xA;
	s2 =	sadd.s32 s3, s2  }
0x8d: {  	s2 =	sadd.s32 s2, s16  }
0x8e: {  	[smem:$0x3FC2] =	sst s2  }
0x8f: {  	_ = 	snop  }
0x90: {  	(tm) =	ssettm $0x1  }
0x91: {  	s17 =	sld [smem:$0x3FFB];
	_ =	sdelay $0x3  }
0x92: {  	_ =	strace s17  }
0x93: {  	s2 =	sld [smem:$0x3FFC];
	_ =	sdelay $0x3  }
0x94: {  	_ =	strace s2  }
0x95: {  	s2 =	sld [smem:$0x3FFD];
	_ =	sdelay $0x3  }
0x96: {  	_ =	strace s2  }
0x97: {  	_ =	strace $0x8FFFFFFF  }
0x98: {  	s18 =	sld [smem:$0x3FDB];
	_ =	sdelay $0x1  }
0x99: {  	s19 =	simm.s32 $_scs_section_size  }
0x9a: {  	s4 =	simm.s32 $_size__tile_overlayer_lowered;
	s5 =	simm.s32 $_tile_overlayer_lowered  }
0x9b: {  	s22 =	simm.s32 $0x1BFF;
	s21 =	sshll.u32 s5, $0x1;
	s2 =	sadd.s32 s19, s18  }
0x9c: {  	s6 =	simm.s32 $0x0;
	s20 =	sshll.u32 s4, $0x1;
	s4 =	sadd.s32 s21, s2  }
0x9d: {  	[timem:s6], [sflag:s22] =	dma.local [hbm:s4], s20  }
0x9e: {  	_ =	swait.ge [sflag:s22], s20  }
0x9f: {  	s3 =	ssub.s32 $0x0, s20;
	[sflag:s22] =	ssyncset.done $0x0  }
0xa0: {  	[sflag:s22] =	ssyncadd.s32 s3;
	_ =	sdelay $0x1  }
0xa1: {  	s23 =	simm.s32 $0x1B8B  }
0xa2: {  	_ =	swait.ge [sflag:s23], $0x1  }
0xa3: {  	[sflag:s23] =	ssyncset.done $0x0  }
0xa4: {  	s25 =	simm.s32 $0x1B8E;
	s24 =	sld [smem:$0x3FFE];
	[sflag:s23] =	ssyncadd.s32 $0xFFFFFFFF  }
0xa5: {  	s26 =	simm.s32 $execute0_lowered;
	[smem:$0x3FD2] =	sst s25  }
0xa6: {  	s4 =	sshll.u32 s26, $0x1;
	_ =	strace $0x80000046;
	[dreg:$0x1] =	wrdreg $0xFFFFFFFF  }
0xa7: {  	s28 =	simm.s32 $_size_execute0_lowered;
	s2 =	sadd.s32 s2, s4;
	[dreg:$0x0] =	wrdreg $0x0  }
0xa8: {  	s4 =	sshll.u32 s28, $0x1;
	[dreg:$0x2] =	wrdreg s2  }
0xa9: {  	[dreg:$0x3] =	wrdreg s4  }
0xaa: {  	[dreg:$0x4] =	wrdreg $0xC0  }
0xab: {  	_ =	task [dreg:s6], $0x5FFFF  }
0xac: {  	[dreg:$0x1] =	wrdreg $0xFFFFFFFF  }
0xad: {  	[dreg:$0x0] =	wrdreg $0x60  }
0xae: {  	[dreg:$0x2] =	wrdreg s24  }
0xaf: {  	[dreg:$0x3] =	wrdreg $0x9  }
0xb0: {  	_ =	task.clear_ibuf [dreg:s6], $0x4FFFF;
	_ =	strace $0x90000046  }
0xb1: {  	s29 =	simm.s32 $0x9;
	_ =	strace $0x80000048  }
0xb2: {  	_ =	swait.ge [sflag:s29], $0x1  }
0xb3: {  	[sflag:s29] =	ssyncadd.s32 $0xFFFFFFFF  }
0xb4: {  	_ =	strace $0x90000048  }
0xb5: {  	_ =	sfence  }
0xb6: {  	s30 =	sld [smem:$0x0];
	_ =	sdelay $0x2  }
0xb7: {  	s31 =	sshll.u32 s1, $0xD;
	s1 =	sshrl.u32 s1, $0x2  }
0xb8: {  	s3 =	sand.u32 $0x4000, s31;
	s1 =	sadd.s32 s1, s30  }
0xb9: {  	s0 =	sor.u32 s3, s0;
	s1 =	sshll.u32 s1, $0x11  }
0xba: {  	s0 =	sor.u32 s1, s0  }
0xbb: {  	s0 =	sadd.s32 $0x8F2B, s0  }
0xbc: {  	[sflag:s0] =	ssyncadd.remote.s32 $0x1  }
0xbd: {  	_ =	sfence.sel $0xFFFF  }
0xbe: {  	[dreg:$0x0] =	wrdreg $0xFFFFFFFF;
	(pc) =	sbr.abs _section_cstart, $3  }
0xbf: {  	[dreg:$0x1] =	wrdreg $0xFFFFFFFF  }
0xc0: {  	_ =	task.clear_ibuf [dreg:s6], $0x2FFFF;
	_ =	strace $0x9FFFFFFF  }
0xc1: {  	(tm) =	ssettm $0x7FFFFFFF  }
tec
execute0_lowered:
.L_overlay_start_1:
0x0: {  	(tag) =	ssettag $0x1  }
0x1: {  	s1 =	srdreg.scid;
	s0 =	stileid.u32  }
0x2: {  	s3 =	rddreg [dreg:$0x0];
	s8 =	simm.s32 $0x80;
	s9 =	simm.s32 $0x400  }
0x3: {  	s4 =	sand.u32 $0x1, s1;
	s2 =	sshll.u32 s0, $0x1;
	s1 =	rddreg [dreg:$0x1]  }
0x4: {  	s6 =	sshrl.u32 s0, $0x2;
	s5 =	sor.u32 s4, s2;
	s2 =	simm.s32 $0x0  }
0x5: {  	s6 =	smul.u32 $0x14000, s6;
	s4 =	ssub.s32 $0x2, s4;
	s7 =	sshll.u32 s5, $0x7  }
0x6: {  	[smem:$0x7FF] =	sst s2;
	s5 =	smul.u32 $0x500, s5;
	s7 =	sand.u32 $0x380, s7  }
0x7: {  	s31 =	sshrl.u32 s4, $0x1;
	_ =	strace $0x80000047;
	s6 =	sor.u32 s6, s7  }
0x8: {  	s5 =	sadd.s32 s5, s3;
	s7 =	ssub.s32 s4, s31;
	s6 =	sshrl.u32 s6, $0x3  }
0x9: {  	s6 =	sadd.s32 s6, s3;
	s3 =	sadd.s32 $0x2A00, s5;
	s5 =	smax.u32 s7, $0x1  }
0xa: {  	v0 =	vimm.f32 $0.0e+00;
	v1 =	vimm.f32 $1.000000000e+00;
	s7 =	simm.s32 $0x2800;
	s4 =	sadd.s32 $0xCA00, s6;
	s6 =	simm.s32 $0x1  }
.LBB2_1:
0xb: {  	s10 =	simm.s32 $0x40;
	s11 =	simm.s32 $0x0  }
.LBB2_2:
0xc: {  	p0 =	sne.s32 s10, $0x9FC0;
	[tilespmem:s11+$0x2800] =	vst v0;
	s11 =	smov.u32 s10;
	s10 =	sadd.s32 $0x40, s10  }
.Ltmp0:
0xd: {  	(pc) =	sbr.rel @p0 .LBB2_2-.Ltmp0, $2  }
0xe: {  	_ =	sdelay $0x2  }
0xf: {  	s11 =	sshra.s32 s11, $0x2  }
0x10: {  	[tilespmem:s11+$0x2800] =	vst v0;
	s10 =	simm.s32 $0x0  }
0x11: {  	[tilespmem:s10], [sflag:$0x1] =	stream.linear.gather [hbm4b:s3+s10], $0x2800, $0x38;
	[tilespmem:$0x5000] =	vst v63  }
0x12: {  	_ =	swait.ge [sflag:s6], $0x2800  }
0x13: {  	[sflag:s6] =	ssyncset.done $0x0  }
0x14: {  	[sflag:s6] =	ssyncadd.s32 $0xFFFFD800  }
.LBB2_4:
0x15: {  	s11 =	sshra.s32 s10, $0x2  }
0x16: {  	v2 =	vld [tilespmem:s11+$0x0];
	_ =	sdelay $0x7  }
0x17: {  	[tilespmem:v2+s7+$0x0] =	vst.idx.add.f32.msk $0xffff, v1  }
0x18: {  	v2 =	vld [tilespmem:s11+$0x10];
	_ =	sdelay $0x7  }
0x19: {  	[tilespmem:v2+s7+$0x0] =	vst.idx.add.f32.msk $0xffff, v1  }
0x1a: {  	v2 =	vld [tilespmem:s11+$0x20];
	_ =	sdelay $0x7  }
0x1b: {  	[tilespmem:v2+s7+$0x0] =	vst.idx.add.f32.msk $0xffff, v1  }
0x1c: {  	v2 =	vld [tilespmem:s11+$0x30];
	_ =	sdelay $0x7  }
0x1d: {  	[tilespmem:v2+s7+$0x0] =	vst.idx.add.f32.msk $0xffff, v1  }
0x1e: {  	v2 =	vld [tilespmem:s11+$0x40];
	_ =	sdelay $0x7  }
0x1f: {  	[tilespmem:v2+s7+$0x0] =	vst.idx.add.f32.msk $0xffff, v1  }
0x20: {  	v2 =	vld [tilespmem:s11+$0x50];
	_ =	sdelay $0x7  }
0x21: {  	[tilespmem:v2+s7+$0x0] =	vst.idx.add.f32.msk $0xffff, v1  }
0x22: {  	v2 =	vld [tilespmem:s11+$0x60];
	_ =	sdelay $0x7  }
0x23: {  	[tilespmem:v2+s7+$0x0] =	vst.idx.add.f32.msk $0xffff, v1  }
0x24: {  	v2 =	vld [tilespmem:s11+$0x70];
	_ =	sdelay $0x2  }
0x25: {  	p0 =	sne.s32 s10, $0x9E00  }
.Ltmp1:
0x26: {  	_ = 	snop;
	(pc) =	sbr.rel @p0 .LBB2_4-.Ltmp1, $2  }
0x27: {  	_ =	sdelay $0x2  }
0x28: {  	s10 =	sadd.s32 $0x200, s10;
	[tilespmem:v2+s7+$0x0] =	vst.idx.add.f32.msk $0xffff, v1  }
0x29: {  	s2 =	sadd.s32 $0x1, s2  }
0x2a: {  	p0 =	sne.s32 s2, s5  }
.Ltmp2:
0x2b: {  	_ = 	snop;
	(pc) =	sbr.rel @p0 .LBB2_1-.Ltmp2, $4  }
0x2c: {  	[hbm4b:s4+s8] =	stream.strided.scatter [tilespmem:s7], [sflag:$0x1], $0x2800, s9, s8, $0x38;
	[tilespmem:$0x5000] =	vst v63  }
0x2d: {  	_ =	swait.ge [sflag:s6], $0x2800  }
0x2e: {  	[sflag:s6] =	ssyncset.done $0x0  }
0x2f: {  	[sflag:s6] =	ssyncadd.s32 $0xFFFFD800  }
0x30: {  	_ =	sfence.sel $0x180000  }
0x31: {  	[bflag:$0x0] =	sbarrier.arrive $0xFFFF  }
0x32: {  	p0 =	sne.s32 s0, $0x0;
	_ =	strace $0x90000047  }
0x33: {  	s0 =	sadd.s32 @!p0 $0x100000, s1;
	[bflag:$0x2] =	sbarrier.arrive $0xFFFF  }
0x34: {  	[sflag:s0] =	ssyncadd.tile.s32 @!p0 $0x1;
	_ =	shalt  }
.Lfunc_end2:
_tile_overlayer_lowered:
.L_overlay_start_2:
0x35: {  	(tag) =	ssettag $0x2  }
0x36: {  	s0 =	rddreg [dreg:$0x0];
	s2 =	stileid.u32  }
0x37: {  	s1 =	rddreg [dreg:$0x1];
	p0 =	sne.s32 s2, $0x0  }
0x38: {  	s3 =	rddreg [dreg:$0x2];
	[bflag:$0x3] =	sbarrier.arrive $0xFFFF;
	s2 =	simm.s32 @!p0 $0x1C01  }
0x39: {  	[timem:s3], [sflag:s2] =	dma.local @!p0 [hbm:s0], s1  }
0x3a: {  	s0 =	simm.s32 @!p0 $0x1  }
0x3b: {  	_ =	swait.ge @!p0 [sflag:s0], s1  }
0x3c: {  	s1 =	ssub.s32 @!p0 $0x0, s1;
	[sflag:s0] =	ssyncset.done @!p0 $0x0  }
0x3d: {  	[sflag:s0] =	ssyncadd.s32 @!p0 s1  }
0x3e: {  	[bflag:$0x3] =	sbarrier.arrive $0xFFFF  }
0x3f: {  	_ =	shalt  }

</sc_bundles>
